<compile_context>
chip_gen: v7x
topology: tpu7x:2x2x1
jax: 0.10.2.dev20260603
libtpu: 0.0.44.dev20260713+nightly
codegen_flags: <defaults>
</compile_context>

<pallas_src>
import functools

import jax
import jax.numpy as jnp
from jax import lax
from jax.experimental import pallas as pl
from jax.experimental.pallas import tpu as pltpu
from jax.experimental.pallas import tpu_sc as plsc

N = 10000
L = 50
D = 128
LP = 56
NDST_PAD = 10368
NW = 32
DSTS_PER_TILE = NDST_PAD // NW
DSTS_PER_ITER = 4
ITERS = DSTS_PER_TILE // DSTS_PER_ITER
ROWS_PER_ITER = DSTS_PER_ITER * LP
BI_PREP = 200
BI_ATT = 200
INV_SQRT_D = 1.0 / (D ** 0.5)


def _prep_one(time_ref, src_ref, off):
    t = time_ref[...]
    src = src_ref[...]
    bi = t.shape[0]
    lane = lax.broadcasted_iota(jnp.int32, (1, L), 1)
    key = t * 64 + lane
    acc = jnp.zeros(t.shape, jnp.int32)
    for m in range(L):
        km = key[:, m:m + 1]
        acc = acc + lax.shift_right_arithmetic(km - key, 31)
    re = (L - 1) + acc
    idx_s = jnp.zeros(t.shape, jnp.int32)
    for l in range(L):
        idx_s = idx_s + jnp.where(re[:, l:l + 1] == lane, src[:, l:l + 1], 0)
    mx = jnp.max(t, axis=1, keepdims=True)
    cand = jnp.where(t == mx, lane, L)
    last = jnp.min(cand, axis=1, keepdims=True)
    idx_last = jnp.sum(jnp.where(lane == last, src, 0), axis=1, keepdims=True)
    return jnp.concatenate(
        [idx_s, idx_last, jnp.zeros((bi, LP - L - 1), jnp.int32)], axis=1) + off


def _prep_body(uf, itf, bsrc, btime, psrc, ptime, wu, wi,
               tu_o, ti_o, idxb_o, idxp_o):
    uh = lax.dot_general(uf[...], wu[...], (((1,), (1,)), ((), ())))
    ih = lax.dot_general(itf[...], wi[...], (((1,), (1,)), ((), ())))
    tu_o[...] = uh
    ti_o[...] = ih
    idxb_o[...] = _prep_one(btime, bsrc, 0)
    idxp_o[...] = _prep_one(ptime, psrc, N)


def _att_body(m_ref, dst_ref, feat_ref, te_ref, tek_ref, wg_ref, out_ref):
    last_em = m_ref[:, L, :]
    dst = dst_ref[...]
    bi = dst.shape[0]

    i_idx = lax.broadcasted_iota(jnp.int32, (8, 1, 16), 0)
    j_idx = lax.broadcasted_iota(jnp.int32, (8, 1, 16), 2)
    mask_e = (j_idx == i_idx).astype(jnp.float32)
    mask_1 = (j_idx == i_idx + 8).astype(jnp.float32)
    e_parts, e1_parts = [], []
    for g in range(bi // 8):
        mg = m_ref[g * 8:(g + 1) * 8, :, :]
        m2 = mg.reshape(8 * LP, D)
        dl = jnp.concatenate(
            [dst[g * 8:(g + 1) * 8, :], last_em[g * 8:(g + 1) * 8, :]], axis=0)
        s3 = lax.dot_general(m2, dl, (((1,), (1,)), ((), ())))
        s3 = s3.reshape(8, LP, 16)
        e_parts.append(jnp.sum(s3 * mask_e, axis=2))
        e1_parts.append(jnp.sum(s3 * mask_1, axis=2))
    e_raw = jnp.concatenate(e_parts, axis=0)
    e1_raw = jnp.concatenate(e1_parts, axis=0)

    p = lax.dot_general(dst, te_ref[...], (((1,), (1,)), ((), ())))
    lane = lax.broadcasted_iota(jnp.int32, (1, LP), 1)
    neg = jnp.where(lane >= L, -1e30, 0.0)
    e = (e_raw + p) * INV_SQRT_D + neg
    e1 = e1_raw * INV_SQRT_D + neg

    e = e - jnp.max(e, axis=1, keepdims=True)
    ex = jnp.exp(e)
    alpha = ex / jnp.sum(ex, axis=1, keepdims=True)
    e1 = e1 - jnp.max(e1, axis=1, keepdims=True)
    ex1 = jnp.exp(e1)
    alpha1 = ex1 / jnp.sum(ex1, axis=1, keepdims=True)

    h_long = jnp.zeros((bi, D), jnp.float32)
    h_short = jnp.zeros((bi, D), jnp.float32)
    for l in range(L):
        ml = m_ref[:, l, :]
        h_long = h_long + alpha[:, l:l + 1] * ml
        h_short = h_short + alpha1[:, l:l + 1] * ml
    h_long = h_long + lax.dot_general(alpha, tek_ref[...], (((1,), (0,)), ((), ())))

    h2 = jnp.concatenate([h_long, h_short], axis=1)
    now = lax.dot_general(h2, wg_ref[...], (((1,), (1,)), ((), ())))
    x = now + feat_ref[...]
    out_ref[...] = jnp.where(x > 0, x, jnp.exp(x) - 1.0)


def _prep_call(uf, itf, bsrc, btime, psrc, ptime, wu, wi):
    nb = N // BI_PREP
    row = lambda i: (i, 0)
    full = lambda i: (0, 0)
    return pl.pallas_call(
        _prep_body,
        grid=(nb,),
        in_specs=[
            pl.BlockSpec((BI_PREP, D), row),
            pl.BlockSpec((BI_PREP, D), row),
            pl.BlockSpec((BI_PREP, L), row),
            pl.BlockSpec((BI_PREP, L), row),
            pl.BlockSpec((BI_PREP, L), row),
            pl.BlockSpec((BI_PREP, L), row),
            pl.BlockSpec((D, D), full),
            pl.BlockSpec((D, D), full),
        ],
        out_specs=[
            pl.BlockSpec((BI_PREP, D), row),
            pl.BlockSpec((BI_PREP, D), row),
            pl.BlockSpec((BI_PREP, LP), row),
            pl.BlockSpec((BI_PREP, LP), row),
        ],
        out_shape=[
            jax.ShapeDtypeStruct((N, D), jnp.float32),
            jax.ShapeDtypeStruct((N, D), jnp.float32),
            jax.ShapeDtypeStruct((N, LP), jnp.int32),
            jax.ShapeDtypeStruct((N, LP), jnp.int32),
        ],
    )(uf, itf, bsrc, btime, psrc, ptime, wu, wi)


def _sc_gather(table, idx_flat):
    total = NDST_PAD * LP
    tile_rows = DSTS_PER_TILE * LP
    mesh = plsc.VectorSubcoreMesh(core_axis_name="c", subcore_axis_name="s")
    hw = ROWS_PER_ITER // 2

    @functools.partial(
        pl.kernel,
        mesh=mesh,
        out_type=jax.ShapeDtypeStruct((total, D), jnp.float32),
        scratch_types=[
            pltpu.VMEM((tile_rows,), jnp.int32),
            pltpu.VMEM((ROWS_PER_ITER, D), jnp.float32),
            pltpu.VMEM((ROWS_PER_ITER, D), jnp.float32),
            pltpu.VMEM((ROWS_PER_ITER, D), jnp.float32),
            pltpu.SemaphoreType.DMA,
            pltpu.SemaphoreType.DMA,
            pltpu.SemaphoreType.DMA,
            pltpu.SemaphoreType.DMA,
            pltpu.SemaphoreType.DMA,
            pltpu.SemaphoreType.DMA,
            pltpu.SemaphoreType.DMA,
        ],
    )
    def k(t_hbm, idx_hbm, out_hbm, idx_v, rows0, rows1, rows2,
          sg0, sg1, sg2, sw0, sw1, sw2, si):
        wid = lax.axis_index("s") * 2 + lax.axis_index("c")
        base = wid * tile_rows
        pltpu.async_copy(idx_hbm.at[pl.ds(base, tile_rows)], idx_v, si).wait()

        rows = (rows0, rows1, rows2)
        sg = (sg0, sg1, sg2)
        sw = (sw0, sw1, sw2)

        def fire(it, b):
            o = it * ROWS_PER_ITER
            pltpu.async_copy(
                t_hbm.at[idx_v.at[pl.ds(o, hw)]], rows[b].at[pl.ds(0, hw)], sg[b])
            pltpu.async_copy(
                t_hbm.at[idx_v.at[pl.ds(o + hw, hw)]], rows[b].at[pl.ds(hw, hw)],
                sg[b])

        def drain(b, sem):
            pltpu.make_async_copy(
                out_hbm.at[pl.ds(0, ROWS_PER_ITER)], rows[b], sem).wait()

        fire(0, 0)
        fire(1, 1)

        def phase(it, b, bn):
            @pl.when((it >= 1) & (it + 2 < ITERS))
            def _():
                drain(bn, sw[bn])
            @pl.when(it + 2 < ITERS)
            def _():
                fire(it + 2, bn)
            drain(b, sg[b])
            pltpu.async_copy(
                rows[b], out_hbm.at[pl.ds(base + it * ROWS_PER_ITER,
                                          ROWS_PER_ITER)], sw[b])

        def body(i3, carry):
            it0 = i3 * 3
            phase(it0, 0, 2)
            phase(it0 + 1, 1, 0)
            phase(it0 + 2, 2, 1)
            return carry

        lax.fori_loop(0, ITERS // 3, body, 0)
        drain(0, sw[0])
        drain(1, sw[1])
        drain(2, sw[2])

    return k(table, idx_flat)


def _att_call(m, dst, feat, te56, tek56, wg):
    nb = N // BI_ATT
    return pl.pallas_call(
        _att_body,
        grid=(nb,),
        in_specs=[
            pl.BlockSpec((BI_ATT, LP, D), lambda i: (i, 0, 0)),
            pl.BlockSpec((BI_ATT, D), lambda i: (i, 0)),
            pl.BlockSpec((BI_ATT, D), lambda i: (i, 0)),
            pl.BlockSpec((LP, D), lambda i: (0, 0)),
            pl.BlockSpec((LP, D), lambda i: (0, 0)),
            pl.BlockSpec((D, 2 * D), lambda i: (0, 0)),
        ],
        out_specs=pl.BlockSpec((BI_ATT, D), lambda i: (i, 0)),
        out_shape=jax.ShapeDtypeStruct((N, D), jnp.float32),
    )(m, dst, feat, te56, tek56, wg)


def kernel(user_feat, item_feat, by_src, by_time, pby_src, pby_time,
           W_user, W_item, Wg_u, Wg_i, i_te, i_te_k, u_te, u_te_k):
    by_src = by_src.astype(jnp.int32)
    by_time = by_time.astype(jnp.int32)
    pby_src = pby_src.astype(jnp.int32)
    pby_time = pby_time.astype(jnp.int32)

    (t_u, t_i, idx_by, idx_pby) = _prep_call(
        user_feat, item_feat, by_src, by_time, pby_src, pby_time,
        W_user, W_item)

    table = jnp.concatenate([t_u, t_i], axis=0)
    pad = jnp.zeros(((NDST_PAD - N) * LP,), jnp.int32)
    idx_by_f = jnp.concatenate([idx_by.reshape(-1), pad])
    idx_pby_f = jnp.concatenate([idx_pby.reshape(-1), pad + N])

    m_by = _sc_gather(table, idx_by_f).reshape(NDST_PAD, LP, D)
    m_pby = _sc_gather(table, idx_pby_f).reshape(NDST_PAD, LP, D)

    zpad = jnp.zeros((LP - L, D), jnp.float32)
    ite56 = jnp.concatenate([i_te, zpad], axis=0)
    itek56 = jnp.concatenate([i_te_k, zpad], axis=0)
    ute56 = jnp.concatenate([u_te, zpad], axis=0)
    utek56 = jnp.concatenate([u_te_k, zpad], axis=0)

    item_out = _att_call(m_by, t_i, item_feat, ite56, itek56, Wg_i)
    user_out = _att_call(m_pby, t_u, user_feat, ute56, utek56, Wg_u)
    return (user_out, item_out)

# --- scband reference (transcript-rebuilt; emitter-appended) ---
"""Pipeline reference for scband-dgsrlayers-3839700762811 (READ-ONLY COPY).

The authoritative reference and input builder live on the scoring server;
editing this copy changes nothing except your own understanding.
"""

import jax, jax.numpy as jnp
import numpy as np


def setup_inputs(seed: int = 0) -> dict:
    key = jax.random.key(seed)
    ks = jax.random.split(key, 16)
    Nu, Ni, L, d = 10000, 10000, 50, 128
    inp = {}
    inp["user_feat"] = jax.random.normal(ks[0], (Nu, d), dtype=jnp.float32)
    inp["item_feat"] = jax.random.normal(ks[1], (Ni, d), dtype=jnp.float32)
    inp["by_src"] = jax.random.randint(ks[2], (Ni, L), 0, Nu)
    inp["by_time"] = jax.random.randint(ks[3], (Ni, L), 0, 100000)
    inp["pby_src"] = jax.random.randint(ks[4], (Nu, L), 0, Ni)
    inp["pby_time"] = jax.random.randint(ks[5], (Nu, L), 0, 100000)
    s = 1.0 / np.sqrt(d)
    inp["W_user"] = jax.random.normal(ks[6], (d, d), dtype=jnp.float32) * s
    inp["W_item"] = jax.random.normal(ks[7], (d, d), dtype=jnp.float32) * s
    inp["Wg_u"] = jax.random.normal(ks[8], (d, 2 * d), dtype=jnp.float32) * s
    inp["Wg_i"] = jax.random.normal(ks[9], (d, 2 * d), dtype=jnp.float32) * s
    inp["i_te"] = jax.random.normal(ks[10], (L, d), dtype=jnp.float32) * 0.02
    inp["i_te_k"] = jax.random.normal(ks[11], (L, d), dtype=jnp.float32) * 0.02
    inp["u_te"] = jax.random.normal(ks[12], (L, d), dtype=jnp.float32) * 0.02
    inp["u_te_k"] = jax.random.normal(ks[13], (L, d), dtype=jnp.float32) * 0.02
    return inp


def _orgat_att_reduce(mail, dst_h, time, te, te_k, d):
    # orgat long-term branch
    order = jnp.argsort(jnp.argsort(time, axis=1), axis=1)
    re_order = time.shape[1] - order - 1
    e = jnp.sum((te[re_order] + mail) * dst_h[:, None, :], axis=2) / jnp.sqrt(jnp.float32(d))
    alpha = jax.nn.softmax(e, axis=1)[..., None]
    h_long = jnp.sum(alpha * (mail + te_k[re_order]), axis=1)
    # att short-term branch
    last = jnp.argmax(time, axis=1)
    last_em = jnp.take_along_axis(mail, last[:, None, None], axis=1)
    e1 = jnp.sum(last_em * mail, axis=2) / jnp.sqrt(jnp.float32(d))
    alpha1 = jax.nn.softmax(e1, axis=1)[..., None]
    h_short = jnp.sum(alpha1 * mail, axis=1)
    return jnp.concatenate([h_long, h_short], axis=-1)


def reference(user_feat, item_feat, by_src, by_time, pby_src, pby_time,
              W_user, W_item, Wg_u, Wg_i, i_te, i_te_k, u_te, u_te_k):
    d = user_feat.shape[-1]
    # feat_drop is identity at inference; Linear(bias=False) -> x @ W.T
    uh = user_feat @ W_user.T
    ih = item_feat @ W_item.T
    # 'by' relation: user -> item, item nodes reduce mailboxes of user_h
    mail_u = uh[by_src]
    item_now = _orgat_att_reduce(mail_u, ih, by_time, i_te, i_te_k, d) @ Wg_i.T
    # 'pby' relation: item -> user, user nodes reduce mailboxes of item_h
    mail_i = ih[pby_src]
    user_now = _orgat_att_reduce(mail_i, uh, pby_time, u_te, u_te_k, d) @ Wg_u.T
    # residual update
    user_out = jax.nn.elu(user_now + user_feat)
    item_out = jax.nn.elu(item_now + item_feat)
    return (user_out, item_out)

if __name__ == "__main__":
    import jax
    _d = setup_inputs()
    print(jax.jit(kernel)(*tuple(_d.values())))

</pallas_src>

<mosaic_0001>
#map = affine_map<(d0, d1) -> (0, 0)>
#map1 = affine_map<(d0, d1) -> (0)>
module attributes {stable_mosaic.version = 14 : i64} {
  func.func @k(%arg0: i32, %arg1: i32, %arg2: memref<20000x128xf32, #tpu.memory_space<hbm>>, %arg3: memref<580608xi32, #tpu.memory_space<hbm>>, %arg4: memref<580608x128xf32, #tpu.memory_space<hbm>>, %arg5: memref<18144xi32, #tpu.memory_space<vmem>>, %arg6: memref<224x128xf32, #tpu.memory_space<vmem>>, %arg7: memref<224x128xf32, #tpu.memory_space<vmem>>, %arg8: memref<224x128xf32, #tpu.memory_space<vmem>>, %arg9: memref<!tpu.dma_semaphore, #tpu.memory_space<semaphore_mem>>, %arg10: memref<!tpu.dma_semaphore, #tpu.memory_space<semaphore_mem>>, %arg11: memref<!tpu.dma_semaphore, #tpu.memory_space<semaphore_mem>>, %arg12: memref<!tpu.dma_semaphore, #tpu.memory_space<semaphore_mem>>, %arg13: memref<!tpu.dma_semaphore, #tpu.memory_space<semaphore_mem>>, %arg14: memref<!tpu.dma_semaphore, #tpu.memory_space<semaphore_mem>>, %arg15: memref<!tpu.dma_semaphore, #tpu.memory_space<semaphore_mem>>) attributes {dimension_semantics = [#tpu.dimension_semantics<core_parallel>, #tpu.dimension_semantics<subcore_parallel>], iteration_bounds = array<i64: 2, 16>, scalar_prefetch = 0 : i64, scratch_operands = 11 : i64, tpu.core_type = #tpu.core_type<sc_vector_subcore>, window_params = [{transform_indices = #map}, {transform_indices = #map1}, {transform_indices = #map}]} {
    %mul3A = arith.constant 2 : i32
    %mul3A_0 = arith.muli %arg1, %mul3A : i32
    %add3A = arith.addi %mul3A_0, %arg0 : i32
    %mul3A_1 = arith.constant 18144 : i32
    %mul3A_2 = arith.muli %add3A, %mul3A_1 : i32
    %dma_start3A = tpu.memref_slice %arg3[%mul3A_2] : memref<580608xi32, #tpu.memory_space<hbm>> -> memref<18144xi32, #tpu.memory_space<hbm>>
    %dma_start3A_3 = tpu.memref_slice %arg3[%mul3A_2] : memref<580608xi32, #tpu.memory_space<hbm>> -> memref<18144xi32, #tpu.memory_space<hbm>>
    tpu.enqueue_dma source(%dma_start3A_3 : memref<18144xi32, #tpu.memory_space<hbm>>) target(%arg5 : memref<18144xi32, #tpu.memory_space<vmem>>) target_semaphore(%arg15 : memref<!tpu.dma_semaphore, #tpu.memory_space<semaphore_mem>>)
    %dma_wait3A = tpu.memref_slice %arg3[%mul3A_2] : memref<580608xi32, #tpu.memory_space<hbm>> -> memref<18144xi32, #tpu.memory_space<hbm>>
    %dma_wait3A_4 = tpu.memref_slice %arg3[%mul3A_2] : memref<580608xi32, #tpu.memory_space<hbm>> -> memref<18144xi32, #tpu.memory_space<hbm>>
    tpu.wait_dma2 semaphore(%arg15 : memref<!tpu.dma_semaphore, #tpu.memory_space<semaphore_mem>>) src(%dma_wait3A_4 : memref<18144xi32, #tpu.memory_space<hbm>>) dst(%arg5 : memref<18144xi32, #tpu.memory_space<vmem>>)
    %dma_start3A_5 = arith.constant 0 : i32
    %dma_start3A_6 = arith.constant 0 : i32
    %dma_start3A_7 = tpu.memref_slice %arg6[%dma_start3A_5, %dma_start3A_6] : memref<224x128xf32, #tpu.memory_space<vmem>> -> memref<112x128xf32, #tpu.memory_space<vmem>>
    %dma_start3A_8 = arith.constant 0 : i32
    %dma_start3A_9 = tpu.memref_slice %arg5[%dma_start3A_8] : memref<18144xi32, #tpu.memory_space<vmem>> -> memref<112xi32, #tpu.memory_space<vmem>>
    %dma_start3A_10 = arith.constant 0 : i32
    %dma_start3A_11 = arith.constant 0 : i32
    %dma_start3A_12 = tpu.memref_slice %arg2[%dma_start3A_10, %dma_start3A_11] : memref<20000x128xf32, #tpu.memory_space<hbm>> -> memref<20000x128xf32, #tpu.memory_space<hbm>>
    tpu.enqueue_indirect_dma source(%dma_start3A_12 : memref<20000x128xf32, #tpu.memory_space<hbm>>) target(%dma_start3A_7 : memref<112x128xf32, #tpu.memory_space<vmem>>) offsets(%dma_start3A_9 : memref<112xi32, #tpu.memory_space<vmem>>) semaphore(%arg9 : memref<!tpu.dma_semaphore, #tpu.memory_space<semaphore_mem>>)
    %dma_start3A_13 = arith.constant 112 : i32
    %dma_start3A_14 = arith.constant 0 : i32
    %dma_start3A_15 = tpu.memref_slice %arg6[%dma_start3A_13, %dma_start3A_14] : memref<224x128xf32, #tpu.memory_space<vmem>> -> memref<112x128xf32, #tpu.memory_space<vmem>>
    %dma_start3A_16 = arith.constant 112 : i32
    %dma_start3A_17 = tpu.memref_slice %arg5[%dma_start3A_16] : memref<18144xi32, #tpu.memory_space<vmem>> -> memref<112xi32, #tpu.memory_space<vmem>>
    %dma_start3A_18 = arith.constant 0 : i32
    %dma_start3A_19 = arith.constant 0 : i32
    %dma_start3A_20 = tpu.memref_slice %arg2[%dma_start3A_18, %dma_start3A_19] : memref<20000x128xf32, #tpu.memory_space<hbm>> -> memref<20000x128xf32, #tpu.memory_space<hbm>>
    tpu.enqueue_indirect_dma source(%dma_start3A_20 : memref<20000x128xf32, #tpu.memory_space<hbm>>) target(%dma_start3A_15 : memref<112x128xf32, #tpu.memory_space<vmem>>) offsets(%dma_start3A_17 : memref<112xi32, #tpu.memory_space<vmem>>) semaphore(%arg9 : memref<!tpu.dma_semaphore, #tpu.memory_space<semaphore_mem>>)
    %dma_start3A_21 = arith.constant 0 : i32
    %dma_start3A_22 = arith.constant 0 : i32
    %dma_start3A_23 = tpu.memref_slice %arg7[%dma_start3A_21, %dma_start3A_22] : memref<224x128xf32, #tpu.memory_space<vmem>> -> memref<112x128xf32, #tpu.memory_space<vmem>>
    %dma_start3A_24 = arith.constant 224 : i32
    %dma_start3A_25 = tpu.memref_slice %arg5[%dma_start3A_24] : memref<18144xi32, #tpu.memory_space<vmem>> -> memref<112xi32, #tpu.memory_space<vmem>>
    %dma_start3A_26 = arith.constant 0 : i32
    %dma_start3A_27 = arith.constant 0 : i32
    %dma_start3A_28 = tpu.memref_slice %arg2[%dma_start3A_26, %dma_start3A_27] : memref<20000x128xf32, #tpu.memory_space<hbm>> -> memref<20000x128xf32, #tpu.memory_space<hbm>>
    tpu.enqueue_indirect_dma source(%dma_start3A_28 : memref<20000x128xf32, #tpu.memory_space<hbm>>) target(%dma_start3A_23 : memref<112x128xf32, #tpu.memory_space<vmem>>) offsets(%dma_start3A_25 : memref<112xi32, #tpu.memory_space<vmem>>) semaphore(%arg10 : memref<!tpu.dma_semaphore, #tpu.memory_space<semaphore_mem>>)
    %dma_start3A_29 = arith.constant 112 : i32
    %dma_start3A_30 = arith.constant 0 : i32
    %dma_start3A_31 = tpu.memref_slice %arg7[%dma_start3A_29, %dma_start3A_30] : memref<224x128xf32, #tpu.memory_space<vmem>> -> memref<112x128xf32, #tpu.memory_space<vmem>>
    %dma_start3A_32 = arith.constant 336 : i32
    %dma_start3A_33 = tpu.memref_slice %arg5[%dma_start3A_32] : memref<18144xi32, #tpu.memory_space<vmem>> -> memref<112xi32, #tpu.memory_space<vmem>>
    %dma_start3A_34 = arith.constant 0 : i32
    %dma_start3A_35 = arith.constant 0 : i32
    %dma_start3A_36 = tpu.memref_slice %arg2[%dma_start3A_34, %dma_start3A_35] : memref<20000x128xf32, #tpu.memory_space<hbm>> -> memref<20000x128xf32, #tpu.memory_space<hbm>>
    tpu.enqueue_indirect_dma source(%dma_start3A_36 : memref<20000x128xf32, #tpu.memory_space<hbm>>) target(%dma_start3A_31 : memref<112x128xf32, #tpu.memory_space<vmem>>) offsets(%dma_start3A_33 : memref<112xi32, #tpu.memory_space<vmem>>) semaphore(%arg10 : memref<!tpu.dma_semaphore, #tpu.memory_space<semaphore_mem>>)
    %scan3A = arith.constant 0 : i32
    %scan3A_37 = arith.constant 0 : i32
    %scan3A_38 = arith.constant 27 : i32
    %scan3A_39 = arith.addi %scan3A_37, %scan3A_38 : i32
    %scan3A_40 = arith.constant 1 : i32
    scf.for %scan3A_60 = %scan3A_37 to %scan3A_39 step %scan3A_40  : i32 {
      %mul3A_61 = arith.constant 3 : i32
      %mul3A_62 = arith.muli %scan3A_60, %mul3A_61 : i32
      %ge3A = arith.constant 1 : i32
      %ge3A_63 = arith.cmpi sge, %mul3A_62, %ge3A : i32
      %add3A_64 = arith.constant 2 : i32
      %add3A_65 = arith.addi %mul3A_62, %add3A_64 : i32
      %lt3A = arith.constant 81 : i32
      %lt3A_66 = arith.cmpi slt, %add3A_65, %lt3A : i32
      %and3A = arith.andi %ge3A_63, %lt3A_66 : i1
      %convert_element_type3A = arith.extui %and3A : i1 to i32
      %cond3A = arith.constant 0 : i32
      %cond3A_67 = arith.cmpi ne, %convert_element_type3A, %cond3A : i32
      scf.if %cond3A_67 {
        %dma_wait3A_152 = arith.constant 0 : i32
        %dma_wait3A_153 = arith.constant 0 : i32
        %dma_wait3A_154 = tpu.memref_slice %arg4[%dma_wait3A_152, %dma_wait3A_153] : memref<580608x128xf32, #tpu.memory_space<hbm>> -> memref<224x128xf32, #tpu.memory_space<hbm>>
        %dma_wait3A_155 = arith.constant 0 : i32
        %dma_wait3A_156 = arith.constant 0 : i32
        %dma_wait3A_157 = tpu.memref_slice %arg4[%dma_wait3A_155, %dma_wait3A_156] : memref<580608x128xf32, #tpu.memory_space<hbm>> -> memref<224x128xf32, #tpu.memory_space<hbm>>
        tpu.wait_dma2 semaphore(%arg14 : memref<!tpu.dma_semaphore, #tpu.memory_space<semaphore_mem>>) src(%dma_wait3A_157 : memref<224x128xf32, #tpu.memory_space<hbm>>) dst(%arg8 : memref<224x128xf32, #tpu.memory_space<vmem>>)
      } else {
      }
      %add3A_68 = arith.constant 2 : i32
      %add3A_69 = arith.addi %mul3A_62, %add3A_68 : i32
      %lt3A_70 = arith.constant 81 : i32
      %lt3A_71 = arith.cmpi slt, %add3A_69, %lt3A_70 : i32
      %convert_element_type3A_72 = arith.extui %lt3A_71 : i1 to i32
      %cond3A_73 = arith.constant 0 : i32
      %cond3A_74 = arith.cmpi ne, %convert_element_type3A_72, %cond3A_73 : i32
      scf.if %cond3A_74 {
        %add3A_152 = arith.constant 2 : i32
        %add3A_153 = arith.addi %mul3A_62, %add3A_152 : i32
        %mul3A_154 = arith.constant 224 : i32
        %mul3A_155 = arith.muli %add3A_153, %mul3A_154 : i32
        %dma_start3A_156 = arith.constant 0 : i32
        %dma_start3A_157 = arith.constant 0 : i32
        %dma_start3A_158 = tpu.memref_slice %arg8[%dma_start3A_156, %dma_start3A_157] : memref<224x128xf32, #tpu.memory_space<vmem>> -> memref<112x128xf32, #tpu.memory_space<vmem>>
        %dma_start3A_159 = tpu.memref_slice %arg5[%mul3A_155] : memref<18144xi32, #tpu.memory_space<vmem>> -> memref<112xi32, #tpu.memory_space<vmem>>
        %dma_start3A_160 = arith.constant 0 : i32
        %dma_start3A_161 = arith.constant 0 : i32
        %dma_start3A_162 = tpu.memref_slice %arg2[%dma_start3A_160, %dma_start3A_161] : memref<20000x128xf32, #tpu.memory_space<hbm>> -> memref<20000x128xf32, #tpu.memory_space<hbm>>
        tpu.enqueue_indirect_dma source(%dma_start3A_162 : memref<20000x128xf32, #tpu.memory_space<hbm>>) target(%dma_start3A_158 : memref<112x128xf32, #tpu.memory_space<vmem>>) offsets(%dma_start3A_159 : memref<112xi32, #tpu.memory_space<vmem>>) semaphore(%arg11 : memref<!tpu.dma_semaphore, #tpu.memory_space<semaphore_mem>>)
        %add3A_163 = arith.constant 112 : i32
        %add3A_164 = arith.addi %mul3A_155, %add3A_163 : i32
        %dma_start3A_165 = arith.constant 112 : i32
        %dma_start3A_166 = arith.constant 0 : i32
        %dma_start3A_167 = tpu.memref_slice %arg8[%dma_start3A_165, %dma_start3A_166] : memref<224x128xf32, #tpu.memory_space<vmem>> -> memref<112x128xf32, #tpu.memory_space<vmem>>
        %dma_start3A_168 = tpu.memref_slice %arg5[%add3A_164] : memref<18144xi32, #tpu.memory_space<vmem>> -> memref<112xi32, #tpu.memory_space<vmem>>
        %dma_start3A_169 = arith.constant 0 : i32
        %dma_start3A_170 = arith.constant 0 : i32
        %dma_start3A_171 = tpu.memref_slice %arg2[%dma_start3A_169, %dma_start3A_170] : memref<20000x128xf32, #tpu.memory_space<hbm>> -> memref<20000x128xf32, #tpu.memory_space<hbm>>
        tpu.enqueue_indirect_dma source(%dma_start3A_171 : memref<20000x128xf32, #tpu.memory_space<hbm>>) target(%dma_start3A_167 : memref<112x128xf32, #tpu.memory_space<vmem>>) offsets(%dma_start3A_168 : memref<112xi32, #tpu.memory_space<vmem>>) semaphore(%arg11 : memref<!tpu.dma_semaphore, #tpu.memory_space<semaphore_mem>>)
      } else {
      }
      %dma_wait3A_75 = arith.constant 0 : i32
      %dma_wait3A_76 = arith.constant 0 : i32
      %dma_wait3A_77 = tpu.memref_slice %arg4[%dma_wait3A_75, %dma_wait3A_76] : memref<580608x128xf32, #tpu.memory_space<hbm>> -> memref<224x128xf32, #tpu.memory_space<hbm>>
      %dma_wait3A_78 = arith.constant 0 : i32
      %dma_wait3A_79 = arith.constant 0 : i32
      %dma_wait3A_80 = tpu.memref_slice %arg4[%dma_wait3A_78, %dma_wait3A_79] : memref<580608x128xf32, #tpu.memory_space<hbm>> -> memref<224x128xf32, #tpu.memory_space<hbm>>
      tpu.wait_dma2 semaphore(%arg9 : memref<!tpu.dma_semaphore, #tpu.memory_space<semaphore_mem>>) src(%dma_wait3A_80 : memref<224x128xf32, #tpu.memory_space<hbm>>) dst(%arg6 : memref<224x128xf32, #tpu.memory_space<vmem>>)
      %mul3A_81 = arith.constant 224 : i32
      %mul3A_82 = arith.muli %mul3A_62, %mul3A_81 : i32
      %add3A_83 = arith.addi %mul3A_2, %mul3A_82 : i32
      %dma_start3A_84 = arith.constant 0 : i32
      %dma_start3A_85 = tpu.memref_slice %arg4[%add3A_83, %dma_start3A_84] : memref<580608x128xf32, #tpu.memory_space<hbm>> -> memref<224x128xf32, #tpu.memory_space<hbm>>
      %dma_start3A_86 = arith.constant 0 : i32
      %dma_start3A_87 = tpu.memref_slice %arg4[%add3A_83, %dma_start3A_86] : memref<580608x128xf32, #tpu.memory_space<hbm>> -> memref<224x128xf32, #tpu.memory_space<hbm>>
      tpu.enqueue_dma source(%arg6 : memref<224x128xf32, #tpu.memory_space<vmem>>) target(%dma_start3A_87 : memref<224x128xf32, #tpu.memory_space<hbm>>) target_semaphore(%arg12 : memref<!tpu.dma_semaphore, #tpu.memory_space<semaphore_mem>>)
      %add3A_88 = arith.constant 1 : i32
      %add3A_89 = arith.addi %mul3A_62, %add3A_88 : i32
      %ge3A_90 = arith.constant 1 : i32
      %ge3A_91 = arith.cmpi sge, %add3A_89, %ge3A_90 : i32
      %add3A_92 = arith.constant 2 : i32
      %add3A_93 = arith.addi %add3A_89, %add3A_92 : i32
      %lt3A_94 = arith.constant 81 : i32
      %lt3A_95 = arith.cmpi slt, %add3A_93, %lt3A_94 : i32
      %and3A_96 = arith.andi %ge3A_91, %lt3A_95 : i1
      %convert_element_type3A_97 = arith.extui %and3A_96 : i1 to i32
      %cond3A_98 = arith.constant 0 : i32
      %cond3A_99 = arith.cmpi ne, %convert_element_type3A_97, %cond3A_98 : i32
      scf.if %cond3A_99 {
        %dma_wait3A_152 = arith.constant 0 : i32
        %dma_wait3A_153 = arith.constant 0 : i32
        %dma_wait3A_154 = tpu.memref_slice %arg4[%dma_wait3A_152, %dma_wait3A_153] : memref<580608x128xf32, #tpu.memory_space<hbm>> -> memref<224x128xf32, #tpu.memory_space<hbm>>
        %dma_wait3A_155 = arith.constant 0 : i32
        %dma_wait3A_156 = arith.constant 0 : i32
        %dma_wait3A_157 = tpu.memref_slice %arg4[%dma_wait3A_155, %dma_wait3A_156] : memref<580608x128xf32, #tpu.memory_space<hbm>> -> memref<224x128xf32, #tpu.memory_space<hbm>>
        tpu.wait_dma2 semaphore(%arg12 : memref<!tpu.dma_semaphore, #tpu.memory_space<semaphore_mem>>) src(%dma_wait3A_157 : memref<224x128xf32, #tpu.memory_space<hbm>>) dst(%arg6 : memref<224x128xf32, #tpu.memory_space<vmem>>)
      } else {
      }
      %add3A_100 = arith.constant 2 : i32
      %add3A_101 = arith.addi %add3A_89, %add3A_100 : i32
      %lt3A_102 = arith.constant 81 : i32
      %lt3A_103 = arith.cmpi slt, %add3A_101, %lt3A_102 : i32
      %convert_element_type3A_104 = arith.extui %lt3A_103 : i1 to i32
      %cond3A_105 = arith.constant 0 : i32
      %cond3A_106 = arith.cmpi ne, %convert_element_type3A_104, %cond3A_105 : i32
      scf.if %cond3A_106 {
        %add3A_152 = arith.constant 2 : i32
        %add3A_153 = arith.addi %add3A_89, %add3A_152 : i32
        %mul3A_154 = arith.constant 224 : i32
        %mul3A_155 = arith.muli %add3A_153, %mul3A_154 : i32
        %dma_start3A_156 = arith.constant 0 : i32
        %dma_start3A_157 = arith.constant 0 : i32
        %dma_start3A_158 = tpu.memref_slice %arg6[%dma_start3A_156, %dma_start3A_157] : memref<224x128xf32, #tpu.memory_space<vmem>> -> memref<112x128xf32, #tpu.memory_space<vmem>>
        %dma_start3A_159 = tpu.memref_slice %arg5[%mul3A_155] : memref<18144xi32, #tpu.memory_space<vmem>> -> memref<112xi32, #tpu.memory_space<vmem>>
        %dma_start3A_160 = arith.constant 0 : i32
        %dma_start3A_161 = arith.constant 0 : i32
        %dma_start3A_162 = tpu.memref_slice %arg2[%dma_start3A_160, %dma_start3A_161] : memref<20000x128xf32, #tpu.memory_space<hbm>> -> memref<20000x128xf32, #tpu.memory_space<hbm>>
        tpu.enqueue_indirect_dma source(%dma_start3A_162 : memref<20000x128xf32, #tpu.memory_space<hbm>>) target(%dma_start3A_158 : memref<112x128xf32, #tpu.memory_space<vmem>>) offsets(%dma_start3A_159 : memref<112xi32, #tpu.memory_space<vmem>>) semaphore(%arg9 : memref<!tpu.dma_semaphore, #tpu.memory_space<semaphore_mem>>)
        %add3A_163 = arith.constant 112 : i32
        %add3A_164 = arith.addi %mul3A_155, %add3A_163 : i32
        %dma_start3A_165 = arith.constant 112 : i32
        %dma_start3A_166 = arith.constant 0 : i32
        %dma_start3A_167 = tpu.memref_slice %arg6[%dma_start3A_165, %dma_start3A_166] : memref<224x128xf32, #tpu.memory_space<vmem>> -> memref<112x128xf32, #tpu.memory_space<vmem>>
        %dma_start3A_168 = tpu.memref_slice %arg5[%add3A_164] : memref<18144xi32, #tpu.memory_space<vmem>> -> memref<112xi32, #tpu.memory_space<vmem>>
        %dma_start3A_169 = arith.constant 0 : i32
        %dma_start3A_170 = arith.constant 0 : i32
        %dma_start3A_171 = tpu.memref_slice %arg2[%dma_start3A_169, %dma_start3A_170] : memref<20000x128xf32, #tpu.memory_space<hbm>> -> memref<20000x128xf32, #tpu.memory_space<hbm>>
        tpu.enqueue_indirect_dma source(%dma_start3A_171 : memref<20000x128xf32, #tpu.memory_space<hbm>>) target(%dma_start3A_167 : memref<112x128xf32, #tpu.memory_space<vmem>>) offsets(%dma_start3A_168 : memref<112xi32, #tpu.memory_space<vmem>>) semaphore(%arg9 : memref<!tpu.dma_semaphore, #tpu.memory_space<semaphore_mem>>)
      } else {
      }
      %dma_wait3A_107 = arith.constant 0 : i32
      %dma_wait3A_108 = arith.constant 0 : i32
      %dma_wait3A_109 = tpu.memref_slice %arg4[%dma_wait3A_107, %dma_wait3A_108] : memref<580608x128xf32, #tpu.memory_space<hbm>> -> memref<224x128xf32, #tpu.memory_space<hbm>>
      %dma_wait3A_110 = arith.constant 0 : i32
      %dma_wait3A_111 = arith.constant 0 : i32
      %dma_wait3A_112 = tpu.memref_slice %arg4[%dma_wait3A_110, %dma_wait3A_111] : memref<580608x128xf32, #tpu.memory_space<hbm>> -> memref<224x128xf32, #tpu.memory_space<hbm>>
      tpu.wait_dma2 semaphore(%arg10 : memref<!tpu.dma_semaphore, #tpu.memory_space<semaphore_mem>>) src(%dma_wait3A_112 : memref<224x128xf32, #tpu.memory_space<hbm>>) dst(%arg7 : memref<224x128xf32, #tpu.memory_space<vmem>>)
      %mul3A_113 = arith.constant 224 : i32
      %mul3A_114 = arith.muli %add3A_89, %mul3A_113 : i32
      %add3A_115 = arith.addi %mul3A_2, %mul3A_114 : i32
      %dma_start3A_116 = arith.constant 0 : i32
      %dma_start3A_117 = tpu.memref_slice %arg4[%add3A_115, %dma_start3A_116] : memref<580608x128xf32, #tpu.memory_space<hbm>> -> memref<224x128xf32, #tpu.memory_space<hbm>>
      %dma_start3A_118 = arith.constant 0 : i32
      %dma_start3A_119 = tpu.memref_slice %arg4[%add3A_115, %dma_start3A_118] : memref<580608x128xf32, #tpu.memory_space<hbm>> -> memref<224x128xf32, #tpu.memory_space<hbm>>
      tpu.enqueue_dma source(%arg7 : memref<224x128xf32, #tpu.memory_space<vmem>>) target(%dma_start3A_119 : memref<224x128xf32, #tpu.memory_space<hbm>>) target_semaphore(%arg13 : memref<!tpu.dma_semaphore, #tpu.memory_space<semaphore_mem>>)
      %add3A_120 = arith.constant 2 : i32
      %add3A_121 = arith.addi %mul3A_62, %add3A_120 : i32
      %ge3A_122 = arith.constant 1 : i32
      %ge3A_123 = arith.cmpi sge, %add3A_121, %ge3A_122 : i32
      %add3A_124 = arith.constant 2 : i32
      %add3A_125 = arith.addi %add3A_121, %add3A_124 : i32
      %lt3A_126 = arith.constant 81 : i32
      %lt3A_127 = arith.cmpi slt, %add3A_125, %lt3A_126 : i32
      %and3A_128 = arith.andi %ge3A_123, %lt3A_127 : i1
      %convert_element_type3A_129 = arith.extui %and3A_128 : i1 to i32
      %cond3A_130 = arith.constant 0 : i32
      %cond3A_131 = arith.cmpi ne, %convert_element_type3A_129, %cond3A_130 : i32
      scf.if %cond3A_131 {
        %dma_wait3A_152 = arith.constant 0 : i32
        %dma_wait3A_153 = arith.constant 0 : i32
        %dma_wait3A_154 = tpu.memref_slice %arg4[%dma_wait3A_152, %dma_wait3A_153] : memref<580608x128xf32, #tpu.memory_space<hbm>> -> memref<224x128xf32, #tpu.memory_space<hbm>>
        %dma_wait3A_155 = arith.constant 0 : i32
        %dma_wait3A_156 = arith.constant 0 : i32
        %dma_wait3A_157 = tpu.memref_slice %arg4[%dma_wait3A_155, %dma_wait3A_156] : memref<580608x128xf32, #tpu.memory_space<hbm>> -> memref<224x128xf32, #tpu.memory_space<hbm>>
        tpu.wait_dma2 semaphore(%arg13 : memref<!tpu.dma_semaphore, #tpu.memory_space<semaphore_mem>>) src(%dma_wait3A_157 : memref<224x128xf32, #tpu.memory_space<hbm>>) dst(%arg7 : memref<224x128xf32, #tpu.memory_space<vmem>>)
      } else {
      }
      %add3A_132 = arith.constant 2 : i32
      %add3A_133 = arith.addi %add3A_121, %add3A_132 : i32
      %lt3A_134 = arith.constant 81 : i32
      %lt3A_135 = arith.cmpi slt, %add3A_133, %lt3A_134 : i32
      %convert_element_type3A_136 = arith.extui %lt3A_135 : i1 to i32
      %cond3A_137 = arith.constant 0 : i32
      %cond3A_138 = arith.cmpi ne, %convert_element_type3A_136, %cond3A_137 : i32
      scf.if %cond3A_138 {
        %add3A_152 = arith.constant 2 : i32
        %add3A_153 = arith.addi %add3A_121, %add3A_152 : i32
        %mul3A_154 = arith.constant 224 : i32
        %mul3A_155 = arith.muli %add3A_153, %mul3A_154 : i32
        %dma_start3A_156 = arith.constant 0 : i32
        %dma_start3A_157 = arith.constant 0 : i32
        %dma_start3A_158 = tpu.memref_slice %arg7[%dma_start3A_156, %dma_start3A_157] : memref<224x128xf32, #tpu.memory_space<vmem>> -> memref<112x128xf32, #tpu.memory_space<vmem>>
        %dma_start3A_159 = tpu.memref_slice %arg5[%mul3A_155] : memref<18144xi32, #tpu.memory_space<vmem>> -> memref<112xi32, #tpu.memory_space<vmem>>
        %dma_start3A_160 = arith.constant 0 : i32
        %dma_start3A_161 = arith.constant 0 : i32
        %dma_start3A_162 = tpu.memref_slice %arg2[%dma_start3A_160, %dma_start3A_161] : memref<20000x128xf32, #tpu.memory_space<hbm>> -> memref<20000x128xf32, #tpu.memory_space<hbm>>
        tpu.enqueue_indirect_dma source(%dma_start3A_162 : memref<20000x128xf32, #tpu.memory_space<hbm>>) target(%dma_start3A_158 : memref<112x128xf32, #tpu.memory_space<vmem>>) offsets(%dma_start3A_159 : memref<112xi32, #tpu.memory_space<vmem>>) semaphore(%arg10 : memref<!tpu.dma_semaphore, #tpu.memory_space<semaphore_mem>>)
        %add3A_163 = arith.constant 112 : i32
        %add3A_164 = arith.addi %mul3A_155, %add3A_163 : i32
        %dma_start3A_165 = arith.constant 112 : i32
        %dma_start3A_166 = arith.constant 0 : i32
        %dma_start3A_167 = tpu.memref_slice %arg7[%dma_start3A_165, %dma_start3A_166] : memref<224x128xf32, #tpu.memory_space<vmem>> -> memref<112x128xf32, #tpu.memory_space<vmem>>
        %dma_start3A_168 = tpu.memref_slice %arg5[%add3A_164] : memref<18144xi32, #tpu.memory_space<vmem>> -> memref<112xi32, #tpu.memory_space<vmem>>
        %dma_start3A_169 = arith.constant 0 : i32
        %dma_start3A_170 = arith.constant 0 : i32
        %dma_start3A_171 = tpu.memref_slice %arg2[%dma_start3A_169, %dma_start3A_170] : memref<20000x128xf32, #tpu.memory_space<hbm>> -> memref<20000x128xf32, #tpu.memory_space<hbm>>
        tpu.enqueue_indirect_dma source(%dma_start3A_171 : memref<20000x128xf32, #tpu.memory_space<hbm>>) target(%dma_start3A_167 : memref<112x128xf32, #tpu.memory_space<vmem>>) offsets(%dma_start3A_168 : memref<112xi32, #tpu.memory_space<vmem>>) semaphore(%arg10 : memref<!tpu.dma_semaphore, #tpu.memory_space<semaphore_mem>>)
      } else {
      }
      %dma_wait3A_139 = arith.constant 0 : i32
      %dma_wait3A_140 = arith.constant 0 : i32
      %dma_wait3A_141 = tpu.memref_slice %arg4[%dma_wait3A_139, %dma_wait3A_140] : memref<580608x128xf32, #tpu.memory_space<hbm>> -> memref<224x128xf32, #tpu.memory_space<hbm>>
      %dma_wait3A_142 = arith.constant 0 : i32
      %dma_wait3A_143 = arith.constant 0 : i32
      %dma_wait3A_144 = tpu.memref_slice %arg4[%dma_wait3A_142, %dma_wait3A_143] : memref<580608x128xf32, #tpu.memory_space<hbm>> -> memref<224x128xf32, #tpu.memory_space<hbm>>
      tpu.wait_dma2 semaphore(%arg11 : memref<!tpu.dma_semaphore, #tpu.memory_space<semaphore_mem>>) src(%dma_wait3A_144 : memref<224x128xf32, #tpu.memory_space<hbm>>) dst(%arg8 : memref<224x128xf32, #tpu.memory_space<vmem>>)
      %mul3A_145 = arith.constant 224 : i32
      %mul3A_146 = arith.muli %add3A_121, %mul3A_145 : i32
      %add3A_147 = arith.addi %mul3A_2, %mul3A_146 : i32
      %dma_start3A_148 = arith.constant 0 : i32
      %dma_start3A_149 = tpu.memref_slice %arg4[%add3A_147, %dma_start3A_148] : memref<580608x128xf32, #tpu.memory_space<hbm>> -> memref<224x128xf32, #tpu.memory_space<hbm>>
      %dma_start3A_150 = arith.constant 0 : i32
      %dma_start3A_151 = tpu.memref_slice %arg4[%add3A_147, %dma_start3A_150] : memref<580608x128xf32, #tpu.memory_space<hbm>> -> memref<224x128xf32, #tpu.memory_space<hbm>>
      tpu.enqueue_dma source(%arg8 : memref<224x128xf32, #tpu.memory_space<vmem>>) target(%dma_start3A_151 : memref<224x128xf32, #tpu.memory_space<hbm>>) target_semaphore(%arg14 : memref<!tpu.dma_semaphore, #tpu.memory_space<semaphore_mem>>)
    }
    %scan3A_41 = arith.constant 27 : i32
    %dma_wait3A_42 = arith.constant 0 : i32
    %dma_wait3A_43 = arith.constant 0 : i32
    %dma_wait3A_44 = tpu.memref_slice %arg4[%dma_wait3A_42, %dma_wait3A_43] : memref<580608x128xf32, #tpu.memory_space<hbm>> -> memref<224x128xf32, #tpu.memory_space<hbm>>
    %dma_wait3A_45 = arith.constant 0 : i32
    %dma_wait3A_46 = arith.constant 0 : i32
    %dma_wait3A_47 = tpu.memref_slice %arg4[%dma_wait3A_45, %dma_wait3A_46] : memref<580608x128xf32, #tpu.memory_space<hbm>> -> memref<224x128xf32, #tpu.memory_space<hbm>>
    tpu.wait_dma2 semaphore(%arg12 : memref<!tpu.dma_semaphore, #tpu.memory_space<semaphore_mem>>) src(%dma_wait3A_47 : memref<224x128xf32, #tpu.memory_space<hbm>>) dst(%arg6 : memref<224x128xf32, #tpu.memory_space<vmem>>)
    %dma_wait3A_48 = arith.constant 0 : i32
    %dma_wait3A_49 = arith.constant 0 : i32
    %dma_wait3A_50 = tpu.memref_slice %arg4[%dma_wait3A_48, %dma_wait3A_49] : memref<580608x128xf32, #tpu.memory_space<hbm>> -> memref<224x128xf32, #tpu.memory_space<hbm>>
    %dma_wait3A_51 = arith.constant 0 : i32
    %dma_wait3A_52 = arith.constant 0 : i32
    %dma_wait3A_53 = tpu.memref_slice %arg4[%dma_wait3A_51, %dma_wait3A_52] : memref<580608x128xf32, #tpu.memory_space<hbm>> -> memref<224x128xf32, #tpu.memory_space<hbm>>
    tpu.wait_dma2 semaphore(%arg13 : memref<!tpu.dma_semaphore, #tpu.memory_space<semaphore_mem>>) src(%dma_wait3A_53 : memref<224x128xf32, #tpu.memory_space<hbm>>) dst(%arg7 : memref<224x128xf32, #tpu.memory_space<vmem>>)
    %dma_wait3A_54 = arith.constant 0 : i32
    %dma_wait3A_55 = arith.constant 0 : i32
    %dma_wait3A_56 = tpu.memref_slice %arg4[%dma_wait3A_54, %dma_wait3A_55] : memref<580608x128xf32, #tpu.memory_space<hbm>> -> memref<224x128xf32, #tpu.memory_space<hbm>>
    %dma_wait3A_57 = arith.constant 0 : i32
    %dma_wait3A_58 = arith.constant 0 : i32
    %dma_wait3A_59 = tpu.memref_slice %arg4[%dma_wait3A_57, %dma_wait3A_58] : memref<580608x128xf32, #tpu.memory_space<hbm>> -> memref<224x128xf32, #tpu.memory_space<hbm>>
    tpu.wait_dma2 semaphore(%arg14 : memref<!tpu.dma_semaphore, #tpu.memory_space<semaphore_mem>>) src(%dma_wait3A_59 : memref<224x128xf32, #tpu.memory_space<hbm>>) dst(%arg8 : memref<224x128xf32, #tpu.memory_space<vmem>>)
    return
  }
}

#map = affine_map<(d0, d1) -> (0, 0)>
#map1 = affine_map<(d0, d1) -> (0)>
module attributes {stable_mosaic.version = 14 : i64} {
  func.func @k(%arg0: i32, %arg1: i32, %arg2: memref<20000x128xf32, #tpu.memory_space<hbm>>, %arg3: memref<580608xi32, #tpu.memory_space<hbm>>, %arg4: memref<580608x128xf32, #tpu.memory_space<hbm>>, %arg5: memref<18144xi32, #tpu.memory_space<vmem>>, %arg6: memref<224x128xf32, #tpu.memory_space<vmem>>, %arg7: memref<224x128xf32, #tpu.memory_space<vmem>>, %arg8: memref<224x128xf32, #tpu.memory_space<vmem>>, %arg9: memref<!tpu.dma_semaphore, #tpu.memory_space<semaphore_mem>>, %arg10: memref<!tpu.dma_semaphore, #tpu.memory_space<semaphore_mem>>, %arg11: memref<!tpu.dma_semaphore, #tpu.memory_space<semaphore_mem>>, %arg12: memref<!tpu.dma_semaphore, #tpu.memory_space<semaphore_mem>>, %arg13: memref<!tpu.dma_semaphore, #tpu.memory_space<semaphore_mem>>, %arg14: memref<!tpu.dma_semaphore, #tpu.memory_space<semaphore_mem>>, %arg15: memref<!tpu.dma_semaphore, #tpu.memory_space<semaphore_mem>>) attributes {dimension_semantics = [#tpu.dimension_semantics<core_parallel>, #tpu.dimension_semantics<subcore_parallel>], iteration_bounds = array<i64: 2, 16>, scalar_prefetch = 0 : i64, scratch_operands = 11 : i64, tpu.core_type = #tpu.core_type<sc_vector_subcore>, window_params = [{transform_indices = #map}, {transform_indices = #map1}, {transform_indices = #map}]} {
    %mul3A = arith.constant 2 : i32
    %mul3A_0 = arith.muli %arg1, %mul3A : i32
    %add3A = arith.addi %mul3A_0, %arg0 : i32
    %mul3A_1 = arith.constant 18144 : i32
    %mul3A_2 = arith.muli %add3A, %mul3A_1 : i32
    %dma_start3A = tpu.memref_slice %arg3[%mul3A_2] : memref<580608xi32, #tpu.memory_space<hbm>> -> memref<18144xi32, #tpu.memory_space<hbm>>
    %dma_start3A_3 = tpu.memref_slice %arg3[%mul3A_2] : memref<580608xi32, #tpu.memory_space<hbm>> -> memref<18144xi32, #tpu.memory_space<hbm>>
    tpu.enqueue_dma source(%dma_start3A_3 : memref<18144xi32, #tpu.memory_space<hbm>>) target(%arg5 : memref<18144xi32, #tpu.memory_space<vmem>>) target_semaphore(%arg15 : memref<!tpu.dma_semaphore, #tpu.memory_space<semaphore_mem>>)
    %dma_wait3A = tpu.memref_slice %arg3[%mul3A_2] : memref<580608xi32, #tpu.memory_space<hbm>> -> memref<18144xi32, #tpu.memory_space<hbm>>
    %dma_wait3A_4 = tpu.memref_slice %arg3[%mul3A_2] : memref<580608xi32, #tpu.memory_space<hbm>> -> memref<18144xi32, #tpu.memory_space<hbm>>
    tpu.wait_dma2 semaphore(%arg15 : memref<!tpu.dma_semaphore, #tpu.memory_space<semaphore_mem>>) src(%dma_wait3A_4 : memref<18144xi32, #tpu.memory_space<hbm>>) dst(%arg5 : memref<18144xi32, #tpu.memory_space<vmem>>)
    %dma_start3A_5 = arith.constant 0 : i32
    %dma_start3A_6 = arith.constant 0 : i32
    %dma_start3A_7 = tpu.memref_slice %arg6[%dma_start3A_5, %dma_start3A_6] : memref<224x128xf32, #tpu.memory_space<vmem>> -> memref<112x128xf32, #tpu.memory_space<vmem>>
    %dma_start3A_8 = arith.constant 0 : i32
    %dma_start3A_9 = tpu.memref_slice %arg5[%dma_start3A_8] : memref<18144xi32, #tpu.memory_space<vmem>> -> memref<112xi32, #tpu.memory_space<vmem>>
    %dma_start3A_10 = arith.constant 0 : i32
    %dma_start3A_11 = arith.constant 0 : i32
    %dma_start3A_12 = tpu.memref_slice %arg2[%dma_start3A_10, %dma_start3A_11] : memref<20000x128xf32, #tpu.memory_space<hbm>> -> memref<20000x128xf32, #tpu.memory_space<hbm>>
    tpu.enqueue_indirect_dma source(%dma_start3A_12 : memref<20000x128xf32, #tpu.memory_space<hbm>>) target(%dma_start3A_7 : memref<112x128xf32, #tpu.memory_space<vmem>>) offsets(%dma_start3A_9 : memref<112xi32, #tpu.memory_space<vmem>>) semaphore(%arg9 : memref<!tpu.dma_semaphore, #tpu.memory_space<semaphore_mem>>)
    %dma_start3A_13 = arith.constant 112 : i32
    %dma_start3A_14 = arith.constant 0 : i32
    %dma_start3A_15 = tpu.memref_slice %arg6[%dma_start3A_13, %dma_start3A_14] : memref<224x128xf32, #tpu.memory_space<vmem>> -> memref<112x128xf32, #tpu.memory_space<vmem>>
    %dma_start3A_16 = arith.constant 112 : i32
    %dma_start3A_17 = tpu.memref_slice %arg5[%dma_start3A_16] : memref<18144xi32, #tpu.memory_space<vmem>> -> memref<112xi32, #tpu.memory_space<vmem>>
    %dma_start3A_18 = arith.constant 0 : i32
    %dma_start3A_19 = arith.constant 0 : i32
    %dma_start3A_20 = tpu.memref_slice %arg2[%dma_start3A_18, %dma_start3A_19] : memref<20000x128xf32, #tpu.memory_space<hbm>> -> memref<20000x128xf32, #tpu.memory_space<hbm>>
    tpu.enqueue_indirect_dma source(%dma_start3A_20 : memref<20000x128xf32, #tpu.memory_space<hbm>>) target(%dma_start3A_15 : memref<112x128xf32, #tpu.memory_space<vmem>>) offsets(%dma_start3A_17 : memref<112xi32, #tpu.memory_space<vmem>>) semaphore(%arg9 : memref<!tpu.dma_semaphore, #tpu.memory_space<semaphore_mem>>)
    %dma_start3A_21 = arith.constant 0 : i32
    %dma_start3A_22 = arith.constant 0 : i32
    %dma_start3A_23 = tpu.memref_slice %arg7[%dma_start3A_21, %dma_start3A_22] : memref<224x128xf32, #tpu.memory_space<vmem>> -> memref<112x128xf32, #tpu.memory_space<vmem>>
    %dma_start3A_24 = arith.constant 224 : i32
    %dma_start3A_25 = tpu.memref_slice %arg5[%dma_start3A_24] : memref<18144xi32, #tpu.memory_space<vmem>> -> memref<112xi32, #tpu.memory_space<vmem>>
    %dma_start3A_26 = arith.constant 0 : i32
    %dma_start3A_27 = arith.constant 0 : i32
    %dma_start3A_28 = tpu.memref_slice %arg2[%dma_start3A_26, %dma_start3A_27] : memref<20000x128xf32, #tpu.memory_space<hbm>> -> memref<20000x128xf32, #tpu.memory_space<hbm>>
    tpu.enqueue_indirect_dma source(%dma_start3A_28 : memref<20000x128xf32, #tpu.memory_space<hbm>>) target(%dma_start3A_23 : memref<112x128xf32, #tpu.memory_space<vmem>>) offsets(%dma_start3A_25 : memref<112xi32, #tpu.memory_space<vmem>>) semaphore(%arg10 : memref<!tpu.dma_semaphore, #tpu.memory_space<semaphore_mem>>)
    %dma_start3A_29 = arith.constant 112 : i32
    %dma_start3A_30 = arith.constant 0 : i32
    %dma_start3A_31 = tpu.memref_slice %arg7[%dma_start3A_29, %dma_start3A_30] : memref<224x128xf32, #tpu.memory_space<vmem>> -> memref<112x128xf32, #tpu.memory_space<vmem>>
    %dma_start3A_32 = arith.constant 336 : i32
    %dma_start3A_33 = tpu.memref_slice %arg5[%dma_start3A_32] : memref<18144xi32, #tpu.memory_space<vmem>> -> memref<112xi32, #tpu.memory_space<vmem>>
    %dma_start3A_34 = arith.constant 0 : i32
    %dma_start3A_35 = arith.constant 0 : i32
    %dma_start3A_36 = tpu.memref_slice %arg2[%dma_start3A_34, %dma_start3A_35] : memref<20000x128xf32, #tpu.memory_space<hbm>> -> memref<20000x128xf32, #tpu.memory_space<hbm>>
    tpu.enqueue_indirect_dma source(%dma_start3A_36 : memref<20000x128xf32, #tpu.memory_space<hbm>>) target(%dma_start3A_31 : memref<112x128xf32, #tpu.memory_space<vmem>>) offsets(%dma_start3A_33 : memref<112xi32, #tpu.memory_space<vmem>>) semaphore(%arg10 : memref<!tpu.dma_semaphore, #tpu.memory_space<semaphore_mem>>)
    %scan3A = arith.constant 0 : i32
    %scan3A_37 = arith.constant 0 : i32
    %scan3A_38 = arith.constant 27 : i32
    %scan3A_39 = arith.addi %scan3A_37, %scan3A_38 : i32
    %scan3A_40 = arith.constant 1 : i32
    scf.for %scan3A_60 = %scan3A_37 to %scan3A_39 step %scan3A_40  : i32 {
      %mul3A_61 = arith.constant 3 : i32
      %mul3A_62 = arith.muli %scan3A_60, %mul3A_61 : i32
      %ge3A = arith.constant 1 : i32
      %ge3A_63 = arith.cmpi sge, %mul3A_62, %ge3A : i32
      %add3A_64 = arith.constant 2 : i32
      %add3A_65 = arith.addi %mul3A_62, %add3A_64 : i32
      %lt3A = arith.constant 81 : i32
      %lt3A_66 = arith.cmpi slt, %add3A_65, %lt3A : i32
      %and3A = arith.andi %ge3A_63, %lt3A_66 : i1
      %convert_element_type3A = arith.extui %and3A : i1 to i32
      %cond3A = arith.constant 0 : i32
      %cond3A_67 = arith.cmpi ne, %convert_element_type3A, %cond3A : i32
      scf.if %cond3A_67 {
        %dma_wait3A_152 = arith.constant 0 : i32
        %dma_wait3A_153 = arith.constant 0 : i32
        %dma_wait3A_154 = tpu.memref_slice %arg4[%dma_wait3A_152, %dma_wait3A_153] : memref<580608x128xf32, #tpu.memory_space<hbm>> -> memref<224x128xf32, #tpu.memory_space<hbm>>
        %dma_wait3A_155 = arith.constant 0 : i32
        %dma_wait3A_156 = arith.constant 0 : i32
        %dma_wait3A_157 = tpu.memref_slice %arg4[%dma_wait3A_155, %dma_wait3A_156] : memref<580608x128xf32, #tpu.memory_space<hbm>> -> memref<224x128xf32, #tpu.memory_space<hbm>>
        tpu.wait_dma2 semaphore(%arg14 : memref<!tpu.dma_semaphore, #tpu.memory_space<semaphore_mem>>) src(%dma_wait3A_157 : memref<224x128xf32, #tpu.memory_space<hbm>>) dst(%arg8 : memref<224x128xf32, #tpu.memory_space<vmem>>)
      } else {
      }
      %add3A_68 = arith.constant 2 : i32
      %add3A_69 = arith.addi %mul3A_62, %add3A_68 : i32
      %lt3A_70 = arith.constant 81 : i32
      %lt3A_71 = arith.cmpi slt, %add3A_69, %lt3A_70 : i32
      %convert_element_type3A_72 = arith.extui %lt3A_71 : i1 to i32
      %cond3A_73 = arith.constant 0 : i32
      %cond3A_74 = arith.cmpi ne, %convert_element_type3A_72, %cond3A_73 : i32
      scf.if %cond3A_74 {
        %add3A_152 = arith.constant 2 : i32
        %add3A_153 = arith.addi %mul3A_62, %add3A_152 : i32
        %mul3A_154 = arith.constant 224 : i32
        %mul3A_155 = arith.muli %add3A_153, %mul3A_154 : i32
        %dma_start3A_156 = arith.constant 0 : i32
        %dma_start3A_157 = arith.constant 0 : i32
        %dma_start3A_158 = tpu.memref_slice %arg8[%dma_start3A_156, %dma_start3A_157] : memref<224x128xf32, #tpu.memory_space<vmem>> -> memref<112x128xf32, #tpu.memory_space<vmem>>
        %dma_start3A_159 = tpu.memref_slice %arg5[%mul3A_155] : memref<18144xi32, #tpu.memory_space<vmem>> -> memref<112xi32, #tpu.memory_space<vmem>>
        %dma_start3A_160 = arith.constant 0 : i32
        %dma_start3A_161 = arith.constant 0 : i32
        %dma_start3A_162 = tpu.memref_slice %arg2[%dma_start3A_160, %dma_start3A_161] : memref<20000x128xf32, #tpu.memory_space<hbm>> -> memref<20000x128xf32, #tpu.memory_space<hbm>>
        tpu.enqueue_indirect_dma source(%dma_start3A_162 : memref<20000x128xf32, #tpu.memory_space<hbm>>) target(%dma_start3A_158 : memref<112x128xf32, #tpu.memory_space<vmem>>) offsets(%dma_start3A_159 : memref<112xi32, #tpu.memory_space<vmem>>) semaphore(%arg11 : memref<!tpu.dma_semaphore, #tpu.memory_space<semaphore_mem>>)
        %add3A_163 = arith.constant 112 : i32
        %add3A_164 = arith.addi %mul3A_155, %add3A_163 : i32
        %dma_start3A_165 = arith.constant 112 : i32
        %dma_start3A_166 = arith.constant 0 : i32
        %dma_start3A_167 = tpu.memref_slice %arg8[%dma_start3A_165, %dma_start3A_166] : memref<224x128xf32, #tpu.memory_space<vmem>> -> memref<112x128xf32, #tpu.memory_space<vmem>>
        %dma_start3A_168 = tpu.memref_slice %arg5[%add3A_164] : memref<18144xi32, #tpu.memory_space<vmem>> -> memref<112xi32, #tpu.memory_space<vmem>>
        %dma_start3A_169 = arith.constant 0 : i32
        %dma_start3A_170 = arith.constant 0 : i32
        %dma_start3A_171 = tpu.memref_slice %arg2[%dma_start3A_169, %dma_start3A_170] : memref<20000x128xf32, #tpu.memory_space<hbm>> -> memref<20000x128xf32, #tpu.memory_space<hbm>>
        tpu.enqueue_indirect_dma source(%dma_start3A_171 : memref<20000x128xf32, #tpu.memory_space<hbm>>) target(%dma_start3A_167 : memref<112x128xf32, #tpu.memory_space<vmem>>) offsets(%dma_start3A_168 : memref<112xi32, #tpu.memory_space<vmem>>) semaphore(%arg11 : memref<!tpu.dma_semaphore, #tpu.memory_space<semaphore_mem>>)
      } else {
      }
      %dma_wait3A_75 = arith.constant 0 : i32
      %dma_wait3A_76 = arith.constant 0 : i32
      %dma_wait3A_77 = tpu.memref_slice %arg4[%dma_wait3A_75, %dma_wait3A_76] : memref<580608x128xf32, #tpu.memory_space<hbm>> -> memref<224x128xf32, #tpu.memory_space<hbm>>
      %dma_wait3A_78 = arith.constant 0 : i32
      %dma_wait3A_79 = arith.constant 0 : i32
      %dma_wait3A_80 = tpu.memref_slice %arg4[%dma_wait3A_78, %dma_wait3A_79] : memref<580608x128xf32, #tpu.memory_space<hbm>> -> memref<224x128xf32, #tpu.memory_space<hbm>>
      tpu.wait_dma2 semaphore(%arg9 : memref<!tpu.dma_semaphore, #tpu.memory_space<semaphore_mem>>) src(%dma_wait3A_80 : memref<224x128xf32, #tpu.memory_space<hbm>>) dst(%arg6 : memref<224x128xf32, #tpu.memory_space<vmem>>)
      %mul3A_81 = arith.constant 224 : i32
      %mul3A_82 = arith.muli %mul3A_62, %mul3A_81 : i32
      %add3A_83 = arith.addi %mul3A_2, %mul3A_82 : i32
      %dma_start3A_84 = arith.constant 0 : i32
      %dma_start3A_85 = tpu.memref_slice %arg4[%add3A_83, %dma_start3A_84] : memref<580608x128xf32, #tpu.memory_space<hbm>> -> memref<224x128xf32, #tpu.memory_space<hbm>>
      %dma_start3A_86 = arith.constant 0 : i32
      %dma_start3A_87 = tpu.memref_slice %arg4[%add3A_83, %dma_start3A_86] : memref<580608x128xf32, #tpu.memory_space<hbm>> -> memref<224x128xf32, #tpu.memory_space<hbm>>
      tpu.enqueue_dma source(%arg6 : memref<224x128xf32, #tpu.memory_space<vmem>>) target(%dma_start3A_87 : memref<224x128xf32, #tpu.memory_space<hbm>>) target_semaphore(%arg12 : memref<!tpu.dma_semaphore, #tpu.memory_space<semaphore_mem>>)
      %add3A_88 = arith.constant 1 : i32
      %add3A_89 = arith.addi %mul3A_62, %add3A_88 : i32
      %ge3A_90 = arith.constant 1 : i32
      %ge3A_91 = arith.cmpi sge, %add3A_89, %ge3A_90 : i32
      %add3A_92 = arith.constant 2 : i32
      %add3A_93 = arith.addi %add3A_89, %add3A_92 : i32
      %lt3A_94 = arith.constant 81 : i32
      %lt3A_95 = arith.cmpi slt, %add3A_93, %lt3A_94 : i32
      %and3A_96 = arith.andi %ge3A_91, %lt3A_95 : i1
      %convert_element_type3A_97 = arith.extui %and3A_96 : i1 to i32
      %cond3A_98 = arith.constant 0 : i32
      %cond3A_99 = arith.cmpi ne, %convert_element_type3A_97, %cond3A_98 : i32
      scf.if %cond3A_99 {
        %dma_wait3A_152 = arith.constant 0 : i32
        %dma_wait3A_153 = arith.constant 0 : i32
        %dma_wait3A_154 = tpu.memref_slice %arg4[%dma_wait3A_152, %dma_wait3A_153] : memref<580608x128xf32, #tpu.memory_space<hbm>> -> memref<224x128xf32, #tpu.memory_space<hbm>>
        %dma_wait3A_155 = arith.constant 0 : i32
        %dma_wait3A_156 = arith.constant 0 : i32
        %dma_wait3A_157 = tpu.memref_slice %arg4[%dma_wait3A_155, %dma_wait3A_156] : memref<580608x128xf32, #tpu.memory_space<hbm>> -> memref<224x128xf32, #tpu.memory_space<hbm>>
        tpu.wait_dma2 semaphore(%arg12 : memref<!tpu.dma_semaphore, #tpu.memory_space<semaphore_mem>>) src(%dma_wait3A_157 : memref<224x128xf32, #tpu.memory_space<hbm>>) dst(%arg6 : memref<224x128xf32, #tpu.memory_space<vmem>>)
      } else {
      }
      %add3A_100 = arith.constant 2 : i32
      %add3A_101 = arith.addi %add3A_89, %add3A_100 : i32
      %lt3A_102 = arith.constant 81 : i32
      %lt3A_103 = arith.cmpi slt, %add3A_101, %lt3A_102 : i32
      %convert_element_type3A_104 = arith.extui %lt3A_103 : i1 to i32
      %cond3A_105 = arith.constant 0 : i32
      %cond3A_106 = arith.cmpi ne, %convert_element_type3A_104, %cond3A_105 : i32
      scf.if %cond3A_106 {
        %add3A_152 = arith.constant 2 : i32
        %add3A_153 = arith.addi %add3A_89, %add3A_152 : i32
        %mul3A_154 = arith.constant 224 : i32
        %mul3A_155 = arith.muli %add3A_153, %mul3A_154 : i32
        %dma_start3A_156 = arith.constant 0 : i32
        %dma_start3A_157 = arith.constant 0 : i32
        %dma_start3A_158 = tpu.memref_slice %arg6[%dma_start3A_156, %dma_start3A_157] : memref<224x128xf32, #tpu.memory_space<vmem>> -> memref<112x128xf32, #tpu.memory_space<vmem>>
        %dma_start3A_159 = tpu.memref_slice %arg5[%mul3A_155] : memref<18144xi32, #tpu.memory_space<vmem>> -> memref<112xi32, #tpu.memory_space<vmem>>
        %dma_start3A_160 = arith.constant 0 : i32
        %dma_start3A_161 = arith.constant 0 : i32
        %dma_start3A_162 = tpu.memref_slice %arg2[%dma_start3A_160, %dma_start3A_161] : memref<20000x128xf32, #tpu.memory_space<hbm>> -> memref<20000x128xf32, #tpu.memory_space<hbm>>
        tpu.enqueue_indirect_dma source(%dma_start3A_162 : memref<20000x128xf32, #tpu.memory_space<hbm>>) target(%dma_start3A_158 : memref<112x128xf32, #tpu.memory_space<vmem>>) offsets(%dma_start3A_159 : memref<112xi32, #tpu.memory_space<vmem>>) semaphore(%arg9 : memref<!tpu.dma_semaphore, #tpu.memory_space<semaphore_mem>>)
        %add3A_163 = arith.constant 112 : i32
        %add3A_164 = arith.addi %mul3A_155, %add3A_163 : i32
        %dma_start3A_165 = arith.constant 112 : i32
        %dma_start3A_166 = arith.constant 0 : i32
        %dma_start3A_167 = tpu.memref_slice %arg6[%dma_start3A_165, %dma_start3A_166] : memref<224x128xf32, #tpu.memory_space<vmem>> -> memref<112x128xf32, #tpu.memory_space<vmem>>
        %dma_start3A_168 = tpu.memref_slice %arg5[%add3A_164] : memref<18144xi32, #tpu.memory_space<vmem>> -> memref<112xi32, #tpu.memory_space<vmem>>
        %dma_start3A_169 = arith.constant 0 : i32
        %dma_start3A_170 = arith.constant 0 : i32
        %dma_start3A_171 = tpu.memref_slice %arg2[%dma_start3A_169, %dma_start3A_170] : memref<20000x128xf32, #tpu.memory_space<hbm>> -> memref<20000x128xf32, #tpu.memory_space<hbm>>
        tpu.enqueue_indirect_dma source(%dma_start3A_171 : memref<20000x128xf32, #tpu.memory_space<hbm>>) target(%dma_start3A_167 : memref<112x128xf32, #tpu.memory_space<vmem>>) offsets(%dma_start3A_168 : memref<112xi32, #tpu.memory_space<vmem>>) semaphore(%arg9 : memref<!tpu.dma_semaphore, #tpu.memory_space<semaphore_mem>>)
      } else {
      }
      %dma_wait3A_107 = arith.constant 0 : i32
      %dma_wait3A_108 = arith.constant 0 : i32
      %dma_wait3A_109 = tpu.memref_slice %arg4[%dma_wait3A_107, %dma_wait3A_108] : memref<580608x128xf32, #tpu.memory_space<hbm>> -> memref<224x128xf32, #tpu.memory_space<hbm>>
      %dma_wait3A_110 = arith.constant 0 : i32
      %dma_wait3A_111 = arith.constant 0 : i32
      %dma_wait3A_112 = tpu.memref_slice %arg4[%dma_wait3A_110, %dma_wait3A_111] : memref<580608x128xf32, #tpu.memory_space<hbm>> -> memref<224x128xf32, #tpu.memory_space<hbm>>
      tpu.wait_dma2 semaphore(%arg10 : memref<!tpu.dma_semaphore, #tpu.memory_space<semaphore_mem>>) src(%dma_wait3A_112 : memref<224x128xf32, #tpu.memory_space<hbm>>) dst(%arg7 : memref<224x128xf32, #tpu.memory_space<vmem>>)
      %mul3A_113 = arith.constant 224 : i32
      %mul3A_114 = arith.muli %add3A_89, %mul3A_113 : i32
      %add3A_115 = arith.addi %mul3A_2, %mul3A_114 : i32
      %dma_start3A_116 = arith.constant 0 : i32
      %dma_start3A_117 = tpu.memref_slice %arg4[%add3A_115, %dma_start3A_116] : memref<580608x128xf32, #tpu.memory_space<hbm>> -> memref<224x128xf32, #tpu.memory_space<hbm>>
      %dma_start3A_118 = arith.constant 0 : i32
      %dma_start3A_119 = tpu.memref_slice %arg4[%add3A_115, %dma_start3A_118] : memref<580608x128xf32, #tpu.memory_space<hbm>> -> memref<224x128xf32, #tpu.memory_space<hbm>>
      tpu.enqueue_dma source(%arg7 : memref<224x128xf32, #tpu.memory_space<vmem>>) target(%dma_start3A_119 : memref<224x128xf32, #tpu.memory_space<hbm>>) target_semaphore(%arg13 : memref<!tpu.dma_semaphore, #tpu.memory_space<semaphore_mem>>)
      %add3A_120 = arith.constant 2 : i32
      %add3A_121 = arith.addi %mul3A_62, %add3A_120 : i32
      %ge3A_122 = arith.constant 1 : i32
      %ge3A_123 = arith.cmpi sge, %add3A_121, %ge3A_122 : i32
      %add3A_124 = arith.constant 2 : i32
      %add3A_125 = arith.addi %add3A_121, %add3A_124 : i32
      %lt3A_126 = arith.constant 81 : i32
      %lt3A_127 = arith.cmpi slt, %add3A_125, %lt3A_126 : i32
      %and3A_128 = arith.andi %ge3A_123, %lt3A_127 : i1
      %convert_element_type3A_129 = arith.extui %and3A_128 : i1 to i32
      %cond3A_130 = arith.constant 0 : i32
      %cond3A_131 = arith.cmpi ne, %convert_element_type3A_129, %cond3A_130 : i32
      scf.if %cond3A_131 {
        %dma_wait3A_152 = arith.constant 0 : i32
        %dma_wait3A_153 = arith.constant 0 : i32
        %dma_wait3A_154 = tpu.memref_slice %arg4[%dma_wait3A_152, %dma_wait3A_153] : memref<580608x128xf32, #tpu.memory_space<hbm>> -> memref<224x128xf32, #tpu.memory_space<hbm>>
        %dma_wait3A_155 = arith.constant 0 : i32
        %dma_wait3A_156 = arith.constant 0 : i32
        %dma_wait3A_157 = tpu.memref_slice %arg4[%dma_wait3A_155, %dma_wait3A_156] : memref<580608x128xf32, #tpu.memory_space<hbm>> -> memref<224x128xf32, #tpu.memory_space<hbm>>
        tpu.wait_dma2 semaphore(%arg13 : memref<!tpu.dma_semaphore, #tpu.memory_space<semaphore_mem>>) src(%dma_wait3A_157 : memref<224x128xf32, #tpu.memory_space<hbm>>) dst(%arg7 : memref<224x128xf32, #tpu.memory_space<vmem>>)
      } else {
      }
      %add3A_132 = arith.constant 2 : i32
      %add3A_133 = arith.addi %add3A_121, %add3A_132 : i32
      %lt3A_134 = arith.constant 81 : i32
      %lt3A_135 = arith.cmpi slt, %add3A_133, %lt3A_134 : i32
      %convert_element_type3A_136 = arith.extui %lt3A_135 : i1 to i32
      %cond3A_137 = arith.constant 0 : i32
      %cond3A_138 = arith.cmpi ne, %convert_element_type3A_136, %cond3A_137 : i32
      scf.if %cond3A_138 {
        %add3A_152 = arith.constant 2 : i32
        %add3A_153 = arith.addi %add3A_121, %add3A_152 : i32
        %mul3A_154 = arith.constant 224 : i32
        %mul3A_155 = arith.muli %add3A_153, %mul3A_154 : i32
        %dma_start3A_156 = arith.constant 0 : i32
        %dma_start3A_157 = arith.constant 0 : i32
        %dma_start3A_158 = tpu.memref_slice %arg7[%dma_start3A_156, %dma_start3A_157] : memref<224x128xf32, #tpu.memory_space<vmem>> -> memref<112x128xf32, #tpu.memory_space<vmem>>
        %dma_start3A_159 = tpu.memref_slice %arg5[%mul3A_155] : memref<18144xi32, #tpu.memory_space<vmem>> -> memref<112xi32, #tpu.memory_space<vmem>>
        %dma_start3A_160 = arith.constant 0 : i32
        %dma_start3A_161 = arith.constant 0 : i32
        %dma_start3A_162 = tpu.memref_slice %arg2[%dma_start3A_160, %dma_start3A_161] : memref<20000x128xf32, #tpu.memory_space<hbm>> -> memref<20000x128xf32, #tpu.memory_space<hbm>>
        tpu.enqueue_indirect_dma source(%dma_start3A_162 : memref<20000x128xf32, #tpu.memory_space<hbm>>) target(%dma_start3A_158 : memref<112x128xf32, #tpu.memory_space<vmem>>) offsets(%dma_start3A_159 : memref<112xi32, #tpu.memory_space<vmem>>) semaphore(%arg10 : memref<!tpu.dma_semaphore, #tpu.memory_space<semaphore_mem>>)
        %add3A_163 = arith.constant 112 : i32
        %add3A_164 = arith.addi %mul3A_155, %add3A_163 : i32
        %dma_start3A_165 = arith.constant 112 : i32
        %dma_start3A_166 = arith.constant 0 : i32
        %dma_start3A_167 = tpu.memref_slice %arg7[%dma_start3A_165, %dma_start3A_166] : memref<224x128xf32, #tpu.memory_space<vmem>> -> memref<112x128xf32, #tpu.memory_space<vmem>>
        %dma_start3A_168 = tpu.memref_slice %arg5[%add3A_164] : memref<18144xi32, #tpu.memory_space<vmem>> -> memref<112xi32, #tpu.memory_space<vmem>>
        %dma_start3A_169 = arith.constant 0 : i32
        %dma_start3A_170 = arith.constant 0 : i32
        %dma_start3A_171 = tpu.memref_slice %arg2[%dma_start3A_169, %dma_start3A_170] : memref<20000x128xf32, #tpu.memory_space<hbm>> -> memref<20000x128xf32, #tpu.memory_space<hbm>>
        tpu.enqueue_indirect_dma source(%dma_start3A_171 : memref<20000x128xf32, #tpu.memory_space<hbm>>) target(%dma_start3A_167 : memref<112x128xf32, #tpu.memory_space<vmem>>) offsets(%dma_start3A_168 : memref<112xi32, #tpu.memory_space<vmem>>) semaphore(%arg10 : memref<!tpu.dma_semaphore, #tpu.memory_space<semaphore_mem>>)
      } else {
      }
      %dma_wait3A_139 = arith.constant 0 : i32
      %dma_wait3A_140 = arith.constant 0 : i32
      %dma_wait3A_141 = tpu.memref_slice %arg4[%dma_wait3A_139, %dma_wait3A_140] : memref<580608x128xf32, #tpu.memory_space<hbm>> -> memref<224x128xf32, #tpu.memory_space<hbm>>
      %dma_wait3A_142 = arith.constant 0 : i32
      %dma_wait3A_143 = arith.constant 0 : i32
      %dma_wait3A_144 = tpu.memref_slice %arg4[%dma_wait3A_142, %dma_wait3A_143] : memref<580608x128xf32, #tpu.memory_space<hbm>> -> memref<224x128xf32, #tpu.memory_space<hbm>>
      tpu.wait_dma2 semaphore(%arg11 : memref<!tpu.dma_semaphore, #tpu.memory_space<semaphore_mem>>) src(%dma_wait3A_144 : memref<224x128xf32, #tpu.memory_space<hbm>>) dst(%arg8 : memref<224x128xf32, #tpu.memory_space<vmem>>)
      %mul3A_145 = arith.constant 224 : i32
      %mul3A_146 = arith.muli %add3A_121, %mul3A_145 : i32
      %add3A_147 = arith.addi %mul3A_2, %mul3A_146 : i32
      %dma_start3A_148 = arith.constant 0 : i32
      %dma_start3A_149 = tpu.memref_slice %arg4[%add3A_147, %dma_start3A_148] : memref<580608x128xf32, #tpu.memory_space<hbm>> -> memref<224x128xf32, #tpu.memory_space<hbm>>
      %dma_start3A_150 = arith.constant 0 : i32
      %dma_start3A_151 = tpu.memref_slice %arg4[%add3A_147, %dma_start3A_150] : memref<580608x128xf32, #tpu.memory_space<hbm>> -> memref<224x128xf32, #tpu.memory_space<hbm>>
      tpu.enqueue_dma source(%arg8 : memref<224x128xf32, #tpu.memory_space<vmem>>) target(%dma_start3A_151 : memref<224x128xf32, #tpu.memory_space<hbm>>) target_semaphore(%arg14 : memref<!tpu.dma_semaphore, #tpu.memory_space<semaphore_mem>>)
    }
    %scan3A_41 = arith.constant 27 : i32
    %dma_wait3A_42 = arith.constant 0 : i32
    %dma_wait3A_43 = arith.constant 0 : i32
    %dma_wait3A_44 = tpu.memref_slice %arg4[%dma_wait3A_42, %dma_wait3A_43] : memref<580608x128xf32, #tpu.memory_space<hbm>> -> memref<224x128xf32, #tpu.memory_space<hbm>>
    %dma_wait3A_45 = arith.constant 0 : i32
    %dma_wait3A_46 = arith.constant 0 : i32
    %dma_wait3A_47 = tpu.memref_slice %arg4[%dma_wait3A_45, %dma_wait3A_46] : memref<580608x128xf32, #tpu.memory_space<hbm>> -> memref<224x128xf32, #tpu.memory_space<hbm>>
    tpu.wait_dma2 semaphore(%arg12 : memref<!tpu.dma_semaphore, #tpu.memory_space<semaphore_mem>>) src(%dma_wait3A_47 : memref<224x128xf32, #tpu.memory_space<hbm>>) dst(%arg6 : memref<224x128xf32, #tpu.memory_space<vmem>>)
    %dma_wait3A_48 = arith.constant 0 : i32
    %dma_wait3A_49 = arith.constant 0 : i32
    %dma_wait3A_50 = tpu.memref_slice %arg4[%dma_wait3A_48, %dma_wait3A_49] : memref<580608x128xf32, #tpu.memory_space<hbm>> -> memref<224x128xf32, #tpu.memory_space<hbm>>
    %dma_wait3A_51 = arith.constant 0 : i32
    %dma_wait3A_52 = arith.constant 0 : i32
    %dma_wait3A_53 = tpu.memref_slice %arg4[%dma_wait3A_51, %dma_wait3A_52] : memref<580608x128xf32, #tpu.memory_space<hbm>> -> memref<224x128xf32, #tpu.memory_space<hbm>>
    tpu.wait_dma2 semaphore(%arg13 : memref<!tpu.dma_semaphore, #tpu.memory_space<semaphore_mem>>) src(%dma_wait3A_53 : memref<224x128xf32, #tpu.memory_space<hbm>>) dst(%arg7 : memref<224x128xf32, #tpu.memory_space<vmem>>)
    %dma_wait3A_54 = arith.constant 0 : i32
    %dma_wait3A_55 = arith.constant 0 : i32
    %dma_wait3A_56 = tpu.memref_slice %arg4[%dma_wait3A_54, %dma_wait3A_55] : memref<580608x128xf32, #tpu.memory_space<hbm>> -> memref<224x128xf32, #tpu.memory_space<hbm>>
    %dma_wait3A_57 = arith.constant 0 : i32
    %dma_wait3A_58 = arith.constant 0 : i32
    %dma_wait3A_59 = tpu.memref_slice %arg4[%dma_wait3A_57, %dma_wait3A_58] : memref<580608x128xf32, #tpu.memory_space<hbm>> -> memref<224x128xf32, #tpu.memory_space<hbm>>
    tpu.wait_dma2 semaphore(%arg14 : memref<!tpu.dma_semaphore, #tpu.memory_space<semaphore_mem>>) src(%dma_wait3A_59 : memref<224x128xf32, #tpu.memory_space<hbm>>) dst(%arg8 : memref<224x128xf32, #tpu.memory_space<vmem>>)
    return
  }
}

module attributes {stable_mosaic.version = 14 : i64} {
  func.func @_prep_body(%arg0: i32, %arg1: memref<200x128xf32, #tpu.memory_space<vmem>>, %arg2: memref<200x128xf32, #tpu.memory_space<vmem>>, %arg3: memref<200x50xi32, #tpu.memory_space<vmem>>, %arg4: memref<200x50xi32, #tpu.memory_space<vmem>>, %arg5: memref<200x50xi32, #tpu.memory_space<vmem>>, %arg6: memref<200x50xi32, #tpu.memory_space<vmem>>, %arg7: memref<128x128xf32, #tpu.memory_space<vmem>>, %arg8: memref<128x128xf32, #tpu.memory_space<vmem>>, %arg9: memref<200x128xf32, #tpu.memory_space<vmem>>, %arg10: memref<200x128xf32, #tpu.memory_space<vmem>>, %arg11: memref<200x56xi32, #tpu.memory_space<vmem>>, %arg12: memref<200x56xi32, #tpu.memory_space<vmem>>) attributes {dimension_semantics = [#tpu.dimension_semantics<arbitrary>], iteration_bounds = array<i64: 50>, scalar_prefetch = 0 : i64, scratch_operands = 0 : i64, tpu.core_type = #tpu.core_type<tc>, window_params = [{transform_indices = @transform_0, window_bounds = array<i64: 200, 128>}, {transform_indices = @transform_1, window_bounds = array<i64: 200, 128>}, {transform_indices = @transform_2, window_bounds = array<i64: 200, 50>}, {transform_indices = @transform_3, window_bounds = array<i64: 200, 50>}, {transform_indices = @transform_4, window_bounds = array<i64: 200, 50>}, {transform_indices = @transform_5, window_bounds = array<i64: 200, 50>}, {pipeline_mode = #tpu.pipeline_mode<synchronous>, transform_indices = @transform_6, window_bounds = array<i64: 128, 128>}, {pipeline_mode = #tpu.pipeline_mode<synchronous>, transform_indices = @transform_7, window_bounds = array<i64: 128, 128>}, {transform_indices = @transform_8, window_bounds = array<i64: 200, 128>}, {transform_indices = @transform_9, window_bounds = array<i64: 200, 128>}, {transform_indices = @transform_10, window_bounds = array<i64: 200, 56>}, {transform_indices = @transform_11, window_bounds = array<i64: 200, 56>}]} {
    %get3A = arith.constant 0 : index
    %get3A_0 = arith.constant 0 : index
    %get3A_1 = vector.load %arg1[%get3A, %get3A_0] : memref<200x128xf32, #tpu.memory_space<vmem>>, vector<200x128xf32>
    %get3A_2 = arith.constant 0 : index
    %get3A_3 = arith.constant 0 : index
    %get3A_4 = vector.load %arg7[%get3A_2, %get3A_3] : memref<128x128xf32, #tpu.memory_space<vmem>>, vector<128x128xf32>
    %dot_general3A = arith.constant dense<0.000000e+00> : vector<200x128xf32>
    %dot_general3A_5 = tpu.matmul %get3A_1, %get3A_4, %dot_general3A {dimension_numbers = #tpu.dot_dimension_numbers<[1], [1], [0], [0], [0, 0, 1, 0], [], []>, transpose_lhs_hint = false} : vector<200x128xf32>, vector<128x128xf32>, vector<200x128xf32> -> vector<200x128xf32>
    %get3A_6 = arith.constant 0 : index
    %get3A_7 = arith.constant 0 : index
    %get3A_8 = vector.load %arg2[%get3A_6, %get3A_7] : memref<200x128xf32, #tpu.memory_space<vmem>>, vector<200x128xf32>
    %get3A_9 = arith.constant 0 : index
    %get3A_10 = arith.constant 0 : index
    %get3A_11 = vector.load %arg8[%get3A_9, %get3A_10] : memref<128x128xf32, #tpu.memory_space<vmem>>, vector<128x128xf32>
    %dot_general3A_12 = arith.constant dense<0.000000e+00> : vector<200x128xf32>
    %dot_general3A_13 = tpu.matmul %get3A_8, %get3A_11, %dot_general3A_12 {dimension_numbers = #tpu.dot_dimension_numbers<[1], [1], [0], [0], [0, 0, 1, 0], [], []>, transpose_lhs_hint = false} : vector<200x128xf32>, vector<128x128xf32>, vector<200x128xf32> -> vector<200x128xf32>
    %swap3A = arith.constant 0 : index
    %swap3A_14 = arith.constant 0 : index
    %swap3A_15 = vector.load %arg9[%swap3A, %swap3A_14] : memref<200x128xf32, #tpu.memory_space<vmem>>, vector<200x128xf32>
    tpu.vector_store %arg9[%swap3A, %swap3A_14], %dot_general3A_5 {strides = array<i32>} : memref<200x128xf32, #tpu.memory_space<vmem>>, vector<200x128xf32>,
    %swap3A_16 = arith.constant 0 : index
    %swap3A_17 = arith.constant 0 : index
    %swap3A_18 = vector.load %arg10[%swap3A_16, %swap3A_17] : memref<200x128xf32, #tpu.memory_space<vmem>>, vector<200x128xf32>
    tpu.vector_store %arg10[%swap3A_16, %swap3A_17], %dot_general3A_13 {strides = array<i32>} : memref<200x128xf32, #tpu.memory_space<vmem>>, vector<200x128xf32>,
    %get3A_19 = arith.constant 0 : index
    %get3A_20 = arith.constant 0 : index
    %get3A_21 = vector.load %arg4[%get3A_19, %get3A_20] : memref<200x50xi32, #tpu.memory_space<vmem>>, vector<200x50xi32>
    %get3A_22 = arith.constant 0 : index
    %get3A_23 = arith.constant 0 : index
    %get3A_24 = vector.load %arg3[%get3A_22, %get3A_23] : memref<200x50xi32, #tpu.memory_space<vmem>>, vector<200x50xi32>
    %iota3A = tpu.iota {dimensions = array<i32: 1>} : vector<1x50xi32>
    %mul3A = arith.constant 64 : i32
    %mul3A_25 = vector.broadcast %mul3A : i32 to vector<200x50xi32>
    %mul3A_26 = arith.muli %get3A_21, %mul3A_25 : vector<200x50xi32>
    %add3A = vector.broadcast %iota3A : vector<1x50xi32> to vector<200x50xi32>
    %add3A_27 = arith.addi %mul3A_26, %add3A : vector<200x50xi32>
    %broadcast_in_dim3A = arith.constant 0 : i32
    %broadcast_in_dim3A_28 = vector.broadcast %broadcast_in_dim3A : i32 to vector<200x50xi32>
    %slice3A = vector.extract_strided_slice %add3A_27 {offsets = [0, 0], sizes = [200, 1], strides = [1, 1]} : vector<200x50xi32> to vector<200x1xi32>
    %sub3A = vector.broadcast %slice3A : vector<200x1xi32> to vector<200x50xi32>
    %sub3A_29 = arith.subi %sub3A, %add3A_27 : vector<200x50xi32>
    %shift_right_arithmetic3A = arith.constant 31 : i32
    %shift_right_arithmetic3A_30 = vector.broadcast %shift_right_arithmetic3A : i32 to vector<200x50xi32>
    %shift_right_arithmetic3A_31 = arith.shrsi %sub3A_29, %shift_right_arithmetic3A_30 : vector<200x50xi32>
    %add3A_32 = arith.addi %broadcast_in_dim3A_28, %shift_right_arithmetic3A_31 : vector<200x50xi32>
    %slice3A_33 = vector.extract_strided_slice %add3A_27 {offsets = [0, 1], sizes = [200, 1], strides = [1, 1]} : vector<200x50xi32> to vector<200x1xi32>
    %sub3A_34 = vector.broadcast %slice3A_33 : vector<200x1xi32> to vector<200x50xi32>
    %sub3A_35 = arith.subi %sub3A_34, %add3A_27 : vector<200x50xi32>
    %shift_right_arithmetic3A_36 = arith.constant 31 : i32
    %shift_right_arithmetic3A_37 = vector.broadcast %shift_right_arithmetic3A_36 : i32 to vector<200x50xi32>
    %shift_right_arithmetic3A_38 = arith.shrsi %sub3A_35, %shift_right_arithmetic3A_37 : vector<200x50xi32>
    %add3A_39 = arith.addi %add3A_32, %shift_right_arithmetic3A_38 : vector<200x50xi32>
    %slice3A_40 = vector.extract_strided_slice %add3A_27 {offsets = [0, 2], sizes = [200, 1], strides = [1, 1]} : vector<200x50xi32> to vector<200x1xi32>
    %sub3A_41 = vector.broadcast %slice3A_40 : vector<200x1xi32> to vector<200x50xi32>
    %sub3A_42 = arith.subi %sub3A_41, %add3A_27 : vector<200x50xi32>
    %shift_right_arithmetic3A_43 = arith.constant 31 : i32
    %shift_right_arithmetic3A_44 = vector.broadcast %shift_right_arithmetic3A_43 : i32 to vector<200x50xi32>
    %shift_right_arithmetic3A_45 = arith.shrsi %sub3A_42, %shift_right_arithmetic3A_44 : vector<200x50xi32>
    %add3A_46 = arith.addi %add3A_39, %shift_right_arithmetic3A_45 : vector<200x50xi32>
    %slice3A_47 = vector.extract_strided_slice %add3A_27 {offsets = [0, 3], sizes = [200, 1], strides = [1, 1]} : vector<200x50xi32> to vector<200x1xi32>
    %sub3A_48 = vector.broadcast %slice3A_47 : vector<200x1xi32> to vector<200x50xi32>
    %sub3A_49 = arith.subi %sub3A_48, %add3A_27 : vector<200x50xi32>
    %shift_right_arithmetic3A_50 = arith.constant 31 : i32
    %shift_right_arithmetic3A_51 = vector.broadcast %shift_right_arithmetic3A_50 : i32 to vector<200x50xi32>
    %shift_right_arithmetic3A_52 = arith.shrsi %sub3A_49, %shift_right_arithmetic3A_51 : vector<200x50xi32>
    %add3A_53 = arith.addi %add3A_46, %shift_right_arithmetic3A_52 : vector<200x50xi32>
    %slice3A_54 = vector.extract_strided_slice %add3A_27 {offsets = [0, 4], sizes = [200, 1], strides = [1, 1]} : vector<200x50xi32> to vector<200x1xi32>
    %sub3A_55 = vector.broadcast %slice3A_54 : vector<200x1xi32> to vector<200x50xi32>
    %sub3A_56 = arith.subi %sub3A_55, %add3A_27 : vector<200x50xi32>
    %shift_right_arithmetic3A_57 = arith.constant 31 : i32
    %shift_right_arithmetic3A_58 = vector.broadcast %shift_right_arithmetic3A_57 : i32 to vector<200x50xi32>
    %shift_right_arithmetic3A_59 = arith.shrsi %sub3A_56, %shift_right_arithmetic3A_58 : vector<200x50xi32>
    %add3A_60 = arith.addi %add3A_53, %shift_right_arithmetic3A_59 : vector<200x50xi32>
    %slice3A_61 = vector.extract_strided_slice %add3A_27 {offsets = [0, 5], sizes = [200, 1], strides = [1, 1]} : vector<200x50xi32> to vector<200x1xi32>
    %sub3A_62 = vector.broadcast %slice3A_61 : vector<200x1xi32> to vector<200x50xi32>
    %sub3A_63 = arith.subi %sub3A_62, %add3A_27 : vector<200x50xi32>
    %shift_right_arithmetic3A_64 = arith.constant 31 : i32
    %shift_right_arithmetic3A_65 = vector.broadcast %shift_right_arithmetic3A_64 : i32 to vector<200x50xi32>
    %shift_right_arithmetic3A_66 = arith.shrsi %sub3A_63, %shift_right_arithmetic3A_65 : vector<200x50xi32>
    %add3A_67 = arith.addi %add3A_60, %shift_right_arithmetic3A_66 : vector<200x50xi32>
    %slice3A_68 = vector.extract_strided_slice %add3A_27 {offsets = [0, 6], sizes = [200, 1], strides = [1, 1]} : vector<200x50xi32> to vector<200x1xi32>
    %sub3A_69 = vector.broadcast %slice3A_68 : vector<200x1xi32> to vector<200x50xi32>
    %sub3A_70 = arith.subi %sub3A_69, %add3A_27 : vector<200x50xi32>
    %shift_right_arithmetic3A_71 = arith.constant 31 : i32
    %shift_right_arithmetic3A_72 = vector.broadcast %shift_right_arithmetic3A_71 : i32 to vector<200x50xi32>
    %shift_right_arithmetic3A_73 = arith.shrsi %sub3A_70, %shift_right_arithmetic3A_72 : vector<200x50xi32>
    %add3A_74 = arith.addi %add3A_67, %shift_right_arithmetic3A_73 : vector<200x50xi32>
    %slice3A_75 = vector.extract_strided_slice %add3A_27 {offsets = [0, 7], sizes = [200, 1], strides = [1, 1]} : vector<200x50xi32> to vector<200x1xi32>
    %sub3A_76 = vector.broadcast %slice3A_75 : vector<200x1xi32> to vector<200x50xi32>
    %sub3A_77 = arith.subi %sub3A_76, %add3A_27 : vector<200x50xi32>
    %shift_right_arithmetic3A_78 = arith.constant 31 : i32
    %shift_right_arithmetic3A_79 = vector.broadcast %shift_right_arithmetic3A_78 : i32 to vector<200x50xi32>
    %shift_right_arithmetic3A_80 = arith.shrsi %sub3A_77, %shift_right_arithmetic3A_79 : vector<200x50xi32>
    %add3A_81 = arith.addi %add3A_74, %shift_right_arithmetic3A_80 : vector<200x50xi32>
    %slice3A_82 = vector.extract_strided_slice %add3A_27 {offsets = [0, 8], sizes = [200, 1], strides = [1, 1]} : vector<200x50xi32> to vector<200x1xi32>
    %sub3A_83 = vector.broadcast %slice3A_82 : vector<200x1xi32> to vector<200x50xi32>
    %sub3A_84 = arith.subi %sub3A_83, %add3A_27 : vector<200x50xi32>
    %shift_right_arithmetic3A_85 = arith.constant 31 : i32
    %shift_right_arithmetic3A_86 = vector.broadcast %shift_right_arithmetic3A_85 : i32 to vector<200x50xi32>
    %shift_right_arithmetic3A_87 = arith.shrsi %sub3A_84, %shift_right_arithmetic3A_86 : vector<200x50xi32>
    %add3A_88 = arith.addi %add3A_81, %shift_right_arithmetic3A_87 : vector<200x50xi32>
    %slice3A_89 = vector.extract_strided_slice %add3A_27 {offsets = [0, 9], sizes = [200, 1], strides = [1, 1]} : vector<200x50xi32> to vector<200x1xi32>
    %sub3A_90 = vector.broadcast %slice3A_89 : vector<200x1xi32> to vector<200x50xi32>
    %sub3A_91 = arith.subi %sub3A_90, %add3A_27 : vector<200x50xi32>
    %shift_right_arithmetic3A_92 = arith.constant 31 : i32
    %shift_right_arithmetic3A_93 = vector.broadcast %shift_right_arithmetic3A_92 : i32 to vector<200x50xi32>
    %shift_right_arithmetic3A_94 = arith.shrsi %sub3A_91, %shift_right_arithmetic3A_93 : vector<200x50xi32>
    %add3A_95 = arith.addi %add3A_88, %shift_right_arithmetic3A_94 : vector<200x50xi32>
    %slice3A_96 = vector.extract_strided_slice %add3A_27 {offsets = [0, 10], sizes = [200, 1], strides = [1, 1]} : vector<200x50xi32> to vector<200x1xi32>
    %sub3A_97 = vector.broadcast %slice3A_96 : vector<200x1xi32> to vector<200x50xi32>
    %sub3A_98 = arith.subi %sub3A_97, %add3A_27 : vector<200x50xi32>
    %shift_right_arithmetic3A_99 = arith.constant 31 : i32
    %shift_right_arithmetic3A_100 = vector.broadcast %shift_right_arithmetic3A_99 : i32 to vector<200x50xi32>
    %shift_right_arithmetic3A_101 = arith.shrsi %sub3A_98, %shift_right_arithmetic3A_100 : vector<200x50xi32>
    %add3A_102 = arith.addi %add3A_95, %shift_right_arithmetic3A_101 : vector<200x50xi32>
    %slice3A_103 = vector.extract_strided_slice %add3A_27 {offsets = [0, 11], sizes = [200, 1], strides = [1, 1]} : vector<200x50xi32> to vector<200x1xi32>
    %sub3A_104 = vector.broadcast %slice3A_103 : vector<200x1xi32> to vector<200x50xi32>
    %sub3A_105 = arith.subi %sub3A_104, %add3A_27 : vector<200x50xi32>
    %shift_right_arithmetic3A_106 = arith.constant 31 : i32
    %shift_right_arithmetic3A_107 = vector.broadcast %shift_right_arithmetic3A_106 : i32 to vector<200x50xi32>
    %shift_right_arithmetic3A_108 = arith.shrsi %sub3A_105, %shift_right_arithmetic3A_107 : vector<200x50xi32>
    %add3A_109 = arith.addi %add3A_102, %shift_right_arithmetic3A_108 : vector<200x50xi32>
    %slice3A_110 = vector.extract_strided_slice %add3A_27 {offsets = [0, 12], sizes = [200, 1], strides = [1, 1]} : vector<200x50xi32> to vector<200x1xi32>
    %sub3A_111 = vector.broadcast %slice3A_110 : vector<200x1xi32> to vector<200x50xi32>
    %sub3A_112 = arith.subi %sub3A_111, %add3A_27 : vector<200x50xi32>
    %shift_right_arithmetic3A_113 = arith.constant 31 : i32
    %shift_right_arithmetic3A_114 = vector.broadcast %shift_right_arithmetic3A_113 : i32 to vector<200x50xi32>
    %shift_right_arithmetic3A_115 = arith.shrsi %sub3A_112, %shift_right_arithmetic3A_114 : vector<200x50xi32>
    %add3A_116 = arith.addi %add3A_109, %shift_right_arithmetic3A_115 : vector<200x50xi32>
    %slice3A_117 = vector.extract_strided_slice %add3A_27 {offsets = [0, 13], sizes = [200, 1], strides = [1, 1]} : vector<200x50xi32> to vector<200x1xi32>
    %sub3A_118 = vector.broadcast %slice3A_117 : vector<200x1xi32> to vector<200x50xi32>
    %sub3A_119 = arith.subi %sub3A_118, %add3A_27 : vector<200x50xi32>
    %shift_right_arithmetic3A_120 = arith.constant 31 : i32
    %shift_right_arithmetic3A_121 = vector.broadcast %shift_right_arithmetic3A_120 : i32 to vector<200x50xi32>
    %shift_right_arithmetic3A_122 = arith.shrsi %sub3A_119, %shift_right_arithmetic3A_121 : vector<200x50xi32>
    %add3A_123 = arith.addi %add3A_116, %shift_right_arithmetic3A_122 : vector<200x50xi32>
    %slice3A_124 = vector.extract_strided_slice %add3A_27 {offsets = [0, 14], sizes = [200, 1], strides = [1, 1]} : vector<200x50xi32> to vector<200x1xi32>
    %sub3A_125 = vector.broadcast %slice3A_124 : vector<200x1xi32> to vector<200x50xi32>
    %sub3A_126 = arith.subi %sub3A_125, %add3A_27 : vector<200x50xi32>
    %shift_right_arithmetic3A_127 = arith.constant 31 : i32
    %shift_right_arithmetic3A_128 = vector.broadcast %shift_right_arithmetic3A_127 : i32 to vector<200x50xi32>
    %shift_right_arithmetic3A_129 = arith.shrsi %sub3A_126, %shift_right_arithmetic3A_128 : vector<200x50xi32>
    %add3A_130 = arith.addi %add3A_123, %shift_right_arithmetic3A_129 : vector<200x50xi32>
    %slice3A_131 = vector.extract_strided_slice %add3A_27 {offsets = [0, 15], sizes = [200, 1], strides = [1, 1]} : vector<200x50xi32> to vector<200x1xi32>
    %sub3A_132 = vector.broadcast %slice3A_131 : vector<200x1xi32> to vector<200x50xi32>
    %sub3A_133 = arith.subi %sub3A_132, %add3A_27 : vector<200x50xi32>
    %shift_right_arithmetic3A_134 = arith.constant 31 : i32
    %shift_right_arithmetic3A_135 = vector.broadcast %shift_right_arithmetic3A_134 : i32 to vector<200x50xi32>
    %shift_right_arithmetic3A_136 = arith.shrsi %sub3A_133, %shift_right_arithmetic3A_135 : vector<200x50xi32>
    %add3A_137 = arith.addi %add3A_130, %shift_right_arithmetic3A_136 : vector<200x50xi32>
    %slice3A_138 = vector.extract_strided_slice %add3A_27 {offsets = [0, 16], sizes = [200, 1], strides = [1, 1]} : vector<200x50xi32> to vector<200x1xi32>
    %sub3A_139 = vector.broadcast %slice3A_138 : vector<200x1xi32> to vector<200x50xi32>
    %sub3A_140 = arith.subi %sub3A_139, %add3A_27 : vector<200x50xi32>
    %shift_right_arithmetic3A_141 = arith.constant 31 : i32
    %shift_right_arithmetic3A_142 = vector.broadcast %shift_right_arithmetic3A_141 : i32 to vector<200x50xi32>
    %shift_right_arithmetic3A_143 = arith.shrsi %sub3A_140, %shift_right_arithmetic3A_142 : vector<200x50xi32>
    %add3A_144 = arith.addi %add3A_137, %shift_right_arithmetic3A_143 : vector<200x50xi32>
    %slice3A_145 = vector.extract_strided_slice %add3A_27 {offsets = [0, 17], sizes = [200, 1], strides = [1, 1]} : vector<200x50xi32> to vector<200x1xi32>
    %sub3A_146 = vector.broadcast %slice3A_145 : vector<200x1xi32> to vector<200x50xi32>
    %sub3A_147 = arith.subi %sub3A_146, %add3A_27 : vector<200x50xi32>
    %shift_right_arithmetic3A_148 = arith.constant 31 : i32
    %shift_right_arithmetic3A_149 = vector.broadcast %shift_right_arithmetic3A_148 : i32 to vector<200x50xi32>
    %shift_right_arithmetic3A_150 = arith.shrsi %sub3A_147, %shift_right_arithmetic3A_149 : vector<200x50xi32>
    %add3A_151 = arith.addi %add3A_144, %shift_right_arithmetic3A_150 : vector<200x50xi32>
    %slice3A_152 = vector.extract_strided_slice %add3A_27 {offsets = [0, 18], sizes = [200, 1], strides = [1, 1]} : vector<200x50xi32> to vector<200x1xi32>
    %sub3A_153 = vector.broadcast %slice3A_152 : vector<200x1xi32> to vector<200x50xi32>
    %sub3A_154 = arith.subi %sub3A_153, %add3A_27 : vector<200x50xi32>
    %shift_right_arithmetic3A_155 = arith.constant 31 : i32
    %shift_right_arithmetic3A_156 = vector.broadcast %shift_right_arithmetic3A_155 : i32 to vector<200x50xi32>
    %shift_right_arithmetic3A_157 = arith.shrsi %sub3A_154, %shift_right_arithmetic3A_156 : vector<200x50xi32>
    %add3A_158 = arith.addi %add3A_151, %shift_right_arithmetic3A_157 : vector<200x50xi32>
    %slice3A_159 = vector.extract_strided_slice %add3A_27 {offsets = [0, 19], sizes = [200, 1], strides = [1, 1]} : vector<200x50xi32> to vector<200x1xi32>
    %sub3A_160 = vector.broadcast %slice3A_159 : vector<200x1xi32> to vector<200x50xi32>
    %sub3A_161 = arith.subi %sub3A_160, %add3A_27 : vector<200x50xi32>
    %shift_right_arithmetic3A_162 = arith.constant 31 : i32
    %shift_right_arithmetic3A_163 = vector.broadcast %shift_right_arithmetic3A_162 : i32 to vector<200x50xi32>
    %shift_right_arithmetic3A_164 = arith.shrsi %sub3A_161, %shift_right_arithmetic3A_163 : vector<200x50xi32>
    %add3A_165 = arith.addi %add3A_158, %shift_right_arithmetic3A_164 : vector<200x50xi32>
    %slice3A_166 = vector.extract_strided_slice %add3A_27 {offsets = [0, 20], sizes = [200, 1], strides = [1, 1]} : vector<200x50xi32> to vector<200x1xi32>
    %sub3A_167 = vector.broadcast %slice3A_166 : vector<200x1xi32> to vector<200x50xi32>
    %sub3A_168 = arith.subi %sub3A_167, %add3A_27 : vector<200x50xi32>
    %shift_right_arithmetic3A_169 = arith.constant 31 : i32
    %shift_right_arithmetic3A_170 = vector.broadcast %shift_right_arithmetic3A_169 : i32 to vector<200x50xi32>
    %shift_right_arithmetic3A_171 = arith.shrsi %sub3A_168, %shift_right_arithmetic3A_170 : vector<200x50xi32>
    %add3A_172 = arith.addi %add3A_165, %shift_right_arithmetic3A_171 : vector<200x50xi32>
    %slice3A_173 = vector.extract_strided_slice %add3A_27 {offsets = [0, 21], sizes = [200, 1], strides = [1, 1]} : vector<200x50xi32> to vector<200x1xi32>
    %sub3A_174 = vector.broadcast %slice3A_173 : vector<200x1xi32> to vector<200x50xi32>
    %sub3A_175 = arith.subi %sub3A_174, %add3A_27 : vector<200x50xi32>
    %shift_right_arithmetic3A_176 = arith.constant 31 : i32
    %shift_right_arithmetic3A_177 = vector.broadcast %shift_right_arithmetic3A_176 : i32 to vector<200x50xi32>
    %shift_right_arithmetic3A_178 = arith.shrsi %sub3A_175, %shift_right_arithmetic3A_177 : vector<200x50xi32>
    %add3A_179 = arith.addi %add3A_172, %shift_right_arithmetic3A_178 : vector<200x50xi32>
    %slice3A_180 = vector.extract_strided_slice %add3A_27 {offsets = [0, 22], sizes = [200, 1], strides = [1, 1]} : vector<200x50xi32> to vector<200x1xi32>
    %sub3A_181 = vector.broadcast %slice3A_180 : vector<200x1xi32> to vector<200x50xi32>
    %sub3A_182 = arith.subi %sub3A_181, %add3A_27 : vector<200x50xi32>
    %shift_right_arithmetic3A_183 = arith.constant 31 : i32
    %shift_right_arithmetic3A_184 = vector.broadcast %shift_right_arithmetic3A_183 : i32 to vector<200x50xi32>
    %shift_right_arithmetic3A_185 = arith.shrsi %sub3A_182, %shift_right_arithmetic3A_184 : vector<200x50xi32>
    %add3A_186 = arith.addi %add3A_179, %shift_right_arithmetic3A_185 : vector<200x50xi32>
    %slice3A_187 = vector.extract_strided_slice %add3A_27 {offsets = [0, 23], sizes = [200, 1], strides = [1, 1]} : vector<200x50xi32> to vector<200x1xi32>
    %sub3A_188 = vector.broadcast %slice3A_187 : vector<200x1xi32> to vector<200x50xi32>
    %sub3A_189 = arith.subi %sub3A_188, %add3A_27 : vector<200x50xi32>
    %shift_right_arithmetic3A_190 = arith.constant 31 : i32
    %shift_right_arithmetic3A_191 = vector.broadcast %shift_right_arithmetic3A_190 : i32 to vector<200x50xi32>
    %shift_right_arithmetic3A_192 = arith.shrsi %sub3A_189, %shift_right_arithmetic3A_191 : vector<200x50xi32>
    %add3A_193 = arith.addi %add3A_186, %shift_right_arithmetic3A_192 : vector<200x50xi32>
    %slice3A_194 = vector.extract_strided_slice %add3A_27 {offsets = [0, 24], sizes = [200, 1], strides = [1, 1]} : vector<200x50xi32> to vector<200x1xi32>
    %sub3A_195 = vector.broadcast %slice3A_194 : vector<200x1xi32> to vector<200x50xi32>
    %sub3A_196 = arith.subi %sub3A_195, %add3A_27 : vector<200x50xi32>
    %shift_right_arithmetic3A_197 = arith.constant 31 : i32
    %shift_right_arithmetic3A_198 = vector.broadcast %shift_right_arithmetic3A_197 : i32 to vector<200x50xi32>
    %shift_right_arithmetic3A_199 = arith.shrsi %sub3A_196, %shift_right_arithmetic3A_198 : vector<200x50xi32>
    %add3A_200 = arith.addi %add3A_193, %shift_right_arithmetic3A_199 : vector<200x50xi32>
    %slice3A_201 = vector.extract_strided_slice %add3A_27 {offsets = [0, 25], sizes = [200, 1], strides = [1, 1]} : vector<200x50xi32> to vector<200x1xi32>
    %sub3A_202 = vector.broadcast %slice3A_201 : vector<200x1xi32> to vector<200x50xi32>
    %sub3A_203 = arith.subi %sub3A_202, %add3A_27 : vector<200x50xi32>
    %shift_right_arithmetic3A_204 = arith.constant 31 : i32
    %shift_right_arithmetic3A_205 = vector.broadcast %shift_right_arithmetic3A_204 : i32 to vector<200x50xi32>
    %shift_right_arithmetic3A_206 = arith.shrsi %sub3A_203, %shift_right_arithmetic3A_205 : vector<200x50xi32>
    %add3A_207 = arith.addi %add3A_200, %shift_right_arithmetic3A_206 : vector<200x50xi32>
    %slice3A_208 = vector.extract_strided_slice %add3A_27 {offsets = [0, 26], sizes = [200, 1], strides = [1, 1]} : vector<200x50xi32> to vector<200x1xi32>
    %sub3A_209 = vector.broadcast %slice3A_208 : vector<200x1xi32> to vector<200x50xi32>
    %sub3A_210 = arith.subi %sub3A_209, %add3A_27 : vector<200x50xi32>
    %shift_right_arithmetic3A_211 = arith.constant 31 : i32
    %shift_right_arithmetic3A_212 = vector.broadcast %shift_right_arithmetic3A_211 : i32 to vector<200x50xi32>
    %shift_right_arithmetic3A_213 = arith.shrsi %sub3A_210, %shift_right_arithmetic3A_212 : vector<200x50xi32>
    %add3A_214 = arith.addi %add3A_207, %shift_right_arithmetic3A_213 : vector<200x50xi32>
    %slice3A_215 = vector.extract_strided_slice %add3A_27 {offsets = [0, 27], sizes = [200, 1], strides = [1, 1]} : vector<200x50xi32> to vector<200x1xi32>
    %sub3A_216 = vector.broadcast %slice3A_215 : vector<200x1xi32> to vector<200x50xi32>
    %sub3A_217 = arith.subi %sub3A_216, %add3A_27 : vector<200x50xi32>
    %shift_right_arithmetic3A_218 = arith.constant 31 : i32
    %shift_right_arithmetic3A_219 = vector.broadcast %shift_right_arithmetic3A_218 : i32 to vector<200x50xi32>
    %shift_right_arithmetic3A_220 = arith.shrsi %sub3A_217, %shift_right_arithmetic3A_219 : vector<200x50xi32>
    %add3A_221 = arith.addi %add3A_214, %shift_right_arithmetic3A_220 : vector<200x50xi32>
    %slice3A_222 = vector.extract_strided_slice %add3A_27 {offsets = [0, 28], sizes = [200, 1], strides = [1, 1]} : vector<200x50xi32> to vector<200x1xi32>
    %sub3A_223 = vector.broadcast %slice3A_222 : vector<200x1xi32> to vector<200x50xi32>
    %sub3A_224 = arith.subi %sub3A_223, %add3A_27 : vector<200x50xi32>
    %shift_right_arithmetic3A_225 = arith.constant 31 : i32
    %shift_right_arithmetic3A_226 = vector.broadcast %shift_right_arithmetic3A_225 : i32 to vector<200x50xi32>
    %shift_right_arithmetic3A_227 = arith.shrsi %sub3A_224, %shift_right_arithmetic3A_226 : vector<200x50xi32>
    %add3A_228 = arith.addi %add3A_221, %shift_right_arithmetic3A_227 : vector<200x50xi32>
    %slice3A_229 = vector.extract_strided_slice %add3A_27 {offsets = [0, 29], sizes = [200, 1], strides = [1, 1]} : vector<200x50xi32> to vector<200x1xi32>
    %sub3A_230 = vector.broadcast %slice3A_229 : vector<200x1xi32> to vector<200x50xi32>
    %sub3A_231 = arith.subi %sub3A_230, %add3A_27 : vector<200x50xi32>
    %shift_right_arithmetic3A_232 = arith.constant 31 : i32
    %shift_right_arithmetic3A_233 = vector.broadcast %shift_right_arithmetic3A_232 : i32 to vector<200x50xi32>
    %shift_right_arithmetic3A_234 = arith.shrsi %sub3A_231, %shift_right_arithmetic3A_233 : vector<200x50xi32>
    %add3A_235 = arith.addi %add3A_228, %shift_right_arithmetic3A_234 : vector<200x50xi32>
    %slice3A_236 = vector.extract_strided_slice %add3A_27 {offsets = [0, 30], sizes = [200, 1], strides = [1, 1]} : vector<200x50xi32> to vector<200x1xi32>
    %sub3A_237 = vector.broadcast %slice3A_236 : vector<200x1xi32> to vector<200x50xi32>
    %sub3A_238 = arith.subi %sub3A_237, %add3A_27 : vector<200x50xi32>
    %shift_right_arithmetic3A_239 = arith.constant 31 : i32
    %shift_right_arithmetic3A_240 = vector.broadcast %shift_right_arithmetic3A_239 : i32 to vector<200x50xi32>
    %shift_right_arithmetic3A_241 = arith.shrsi %sub3A_238, %shift_right_arithmetic3A_240 : vector<200x50xi32>
    %add3A_242 = arith.addi %add3A_235, %shift_right_arithmetic3A_241 : vector<200x50xi32>
    %slice3A_243 = vector.extract_strided_slice %add3A_27 {offsets = [0, 31], sizes = [200, 1], strides = [1, 1]} : vector<200x50xi32> to vector<200x1xi32>
    %sub3A_244 = vector.broadcast %slice3A_243 : vector<200x1xi32> to vector<200x50xi32>
    %sub3A_245 = arith.subi %sub3A_244, %add3A_27 : vector<200x50xi32>
    %shift_right_arithmetic3A_246 = arith.constant 31 : i32
    %shift_right_arithmetic3A_247 = vector.broadcast %shift_right_arithmetic3A_246 : i32 to vector<200x50xi32>
    %shift_right_arithmetic3A_248 = arith.shrsi %sub3A_245, %shift_right_arithmetic3A_247 : vector<200x50xi32>
    %add3A_249 = arith.addi %add3A_242, %shift_right_arithmetic3A_248 : vector<200x50xi32>
    %slice3A_250 = vector.extract_strided_slice %add3A_27 {offsets = [0, 32], sizes = [200, 1], strides = [1, 1]} : vector<200x50xi32> to vector<200x1xi32>
    %sub3A_251 = vector.broadcast %slice3A_250 : vector<200x1xi32> to vector<200x50xi32>
    %sub3A_252 = arith.subi %sub3A_251, %add3A_27 : vector<200x50xi32>
    %shift_right_arithmetic3A_253 = arith.constant 31 : i32
    %shift_right_arithmetic3A_254 = vector.broadcast %shift_right_arithmetic3A_253 : i32 to vector<200x50xi32>
    %shift_right_arithmetic3A_255 = arith.shrsi %sub3A_252, %shift_right_arithmetic3A_254 : vector<200x50xi32>
    %add3A_256 = arith.addi %add3A_249, %shift_right_arithmetic3A_255 : vector<200x50xi32>
    %slice3A_257 = vector.extract_strided_slice %add3A_27 {offsets = [0, 33], sizes = [200, 1], strides = [1, 1]} : vector<200x50xi32> to vector<200x1xi32>
    %sub3A_258 = vector.broadcast %slice3A_257 : vector<200x1xi32> to vector<200x50xi32>
    %sub3A_259 = arith.subi %sub3A_258, %add3A_27 : vector<200x50xi32>
    %shift_right_arithmetic3A_260 = arith.constant 31 : i32
    %shift_right_arithmetic3A_261 = vector.broadcast %shift_right_arithmetic3A_260 : i32 to vector<200x50xi32>
    %shift_right_arithmetic3A_262 = arith.shrsi %sub3A_259, %shift_right_arithmetic3A_261 : vector<200x50xi32>
    %add3A_263 = arith.addi %add3A_256, %shift_right_arithmetic3A_262 : vector<200x50xi32>
    %slice3A_264 = vector.extract_strided_slice %add3A_27 {offsets = [0, 34], sizes = [200, 1], strides = [1, 1]} : vector<200x50xi32> to vector<200x1xi32>
    %sub3A_265 = vector.broadcast %slice3A_264 : vector<200x1xi32> to vector<200x50xi32>
    %sub3A_266 = arith.subi %sub3A_265, %add3A_27 : vector<200x50xi32>
    %shift_right_arithmetic3A_267 = arith.constant 31 : i32
    %shift_right_arithmetic3A_268 = vector.broadcast %shift_right_arithmetic3A_267 : i32 to vector<200x50xi32>
    %shift_right_arithmetic3A_269 = arith.shrsi %sub3A_266, %shift_right_arithmetic3A_268 : vector<200x50xi32>
    %add3A_270 = arith.addi %add3A_263, %shift_right_arithmetic3A_269 : vector<200x50xi32>
    %slice3A_271 = vector.extract_strided_slice %add3A_27 {offsets = [0, 35], sizes = [200, 1], strides = [1, 1]} : vector<200x50xi32> to vector<200x1xi32>
    %sub3A_272 = vector.broadcast %slice3A_271 : vector<200x1xi32> to vector<200x50xi32>
    %sub3A_273 = arith.subi %sub3A_272, %add3A_27 : vector<200x50xi32>
    %shift_right_arithmetic3A_274 = arith.constant 31 : i32
    %shift_right_arithmetic3A_275 = vector.broadcast %shift_right_arithmetic3A_274 : i32 to vector<200x50xi32>
    %shift_right_arithmetic3A_276 = arith.shrsi %sub3A_273, %shift_right_arithmetic3A_275 : vector<200x50xi32>
    %add3A_277 = arith.addi %add3A_270, %shift_right_arithmetic3A_276 : vector<200x50xi32>
    %slice3A_278 = vector.extract_strided_slice %add3A_27 {offsets = [0, 36], sizes = [200, 1], strides = [1, 1]} : vector<200x50xi32> to vector<200x1xi32>
    %sub3A_279 = vector.broadcast %slice3A_278 : vector<200x1xi32> to vector<200x50xi32>
    %sub3A_280 = arith.subi %sub3A_279, %add3A_27 : vector<200x50xi32>
    %shift_right_arithmetic3A_281 = arith.constant 31 : i32
    %shift_right_arithmetic3A_282 = vector.broadcast %shift_right_arithmetic3A_281 : i32 to vector<200x50xi32>
    %shift_right_arithmetic3A_283 = arith.shrsi %sub3A_280, %shift_right_arithmetic3A_282 : vector<200x50xi32>
    %add3A_284 = arith.addi %add3A_277, %shift_right_arithmetic3A_283 : vector<200x50xi32>
    %slice3A_285 = vector.extract_strided_slice %add3A_27 {offsets = [0, 37], sizes = [200, 1], strides = [1, 1]} : vector<200x50xi32> to vector<200x1xi32>
    %sub3A_286 = vector.broadcast %slice3A_285 : vector<200x1xi32> to vector<200x50xi32>
    %sub3A_287 = arith.subi %sub3A_286, %add3A_27 : vector<200x50xi32>
    %shift_right_arithmetic3A_288 = arith.constant 31 : i32
    %shift_right_arithmetic3A_289 = vector.broadcast %shift_right_arithmetic3A_288 : i32 to vector<200x50xi32>
    %shift_right_arithmetic3A_290 = arith.shrsi %sub3A_287, %shift_right_arithmetic3A_289 : vector<200x50xi32>
    %add3A_291 = arith.addi %add3A_284, %shift_right_arithmetic3A_290 : vector<200x50xi32>
    %slice3A_292 = vector.extract_strided_slice %add3A_27 {offsets = [0, 38], sizes = [200, 1], strides = [1, 1]} : vector<200x50xi32> to vector<200x1xi32>
    %sub3A_293 = vector.broadcast %slice3A_292 : vector<200x1xi32> to vector<200x50xi32>
    %sub3A_294 = arith.subi %sub3A_293, %add3A_27 : vector<200x50xi32>
    %shift_right_arithmetic3A_295 = arith.constant 31 : i32
    %shift_right_arithmetic3A_296 = vector.broadcast %shift_right_arithmetic3A_295 : i32 to vector<200x50xi32>
    %shift_right_arithmetic3A_297 = arith.shrsi %sub3A_294, %shift_right_arithmetic3A_296 : vector<200x50xi32>
    %add3A_298 = arith.addi %add3A_291, %shift_right_arithmetic3A_297 : vector<200x50xi32>
    %slice3A_299 = vector.extract_strided_slice %add3A_27 {offsets = [0, 39], sizes = [200, 1], strides = [1, 1]} : vector<200x50xi32> to vector<200x1xi32>
    %sub3A_300 = vector.broadcast %slice3A_299 : vector<200x1xi32> to vector<200x50xi32>
    %sub3A_301 = arith.subi %sub3A_300, %add3A_27 : vector<200x50xi32>
    %shift_right_arithmetic3A_302 = arith.constant 31 : i32
    %shift_right_arithmetic3A_303 = vector.broadcast %shift_right_arithmetic3A_302 : i32 to vector<200x50xi32>
    %shift_right_arithmetic3A_304 = arith.shrsi %sub3A_301, %shift_right_arithmetic3A_303 : vector<200x50xi32>
    %add3A_305 = arith.addi %add3A_298, %shift_right_arithmetic3A_304 : vector<200x50xi32>
    %slice3A_306 = vector.extract_strided_slice %add3A_27 {offsets = [0, 40], sizes = [200, 1], strides = [1, 1]} : vector<200x50xi32> to vector<200x1xi32>
    %sub3A_307 = vector.broadcast %slice3A_306 : vector<200x1xi32> to vector<200x50xi32>
    %sub3A_308 = arith.subi %sub3A_307, %add3A_27 : vector<200x50xi32>
    %shift_right_arithmetic3A_309 = arith.constant 31 : i32
    %shift_right_arithmetic3A_310 = vector.broadcast %shift_right_arithmetic3A_309 : i32 to vector<200x50xi32>
    %shift_right_arithmetic3A_311 = arith.shrsi %sub3A_308, %shift_right_arithmetic3A_310 : vector<200x50xi32>
    %add3A_312 = arith.addi %add3A_305, %shift_right_arithmetic3A_311 : vector<200x50xi32>
    %slice3A_313 = vector.extract_strided_slice %add3A_27 {offsets = [0, 41], sizes = [200, 1], strides = [1, 1]} : vector<200x50xi32> to vector<200x1xi32>
    %sub3A_314 = vector.broadcast %slice3A_313 : vector<200x1xi32> to vector<200x50xi32>
    %sub3A_315 = arith.subi %sub3A_314, %add3A_27 : vector<200x50xi32>
    %shift_right_arithmetic3A_316 = arith.constant 31 : i32
    %shift_right_arithmetic3A_317 = vector.broadcast %shift_right_arithmetic3A_316 : i32 to vector<200x50xi32>
    %shift_right_arithmetic3A_318 = arith.shrsi %sub3A_315, %shift_right_arithmetic3A_317 : vector<200x50xi32>
    %add3A_319 = arith.addi %add3A_312, %shift_right_arithmetic3A_318 : vector<200x50xi32>
    %slice3A_320 = vector.extract_strided_slice %add3A_27 {offsets = [0, 42], sizes = [200, 1], strides = [1, 1]} : vector<200x50xi32> to vector<200x1xi32>
    %sub3A_321 = vector.broadcast %slice3A_320 : vector<200x1xi32> to vector<200x50xi32>
    %sub3A_322 = arith.subi %sub3A_321, %add3A_27 : vector<200x50xi32>
    %shift_right_arithmetic3A_323 = arith.constant 31 : i32
    %shift_right_arithmetic3A_324 = vector.broadcast %shift_right_arithmetic3A_323 : i32 to vector<200x50xi32>
    %shift_right_arithmetic3A_325 = arith.shrsi %sub3A_322, %shift_right_arithmetic3A_324 : vector<200x50xi32>
    %add3A_326 = arith.addi %add3A_319, %shift_right_arithmetic3A_325 : vector<200x50xi32>
    %slice3A_327 = vector.extract_strided_slice %add3A_27 {offsets = [0, 43], sizes = [200, 1], strides = [1, 1]} : vector<200x50xi32> to vector<200x1xi32>
    %sub3A_328 = vector.broadcast %slice3A_327 : vector<200x1xi32> to vector<200x50xi32>
    %sub3A_329 = arith.subi %sub3A_328, %add3A_27 : vector<200x50xi32>
    %shift_right_arithmetic3A_330 = arith.constant 31 : i32
    %shift_right_arithmetic3A_331 = vector.broadcast %shift_right_arithmetic3A_330 : i32 to vector<200x50xi32>
    %shift_right_arithmetic3A_332 = arith.shrsi %sub3A_329, %shift_right_arithmetic3A_331 : vector<200x50xi32>
    %add3A_333 = arith.addi %add3A_326, %shift_right_arithmetic3A_332 : vector<200x50xi32>
    %slice3A_334 = vector.extract_strided_slice %add3A_27 {offsets = [0, 44], sizes = [200, 1], strides = [1, 1]} : vector<200x50xi32> to vector<200x1xi32>
    %sub3A_335 = vector.broadcast %slice3A_334 : vector<200x1xi32> to vector<200x50xi32>
    %sub3A_336 = arith.subi %sub3A_335, %add3A_27 : vector<200x50xi32>
    %shift_right_arithmetic3A_337 = arith.constant 31 : i32
    %shift_right_arithmetic3A_338 = vector.broadcast %shift_right_arithmetic3A_337 : i32 to vector<200x50xi32>
    %shift_right_arithmetic3A_339 = arith.shrsi %sub3A_336, %shift_right_arithmetic3A_338 : vector<200x50xi32>
    %add3A_340 = arith.addi %add3A_333, %shift_right_arithmetic3A_339 : vector<200x50xi32>
    %slice3A_341 = vector.extract_strided_slice %add3A_27 {offsets = [0, 45], sizes = [200, 1], strides = [1, 1]} : vector<200x50xi32> to vector<200x1xi32>
    %sub3A_342 = vector.broadcast %slice3A_341 : vector<200x1xi32> to vector<200x50xi32>
    %sub3A_343 = arith.subi %sub3A_342, %add3A_27 : vector<200x50xi32>
    %shift_right_arithmetic3A_344 = arith.constant 31 : i32
    %shift_right_arithmetic3A_345 = vector.broadcast %shift_right_arithmetic3A_344 : i32 to vector<200x50xi32>
    %shift_right_arithmetic3A_346 = arith.shrsi %sub3A_343, %shift_right_arithmetic3A_345 : vector<200x50xi32>
    %add3A_347 = arith.addi %add3A_340, %shift_right_arithmetic3A_346 : vector<200x50xi32>
    %slice3A_348 = vector.extract_strided_slice %add3A_27 {offsets = [0, 46], sizes = [200, 1], strides = [1, 1]} : vector<200x50xi32> to vector<200x1xi32>
    %sub3A_349 = vector.broadcast %slice3A_348 : vector<200x1xi32> to vector<200x50xi32>
    %sub3A_350 = arith.subi %sub3A_349, %add3A_27 : vector<200x50xi32>
    %shift_right_arithmetic3A_351 = arith.constant 31 : i32
    %shift_right_arithmetic3A_352 = vector.broadcast %shift_right_arithmetic3A_351 : i32 to vector<200x50xi32>
    %shift_right_arithmetic3A_353 = arith.shrsi %sub3A_350, %shift_right_arithmetic3A_352 : vector<200x50xi32>
    %add3A_354 = arith.addi %add3A_347, %shift_right_arithmetic3A_353 : vector<200x50xi32>
    %slice3A_355 = vector.extract_strided_slice %add3A_27 {offsets = [0, 47], sizes = [200, 1], strides = [1, 1]} : vector<200x50xi32> to vector<200x1xi32>
    %sub3A_356 = vector.broadcast %slice3A_355 : vector<200x1xi32> to vector<200x50xi32>
    %sub3A_357 = arith.subi %sub3A_356, %add3A_27 : vector<200x50xi32>
    %shift_right_arithmetic3A_358 = arith.constant 31 : i32
    %shift_right_arithmetic3A_359 = vector.broadcast %shift_right_arithmetic3A_358 : i32 to vector<200x50xi32>
    %shift_right_arithmetic3A_360 = arith.shrsi %sub3A_357, %shift_right_arithmetic3A_359 : vector<200x50xi32>
    %add3A_361 = arith.addi %add3A_354, %shift_right_arithmetic3A_360 : vector<200x50xi32>
    %slice3A_362 = vector.extract_strided_slice %add3A_27 {offsets = [0, 48], sizes = [200, 1], strides = [1, 1]} : vector<200x50xi32> to vector<200x1xi32>
    %sub3A_363 = vector.broadcast %slice3A_362 : vector<200x1xi32> to vector<200x50xi32>
    %sub3A_364 = arith.subi %sub3A_363, %add3A_27 : vector<200x50xi32>
    %shift_right_arithmetic3A_365 = arith.constant 31 : i32
    %shift_right_arithmetic3A_366 = vector.broadcast %shift_right_arithmetic3A_365 : i32 to vector<200x50xi32>
    %shift_right_arithmetic3A_367 = arith.shrsi %sub3A_364, %shift_right_arithmetic3A_366 : vector<200x50xi32>
    %add3A_368 = arith.addi %add3A_361, %shift_right_arithmetic3A_367 : vector<200x50xi32>
    %slice3A_369 = vector.extract_strided_slice %add3A_27 {offsets = [0, 49], sizes = [200, 1], strides = [1, 1]} : vector<200x50xi32> to vector<200x1xi32>
    %sub3A_370 = vector.broadcast %slice3A_369 : vector<200x1xi32> to vector<200x50xi32>
    %sub3A_371 = arith.subi %sub3A_370, %add3A_27 : vector<200x50xi32>
    %shift_right_arithmetic3A_372 = arith.constant 31 : i32
    %shift_right_arithmetic3A_373 = vector.broadcast %shift_right_arithmetic3A_372 : i32 to vector<200x50xi32>
    %shift_right_arithmetic3A_374 = arith.shrsi %sub3A_371, %shift_right_arithmetic3A_373 : vector<200x50xi32>
    %add3A_375 = arith.addi %add3A_368, %shift_right_arithmetic3A_374 : vector<200x50xi32>
    %add3A_376 = arith.constant 49 : i32
    %add3A_377 = vector.broadcast %add3A_376 : i32 to vector<200x50xi32>
    %add3A_378 = arith.addi %add3A_377, %add3A_375 : vector<200x50xi32>
    %broadcast_in_dim3A_379 = arith.constant 0 : i32
    %broadcast_in_dim3A_380 = vector.broadcast %broadcast_in_dim3A_379 : i32 to vector<200x50xi32>
    %slice3A_381 = vector.extract_strided_slice %add3A_378 {offsets = [0, 0], sizes = [200, 1], strides = [1, 1]} : vector<200x50xi32> to vector<200x1xi32>
    %eq3A = vector.broadcast %slice3A_381 : vector<200x1xi32> to vector<200x50xi32>
    %eq3A_382 = vector.broadcast %iota3A : vector<1x50xi32> to vector<200x50xi32>
    %eq3A_383 = arith.cmpi eq, %eq3A, %eq3A_382 : vector<200x50xi32>
    %slice3A_384 = vector.extract_strided_slice %get3A_24 {offsets = [0, 0], sizes = [200, 1], strides = [1, 1]} : vector<200x50xi32> to vector<200x1xi32>
    %jit3A = arith.constant 0 : i32
    %broadcast_in_dim3A_385 = vector.shape_cast %slice3A_384 : vector<200x1xi32> to vector<200x1xi32>
    %broadcast_in_dim3A_386 = vector.broadcast %broadcast_in_dim3A_385 : vector<200x1xi32> to vector<200x50xi32>
    %broadcast_in_dim3A_387 = vector.broadcast %jit3A : i32 to vector<200x50xi32>
    %select_n3A = arith.select %eq3A_383, %broadcast_in_dim3A_386, %broadcast_in_dim3A_387 : vector<200x50xi1>, vector<200x50xi32>
    %add3A_388 = arith.addi %broadcast_in_dim3A_380, %select_n3A : vector<200x50xi32>
    %slice3A_389 = vector.extract_strided_slice %add3A_378 {offsets = [0, 1], sizes = [200, 1], strides = [1, 1]} : vector<200x50xi32> to vector<200x1xi32>
    %eq3A_390 = vector.broadcast %slice3A_389 : vector<200x1xi32> to vector<200x50xi32>
    %eq3A_391 = vector.broadcast %iota3A : vector<1x50xi32> to vector<200x50xi32>
    %eq3A_392 = arith.cmpi eq, %eq3A_390, %eq3A_391 : vector<200x50xi32>
    %slice3A_393 = vector.extract_strided_slice %get3A_24 {offsets = [0, 1], sizes = [200, 1], strides = [1, 1]} : vector<200x50xi32> to vector<200x1xi32>
    %jit3A_394 = arith.constant 0 : i32
    %broadcast_in_dim3A_395 = vector.shape_cast %slice3A_393 : vector<200x1xi32> to vector<200x1xi32>
    %broadcast_in_dim3A_396 = vector.broadcast %broadcast_in_dim3A_395 : vector<200x1xi32> to vector<200x50xi32>
    %broadcast_in_dim3A_397 = vector.broadcast %jit3A_394 : i32 to vector<200x50xi32>
    %select_n3A_398 = arith.select %eq3A_392, %broadcast_in_dim3A_396, %broadcast_in_dim3A_397 : vector<200x50xi1>, vector<200x50xi32>
    %add3A_399 = arith.addi %add3A_388, %select_n3A_398 : vector<200x50xi32>
    %slice3A_400 = vector.extract_strided_slice %add3A_378 {offsets = [0, 2], sizes = [200, 1], strides = [1, 1]} : vector<200x50xi32> to vector<200x1xi32>
    %eq3A_401 = vector.broadcast %slice3A_400 : vector<200x1xi32> to vector<200x50xi32>
    %eq3A_402 = vector.broadcast %iota3A : vector<1x50xi32> to vector<200x50xi32>
    %eq3A_403 = arith.cmpi eq, %eq3A_401, %eq3A_402 : vector<200x50xi32>
    %slice3A_404 = vector.extract_strided_slice %get3A_24 {offsets = [0, 2], sizes = [200, 1], strides = [1, 1]} : vector<200x50xi32> to vector<200x1xi32>
    %jit3A_405 = arith.constant 0 : i32
    %broadcast_in_dim3A_406 = vector.shape_cast %slice3A_404 : vector<200x1xi32> to vector<200x1xi32>
    %broadcast_in_dim3A_407 = vector.broadcast %broadcast_in_dim3A_406 : vector<200x1xi32> to vector<200x50xi32>
    %broadcast_in_dim3A_408 = vector.broadcast %jit3A_405 : i32 to vector<200x50xi32>
    %select_n3A_409 = arith.select %eq3A_403, %broadcast_in_dim3A_407, %broadcast_in_dim3A_408 : vector<200x50xi1>, vector<200x50xi32>
    %add3A_410 = arith.addi %add3A_399, %select_n3A_409 : vector<200x50xi32>
    %slice3A_411 = vector.extract_strided_slice %add3A_378 {offsets = [0, 3], sizes = [200, 1], strides = [1, 1]} : vector<200x50xi32> to vector<200x1xi32>
    %eq3A_412 = vector.broadcast %slice3A_411 : vector<200x1xi32> to vector<200x50xi32>
    %eq3A_413 = vector.broadcast %iota3A : vector<1x50xi32> to vector<200x50xi32>
    %eq3A_414 = arith.cmpi eq, %eq3A_412, %eq3A_413 : vector<200x50xi32>
    %slice3A_415 = vector.extract_strided_slice %get3A_24 {offsets = [0, 3], sizes = [200, 1], strides = [1, 1]} : vector<200x50xi32> to vector<200x1xi32>
    %jit3A_416 = arith.constant 0 : i32
    %broadcast_in_dim3A_417 = vector.shape_cast %slice3A_415 : vector<200x1xi32> to vector<200x1xi32>
    %broadcast_in_dim3A_418 = vector.broadcast %broadcast_in_dim3A_417 : vector<200x1xi32> to vector<200x50xi32>
    %broadcast_in_dim3A_419 = vector.broadcast %jit3A_416 : i32 to vector<200x50xi32>
    %select_n3A_420 = arith.select %eq3A_414, %broadcast_in_dim3A_418, %broadcast_in_dim3A_419 : vector<200x50xi1>, vector<200x50xi32>
    %add3A_421 = arith.addi %add3A_410, %select_n3A_420 : vector<200x50xi32>
    %slice3A_422 = vector.extract_strided_slice %add3A_378 {offsets = [0, 4], sizes = [200, 1], strides = [1, 1]} : vector<200x50xi32> to vector<200x1xi32>
    %eq3A_423 = vector.broadcast %slice3A_422 : vector<200x1xi32> to vector<200x50xi32>
    %eq3A_424 = vector.broadcast %iota3A : vector<1x50xi32> to vector<200x50xi32>
    %eq3A_425 = arith.cmpi eq, %eq3A_423, %eq3A_424 : vector<200x50xi32>
    %slice3A_426 = vector.extract_strided_slice %get3A_24 {offsets = [0, 4], sizes = [200, 1], strides = [1, 1]} : vector<200x50xi32> to vector<200x1xi32>
    %jit3A_427 = arith.constant 0 : i32
    %broadcast_in_dim3A_428 = vector.shape_cast %slice3A_426 : vector<200x1xi32> to vector<200x1xi32>
    %broadcast_in_dim3A_429 = vector.broadcast %broadcast_in_dim3A_428 : vector<200x1xi32> to vector<200x50xi32>
    %broadcast_in_dim3A_430 = vector.broadcast %jit3A_427 : i32 to vector<200x50xi32>
    %select_n3A_431 = arith.select %eq3A_425, %broadcast_in_dim3A_429, %broadcast_in_dim3A_430 : vector<200x50xi1>, vector<200x50xi32>
    %add3A_432 = arith.addi %add3A_421, %select_n3A_431 : vector<200x50xi32>
    %slice3A_433 = vector.extract_strided_slice %add3A_378 {offsets = [0, 5], sizes = [200, 1], strides = [1, 1]} : vector<200x50xi32> to vector<200x1xi32>
    %eq3A_434 = vector.broadcast %slice3A_433 : vector<200x1xi32> to vector<200x50xi32>
    %eq3A_435 = vector.broadcast %iota3A : vector<1x50xi32> to vector<200x50xi32>
    %eq3A_436 = arith.cmpi eq, %eq3A_434, %eq3A_435 : vector<200x50xi32>
    %slice3A_437 = vector.extract_strided_slice %get3A_24 {offsets = [0, 5], sizes = [200, 1], strides = [1, 1]} : vector<200x50xi32> to vector<200x1xi32>
    %jit3A_438 = arith.constant 0 : i32
    %broadcast_in_dim3A_439 = vector.shape_cast %slice3A_437 : vector<200x1xi32> to vector<200x1xi32>
    %broadcast_in_dim3A_440 = vector.broadcast %broadcast_in_dim3A_439 : vector<200x1xi32> to vector<200x50xi32>
    %broadcast_in_dim3A_441 = vector.broadcast %jit3A_438 : i32 to vector<200x50xi32>
    %select_n3A_442 = arith.select %eq3A_436, %broadcast_in_dim3A_440, %broadcast_in_dim3A_441 : vector<200x50xi1>, vector<200x50xi32>
    %add3A_443 = arith.addi %add3A_432, %select_n3A_442 : vector<200x50xi32>
    %slice3A_444 = vector.extract_strided_slice %add3A_378 {offsets = [0, 6], sizes = [200, 1], strides = [1, 1]} : vector<200x50xi32> to vector<200x1xi32>
    %eq3A_445 = vector.broadcast %slice3A_444 : vector<200x1xi32> to vector<200x50xi32>
    %eq3A_446 = vector.broadcast %iota3A : vector<1x50xi32> to vector<200x50xi32>
    %eq3A_447 = arith.cmpi eq, %eq3A_445, %eq3A_446 : vector<200x50xi32>
    %slice3A_448 = vector.extract_strided_slice %get3A_24 {offsets = [0, 6], sizes = [200, 1], strides = [1, 1]} : vector<200x50xi32> to vector<200x1xi32>
    %jit3A_449 = arith.constant 0 : i32
    %broadcast_in_dim3A_450 = vector.shape_cast %slice3A_448 : vector<200x1xi32> to vector<200x1xi32>
    %broadcast_in_dim3A_451 = vector.broadcast %broadcast_in_dim3A_450 : vector<200x1xi32> to vector<200x50xi32>
    %broadcast_in_dim3A_452 = vector.broadcast %jit3A_449 : i32 to vector<200x50xi32>
    %select_n3A_453 = arith.select %eq3A_447, %broadcast_in_dim3A_451, %broadcast_in_dim3A_452 : vector<200x50xi1>, vector<200x50xi32>
    %add3A_454 = arith.addi %add3A_443, %select_n3A_453 : vector<200x50xi32>
    %slice3A_455 = vector.extract_strided_slice %add3A_378 {offsets = [0, 7], sizes = [200, 1], strides = [1, 1]} : vector<200x50xi32> to vector<200x1xi32>
    %eq3A_456 = vector.broadcast %slice3A_455 : vector<200x1xi32> to vector<200x50xi32>
    %eq3A_457 = vector.broadcast %iota3A : vector<1x50xi32> to vector<200x50xi32>
    %eq3A_458 = arith.cmpi eq, %eq3A_456, %eq3A_457 : vector<200x50xi32>
    %slice3A_459 = vector.extract_strided_slice %get3A_24 {offsets = [0, 7], sizes = [200, 1], strides = [1, 1]} : vector<200x50xi32> to vector<200x1xi32>
    %jit3A_460 = arith.constant 0 : i32
    %broadcast_in_dim3A_461 = vector.shape_cast %slice3A_459 : vector<200x1xi32> to vector<200x1xi32>
    %broadcast_in_dim3A_462 = vector.broadcast %broadcast_in_dim3A_461 : vector<200x1xi32> to vector<200x50xi32>
    %broadcast_in_dim3A_463 = vector.broadcast %jit3A_460 : i32 to vector<200x50xi32>
    %select_n3A_464 = arith.select %eq3A_458, %broadcast_in_dim3A_462, %broadcast_in_dim3A_463 : vector<200x50xi1>, vector<200x50xi32>
    %add3A_465 = arith.addi %add3A_454, %select_n3A_464 : vector<200x50xi32>
    %slice3A_466 = vector.extract_strided_slice %add3A_378 {offsets = [0, 8], sizes = [200, 1], strides = [1, 1]} : vector<200x50xi32> to vector<200x1xi32>
    %eq3A_467 = vector.broadcast %slice3A_466 : vector<200x1xi32> to vector<200x50xi32>
    %eq3A_468 = vector.broadcast %iota3A : vector<1x50xi32> to vector<200x50xi32>
    %eq3A_469 = arith.cmpi eq, %eq3A_467, %eq3A_468 : vector<200x50xi32>
    %slice3A_470 = vector.extract_strided_slice %get3A_24 {offsets = [0, 8], sizes = [200, 1], strides = [1, 1]} : vector<200x50xi32> to vector<200x1xi32>
    %jit3A_471 = arith.constant 0 : i32
    %broadcast_in_dim3A_472 = vector.shape_cast %slice3A_470 : vector<200x1xi32> to vector<200x1xi32>
    %broadcast_in_dim3A_473 = vector.broadcast %broadcast_in_dim3A_472 : vector<200x1xi32> to vector<200x50xi32>
    %broadcast_in_dim3A_474 = vector.broadcast %jit3A_471 : i32 to vector<200x50xi32>
    %select_n3A_475 = arith.select %eq3A_469, %broadcast_in_dim3A_473, %broadcast_in_dim3A_474 : vector<200x50xi1>, vector<200x50xi32>
    %add3A_476 = arith.addi %add3A_465, %select_n3A_475 : vector<200x50xi32>
    %slice3A_477 = vector.extract_strided_slice %add3A_378 {offsets = [0, 9], sizes = [200, 1], strides = [1, 1]} : vector<200x50xi32> to vector<200x1xi32>
    %eq3A_478 = vector.broadcast %slice3A_477 : vector<200x1xi32> to vector<200x50xi32>
    %eq3A_479 = vector.broadcast %iota3A : vector<1x50xi32> to vector<200x50xi32>
    %eq3A_480 = arith.cmpi eq, %eq3A_478, %eq3A_479 : vector<200x50xi32>
    %slice3A_481 = vector.extract_strided_slice %get3A_24 {offsets = [0, 9], sizes = [200, 1], strides = [1, 1]} : vector<200x50xi32> to vector<200x1xi32>
    %jit3A_482 = arith.constant 0 : i32
    %broadcast_in_dim3A_483 = vector.shape_cast %slice3A_481 : vector<200x1xi32> to vector<200x1xi32>
    %broadcast_in_dim3A_484 = vector.broadcast %broadcast_in_dim3A_483 : vector<200x1xi32> to vector<200x50xi32>
    %broadcast_in_dim3A_485 = vector.broadcast %jit3A_482 : i32 to vector<200x50xi32>
    %select_n3A_486 = arith.select %eq3A_480, %broadcast_in_dim3A_484, %broadcast_in_dim3A_485 : vector<200x50xi1>, vector<200x50xi32>
    %add3A_487 = arith.addi %add3A_476, %select_n3A_486 : vector<200x50xi32>
    %slice3A_488 = vector.extract_strided_slice %add3A_378 {offsets = [0, 10], sizes = [200, 1], strides = [1, 1]} : vector<200x50xi32> to vector<200x1xi32>
    %eq3A_489 = vector.broadcast %slice3A_488 : vector<200x1xi32> to vector<200x50xi32>
    %eq3A_490 = vector.broadcast %iota3A : vector<1x50xi32> to vector<200x50xi32>
    %eq3A_491 = arith.cmpi eq, %eq3A_489, %eq3A_490 : vector<200x50xi32>
    %slice3A_492 = vector.extract_strided_slice %get3A_24 {offsets = [0, 10], sizes = [200, 1], strides = [1, 1]} : vector<200x50xi32> to vector<200x1xi32>
    %jit3A_493 = arith.constant 0 : i32
    %broadcast_in_dim3A_494 = vector.shape_cast %slice3A_492 : vector<200x1xi32> to vector<200x1xi32>
    %broadcast_in_dim3A_495 = vector.broadcast %broadcast_in_dim3A_494 : vector<200x1xi32> to vector<200x50xi32>
    %broadcast_in_dim3A_496 = vector.broadcast %jit3A_493 : i32 to vector<200x50xi32>
    %select_n3A_497 = arith.select %eq3A_491, %broadcast_in_dim3A_495, %broadcast_in_dim3A_496 : vector<200x50xi1>, vector<200x50xi32>
    %add3A_498 = arith.addi %add3A_487, %select_n3A_497 : vector<200x50xi32>
    %slice3A_499 = vector.extract_strided_slice %add3A_378 {offsets = [0, 11], sizes = [200, 1], strides = [1, 1]} : vector<200x50xi32> to vector<200x1xi32>
    %eq3A_500 = vector.broadcast %slice3A_499 : vector<200x1xi32> to vector<200x50xi32>
    %eq3A_501 = vector.broadcast %iota3A : vector<1x50xi32> to vector<200x50xi32>
    %eq3A_502 = arith.cmpi eq, %eq3A_500, %eq3A_501 : vector<200x50xi32>
    %slice3A_503 = vector.extract_strided_slice %get3A_24 {offsets = [0, 11], sizes = [200, 1], strides = [1, 1]} : vector<200x50xi32> to vector<200x1xi32>
    %jit3A_504 = arith.constant 0 : i32
    %broadcast_in_dim3A_505 = vector.shape_cast %slice3A_503 : vector<200x1xi32> to vector<200x1xi32>
    %broadcast_in_dim3A_506 = vector.broadcast %broadcast_in_dim3A_505 : vector<200x1xi32> to vector<200x50xi32>
    %broadcast_in_dim3A_507 = vector.broadcast %jit3A_504 : i32 to vector<200x50xi32>
    %select_n3A_508 = arith.select %eq3A_502, %broadcast_in_dim3A_506, %broadcast_in_dim3A_507 : vector<200x50xi1>, vector<200x50xi32>
    %add3A_509 = arith.addi %add3A_498, %select_n3A_508 : vector<200x50xi32>
    %slice3A_510 = vector.extract_strided_slice %add3A_378 {offsets = [0, 12], sizes = [200, 1], strides = [1, 1]} : vector<200x50xi32> to vector<200x1xi32>
    %eq3A_511 = vector.broadcast %slice3A_510 : vector<200x1xi32> to vector<200x50xi32>
    %eq3A_512 = vector.broadcast %iota3A : vector<1x50xi32> to vector<200x50xi32>
    %eq3A_513 = arith.cmpi eq, %eq3A_511, %eq3A_512 : vector<200x50xi32>
    %slice3A_514 = vector.extract_strided_slice %get3A_24 {offsets = [0, 12], sizes = [200, 1], strides = [1, 1]} : vector<200x50xi32> to vector<200x1xi32>
    %jit3A_515 = arith.constant 0 : i32
    %broadcast_in_dim3A_516 = vector.shape_cast %slice3A_514 : vector<200x1xi32> to vector<200x1xi32>
    %broadcast_in_dim3A_517 = vector.broadcast %broadcast_in_dim3A_516 : vector<200x1xi32> to vector<200x50xi32>
    %broadcast_in_dim3A_518 = vector.broadcast %jit3A_515 : i32 to vector<200x50xi32>
    %select_n3A_519 = arith.select %eq3A_513, %broadcast_in_dim3A_517, %broadcast_in_dim3A_518 : vector<200x50xi1>, vector<200x50xi32>
    %add3A_520 = arith.addi %add3A_509, %select_n3A_519 : vector<200x50xi32>
    %slice3A_521 = vector.extract_strided_slice %add3A_378 {offsets = [0, 13], sizes = [200, 1], strides = [1, 1]} : vector<200x50xi32> to vector<200x1xi32>
    %eq3A_522 = vector.broadcast %slice3A_521 : vector<200x1xi32> to vector<200x50xi32>
    %eq3A_523 = vector.broadcast %iota3A : vector<1x50xi32> to vector<200x50xi32>
    %eq3A_524 = arith.cmpi eq, %eq3A_522, %eq3A_523 : vector<200x50xi32>
    %slice3A_525 = vector.extract_strided_slice %get3A_24 {offsets = [0, 13], sizes = [200, 1], strides = [1, 1]} : vector<200x50xi32> to vector<200x1xi32>
    %jit3A_526 = arith.constant 0 : i32
    %broadcast_in_dim3A_527 = vector.shape_cast %slice3A_525 : vector<200x1xi32> to vector<200x1xi32>
    %broadcast_in_dim3A_528 = vector.broadcast %broadcast_in_dim3A_527 : vector<200x1xi32> to vector<200x50xi32>
    %broadcast_in_dim3A_529 = vector.broadcast %jit3A_526 : i32 to vector<200x50xi32>
    %select_n3A_530 = arith.select %eq3A_524, %broadcast_in_dim3A_528, %broadcast_in_dim3A_529 : vector<200x50xi1>, vector<200x50xi32>
    %add3A_531 = arith.addi %add3A_520, %select_n3A_530 : vector<200x50xi32>
    %slice3A_532 = vector.extract_strided_slice %add3A_378 {offsets = [0, 14], sizes = [200, 1], strides = [1, 1]} : vector<200x50xi32> to vector<200x1xi32>
    %eq3A_533 = vector.broadcast %slice3A_532 : vector<200x1xi32> to vector<200x50xi32>
    %eq3A_534 = vector.broadcast %iota3A : vector<1x50xi32> to vector<200x50xi32>
    %eq3A_535 = arith.cmpi eq, %eq3A_533, %eq3A_534 : vector<200x50xi32>
    %slice3A_536 = vector.extract_strided_slice %get3A_24 {offsets = [0, 14], sizes = [200, 1], strides = [1, 1]} : vector<200x50xi32> to vector<200x1xi32>
    %jit3A_537 = arith.constant 0 : i32
    %broadcast_in_dim3A_538 = vector.shape_cast %slice3A_536 : vector<200x1xi32> to vector<200x1xi32>
    %broadcast_in_dim3A_539 = vector.broadcast %broadcast_in_dim3A_538 : vector<200x1xi32> to vector<200x50xi32>
    %broadcast_in_dim3A_540 = vector.broadcast %jit3A_537 : i32 to vector<200x50xi32>
    %select_n3A_541 = arith.select %eq3A_535, %broadcast_in_dim3A_539, %broadcast_in_dim3A_540 : vector<200x50xi1>, vector<200x50xi32>
    %add3A_542 = arith.addi %add3A_531, %select_n3A_541 : vector<200x50xi32>
    %slice3A_543 = vector.extract_strided_slice %add3A_378 {offsets = [0, 15], sizes = [200, 1], strides = [1, 1]} : vector<200x50xi32> to vector<200x1xi32>
    %eq3A_544 = vector.broadcast %slice3A_543 : vector<200x1xi32> to vector<200x50xi32>
    %eq3A_545 = vector.broadcast %iota3A : vector<1x50xi32> to vector<200x50xi32>
    %eq3A_546 = arith.cmpi eq, %eq3A_544, %eq3A_545 : vector<200x50xi32>
    %slice3A_547 = vector.extract_strided_slice %get3A_24 {offsets = [0, 15], sizes = [200, 1], strides = [1, 1]} : vector<200x50xi32> to vector<200x1xi32>
    %jit3A_548 = arith.constant 0 : i32
    %broadcast_in_dim3A_549 = vector.shape_cast %slice3A_547 : vector<200x1xi32> to vector<200x1xi32>
    %broadcast_in_dim3A_550 = vector.broadcast %broadcast_in_dim3A_549 : vector<200x1xi32> to vector<200x50xi32>
    %broadcast_in_dim3A_551 = vector.broadcast %jit3A_548 : i32 to vector<200x50xi32>
    %select_n3A_552 = arith.select %eq3A_546, %broadcast_in_dim3A_550, %broadcast_in_dim3A_551 : vector<200x50xi1>, vector<200x50xi32>
    %add3A_553 = arith.addi %add3A_542, %select_n3A_552 : vector<200x50xi32>
    %slice3A_554 = vector.extract_strided_slice %add3A_378 {offsets = [0, 16], sizes = [200, 1], strides = [1, 1]} : vector<200x50xi32> to vector<200x1xi32>
    %eq3A_555 = vector.broadcast %slice3A_554 : vector<200x1xi32> to vector<200x50xi32>
    %eq3A_556 = vector.broadcast %iota3A : vector<1x50xi32> to vector<200x50xi32>
    %eq3A_557 = arith.cmpi eq, %eq3A_555, %eq3A_556 : vector<200x50xi32>
    %slice3A_558 = vector.extract_strided_slice %get3A_24 {offsets = [0, 16], sizes = [200, 1], strides = [1, 1]} : vector<200x50xi32> to vector<200x1xi32>
    %jit3A_559 = arith.constant 0 : i32
    %broadcast_in_dim3A_560 = vector.shape_cast %slice3A_558 : vector<200x1xi32> to vector<200x1xi32>
    %broadcast_in_dim3A_561 = vector.broadcast %broadcast_in_dim3A_560 : vector<200x1xi32> to vector<200x50xi32>
    %broadcast_in_dim3A_562 = vector.broadcast %jit3A_559 : i32 to vector<200x50xi32>
    %select_n3A_563 = arith.select %eq3A_557, %broadcast_in_dim3A_561, %broadcast_in_dim3A_562 : vector<200x50xi1>, vector<200x50xi32>
    %add3A_564 = arith.addi %add3A_553, %select_n3A_563 : vector<200x50xi32>
    %slice3A_565 = vector.extract_strided_slice %add3A_378 {offsets = [0, 17], sizes = [200, 1], strides = [1, 1]} : vector<200x50xi32> to vector<200x1xi32>
    %eq3A_566 = vector.broadcast %slice3A_565 : vector<200x1xi32> to vector<200x50xi32>
    %eq3A_567 = vector.broadcast %iota3A : vector<1x50xi32> to vector<200x50xi32>
    %eq3A_568 = arith.cmpi eq, %eq3A_566, %eq3A_567 : vector<200x50xi32>
    %slice3A_569 = vector.extract_strided_slice %get3A_24 {offsets = [0, 17], sizes = [200, 1], strides = [1, 1]} : vector<200x50xi32> to vector<200x1xi32>
    %jit3A_570 = arith.constant 0 : i32
    %broadcast_in_dim3A_571 = vector.shape_cast %slice3A_569 : vector<200x1xi32> to vector<200x1xi32>
    %broadcast_in_dim3A_572 = vector.broadcast %broadcast_in_dim3A_571 : vector<200x1xi32> to vector<200x50xi32>
    %broadcast_in_dim3A_573 = vector.broadcast %jit3A_570 : i32 to vector<200x50xi32>
    %select_n3A_574 = arith.select %eq3A_568, %broadcast_in_dim3A_572, %broadcast_in_dim3A_573 : vector<200x50xi1>, vector<200x50xi32>
    %add3A_575 = arith.addi %add3A_564, %select_n3A_574 : vector<200x50xi32>
    %slice3A_576 = vector.extract_strided_slice %add3A_378 {offsets = [0, 18], sizes = [200, 1], strides = [1, 1]} : vector<200x50xi32> to vector<200x1xi32>
    %eq3A_577 = vector.broadcast %slice3A_576 : vector<200x1xi32> to vector<200x50xi32>
    %eq3A_578 = vector.broadcast %iota3A : vector<1x50xi32> to vector<200x50xi32>
    %eq3A_579 = arith.cmpi eq, %eq3A_577, %eq3A_578 : vector<200x50xi32>
    %slice3A_580 = vector.extract_strided_slice %get3A_24 {offsets = [0, 18], sizes = [200, 1], strides = [1, 1]} : vector<200x50xi32> to vector<200x1xi32>
    %jit3A_581 = arith.constant 0 : i32
    %broadcast_in_dim3A_582 = vector.shape_cast %slice3A_580 : vector<200x1xi32> to vector<200x1xi32>
    %broadcast_in_dim3A_583 = vector.broadcast %broadcast_in_dim3A_582 : vector<200x1xi32> to vector<200x50xi32>
    %broadcast_in_dim3A_584 = vector.broadcast %jit3A_581 : i32 to vector<200x50xi32>
    %select_n3A_585 = arith.select %eq3A_579, %broadcast_in_dim3A_583, %broadcast_in_dim3A_584 : vector<200x50xi1>, vector<200x50xi32>
    %add3A_586 = arith.addi %add3A_575, %select_n3A_585 : vector<200x50xi32>
    %slice3A_587 = vector.extract_strided_slice %add3A_378 {offsets = [0, 19], sizes = [200, 1], strides = [1, 1]} : vector<200x50xi32> to vector<200x1xi32>
    %eq3A_588 = vector.broadcast %slice3A_587 : vector<200x1xi32> to vector<200x50xi32>
    %eq3A_589 = vector.broadcast %iota3A : vector<1x50xi32> to vector<200x50xi32>
    %eq3A_590 = arith.cmpi eq, %eq3A_588, %eq3A_589 : vector<200x50xi32>
    %slice3A_591 = vector.extract_strided_slice %get3A_24 {offsets = [0, 19], sizes = [200, 1], strides = [1, 1]} : vector<200x50xi32> to vector<200x1xi32>
    %jit3A_592 = arith.constant 0 : i32
    %broadcast_in_dim3A_593 = vector.shape_cast %slice3A_591 : vector<200x1xi32> to vector<200x1xi32>
    %broadcast_in_dim3A_594 = vector.broadcast %broadcast_in_dim3A_593 : vector<200x1xi32> to vector<200x50xi32>
    %broadcast_in_dim3A_595 = vector.broadcast %jit3A_592 : i32 to vector<200x50xi32>
    %select_n3A_596 = arith.select %eq3A_590, %broadcast_in_dim3A_594, %broadcast_in_dim3A_595 : vector<200x50xi1>, vector<200x50xi32>
    %add3A_597 = arith.addi %add3A_586, %select_n3A_596 : vector<200x50xi32>
    %slice3A_598 = vector.extract_strided_slice %add3A_378 {offsets = [0, 20], sizes = [200, 1], strides = [1, 1]} : vector<200x50xi32> to vector<200x1xi32>
    %eq3A_599 = vector.broadcast %slice3A_598 : vector<200x1xi32> to vector<200x50xi32>
    %eq3A_600 = vector.broadcast %iota3A : vector<1x50xi32> to vector<200x50xi32>
    %eq3A_601 = arith.cmpi eq, %eq3A_599, %eq3A_600 : vector<200x50xi32>
    %slice3A_602 = vector.extract_strided_slice %get3A_24 {offsets = [0, 20], sizes = [200, 1], strides = [1, 1]} : vector<200x50xi32> to vector<200x1xi32>
    %jit3A_603 = arith.constant 0 : i32
    %broadcast_in_dim3A_604 = vector.shape_cast %slice3A_602 : vector<200x1xi32> to vector<200x1xi32>
    %broadcast_in_dim3A_605 = vector.broadcast %broadcast_in_dim3A_604 : vector<200x1xi32> to vector<200x50xi32>
    %broadcast_in_dim3A_606 = vector.broadcast %jit3A_603 : i32 to vector<200x50xi32>
    %select_n3A_607 = arith.select %eq3A_601, %broadcast_in_dim3A_605, %broadcast_in_dim3A_606 : vector<200x50xi1>, vector<200x50xi32>
    %add3A_608 = arith.addi %add3A_597, %select_n3A_607 : vector<200x50xi32>
    %slice3A_609 = vector.extract_strided_slice %add3A_378 {offsets = [0, 21], sizes = [200, 1], strides = [1, 1]} : vector<200x50xi32> to vector<200x1xi32>
    %eq3A_610 = vector.broadcast %slice3A_609 : vector<200x1xi32> to vector<200x50xi32>
    %eq3A_611 = vector.broadcast %iota3A : vector<1x50xi32> to vector<200x50xi32>
    %eq3A_612 = arith.cmpi eq, %eq3A_610, %eq3A_611 : vector<200x50xi32>
    %slice3A_613 = vector.extract_strided_slice %get3A_24 {offsets = [0, 21], sizes = [200, 1], strides = [1, 1]} : vector<200x50xi32> to vector<200x1xi32>
    %jit3A_614 = arith.constant 0 : i32
    %broadcast_in_dim3A_615 = vector.shape_cast %slice3A_613 : vector<200x1xi32> to vector<200x1xi32>
    %broadcast_in_dim3A_616 = vector.broadcast %broadcast_in_dim3A_615 : vector<200x1xi32> to vector<200x50xi32>
    %broadcast_in_dim3A_617 = vector.broadcast %jit3A_614 : i32 to vector<200x50xi32>
    %select_n3A_618 = arith.select %eq3A_612, %broadcast_in_dim3A_616, %broadcast_in_dim3A_617 : vector<200x50xi1>, vector<200x50xi32>
    %add3A_619 = arith.addi %add3A_608, %select_n3A_618 : vector<200x50xi32>
    %slice3A_620 = vector.extract_strided_slice %add3A_378 {offsets = [0, 22], sizes = [200, 1], strides = [1, 1]} : vector<200x50xi32> to vector<200x1xi32>
    %eq3A_621 = vector.broadcast %slice3A_620 : vector<200x1xi32> to vector<200x50xi32>
    %eq3A_622 = vector.broadcast %iota3A : vector<1x50xi32> to vector<200x50xi32>
    %eq3A_623 = arith.cmpi eq, %eq3A_621, %eq3A_622 : vector<200x50xi32>
    %slice3A_624 = vector.extract_strided_slice %get3A_24 {offsets = [0, 22], sizes = [200, 1], strides = [1, 1]} : vector<200x50xi32> to vector<200x1xi32>
    %jit3A_625 = arith.constant 0 : i32
    %broadcast_in_dim3A_626 = vector.shape_cast %slice3A_624 : vector<200x1xi32> to vector<200x1xi32>
    %broadcast_in_dim3A_627 = vector.broadcast %broadcast_in_dim3A_626 : vector<200x1xi32> to vector<200x50xi32>
    %broadcast_in_dim3A_628 = vector.broadcast %jit3A_625 : i32 to vector<200x50xi32>
    %select_n3A_629 = arith.select %eq3A_623, %broadcast_in_dim3A_627, %broadcast_in_dim3A_628 : vector<200x50xi1>, vector<200x50xi32>
    %add3A_630 = arith.addi %add3A_619, %select_n3A_629 : vector<200x50xi32>
    %slice3A_631 = vector.extract_strided_slice %add3A_378 {offsets = [0, 23], sizes = [200, 1], strides = [1, 1]} : vector<200x50xi32> to vector<200x1xi32>
    %eq3A_632 = vector.broadcast %slice3A_631 : vector<200x1xi32> to vector<200x50xi32>
    %eq3A_633 = vector.broadcast %iota3A : vector<1x50xi32> to vector<200x50xi32>
    %eq3A_634 = arith.cmpi eq, %eq3A_632, %eq3A_633 : vector<200x50xi32>
    %slice3A_635 = vector.extract_strided_slice %get3A_24 {offsets = [0, 23], sizes = [200, 1], strides = [1, 1]} : vector<200x50xi32> to vector<200x1xi32>
    %jit3A_636 = arith.constant 0 : i32
    %broadcast_in_dim3A_637 = vector.shape_cast %slice3A_635 : vector<200x1xi32> to vector<200x1xi32>
    %broadcast_in_dim3A_638 = vector.broadcast %broadcast_in_dim3A_637 : vector<200x1xi32> to vector<200x50xi32>
    %broadcast_in_dim3A_639 = vector.broadcast %jit3A_636 : i32 to vector<200x50xi32>
    %select_n3A_640 = arith.select %eq3A_634, %broadcast_in_dim3A_638, %broadcast_in_dim3A_639 : vector<200x50xi1>, vector<200x50xi32>
    %add3A_641 = arith.addi %add3A_630, %select_n3A_640 : vector<200x50xi32>
    %slice3A_642 = vector.extract_strided_slice %add3A_378 {offsets = [0, 24], sizes = [200, 1], strides = [1, 1]} : vector<200x50xi32> to vector<200x1xi32>
    %eq3A_643 = vector.broadcast %slice3A_642 : vector<200x1xi32> to vector<200x50xi32>
    %eq3A_644 = vector.broadcast %iota3A : vector<1x50xi32> to vector<200x50xi32>
    %eq3A_645 = arith.cmpi eq, %eq3A_643, %eq3A_644 : vector<200x50xi32>
    %slice3A_646 = vector.extract_strided_slice %get3A_24 {offsets = [0, 24], sizes = [200, 1], strides = [1, 1]} : vector<200x50xi32> to vector<200x1xi32>
    %jit3A_647 = arith.constant 0 : i32
    %broadcast_in_dim3A_648 = vector.shape_cast %slice3A_646 : vector<200x1xi32> to vector<200x1xi32>
    %broadcast_in_dim3A_649 = vector.broadcast %broadcast_in_dim3A_648 : vector<200x1xi32> to vector<200x50xi32>
    %broadcast_in_dim3A_650 = vector.broadcast %jit3A_647 : i32 to vector<200x50xi32>
    %select_n3A_651 = arith.select %eq3A_645, %broadcast_in_dim3A_649, %broadcast_in_dim3A_650 : vector<200x50xi1>, vector<200x50xi32>
    %add3A_652 = arith.addi %add3A_641, %select_n3A_651 : vector<200x50xi32>
    %slice3A_653 = vector.extract_strided_slice %add3A_378 {offsets = [0, 25], sizes = [200, 1], strides = [1, 1]} : vector<200x50xi32> to vector<200x1xi32>
    %eq3A_654 = vector.broadcast %slice3A_653 : vector<200x1xi32> to vector<200x50xi32>
    %eq3A_655 = vector.broadcast %iota3A : vector<1x50xi32> to vector<200x50xi32>
    %eq3A_656 = arith.cmpi eq, %eq3A_654, %eq3A_655 : vector<200x50xi32>
    %slice3A_657 = vector.extract_strided_slice %get3A_24 {offsets = [0, 25], sizes = [200, 1], strides = [1, 1]} : vector<200x50xi32> to vector<200x1xi32>
    %jit3A_658 = arith.constant 0 : i32
    %broadcast_in_dim3A_659 = vector.shape_cast %slice3A_657 : vector<200x1xi32> to vector<200x1xi32>
    %broadcast_in_dim3A_660 = vector.broadcast %broadcast_in_dim3A_659 : vector<200x1xi32> to vector<200x50xi32>
    %broadcast_in_dim3A_661 = vector.broadcast %jit3A_658 : i32 to vector<200x50xi32>
    %select_n3A_662 = arith.select %eq3A_656, %broadcast_in_dim3A_660, %broadcast_in_dim3A_661 : vector<200x50xi1>, vector<200x50xi32>
    %add3A_663 = arith.addi %add3A_652, %select_n3A_662 : vector<200x50xi32>
    %slice3A_664 = vector.extract_strided_slice %add3A_378 {offsets = [0, 26], sizes = [200, 1], strides = [1, 1]} : vector<200x50xi32> to vector<200x1xi32>
    %eq3A_665 = vector.broadcast %slice3A_664 : vector<200x1xi32> to vector<200x50xi32>
    %eq3A_666 = vector.broadcast %iota3A : vector<1x50xi32> to vector<200x50xi32>
    %eq3A_667 = arith.cmpi eq, %eq3A_665, %eq3A_666 : vector<200x50xi32>
    %slice3A_668 = vector.extract_strided_slice %get3A_24 {offsets = [0, 26], sizes = [200, 1], strides = [1, 1]} : vector<200x50xi32> to vector<200x1xi32>
    %jit3A_669 = arith.constant 0 : i32
    %broadcast_in_dim3A_670 = vector.shape_cast %slice3A_668 : vector<200x1xi32> to vector<200x1xi32>
    %broadcast_in_dim3A_671 = vector.broadcast %broadcast_in_dim3A_670 : vector<200x1xi32> to vector<200x50xi32>
    %broadcast_in_dim3A_672 = vector.broadcast %jit3A_669 : i32 to vector<200x50xi32>
    %select_n3A_673 = arith.select %eq3A_667, %broadcast_in_dim3A_671, %broadcast_in_dim3A_672 : vector<200x50xi1>, vector<200x50xi32>
    %add3A_674 = arith.addi %add3A_663, %select_n3A_673 : vector<200x50xi32>
    %slice3A_675 = vector.extract_strided_slice %add3A_378 {offsets = [0, 27], sizes = [200, 1], strides = [1, 1]} : vector<200x50xi32> to vector<200x1xi32>
    %eq3A_676 = vector.broadcast %slice3A_675 : vector<200x1xi32> to vector<200x50xi32>
    %eq3A_677 = vector.broadcast %iota3A : vector<1x50xi32> to vector<200x50xi32>
    %eq3A_678 = arith.cmpi eq, %eq3A_676, %eq3A_677 : vector<200x50xi32>
    %slice3A_679 = vector.extract_strided_slice %get3A_24 {offsets = [0, 27], sizes = [200, 1], strides = [1, 1]} : vector<200x50xi32> to vector<200x1xi32>
    %jit3A_680 = arith.constant 0 : i32
    %broadcast_in_dim3A_681 = vector.shape_cast %slice3A_679 : vector<200x1xi32> to vector<200x1xi32>
    %broadcast_in_dim3A_682 = vector.broadcast %broadcast_in_dim3A_681 : vector<200x1xi32> to vector<200x50xi32>
    %broadcast_in_dim3A_683 = vector.broadcast %jit3A_680 : i32 to vector<200x50xi32>
    %select_n3A_684 = arith.select %eq3A_678, %broadcast_in_dim3A_682, %broadcast_in_dim3A_683 : vector<200x50xi1>, vector<200x50xi32>
    %add3A_685 = arith.addi %add3A_674, %select_n3A_684 : vector<200x50xi32>
    %slice3A_686 = vector.extract_strided_slice %add3A_378 {offsets = [0, 28], sizes = [200, 1], strides = [1, 1]} : vector<200x50xi32> to vector<200x1xi32>
    %eq3A_687 = vector.broadcast %slice3A_686 : vector<200x1xi32> to vector<200x50xi32>
    %eq3A_688 = vector.broadcast %iota3A : vector<1x50xi32> to vector<200x50xi32>
    %eq3A_689 = arith.cmpi eq, %eq3A_687, %eq3A_688 : vector<200x50xi32>
    %slice3A_690 = vector.extract_strided_slice %get3A_24 {offsets = [0, 28], sizes = [200, 1], strides = [1, 1]} : vector<200x50xi32> to vector<200x1xi32>
    %jit3A_691 = arith.constant 0 : i32
    %broadcast_in_dim3A_692 = vector.shape_cast %slice3A_690 : vector<200x1xi32> to vector<200x1xi32>
    %broadcast_in_dim3A_693 = vector.broadcast %broadcast_in_dim3A_692 : vector<200x1xi32> to vector<200x50xi32>
    %broadcast_in_dim3A_694 = vector.broadcast %jit3A_691 : i32 to vector<200x50xi32>
    %select_n3A_695 = arith.select %eq3A_689, %broadcast_in_dim3A_693, %broadcast_in_dim3A_694 : vector<200x50xi1>, vector<200x50xi32>
    %add3A_696 = arith.addi %add3A_685, %select_n3A_695 : vector<200x50xi32>
    %slice3A_697 = vector.extract_strided_slice %add3A_378 {offsets = [0, 29], sizes = [200, 1], strides = [1, 1]} : vector<200x50xi32> to vector<200x1xi32>
    %eq3A_698 = vector.broadcast %slice3A_697 : vector<200x1xi32> to vector<200x50xi32>
    %eq3A_699 = vector.broadcast %iota3A : vector<1x50xi32> to vector<200x50xi32>
    %eq3A_700 = arith.cmpi eq, %eq3A_698, %eq3A_699 : vector<200x50xi32>
    %slice3A_701 = vector.extract_strided_slice %get3A_24 {offsets = [0, 29], sizes = [200, 1], strides = [1, 1]} : vector<200x50xi32> to vector<200x1xi32>
    %jit3A_702 = arith.constant 0 : i32
    %broadcast_in_dim3A_703 = vector.shape_cast %slice3A_701 : vector<200x1xi32> to vector<200x1xi32>
    %broadcast_in_dim3A_704 = vector.broadcast %broadcast_in_dim3A_703 : vector<200x1xi32> to vector<200x50xi32>
    %broadcast_in_dim3A_705 = vector.broadcast %jit3A_702 : i32 to vector<200x50xi32>
    %select_n3A_706 = arith.select %eq3A_700, %broadcast_in_dim3A_704, %broadcast_in_dim3A_705 : vector<200x50xi1>, vector<200x50xi32>
    %add3A_707 = arith.addi %add3A_696, %select_n3A_706 : vector<200x50xi32>
    %slice3A_708 = vector.extract_strided_slice %add3A_378 {offsets = [0, 30], sizes = [200, 1], strides = [1, 1]} : vector<200x50xi32> to vector<200x1xi32>
    %eq3A_709 = vector.broadcast %slice3A_708 : vector<200x1xi32> to vector<200x50xi32>
    %eq3A_710 = vector.broadcast %iota3A : vector<1x50xi32> to vector<200x50xi32>
    %eq3A_711 = arith.cmpi eq, %eq3A_709, %eq3A_710 : vector<200x50xi32>
    %slice3A_712 = vector.extract_strided_slice %get3A_24 {offsets = [0, 30], sizes = [200, 1], strides = [1, 1]} : vector<200x50xi32> to vector<200x1xi32>
    %jit3A_713 = arith.constant 0 : i32
    %broadcast_in_dim3A_714 = vector.shape_cast %slice3A_712 : vector<200x1xi32> to vector<200x1xi32>
    %broadcast_in_dim3A_715 = vector.broadcast %broadcast_in_dim3A_714 : vector<200x1xi32> to vector<200x50xi32>
    %broadcast_in_dim3A_716 = vector.broadcast %jit3A_713 : i32 to vector<200x50xi32>
    %select_n3A_717 = arith.select %eq3A_711, %broadcast_in_dim3A_715, %broadcast_in_dim3A_716 : vector<200x50xi1>, vector<200x50xi32>
    %add3A_718 = arith.addi %add3A_707, %select_n3A_717 : vector<200x50xi32>
    %slice3A_719 = vector.extract_strided_slice %add3A_378 {offsets = [0, 31], sizes = [200, 1], strides = [1, 1]} : vector<200x50xi32> to vector<200x1xi32>
    %eq3A_720 = vector.broadcast %slice3A_719 : vector<200x1xi32> to vector<200x50xi32>
    %eq3A_721 = vector.broadcast %iota3A : vector<1x50xi32> to vector<200x50xi32>
    %eq3A_722 = arith.cmpi eq, %eq3A_720, %eq3A_721 : vector<200x50xi32>
    %slice3A_723 = vector.extract_strided_slice %get3A_24 {offsets = [0, 31], sizes = [200, 1], strides = [1, 1]} : vector<200x50xi32> to vector<200x1xi32>
    %jit3A_724 = arith.constant 0 : i32
    %broadcast_in_dim3A_725 = vector.shape_cast %slice3A_723 : vector<200x1xi32> to vector<200x1xi32>
    %broadcast_in_dim3A_726 = vector.broadcast %broadcast_in_dim3A_725 : vector<200x1xi32> to vector<200x50xi32>
    %broadcast_in_dim3A_727 = vector.broadcast %jit3A_724 : i32 to vector<200x50xi32>
    %select_n3A_728 = arith.select %eq3A_722, %broadcast_in_dim3A_726, %broadcast_in_dim3A_727 : vector<200x50xi1>, vector<200x50xi32>
    %add3A_729 = arith.addi %add3A_718, %select_n3A_728 : vector<200x50xi32>
    %slice3A_730 = vector.extract_strided_slice %add3A_378 {offsets = [0, 32], sizes = [200, 1], strides = [1, 1]} : vector<200x50xi32> to vector<200x1xi32>
    %eq3A_731 = vector.broadcast %slice3A_730 : vector<200x1xi32> to vector<200x50xi32>
    %eq3A_732 = vector.broadcast %iota3A : vector<1x50xi32> to vector<200x50xi32>
    %eq3A_733 = arith.cmpi eq, %eq3A_731, %eq3A_732 : vector<200x50xi32>
    %slice3A_734 = vector.extract_strided_slice %get3A_24 {offsets = [0, 32], sizes = [200, 1], strides = [1, 1]} : vector<200x50xi32> to vector<200x1xi32>
    %jit3A_735 = arith.constant 0 : i32
    %broadcast_in_dim3A_736 = vector.shape_cast %slice3A_734 : vector<200x1xi32> to vector<200x1xi32>
    %broadcast_in_dim3A_737 = vector.broadcast %broadcast_in_dim3A_736 : vector<200x1xi32> to vector<200x50xi32>
    %broadcast_in_dim3A_738 = vector.broadcast %jit3A_735 : i32 to vector<200x50xi32>
    %select_n3A_739 = arith.select %eq3A_733, %broadcast_in_dim3A_737, %broadcast_in_dim3A_738 : vector<200x50xi1>, vector<200x50xi32>
    %add3A_740 = arith.addi %add3A_729, %select_n3A_739 : vector<200x50xi32>
    %slice3A_741 = vector.extract_strided_slice %add3A_378 {offsets = [0, 33], sizes = [200, 1], strides = [1, 1]} : vector<200x50xi32> to vector<200x1xi32>
    %eq3A_742 = vector.broadcast %slice3A_741 : vector<200x1xi32> to vector<200x50xi32>
    %eq3A_743 = vector.broadcast %iota3A : vector<1x50xi32> to vector<200x50xi32>
    %eq3A_744 = arith.cmpi eq, %eq3A_742, %eq3A_743 : vector<200x50xi32>
    %slice3A_745 = vector.extract_strided_slice %get3A_24 {offsets = [0, 33], sizes = [200, 1], strides = [1, 1]} : vector<200x50xi32> to vector<200x1xi32>
    %jit3A_746 = arith.constant 0 : i32
    %broadcast_in_dim3A_747 = vector.shape_cast %slice3A_745 : vector<200x1xi32> to vector<200x1xi32>
    %broadcast_in_dim3A_748 = vector.broadcast %broadcast_in_dim3A_747 : vector<200x1xi32> to vector<200x50xi32>
    %broadcast_in_dim3A_749 = vector.broadcast %jit3A_746 : i32 to vector<200x50xi32>
    %select_n3A_750 = arith.select %eq3A_744, %broadcast_in_dim3A_748, %broadcast_in_dim3A_749 : vector<200x50xi1>, vector<200x50xi32>
    %add3A_751 = arith.addi %add3A_740, %select_n3A_750 : vector<200x50xi32>
    %slice3A_752 = vector.extract_strided_slice %add3A_378 {offsets = [0, 34], sizes = [200, 1], strides = [1, 1]} : vector<200x50xi32> to vector<200x1xi32>
    %eq3A_753 = vector.broadcast %slice3A_752 : vector<200x1xi32> to vector<200x50xi32>
    %eq3A_754 = vector.broadcast %iota3A : vector<1x50xi32> to vector<200x50xi32>
    %eq3A_755 = arith.cmpi eq, %eq3A_753, %eq3A_754 : vector<200x50xi32>
    %slice3A_756 = vector.extract_strided_slice %get3A_24 {offsets = [0, 34], sizes = [200, 1], strides = [1, 1]} : vector<200x50xi32> to vector<200x1xi32>
    %jit3A_757 = arith.constant 0 : i32
    %broadcast_in_dim3A_758 = vector.shape_cast %slice3A_756 : vector<200x1xi32> to vector<200x1xi32>
    %broadcast_in_dim3A_759 = vector.broadcast %broadcast_in_dim3A_758 : vector<200x1xi32> to vector<200x50xi32>
    %broadcast_in_dim3A_760 = vector.broadcast %jit3A_757 : i32 to vector<200x50xi32>
    %select_n3A_761 = arith.select %eq3A_755, %broadcast_in_dim3A_759, %broadcast_in_dim3A_760 : vector<200x50xi1>, vector<200x50xi32>
    %add3A_762 = arith.addi %add3A_751, %select_n3A_761 : vector<200x50xi32>
    %slice3A_763 = vector.extract_strided_slice %add3A_378 {offsets = [0, 35], sizes = [200, 1], strides = [1, 1]} : vector<200x50xi32> to vector<200x1xi32>
    %eq3A_764 = vector.broadcast %slice3A_763 : vector<200x1xi32> to vector<200x50xi32>
    %eq3A_765 = vector.broadcast %iota3A : vector<1x50xi32> to vector<200x50xi32>
    %eq3A_766 = arith.cmpi eq, %eq3A_764, %eq3A_765 : vector<200x50xi32>
    %slice3A_767 = vector.extract_strided_slice %get3A_24 {offsets = [0, 35], sizes = [200, 1], strides = [1, 1]} : vector<200x50xi32> to vector<200x1xi32>
    %jit3A_768 = arith.constant 0 : i32
    %broadcast_in_dim3A_769 = vector.shape_cast %slice3A_767 : vector<200x1xi32> to vector<200x1xi32>
    %broadcast_in_dim3A_770 = vector.broadcast %broadcast_in_dim3A_769 : vector<200x1xi32> to vector<200x50xi32>
    %broadcast_in_dim3A_771 = vector.broadcast %jit3A_768 : i32 to vector<200x50xi32>
    %select_n3A_772 = arith.select %eq3A_766, %broadcast_in_dim3A_770, %broadcast_in_dim3A_771 : vector<200x50xi1>, vector<200x50xi32>
    %add3A_773 = arith.addi %add3A_762, %select_n3A_772 : vector<200x50xi32>
    %slice3A_774 = vector.extract_strided_slice %add3A_378 {offsets = [0, 36], sizes = [200, 1], strides = [1, 1]} : vector<200x50xi32> to vector<200x1xi32>
    %eq3A_775 = vector.broadcast %slice3A_774 : vector<200x1xi32> to vector<200x50xi32>
    %eq3A_776 = vector.broadcast %iota3A : vector<1x50xi32> to vector<200x50xi32>
    %eq3A_777 = arith.cmpi eq, %eq3A_775, %eq3A_776 : vector<200x50xi32>
    %slice3A_778 = vector.extract_strided_slice %get3A_24 {offsets = [0, 36], sizes = [200, 1], strides = [1, 1]} : vector<200x50xi32> to vector<200x1xi32>
    %jit3A_779 = arith.constant 0 : i32
    %broadcast_in_dim3A_780 = vector.shape_cast %slice3A_778 : vector<200x1xi32> to vector<200x1xi32>
    %broadcast_in_dim3A_781 = vector.broadcast %broadcast_in_dim3A_780 : vector<200x1xi32> to vector<200x50xi32>
    %broadcast_in_dim3A_782 = vector.broadcast %jit3A_779 : i32 to vector<200x50xi32>
    %select_n3A_783 = arith.select %eq3A_777, %broadcast_in_dim3A_781, %broadcast_in_dim3A_782 : vector<200x50xi1>, vector<200x50xi32>
    %add3A_784 = arith.addi %add3A_773, %select_n3A_783 : vector<200x50xi32>
    %slice3A_785 = vector.extract_strided_slice %add3A_378 {offsets = [0, 37], sizes = [200, 1], strides = [1, 1]} : vector<200x50xi32> to vector<200x1xi32>
    %eq3A_786 = vector.broadcast %slice3A_785 : vector<200x1xi32> to vector<200x50xi32>
    %eq3A_787 = vector.broadcast %iota3A : vector<1x50xi32> to vector<200x50xi32>
    %eq3A_788 = arith.cmpi eq, %eq3A_786, %eq3A_787 : vector<200x50xi32>
    %slice3A_789 = vector.extract_strided_slice %get3A_24 {offsets = [0, 37], sizes = [200, 1], strides = [1, 1]} : vector<200x50xi32> to vector<200x1xi32>
    %jit3A_790 = arith.constant 0 : i32
    %broadcast_in_dim3A_791 = vector.shape_cast %slice3A_789 : vector<200x1xi32> to vector<200x1xi32>
    %broadcast_in_dim3A_792 = vector.broadcast %broadcast_in_dim3A_791 : vector<200x1xi32> to vector<200x50xi32>
    %broadcast_in_dim3A_793 = vector.broadcast %jit3A_790 : i32 to vector<200x50xi32>
    %select_n3A_794 = arith.select %eq3A_788, %broadcast_in_dim3A_792, %broadcast_in_dim3A_793 : vector<200x50xi1>, vector<200x50xi32>
    %add3A_795 = arith.addi %add3A_784, %select_n3A_794 : vector<200x50xi32>
    %slice3A_796 = vector.extract_strided_slice %add3A_378 {offsets = [0, 38], sizes = [200, 1], strides = [1, 1]} : vector<200x50xi32> to vector<200x1xi32>
    %eq3A_797 = vector.broadcast %slice3A_796 : vector<200x1xi32> to vector<200x50xi32>
    %eq3A_798 = vector.broadcast %iota3A : vector<1x50xi32> to vector<200x50xi32>
    %eq3A_799 = arith.cmpi eq, %eq3A_797, %eq3A_798 : vector<200x50xi32>
    %slice3A_800 = vector.extract_strided_slice %get3A_24 {offsets = [0, 38], sizes = [200, 1], strides = [1, 1]} : vector<200x50xi32> to vector<200x1xi32>
    %jit3A_801 = arith.constant 0 : i32
    %broadcast_in_dim3A_802 = vector.shape_cast %slice3A_800 : vector<200x1xi32> to vector<200x1xi32>
    %broadcast_in_dim3A_803 = vector.broadcast %broadcast_in_dim3A_802 : vector<200x1xi32> to vector<200x50xi32>
    %broadcast_in_dim3A_804 = vector.broadcast %jit3A_801 : i32 to vector<200x50xi32>
    %select_n3A_805 = arith.select %eq3A_799, %broadcast_in_dim3A_803, %broadcast_in_dim3A_804 : vector<200x50xi1>, vector<200x50xi32>
    %add3A_806 = arith.addi %add3A_795, %select_n3A_805 : vector<200x50xi32>
    %slice3A_807 = vector.extract_strided_slice %add3A_378 {offsets = [0, 39], sizes = [200, 1], strides = [1, 1]} : vector<200x50xi32> to vector<200x1xi32>
    %eq3A_808 = vector.broadcast %slice3A_807 : vector<200x1xi32> to vector<200x50xi32>
    %eq3A_809 = vector.broadcast %iota3A : vector<1x50xi32> to vector<200x50xi32>
    %eq3A_810 = arith.cmpi eq, %eq3A_808, %eq3A_809 : vector<200x50xi32>
    %slice3A_811 = vector.extract_strided_slice %get3A_24 {offsets = [0, 39], sizes = [200, 1], strides = [1, 1]} : vector<200x50xi32> to vector<200x1xi32>
    %jit3A_812 = arith.constant 0 : i32
    %broadcast_in_dim3A_813 = vector.shape_cast %slice3A_811 : vector<200x1xi32> to vector<200x1xi32>
    %broadcast_in_dim3A_814 = vector.broadcast %broadcast_in_dim3A_813 : vector<200x1xi32> to vector<200x50xi32>
    %broadcast_in_dim3A_815 = vector.broadcast %jit3A_812 : i32 to vector<200x50xi32>
    %select_n3A_816 = arith.select %eq3A_810, %broadcast_in_dim3A_814, %broadcast_in_dim3A_815 : vector<200x50xi1>, vector<200x50xi32>
    %add3A_817 = arith.addi %add3A_806, %select_n3A_816 : vector<200x50xi32>
    %slice3A_818 = vector.extract_strided_slice %add3A_378 {offsets = [0, 40], sizes = [200, 1], strides = [1, 1]} : vector<200x50xi32> to vector<200x1xi32>
    %eq3A_819 = vector.broadcast %slice3A_818 : vector<200x1xi32> to vector<200x50xi32>
    %eq3A_820 = vector.broadcast %iota3A : vector<1x50xi32> to vector<200x50xi32>
    %eq3A_821 = arith.cmpi eq, %eq3A_819, %eq3A_820 : vector<200x50xi32>
    %slice3A_822 = vector.extract_strided_slice %get3A_24 {offsets = [0, 40], sizes = [200, 1], strides = [1, 1]} : vector<200x50xi32> to vector<200x1xi32>
    %jit3A_823 = arith.constant 0 : i32
    %broadcast_in_dim3A_824 = vector.shape_cast %slice3A_822 : vector<200x1xi32> to vector<200x1xi32>
    %broadcast_in_dim3A_825 = vector.broadcast %broadcast_in_dim3A_824 : vector<200x1xi32> to vector<200x50xi32>
    %broadcast_in_dim3A_826 = vector.broadcast %jit3A_823 : i32 to vector<200x50xi32>
    %select_n3A_827 = arith.select %eq3A_821, %broadcast_in_dim3A_825, %broadcast_in_dim3A_826 : vector<200x50xi1>, vector<200x50xi32>
    %add3A_828 = arith.addi %add3A_817, %select_n3A_827 : vector<200x50xi32>
    %slice3A_829 = vector.extract_strided_slice %add3A_378 {offsets = [0, 41], sizes = [200, 1], strides = [1, 1]} : vector<200x50xi32> to vector<200x1xi32>
    %eq3A_830 = vector.broadcast %slice3A_829 : vector<200x1xi32> to vector<200x50xi32>
    %eq3A_831 = vector.broadcast %iota3A : vector<1x50xi32> to vector<200x50xi32>
    %eq3A_832 = arith.cmpi eq, %eq3A_830, %eq3A_831 : vector<200x50xi32>
    %slice3A_833 = vector.extract_strided_slice %get3A_24 {offsets = [0, 41], sizes = [200, 1], strides = [1, 1]} : vector<200x50xi32> to vector<200x1xi32>
    %jit3A_834 = arith.constant 0 : i32
    %broadcast_in_dim3A_835 = vector.shape_cast %slice3A_833 : vector<200x1xi32> to vector<200x1xi32>
    %broadcast_in_dim3A_836 = vector.broadcast %broadcast_in_dim3A_835 : vector<200x1xi32> to vector<200x50xi32>
    %broadcast_in_dim3A_837 = vector.broadcast %jit3A_834 : i32 to vector<200x50xi32>
    %select_n3A_838 = arith.select %eq3A_832, %broadcast_in_dim3A_836, %broadcast_in_dim3A_837 : vector<200x50xi1>, vector<200x50xi32>
    %add3A_839 = arith.addi %add3A_828, %select_n3A_838 : vector<200x50xi32>
    %slice3A_840 = vector.extract_strided_slice %add3A_378 {offsets = [0, 42], sizes = [200, 1], strides = [1, 1]} : vector<200x50xi32> to vector<200x1xi32>
    %eq3A_841 = vector.broadcast %slice3A_840 : vector<200x1xi32> to vector<200x50xi32>
    %eq3A_842 = vector.broadcast %iota3A : vector<1x50xi32> to vector<200x50xi32>
    %eq3A_843 = arith.cmpi eq, %eq3A_841, %eq3A_842 : vector<200x50xi32>
    %slice3A_844 = vector.extract_strided_slice %get3A_24 {offsets = [0, 42], sizes = [200, 1], strides = [1, 1]} : vector<200x50xi32> to vector<200x1xi32>
    %jit3A_845 = arith.constant 0 : i32
    %broadcast_in_dim3A_846 = vector.shape_cast %slice3A_844 : vector<200x1xi32> to vector<200x1xi32>
    %broadcast_in_dim3A_847 = vector.broadcast %broadcast_in_dim3A_846 : vector<200x1xi32> to vector<200x50xi32>
    %broadcast_in_dim3A_848 = vector.broadcast %jit3A_845 : i32 to vector<200x50xi32>
    %select_n3A_849 = arith.select %eq3A_843, %broadcast_in_dim3A_847, %broadcast_in_dim3A_848 : vector<200x50xi1>, vector<200x50xi32>
    %add3A_850 = arith.addi %add3A_839, %select_n3A_849 : vector<200x50xi32>
    %slice3A_851 = vector.extract_strided_slice %add3A_378 {offsets = [0, 43], sizes = [200, 1], strides = [1, 1]} : vector<200x50xi32> to vector<200x1xi32>
    %eq3A_852 = vector.broadcast %slice3A_851 : vector<200x1xi32> to vector<200x50xi32>
    %eq3A_853 = vector.broadcast %iota3A : vector<1x50xi32> to vector<200x50xi32>
    %eq3A_854 = arith.cmpi eq, %eq3A_852, %eq3A_853 : vector<200x50xi32>
    %slice3A_855 = vector.extract_strided_slice %get3A_24 {offsets = [0, 43], sizes = [200, 1], strides = [1, 1]} : vector<200x50xi32> to vector<200x1xi32>
    %jit3A_856 = arith.constant 0 : i32
    %broadcast_in_dim3A_857 = vector.shape_cast %slice3A_855 : vector<200x1xi32> to vector<200x1xi32>
    %broadcast_in_dim3A_858 = vector.broadcast %broadcast_in_dim3A_857 : vector<200x1xi32> to vector<200x50xi32>
    %broadcast_in_dim3A_859 = vector.broadcast %jit3A_856 : i32 to vector<200x50xi32>
    %select_n3A_860 = arith.select %eq3A_854, %broadcast_in_dim3A_858, %broadcast_in_dim3A_859 : vector<200x50xi1>, vector<200x50xi32>
    %add3A_861 = arith.addi %add3A_850, %select_n3A_860 : vector<200x50xi32>
    %slice3A_862 = vector.extract_strided_slice %add3A_378 {offsets = [0, 44], sizes = [200, 1], strides = [1, 1]} : vector<200x50xi32> to vector<200x1xi32>
    %eq3A_863 = vector.broadcast %slice3A_862 : vector<200x1xi32> to vector<200x50xi32>
    %eq3A_864 = vector.broadcast %iota3A : vector<1x50xi32> to vector<200x50xi32>
    %eq3A_865 = arith.cmpi eq, %eq3A_863, %eq3A_864 : vector<200x50xi32>
    %slice3A_866 = vector.extract_strided_slice %get3A_24 {offsets = [0, 44], sizes = [200, 1], strides = [1, 1]} : vector<200x50xi32> to vector<200x1xi32>
    %jit3A_867 = arith.constant 0 : i32
    %broadcast_in_dim3A_868 = vector.shape_cast %slice3A_866 : vector<200x1xi32> to vector<200x1xi32>
    %broadcast_in_dim3A_869 = vector.broadcast %broadcast_in_dim3A_868 : vector<200x1xi32> to vector<200x50xi32>
    %broadcast_in_dim3A_870 = vector.broadcast %jit3A_867 : i32 to vector<200x50xi32>
    %select_n3A_871 = arith.select %eq3A_865, %broadcast_in_dim3A_869, %broadcast_in_dim3A_870 : vector<200x50xi1>, vector<200x50xi32>
    %add3A_872 = arith.addi %add3A_861, %select_n3A_871 : vector<200x50xi32>
    %slice3A_873 = vector.extract_strided_slice %add3A_378 {offsets = [0, 45], sizes = [200, 1], strides = [1, 1]} : vector<200x50xi32> to vector<200x1xi32>
    %eq3A_874 = vector.broadcast %slice3A_873 : vector<200x1xi32> to vector<200x50xi32>
    %eq3A_875 = vector.broadcast %iota3A : vector<1x50xi32> to vector<200x50xi32>
    %eq3A_876 = arith.cmpi eq, %eq3A_874, %eq3A_875 : vector<200x50xi32>
    %slice3A_877 = vector.extract_strided_slice %get3A_24 {offsets = [0, 45], sizes = [200, 1], strides = [1, 1]} : vector<200x50xi32> to vector<200x1xi32>
    %jit3A_878 = arith.constant 0 : i32
    %broadcast_in_dim3A_879 = vector.shape_cast %slice3A_877 : vector<200x1xi32> to vector<200x1xi32>
    %broadcast_in_dim3A_880 = vector.broadcast %broadcast_in_dim3A_879 : vector<200x1xi32> to vector<200x50xi32>
    %broadcast_in_dim3A_881 = vector.broadcast %jit3A_878 : i32 to vector<200x50xi32>
    %select_n3A_882 = arith.select %eq3A_876, %broadcast_in_dim3A_880, %broadcast_in_dim3A_881 : vector<200x50xi1>, vector<200x50xi32>
    %add3A_883 = arith.addi %add3A_872, %select_n3A_882 : vector<200x50xi32>
    %slice3A_884 = vector.extract_strided_slice %add3A_378 {offsets = [0, 46], sizes = [200, 1], strides = [1, 1]} : vector<200x50xi32> to vector<200x1xi32>
    %eq3A_885 = vector.broadcast %slice3A_884 : vector<200x1xi32> to vector<200x50xi32>
    %eq3A_886 = vector.broadcast %iota3A : vector<1x50xi32> to vector<200x50xi32>
    %eq3A_887 = arith.cmpi eq, %eq3A_885, %eq3A_886 : vector<200x50xi32>
    %slice3A_888 = vector.extract_strided_slice %get3A_24 {offsets = [0, 46], sizes = [200, 1], strides = [1, 1]} : vector<200x50xi32> to vector<200x1xi32>
    %jit3A_889 = arith.constant 0 : i32
    %broadcast_in_dim3A_890 = vector.shape_cast %slice3A_888 : vector<200x1xi32> to vector<200x1xi32>
    %broadcast_in_dim3A_891 = vector.broadcast %broadcast_in_dim3A_890 : vector<200x1xi32> to vector<200x50xi32>
    %broadcast_in_dim3A_892 = vector.broadcast %jit3A_889 : i32 to vector<200x50xi32>
    %select_n3A_893 = arith.select %eq3A_887, %broadcast_in_dim3A_891, %broadcast_in_dim3A_892 : vector<200x50xi1>, vector<200x50xi32>
    %add3A_894 = arith.addi %add3A_883, %select_n3A_893 : vector<200x50xi32>
    %slice3A_895 = vector.extract_strided_slice %add3A_378 {offsets = [0, 47], sizes = [200, 1], strides = [1, 1]} : vector<200x50xi32> to vector<200x1xi32>
    %eq3A_896 = vector.broadcast %slice3A_895 : vector<200x1xi32> to vector<200x50xi32>
    %eq3A_897 = vector.broadcast %iota3A : vector<1x50xi32> to vector<200x50xi32>
    %eq3A_898 = arith.cmpi eq, %eq3A_896, %eq3A_897 : vector<200x50xi32>
    %slice3A_899 = vector.extract_strided_slice %get3A_24 {offsets = [0, 47], sizes = [200, 1], strides = [1, 1]} : vector<200x50xi32> to vector<200x1xi32>
    %jit3A_900 = arith.constant 0 : i32
    %broadcast_in_dim3A_901 = vector.shape_cast %slice3A_899 : vector<200x1xi32> to vector<200x1xi32>
    %broadcast_in_dim3A_902 = vector.broadcast %broadcast_in_dim3A_901 : vector<200x1xi32> to vector<200x50xi32>
    %broadcast_in_dim3A_903 = vector.broadcast %jit3A_900 : i32 to vector<200x50xi32>
    %select_n3A_904 = arith.select %eq3A_898, %broadcast_in_dim3A_902, %broadcast_in_dim3A_903 : vector<200x50xi1>, vector<200x50xi32>
    %add3A_905 = arith.addi %add3A_894, %select_n3A_904 : vector<200x50xi32>
    %slice3A_906 = vector.extract_strided_slice %add3A_378 {offsets = [0, 48], sizes = [200, 1], strides = [1, 1]} : vector<200x50xi32> to vector<200x1xi32>
    %eq3A_907 = vector.broadcast %slice3A_906 : vector<200x1xi32> to vector<200x50xi32>
    %eq3A_908 = vector.broadcast %iota3A : vector<1x50xi32> to vector<200x50xi32>
    %eq3A_909 = arith.cmpi eq, %eq3A_907, %eq3A_908 : vector<200x50xi32>
    %slice3A_910 = vector.extract_strided_slice %get3A_24 {offsets = [0, 48], sizes = [200, 1], strides = [1, 1]} : vector<200x50xi32> to vector<200x1xi32>
    %jit3A_911 = arith.constant 0 : i32
    %broadcast_in_dim3A_912 = vector.shape_cast %slice3A_910 : vector<200x1xi32> to vector<200x1xi32>
    %broadcast_in_dim3A_913 = vector.broadcast %broadcast_in_dim3A_912 : vector<200x1xi32> to vector<200x50xi32>
    %broadcast_in_dim3A_914 = vector.broadcast %jit3A_911 : i32 to vector<200x50xi32>
    %select_n3A_915 = arith.select %eq3A_909, %broadcast_in_dim3A_913, %broadcast_in_dim3A_914 : vector<200x50xi1>, vector<200x50xi32>
    %add3A_916 = arith.addi %add3A_905, %select_n3A_915 : vector<200x50xi32>
    %slice3A_917 = vector.extract_strided_slice %add3A_378 {offsets = [0, 49], sizes = [200, 1], strides = [1, 1]} : vector<200x50xi32> to vector<200x1xi32>
    %eq3A_918 = vector.broadcast %slice3A_917 : vector<200x1xi32> to vector<200x50xi32>
    %eq3A_919 = vector.broadcast %iota3A : vector<1x50xi32> to vector<200x50xi32>
    %eq3A_920 = arith.cmpi eq, %eq3A_918, %eq3A_919 : vector<200x50xi32>
    %slice3A_921 = vector.extract_strided_slice %get3A_24 {offsets = [0, 49], sizes = [200, 1], strides = [1, 1]} : vector<200x50xi32> to vector<200x1xi32>
    %jit3A_922 = arith.constant 0 : i32
    %broadcast_in_dim3A_923 = vector.shape_cast %slice3A_921 : vector<200x1xi32> to vector<200x1xi32>
    %broadcast_in_dim3A_924 = vector.broadcast %broadcast_in_dim3A_923 : vector<200x1xi32> to vector<200x50xi32>
    %broadcast_in_dim3A_925 = vector.broadcast %jit3A_922 : i32 to vector<200x50xi32>
    %select_n3A_926 = arith.select %eq3A_920, %broadcast_in_dim3A_924, %broadcast_in_dim3A_925 : vector<200x50xi1>, vector<200x50xi32>
    %add3A_927 = arith.addi %add3A_916, %select_n3A_926 : vector<200x50xi32>
    %reduce_max3A = arith.constant dense<-2147483648> : vector<200xi32>
    %reduce_max3A_928 = vector.multi_reduction <maxsi>, %get3A_21, %reduce_max3A [1] : vector<200x50xi32> to vector<200xi32>
    %broadcast_in_dim3A_929 = vector.shape_cast %reduce_max3A_928 : vector<200xi32> to vector<200x1xi32>
    %eq3A_930 = vector.broadcast %broadcast_in_dim3A_929 : vector<200x1xi32> to vector<200x50xi32>
    %eq3A_931 = arith.cmpi eq, %get3A_21, %eq3A_930 : vector<200x50xi32>
    %jit3A_932 = arith.constant 50 : i32
    %broadcast_in_dim3A_933 = vector.shape_cast %iota3A : vector<1x50xi32> to vector<1x50xi32>
    %broadcast_in_dim3A_934 = vector.broadcast %broadcast_in_dim3A_933 : vector<1x50xi32> to vector<200x50xi32>
    %broadcast_in_dim3A_935 = vector.broadcast %jit3A_932 : i32 to vector<200x50xi32>
    %select_n3A_936 = arith.select %eq3A_931, %broadcast_in_dim3A_934, %broadcast_in_dim3A_935 : vector<200x50xi1>, vector<200x50xi32>
    %reduce_min3A = arith.constant dense<2147483647> : vector<200xi32>
    %reduce_min3A_937 = vector.multi_reduction <minsi>, %select_n3A_936, %reduce_min3A [1] : vector<200x50xi32> to vector<200xi32>
    %broadcast_in_dim3A_938 = vector.shape_cast %reduce_min3A_937 : vector<200xi32> to vector<200x1xi32>
    %eq3A_939 = vector.broadcast %iota3A : vector<1x50xi32> to vector<200x50xi32>
    %eq3A_940 = vector.broadcast %broadcast_in_dim3A_938 : vector<200x1xi32> to vector<200x50xi32>
    %eq3A_941 = arith.cmpi eq, %eq3A_939, %eq3A_940 : vector<200x50xi32>
    %jit3A_942 = arith.constant 0 : i32
    %broadcast_in_dim3A_943 = vector.broadcast %jit3A_942 : i32 to vector<200x50xi32>
    %select_n3A_944 = arith.select %eq3A_941, %get3A_24, %broadcast_in_dim3A_943 : vector<200x50xi1>, vector<200x50xi32>
    %reduce_sum3A = arith.constant dense<0> : vector<200xi32>
    %reduce_sum3A_945 = vector.multi_reduction <add>, %select_n3A_944, %reduce_sum3A [1] : vector<200x50xi32> to vector<200xi32>
    %broadcast_in_dim3A_946 = vector.shape_cast %reduce_sum3A_945 : vector<200xi32> to vector<200x1xi32>
    %broadcast_in_dim3A_947 = arith.constant 0 : i32
    %broadcast_in_dim3A_948 = vector.broadcast %broadcast_in_dim3A_947 : i32 to vector<200x5xi32>
    %concatenate3A = tpu.concatenate %add3A_927, %broadcast_in_dim3A_946, %broadcast_in_dim3A_948 in 1 : vector<200x50xi32>, vector<200x1xi32>, vector<200x5xi32> -> vector<200x56xi32>
    %add3A_949 = arith.constant 0 : i32
    %add3A_950 = vector.broadcast %add3A_949 : i32 to vector<200x56xi32>
    %add3A_951 = arith.addi %concatenate3A, %add3A_950 : vector<200x56xi32>
    %swap3A_952 = arith.constant 0 : index
    %swap3A_953 = arith.constant 0 : index
    %swap3A_954 = vector.load %arg11[%swap3A_952, %swap3A_953] : memref<200x56xi32, #tpu.memory_space<vmem>>, vector<200x56xi32>
    tpu.vector_store %arg11[%swap3A_952, %swap3A_953], %add3A_951 {strides = array<i32>} : memref<200x56xi32, #tpu.memory_space<vmem>>, vector<200x56xi32>,
    %get3A_955 = arith.constant 0 : index
    %get3A_956 = arith.constant 0 : index
    %get3A_957 = vector.load %arg6[%get3A_955, %get3A_956] : memref<200x50xi32, #tpu.memory_space<vmem>>, vector<200x50xi32>
    %get3A_958 = arith.constant 0 : index
    %get3A_959 = arith.constant 0 : index
    %get3A_960 = vector.load %arg5[%get3A_958, %get3A_959] : memref<200x50xi32, #tpu.memory_space<vmem>>, vector<200x50xi32>
    %iota3A_961 = tpu.iota {dimensions = array<i32: 1>} : vector<1x50xi32>
    %mul3A_962 = arith.constant 64 : i32
    %mul3A_963 = vector.broadcast %mul3A_962 : i32 to vector<200x50xi32>
    %mul3A_964 = arith.muli %get3A_957, %mul3A_963 : vector<200x50xi32>
    %add3A_965 = vector.broadcast %iota3A_961 : vector<1x50xi32> to vector<200x50xi32>
    %add3A_966 = arith.addi %mul3A_964, %add3A_965 : vector<200x50xi32>
    %broadcast_in_dim3A_967 = arith.constant 0 : i32
    %broadcast_in_dim3A_968 = vector.broadcast %broadcast_in_dim3A_967 : i32 to vector<200x50xi32>
    %slice3A_969 = vector.extract_strided_slice %add3A_966 {offsets = [0, 0], sizes = [200, 1], strides = [1, 1]} : vector<200x50xi32> to vector<200x1xi32>
    %sub3A_970 = vector.broadcast %slice3A_969 : vector<200x1xi32> to vector<200x50xi32>
    %sub3A_971 = arith.subi %sub3A_970, %add3A_966 : vector<200x50xi32>
    %shift_right_arithmetic3A_972 = arith.constant 31 : i32
    %shift_right_arithmetic3A_973 = vector.broadcast %shift_right_arithmetic3A_972 : i32 to vector<200x50xi32>
    %shift_right_arithmetic3A_974 = arith.shrsi %sub3A_971, %shift_right_arithmetic3A_973 : vector<200x50xi32>
    %add3A_975 = arith.addi %broadcast_in_dim3A_968, %shift_right_arithmetic3A_974 : vector<200x50xi32>
    %slice3A_976 = vector.extract_strided_slice %add3A_966 {offsets = [0, 1], sizes = [200, 1], strides = [1, 1]} : vector<200x50xi32> to vector<200x1xi32>
    %sub3A_977 = vector.broadcast %slice3A_976 : vector<200x1xi32> to vector<200x50xi32>
    %sub3A_978 = arith.subi %sub3A_977, %add3A_966 : vector<200x50xi32>
    %shift_right_arithmetic3A_979 = arith.constant 31 : i32
    %shift_right_arithmetic3A_980 = vector.broadcast %shift_right_arithmetic3A_979 : i32 to vector<200x50xi32>
    %shift_right_arithmetic3A_981 = arith.shrsi %sub3A_978, %shift_right_arithmetic3A_980 : vector<200x50xi32>
    %add3A_982 = arith.addi %add3A_975, %shift_right_arithmetic3A_981 : vector<200x50xi32>
    %slice3A_983 = vector.extract_strided_slice %add3A_966 {offsets = [0, 2], sizes = [200, 1], strides = [1, 1]} : vector<200x50xi32> to vector<200x1xi32>
    %sub3A_984 = vector.broadcast %slice3A_983 : vector<200x1xi32> to vector<200x50xi32>
    %sub3A_985 = arith.subi %sub3A_984, %add3A_966 : vector<200x50xi32>
    %shift_right_arithmetic3A_986 = arith.constant 31 : i32
    %shift_right_arithmetic3A_987 = vector.broadcast %shift_right_arithmetic3A_986 : i32 to vector<200x50xi32>
    %shift_right_arithmetic3A_988 = arith.shrsi %sub3A_985, %shift_right_arithmetic3A_987 : vector<200x50xi32>
    %add3A_989 = arith.addi %add3A_982, %shift_right_arithmetic3A_988 : vector<200x50xi32>
    %slice3A_990 = vector.extract_strided_slice %add3A_966 {offsets = [0, 3], sizes = [200, 1], strides = [1, 1]} : vector<200x50xi32> to vector<200x1xi32>
    %sub3A_991 = vector.broadcast %slice3A_990 : vector<200x1xi32> to vector<200x50xi32>
    %sub3A_992 = arith.subi %sub3A_991, %add3A_966 : vector<200x50xi32>
    %shift_right_arithmetic3A_993 = arith.constant 31 : i32
    %shift_right_arithmetic3A_994 = vector.broadcast %shift_right_arithmetic3A_993 : i32 to vector<200x50xi32>
    %shift_right_arithmetic3A_995 = arith.shrsi %sub3A_992, %shift_right_arithmetic3A_994 : vector<200x50xi32>
    %add3A_996 = arith.addi %add3A_989, %shift_right_arithmetic3A_995 : vector<200x50xi32>
    %slice3A_997 = vector.extract_strided_slice %add3A_966 {offsets = [0, 4], sizes = [200, 1], strides = [1, 1]} : vector<200x50xi32> to vector<200x1xi32>
    %sub3A_998 = vector.broadcast %slice3A_997 : vector<200x1xi32> to vector<200x50xi32>
    %sub3A_999 = arith.subi %sub3A_998, %add3A_966 : vector<200x50xi32>
    %shift_right_arithmetic3A_1000 = arith.constant 31 : i32
    %shift_right_arithmetic3A_1001 = vector.broadcast %shift_right_arithmetic3A_1000 : i32 to vector<200x50xi32>
    %shift_right_arithmetic3A_1002 = arith.shrsi %sub3A_999, %shift_right_arithmetic3A_1001 : vector<200x50xi32>
    %add3A_1003 = arith.addi %add3A_996, %shift_right_arithmetic3A_1002 : vector<200x50xi32>
    %slice3A_1004 = vector.extract_strided_slice %add3A_966 {offsets = [0, 5], sizes = [200, 1], strides = [1, 1]} : vector<200x50xi32> to vector<200x1xi32>
    %sub3A_1005 = vector.broadcast %slice3A_1004 : vector<200x1xi32> to vector<200x50xi32>
    %sub3A_1006 = arith.subi %sub3A_1005, %add3A_966 : vector<200x50xi32>
    %shift_right_arithmetic3A_1007 = arith.constant 31 : i32
    %shift_right_arithmetic3A_1008 = vector.broadcast %shift_right_arithmetic3A_1007 : i32 to vector<200x50xi32>
    %shift_right_arithmetic3A_1009 = arith.shrsi %sub3A_1006, %shift_right_arithmetic3A_1008 : vector<200x50xi32>
    %add3A_1010 = arith.addi %add3A_1003, %shift_right_arithmetic3A_1009 : vector<200x50xi32>
    %slice3A_1011 = vector.extract_strided_slice %add3A_966 {offsets = [0, 6], sizes = [200, 1], strides = [1, 1]} : vector<200x50xi32> to vector<200x1xi32>
    %sub3A_1012 = vector.broadcast %slice3A_1011 : vector<200x1xi32> to vector<200x50xi32>
    %sub3A_1013 = arith.subi %sub3A_1012, %add3A_966 : vector<200x50xi32>
    %shift_right_arithmetic3A_1014 = arith.constant 31 : i32
    %shift_right_arithmetic3A_1015 = vector.broadcast %shift_right_arithmetic3A_1014 : i32 to vector<200x50xi32>
    %shift_right_arithmetic3A_1016 = arith.shrsi %sub3A_1013, %shift_right_arithmetic3A_1015 : vector<200x50xi32>
    %add3A_1017 = arith.addi %add3A_1010, %shift_right_arithmetic3A_1016 : vector<200x50xi32>
    %slice3A_1018 = vector.extract_strided_slice %add3A_966 {offsets = [0, 7], sizes = [200, 1], strides = [1, 1]} : vector<200x50xi32> to vector<200x1xi32>
    %sub3A_1019 = vector.broadcast %slice3A_1018 : vector<200x1xi32> to vector<200x50xi32>
    %sub3A_1020 = arith.subi %sub3A_1019, %add3A_966 : vector<200x50xi32>
    %shift_right_arithmetic3A_1021 = arith.constant 31 : i32
    %shift_right_arithmetic3A_1022 = vector.broadcast %shift_right_arithmetic3A_1021 : i32 to vector<200x50xi32>
    %shift_right_arithmetic3A_1023 = arith.shrsi %sub3A_1020, %shift_right_arithmetic3A_1022 : vector<200x50xi32>
    %add3A_1024 = arith.addi %add3A_1017, %shift_right_arithmetic3A_1023 : vector<200x50xi32>
    %slice3A_1025 = vector.extract_strided_slice %add3A_966 {offsets = [0, 8], sizes = [200, 1], strides = [1, 1]} : vector<200x50xi32> to vector<200x1xi32>
    %sub3A_1026 = vector.broadcast %slice3A_1025 : vector<200x1xi32> to vector<200x50xi32>
    %sub3A_1027 = arith.subi %sub3A_1026, %add3A_966 : vector<200x50xi32>
    %shift_right_arithmetic3A_1028 = arith.constant 31 : i32
    %shift_right_arithmetic3A_1029 = vector.broadcast %shift_right_arithmetic3A_1028 : i32 to vector<200x50xi32>
    %shift_right_arithmetic3A_1030 = arith.shrsi %sub3A_1027, %shift_right_arithmetic3A_1029 : vector<200x50xi32>
    %add3A_1031 = arith.addi %add3A_1024, %shift_right_arithmetic3A_1030 : vector<200x50xi32>
    %slice3A_1032 = vector.extract_strided_slice %add3A_966 {offsets = [0, 9], sizes = [200, 1], strides = [1, 1]} : vector<200x50xi32> to vector<200x1xi32>
    %sub3A_1033 = vector.broadcast %slice3A_1032 : vector<200x1xi32> to vector<200x50xi32>
    %sub3A_1034 = arith.subi %sub3A_1033, %add3A_966 : vector<200x50xi32>
    %shift_right_arithmetic3A_1035 = arith.constant 31 : i32
    %shift_right_arithmetic3A_1036 = vector.broadcast %shift_right_arithmetic3A_1035 : i32 to vector<200x50xi32>
    %shift_right_arithmetic3A_1037 = arith.shrsi %sub3A_1034, %shift_right_arithmetic3A_1036 : vector<200x50xi32>
    %add3A_1038 = arith.addi %add3A_1031, %shift_right_arithmetic3A_1037 : vector<200x50xi32>
    %slice3A_1039 = vector.extract_strided_slice %add3A_966 {offsets = [0, 10], sizes = [200, 1], strides = [1, 1]} : vector<200x50xi32> to vector<200x1xi32>
    %sub3A_1040 = vector.broadcast %slice3A_1039 : vector<200x1xi32> to vector<200x50xi32>
    %sub3A_1041 = arith.subi %sub3A_1040, %add3A_966 : vector<200x50xi32>
    %shift_right_arithmetic3A_1042 = arith.constant 31 : i32
    %shift_right_arithmetic3A_1043 = vector.broadcast %shift_right_arithmetic3A_1042 : i32 to vector<200x50xi32>
    %shift_right_arithmetic3A_1044 = arith.shrsi %sub3A_1041, %shift_right_arithmetic3A_1043 : vector<200x50xi32>
    %add3A_1045 = arith.addi %add3A_1038, %shift_right_arithmetic3A_1044 : vector<200x50xi32>
    %slice3A_1046 = vector.extract_strided_slice %add3A_966 {offsets = [0, 11], sizes = [200, 1], strides = [1, 1]} : vector<200x50xi32> to vector<200x1xi32>
    %sub3A_1047 = vector.broadcast %slice3A_1046 : vector<200x1xi32> to vector<200x50xi32>
    %sub3A_1048 = arith.subi %sub3A_1047, %add3A_966 : vector<200x50xi32>
    %shift_right_arithmetic3A_1049 = arith.constant 31 : i32
    %shift_right_arithmetic3A_1050 = vector.broadcast %shift_right_arithmetic3A_1049 : i32 to vector<200x50xi32>
    %shift_right_arithmetic3A_1051 = arith.shrsi %sub3A_1048, %shift_right_arithmetic3A_1050 : vector<200x50xi32>
    %add3A_1052 = arith.addi %add3A_1045, %shift_right_arithmetic3A_1051 : vector<200x50xi32>
    %slice3A_1053 = vector.extract_strided_slice %add3A_966 {offsets = [0, 12], sizes = [200, 1], strides = [1, 1]} : vector<200x50xi32> to vector<200x1xi32>
    %sub3A_1054 = vector.broadcast %slice3A_1053 : vector<200x1xi32> to vector<200x50xi32>
    %sub3A_1055 = arith.subi %sub3A_1054, %add3A_966 : vector<200x50xi32>
    %shift_right_arithmetic3A_1056 = arith.constant 31 : i32
    %shift_right_arithmetic3A_1057 = vector.broadcast %shift_right_arithmetic3A_1056 : i32 to vector<200x50xi32>
    %shift_right_arithmetic3A_1058 = arith.shrsi %sub3A_1055, %shift_right_arithmetic3A_1057 : vector<200x50xi32>
    %add3A_1059 = arith.addi %add3A_1052, %shift_right_arithmetic3A_1058 : vector<200x50xi32>
    %slice3A_1060 = vector.extract_strided_slice %add3A_966 {offsets = [0, 13], sizes = [200, 1], strides = [1, 1]} : vector<200x50xi32> to vector<200x1xi32>
    %sub3A_1061 = vector.broadcast %slice3A_1060 : vector<200x1xi32> to vector<200x50xi32>
    %sub3A_1062 = arith.subi %sub3A_1061, %add3A_966 : vector<200x50xi32>
    %shift_right_arithmetic3A_1063 = arith.constant 31 : i32
    %shift_right_arithmetic3A_1064 = vector.broadcast %shift_right_arithmetic3A_1063 : i32 to vector<200x50xi32>
    %shift_right_arithmetic3A_1065 = arith.shrsi %sub3A_1062, %shift_right_arithmetic3A_1064 : vector<200x50xi32>
    %add3A_1066 = arith.addi %add3A_1059, %shift_right_arithmetic3A_1065 : vector<200x50xi32>
    %slice3A_1067 = vector.extract_strided_slice %add3A_966 {offsets = [0, 14], sizes = [200, 1], strides = [1, 1]} : vector<200x50xi32> to vector<200x1xi32>
    %sub3A_1068 = vector.broadcast %slice3A_1067 : vector<200x1xi32> to vector<200x50xi32>
    %sub3A_1069 = arith.subi %sub3A_1068, %add3A_966 : vector<200x50xi32>
    %shift_right_arithmetic3A_1070 = arith.constant 31 : i32
    %shift_right_arithmetic3A_1071 = vector.broadcast %shift_right_arithmetic3A_1070 : i32 to vector<200x50xi32>
    %shift_right_arithmetic3A_1072 = arith.shrsi %sub3A_1069, %shift_right_arithmetic3A_1071 : vector<200x50xi32>
    %add3A_1073 = arith.addi %add3A_1066, %shift_right_arithmetic3A_1072 : vector<200x50xi32>
    %slice3A_1074 = vector.extract_strided_slice %add3A_966 {offsets = [0, 15], sizes = [200, 1], strides = [1, 1]} : vector<200x50xi32> to vector<200x1xi32>
    %sub3A_1075 = vector.broadcast %slice3A_1074 : vector<200x1xi32> to vector<200x50xi32>
    %sub3A_1076 = arith.subi %sub3A_1075, %add3A_966 : vector<200x50xi32>
    %shift_right_arithmetic3A_1077 = arith.constant 31 : i32
    %shift_right_arithmetic3A_1078 = vector.broadcast %shift_right_arithmetic3A_1077 : i32 to vector<200x50xi32>
    %shift_right_arithmetic3A_1079 = arith.shrsi %sub3A_1076, %shift_right_arithmetic3A_1078 : vector<200x50xi32>
    %add3A_1080 = arith.addi %add3A_1073, %shift_right_arithmetic3A_1079 : vector<200x50xi32>
    %slice3A_1081 = vector.extract_strided_slice %add3A_966 {offsets = [0, 16], sizes = [200, 1], strides = [1, 1]} : vector<200x50xi32> to vector<200x1xi32>
    %sub3A_1082 = vector.broadcast %slice3A_1081 : vector<200x1xi32> to vector<200x50xi32>
    %sub3A_1083 = arith.subi %sub3A_1082, %add3A_966 : vector<200x50xi32>
    %shift_right_arithmetic3A_1084 = arith.constant 31 : i32
    %shift_right_arithmetic3A_1085 = vector.broadcast %shift_right_arithmetic3A_1084 : i32 to vector<200x50xi32>
    %shift_right_arithmetic3A_1086 = arith.shrsi %sub3A_1083, %shift_right_arithmetic3A_1085 : vector<200x50xi32>
    %add3A_1087 = arith.addi %add3A_1080, %shift_right_arithmetic3A_1086 : vector<200x50xi32>
    %slice3A_1088 = vector.extract_strided_slice %add3A_966 {offsets = [0, 17], sizes = [200, 1], strides = [1, 1]} : vector<200x50xi32> to vector<200x1xi32>
    %sub3A_1089 = vector.broadcast %slice3A_1088 : vector<200x1xi32> to vector<200x50xi32>
    %sub3A_1090 = arith.subi %sub3A_1089, %add3A_966 : vector<200x50xi32>
    %shift_right_arithmetic3A_1091 = arith.constant 31 : i32
    %shift_right_arithmetic3A_1092 = vector.broadcast %shift_right_arithmetic3A_1091 : i32 to vector<200x50xi32>
    %shift_right_arithmetic3A_1093 = arith.shrsi %sub3A_1090, %shift_right_arithmetic3A_1092 : vector<200x50xi32>
    %add3A_1094 = arith.addi %add3A_1087, %shift_right_arithmetic3A_1093 : vector<200x50xi32>
    %slice3A_1095 = vector.extract_strided_slice %add3A_966 {offsets = [0, 18], sizes = [200, 1], strides = [1, 1]} : vector<200x50xi32> to vector<200x1xi32>
    %sub3A_1096 = vector.broadcast %slice3A_1095 : vector<200x1xi32> to vector<200x50xi32>
    %sub3A_1097 = arith.subi %sub3A_1096, %add3A_966 : vector<200x50xi32>
    %shift_right_arithmetic3A_1098 = arith.constant 31 : i32
    %shift_right_arithmetic3A_1099 = vector.broadcast %shift_right_arithmetic3A_1098 : i32 to vector<200x50xi32>
    %shift_right_arithmetic3A_1100 = arith.shrsi %sub3A_1097, %shift_right_arithmetic3A_1099 : vector<200x50xi32>
    %add3A_1101 = arith.addi %add3A_1094, %shift_right_arithmetic3A_1100 : vector<200x50xi32>
    %slice3A_1102 = vector.extract_strided_slice %add3A_966 {offsets = [0, 19], sizes = [200, 1], strides = [1, 1]} : vector<200x50xi32> to vector<200x1xi32>
    %sub3A_1103 = vector.broadcast %slice3A_1102 : vector<200x1xi32> to vector<200x50xi32>
    %sub3A_1104 = arith.subi %sub3A_1103, %add3A_966 : vector<200x50xi32>
    %shift_right_arithmetic3A_1105 = arith.constant 31 : i32
    %shift_right_arithmetic3A_1106 = vector.broadcast %shift_right_arithmetic3A_1105 : i32 to vector<200x50xi32>
    %shift_right_arithmetic3A_1107 = arith.shrsi %sub3A_1104, %shift_right_arithmetic3A_1106 : vector<200x50xi32>
    %add3A_1108 = arith.addi %add3A_1101, %shift_right_arithmetic3A_1107 : vector<200x50xi32>
    %slice3A_1109 = vector.extract_strided_slice %add3A_966 {offsets = [0, 20], sizes = [200, 1], strides = [1, 1]} : vector<200x50xi32> to vector<200x1xi32>
    %sub3A_1110 = vector.broadcast %slice3A_1109 : vector<200x1xi32> to vector<200x50xi32>
    %sub3A_1111 = arith.subi %sub3A_1110, %add3A_966 : vector<200x50xi32>
    %shift_right_arithmetic3A_1112 = arith.constant 31 : i32
    %shift_right_arithmetic3A_1113 = vector.broadcast %shift_right_arithmetic3A_1112 : i32 to vector<200x50xi32>
    %shift_right_arithmetic3A_1114 = arith.shrsi %sub3A_1111, %shift_right_arithmetic3A_1113 : vector<200x50xi32>
    %add3A_1115 = arith.addi %add3A_1108, %shift_right_arithmetic3A_1114 : vector<200x50xi32>
    %slice3A_1116 = vector.extract_strided_slice %add3A_966 {offsets = [0, 21], sizes = [200, 1], strides = [1, 1]} : vector<200x50xi32> to vector<200x1xi32>
    %sub3A_1117 = vector.broadcast %slice3A_1116 : vector<200x1xi32> to vector<200x50xi32>
    %sub3A_1118 = arith.subi %sub3A_1117, %add3A_966 : vector<200x50xi32>
    %shift_right_arithmetic3A_1119 = arith.constant 31 : i32
    %shift_right_arithmetic3A_1120 = vector.broadcast %shift_right_arithmetic3A_1119 : i32 to vector<200x50xi32>
    %shift_right_arithmetic3A_1121 = arith.shrsi %sub3A_1118, %shift_right_arithmetic3A_1120 : vector<200x50xi32>
    %add3A_1122 = arith.addi %add3A_1115, %shift_right_arithmetic3A_1121 : vector<200x50xi32>
    %slice3A_1123 = vector.extract_strided_slice %add3A_966 {offsets = [0, 22], sizes = [200, 1], strides = [1, 1]} : vector<200x50xi32> to vector<200x1xi32>
    %sub3A_1124 = vector.broadcast %slice3A_1123 : vector<200x1xi32> to vector<200x50xi32>
    %sub3A_1125 = arith.subi %sub3A_1124, %add3A_966 : vector<200x50xi32>
    %shift_right_arithmetic3A_1126 = arith.constant 31 : i32
    %shift_right_arithmetic3A_1127 = vector.broadcast %shift_right_arithmetic3A_1126 : i32 to vector<200x50xi32>
    %shift_right_arithmetic3A_1128 = arith.shrsi %sub3A_1125, %shift_right_arithmetic3A_1127 : vector<200x50xi32>
    %add3A_1129 = arith.addi %add3A_1122, %shift_right_arithmetic3A_1128 : vector<200x50xi32>
    %slice3A_1130 = vector.extract_strided_slice %add3A_966 {offsets = [0, 23], sizes = [200, 1], strides = [1, 1]} : vector<200x50xi32> to vector<200x1xi32>
    %sub3A_1131 = vector.broadcast %slice3A_1130 : vector<200x1xi32> to vector<200x50xi32>
    %sub3A_1132 = arith.subi %sub3A_1131, %add3A_966 : vector<200x50xi32>
    %shift_right_arithmetic3A_1133 = arith.constant 31 : i32
    %shift_right_arithmetic3A_1134 = vector.broadcast %shift_right_arithmetic3A_1133 : i32 to vector<200x50xi32>
    %shift_right_arithmetic3A_1135 = arith.shrsi %sub3A_1132, %shift_right_arithmetic3A_1134 : vector<200x50xi32>
    %add3A_1136 = arith.addi %add3A_1129, %shift_right_arithmetic3A_1135 : vector<200x50xi32>
    %slice3A_1137 = vector.extract_strided_slice %add3A_966 {offsets = [0, 24], sizes = [200, 1], strides = [1, 1]} : vector<200x50xi32> to vector<200x1xi32>
    %sub3A_1138 = vector.broadcast %slice3A_1137 : vector<200x1xi32> to vector<200x50xi32>
    %sub3A_1139 = arith.subi %sub3A_1138, %add3A_966 : vector<200x50xi32>
    %shift_right_arithmetic3A_1140 = arith.constant 31 : i32
    %shift_right_arithmetic3A_1141 = vector.broadcast %shift_right_arithmetic3A_1140 : i32 to vector<200x50xi32>
    %shift_right_arithmetic3A_1142 = arith.shrsi %sub3A_1139, %shift_right_arithmetic3A_1141 : vector<200x50xi32>
    %add3A_1143 = arith.addi %add3A_1136, %shift_right_arithmetic3A_1142 : vector<200x50xi32>
    %slice3A_1144 = vector.extract_strided_slice %add3A_966 {offsets = [0, 25], sizes = [200, 1], strides = [1, 1]} : vector<200x50xi32> to vector<200x1xi32>
    %sub3A_1145 = vector.broadcast %slice3A_1144 : vector<200x1xi32> to vector<200x50xi32>
    %sub3A_1146 = arith.subi %sub3A_1145, %add3A_966 : vector<200x50xi32>
    %shift_right_arithmetic3A_1147 = arith.constant 31 : i32
    %shift_right_arithmetic3A_1148 = vector.broadcast %shift_right_arithmetic3A_1147 : i32 to vector<200x50xi32>
    %shift_right_arithmetic3A_1149 = arith.shrsi %sub3A_1146, %shift_right_arithmetic3A_1148 : vector<200x50xi32>
    %add3A_1150 = arith.addi %add3A_1143, %shift_right_arithmetic3A_1149 : vector<200x50xi32>
    %slice3A_1151 = vector.extract_strided_slice %add3A_966 {offsets = [0, 26], sizes = [200, 1], strides = [1, 1]} : vector<200x50xi32> to vector<200x1xi32>
    %sub3A_1152 = vector.broadcast %slice3A_1151 : vector<200x1xi32> to vector<200x50xi32>
    %sub3A_1153 = arith.subi %sub3A_1152, %add3A_966 : vector<200x50xi32>
    %shift_right_arithmetic3A_1154 = arith.constant 31 : i32
    %shift_right_arithmetic3A_1155 = vector.broadcast %shift_right_arithmetic3A_1154 : i32 to vector<200x50xi32>
    %shift_right_arithmetic3A_1156 = arith.shrsi %sub3A_1153, %shift_right_arithmetic3A_1155 : vector<200x50xi32>
    %add3A_1157 = arith.addi %add3A_1150, %shift_right_arithmetic3A_1156 : vector<200x50xi32>
    %slice3A_1158 = vector.extract_strided_slice %add3A_966 {offsets = [0, 27], sizes = [200, 1], strides = [1, 1]} : vector<200x50xi32> to vector<200x1xi32>
    %sub3A_1159 = vector.broadcast %slice3A_1158 : vector<200x1xi32> to vector<200x50xi32>
    %sub3A_1160 = arith.subi %sub3A_1159, %add3A_966 : vector<200x50xi32>
    %shift_right_arithmetic3A_1161 = arith.constant 31 : i32
    %shift_right_arithmetic3A_1162 = vector.broadcast %shift_right_arithmetic3A_1161 : i32 to vector<200x50xi32>
    %shift_right_arithmetic3A_1163 = arith.shrsi %sub3A_1160, %shift_right_arithmetic3A_1162 : vector<200x50xi32>
    %add3A_1164 = arith.addi %add3A_1157, %shift_right_arithmetic3A_1163 : vector<200x50xi32>
    %slice3A_1165 = vector.extract_strided_slice %add3A_966 {offsets = [0, 28], sizes = [200, 1], strides = [1, 1]} : vector<200x50xi32> to vector<200x1xi32>
    %sub3A_1166 = vector.broadcast %slice3A_1165 : vector<200x1xi32> to vector<200x50xi32>
    %sub3A_1167 = arith.subi %sub3A_1166, %add3A_966 : vector<200x50xi32>
    %shift_right_arithmetic3A_1168 = arith.constant 31 : i32
    %shift_right_arithmetic3A_1169 = vector.broadcast %shift_right_arithmetic3A_1168 : i32 to vector<200x50xi32>
    %shift_right_arithmetic3A_1170 = arith.shrsi %sub3A_1167, %shift_right_arithmetic3A_1169 : vector<200x50xi32>
    %add3A_1171 = arith.addi %add3A_1164, %shift_right_arithmetic3A_1170 : vector<200x50xi32>
    %slice3A_1172 = vector.extract_strided_slice %add3A_966 {offsets = [0, 29], sizes = [200, 1], strides = [1, 1]} : vector<200x50xi32> to vector<200x1xi32>
    %sub3A_1173 = vector.broadcast %slice3A_1172 : vector<200x1xi32> to vector<200x50xi32>
    %sub3A_1174 = arith.subi %sub3A_1173, %add3A_966 : vector<200x50xi32>
    %shift_right_arithmetic3A_1175 = arith.constant 31 : i32
    %shift_right_arithmetic3A_1176 = vector.broadcast %shift_right_arithmetic3A_1175 : i32 to vector<200x50xi32>
    %shift_right_arithmetic3A_1177 = arith.shrsi %sub3A_1174, %shift_right_arithmetic3A_1176 : vector<200x50xi32>
    %add3A_1178 = arith.addi %add3A_1171, %shift_right_arithmetic3A_1177 : vector<200x50xi32>
    %slice3A_1179 = vector.extract_strided_slice %add3A_966 {offsets = [0, 30], sizes = [200, 1], strides = [1, 1]} : vector<200x50xi32> to vector<200x1xi32>
    %sub3A_1180 = vector.broadcast %slice3A_1179 : vector<200x1xi32> to vector<200x50xi32>
    %sub3A_1181 = arith.subi %sub3A_1180, %add3A_966 : vector<200x50xi32>
    %shift_right_arithmetic3A_1182 = arith.constant 31 : i32
    %shift_right_arithmetic3A_1183 = vector.broadcast %shift_right_arithmetic3A_1182 : i32 to vector<200x50xi32>
    %shift_right_arithmetic3A_1184 = arith.shrsi %sub3A_1181, %shift_right_arithmetic3A_1183 : vector<200x50xi32>
    %add3A_1185 = arith.addi %add3A_1178, %shift_right_arithmetic3A_1184 : vector<200x50xi32>
    %slice3A_1186 = vector.extract_strided_slice %add3A_966 {offsets = [0, 31], sizes = [200, 1], strides = [1, 1]} : vector<200x50xi32> to vector<200x1xi32>
    %sub3A_1187 = vector.broadcast %slice3A_1186 : vector<200x1xi32> to vector<200x50xi32>
    %sub3A_1188 = arith.subi %sub3A_1187, %add3A_966 : vector<200x50xi32>
    %shift_right_arithmetic3A_1189 = arith.constant 31 : i32
    %shift_right_arithmetic3A_1190 = vector.broadcast %shift_right_arithmetic3A_1189 : i32 to vector<200x50xi32>
    %shift_right_arithmetic3A_1191 = arith.shrsi %sub3A_1188, %shift_right_arithmetic3A_1190 : vector<200x50xi32>
    %add3A_1192 = arith.addi %add3A_1185, %shift_right_arithmetic3A_1191 : vector<200x50xi32>
    %slice3A_1193 = vector.extract_strided_slice %add3A_966 {offsets = [0, 32], sizes = [200, 1], strides = [1, 1]} : vector<200x50xi32> to vector<200x1xi32>
    %sub3A_1194 = vector.broadcast %slice3A_1193 : vector<200x1xi32> to vector<200x50xi32>
    %sub3A_1195 = arith.subi %sub3A_1194, %add3A_966 : vector<200x50xi32>
    %shift_right_arithmetic3A_1196 = arith.constant 31 : i32
    %shift_right_arithmetic3A_1197 = vector.broadcast %shift_right_arithmetic3A_1196 : i32 to vector<200x50xi32>
    %shift_right_arithmetic3A_1198 = arith.shrsi %sub3A_1195, %shift_right_arithmetic3A_1197 : vector<200x50xi32>
    %add3A_1199 = arith.addi %add3A_1192, %shift_right_arithmetic3A_1198 : vector<200x50xi32>
    %slice3A_1200 = vector.extract_strided_slice %add3A_966 {offsets = [0, 33], sizes = [200, 1], strides = [1, 1]} : vector<200x50xi32> to vector<200x1xi32>
    %sub3A_1201 = vector.broadcast %slice3A_1200 : vector<200x1xi32> to vector<200x50xi32>
    %sub3A_1202 = arith.subi %sub3A_1201, %add3A_966 : vector<200x50xi32>
    %shift_right_arithmetic3A_1203 = arith.constant 31 : i32
    %shift_right_arithmetic3A_1204 = vector.broadcast %shift_right_arithmetic3A_1203 : i32 to vector<200x50xi32>
    %shift_right_arithmetic3A_1205 = arith.shrsi %sub3A_1202, %shift_right_arithmetic3A_1204 : vector<200x50xi32>
    %add3A_1206 = arith.addi %add3A_1199, %shift_right_arithmetic3A_1205 : vector<200x50xi32>
    %slice3A_1207 = vector.extract_strided_slice %add3A_966 {offsets = [0, 34], sizes = [200, 1], strides = [1, 1]} : vector<200x50xi32> to vector<200x1xi32>
    %sub3A_1208 = vector.broadcast %slice3A_1207 : vector<200x1xi32> to vector<200x50xi32>
    %sub3A_1209 = arith.subi %sub3A_1208, %add3A_966 : vector<200x50xi32>
    %shift_right_arithmetic3A_1210 = arith.constant 31 : i32
    %shift_right_arithmetic3A_1211 = vector.broadcast %shift_right_arithmetic3A_1210 : i32 to vector<200x50xi32>
    %shift_right_arithmetic3A_1212 = arith.shrsi %sub3A_1209, %shift_right_arithmetic3A_1211 : vector<200x50xi32>
    %add3A_1213 = arith.addi %add3A_1206, %shift_right_arithmetic3A_1212 : vector<200x50xi32>
    %slice3A_1214 = vector.extract_strided_slice %add3A_966 {offsets = [0, 35], sizes = [200, 1], strides = [1, 1]} : vector<200x50xi32> to vector<200x1xi32>
    %sub3A_1215 = vector.broadcast %slice3A_1214 : vector<200x1xi32> to vector<200x50xi32>
    %sub3A_1216 = arith.subi %sub3A_1215, %add3A_966 : vector<200x50xi32>
    %shift_right_arithmetic3A_1217 = arith.constant 31 : i32
    %shift_right_arithmetic3A_1218 = vector.broadcast %shift_right_arithmetic3A_1217 : i32 to vector<200x50xi32>
    %shift_right_arithmetic3A_1219 = arith.shrsi %sub3A_1216, %shift_right_arithmetic3A_1218 : vector<200x50xi32>
    %add3A_1220 = arith.addi %add3A_1213, %shift_right_arithmetic3A_1219 : vector<200x50xi32>
    %slice3A_1221 = vector.extract_strided_slice %add3A_966 {offsets = [0, 36], sizes = [200, 1], strides = [1, 1]} : vector<200x50xi32> to vector<200x1xi32>
    %sub3A_1222 = vector.broadcast %slice3A_1221 : vector<200x1xi32> to vector<200x50xi32>
    %sub3A_1223 = arith.subi %sub3A_1222, %add3A_966 : vector<200x50xi32>
    %shift_right_arithmetic3A_1224 = arith.constant 31 : i32
    %shift_right_arithmetic3A_1225 = vector.broadcast %shift_right_arithmetic3A_1224 : i32 to vector<200x50xi32>
    %shift_right_arithmetic3A_1226 = arith.shrsi %sub3A_1223, %shift_right_arithmetic3A_1225 : vector<200x50xi32>
    %add3A_1227 = arith.addi %add3A_1220, %shift_right_arithmetic3A_1226 : vector<200x50xi32>
    %slice3A_1228 = vector.extract_strided_slice %add3A_966 {offsets = [0, 37], sizes = [200, 1], strides = [1, 1]} : vector<200x50xi32> to vector<200x1xi32>
    %sub3A_1229 = vector.broadcast %slice3A_1228 : vector<200x1xi32> to vector<200x50xi32>
    %sub3A_1230 = arith.subi %sub3A_1229, %add3A_966 : vector<200x50xi32>
    %shift_right_arithmetic3A_1231 = arith.constant 31 : i32
    %shift_right_arithmetic3A_1232 = vector.broadcast %shift_right_arithmetic3A_1231 : i32 to vector<200x50xi32>
    %shift_right_arithmetic3A_1233 = arith.shrsi %sub3A_1230, %shift_right_arithmetic3A_1232 : vector<200x50xi32>
    %add3A_1234 = arith.addi %add3A_1227, %shift_right_arithmetic3A_1233 : vector<200x50xi32>
    %slice3A_1235 = vector.extract_strided_slice %add3A_966 {offsets = [0, 38], sizes = [200, 1], strides = [1, 1]} : vector<200x50xi32> to vector<200x1xi32>
    %sub3A_1236 = vector.broadcast %slice3A_1235 : vector<200x1xi32> to vector<200x50xi32>
    %sub3A_1237 = arith.subi %sub3A_1236, %add3A_966 : vector<200x50xi32>
    %shift_right_arithmetic3A_1238 = arith.constant 31 : i32
    %shift_right_arithmetic3A_1239 = vector.broadcast %shift_right_arithmetic3A_1238 : i32 to vector<200x50xi32>
    %shift_right_arithmetic3A_1240 = arith.shrsi %sub3A_1237, %shift_right_arithmetic3A_1239 : vector<200x50xi32>
    %add3A_1241 = arith.addi %add3A_1234, %shift_right_arithmetic3A_1240 : vector<200x50xi32>
    %slice3A_1242 = vector.extract_strided_slice %add3A_966 {offsets = [0, 39], sizes = [200, 1], strides = [1, 1]} : vector<200x50xi32> to vector<200x1xi32>
    %sub3A_1243 = vector.broadcast %slice3A_1242 : vector<200x1xi32> to vector<200x50xi32>
    %sub3A_1244 = arith.subi %sub3A_1243, %add3A_966 : vector<200x50xi32>
    %shift_right_arithmetic3A_1245 = arith.constant 31 : i32
    %shift_right_arithmetic3A_1246 = vector.broadcast %shift_right_arithmetic3A_1245 : i32 to vector<200x50xi32>
    %shift_right_arithmetic3A_1247 = arith.shrsi %sub3A_1244, %shift_right_arithmetic3A_1246 : vector<200x50xi32>
    %add3A_1248 = arith.addi %add3A_1241, %shift_right_arithmetic3A_1247 : vector<200x50xi32>
    %slice3A_1249 = vector.extract_strided_slice %add3A_966 {offsets = [0, 40], sizes = [200, 1], strides = [1, 1]} : vector<200x50xi32> to vector<200x1xi32>
    %sub3A_1250 = vector.broadcast %slice3A_1249 : vector<200x1xi32> to vector<200x50xi32>
    %sub3A_1251 = arith.subi %sub3A_1250, %add3A_966 : vector<200x50xi32>
    %shift_right_arithmetic3A_1252 = arith.constant 31 : i32
    %shift_right_arithmetic3A_1253 = vector.broadcast %shift_right_arithmetic3A_1252 : i32 to vector<200x50xi32>
    %shift_right_arithmetic3A_1254 = arith.shrsi %sub3A_1251, %shift_right_arithmetic3A_1253 : vector<200x50xi32>
    %add3A_1255 = arith.addi %add3A_1248, %shift_right_arithmetic3A_1254 : vector<200x50xi32>
    %slice3A_1256 = vector.extract_strided_slice %add3A_966 {offsets = [0, 41], sizes = [200, 1], strides = [1, 1]} : vector<200x50xi32> to vector<200x1xi32>
    %sub3A_1257 = vector.broadcast %slice3A_1256 : vector<200x1xi32> to vector<200x50xi32>
    %sub3A_1258 = arith.subi %sub3A_1257, %add3A_966 : vector<200x50xi32>
    %shift_right_arithmetic3A_1259 = arith.constant 31 : i32
    %shift_right_arithmetic3A_1260 = vector.broadcast %shift_right_arithmetic3A_1259 : i32 to vector<200x50xi32>
    %shift_right_arithmetic3A_1261 = arith.shrsi %sub3A_1258, %shift_right_arithmetic3A_1260 : vector<200x50xi32>
    %add3A_1262 = arith.addi %add3A_1255, %shift_right_arithmetic3A_1261 : vector<200x50xi32>
    %slice3A_1263 = vector.extract_strided_slice %add3A_966 {offsets = [0, 42], sizes = [200, 1], strides = [1, 1]} : vector<200x50xi32> to vector<200x1xi32>
    %sub3A_1264 = vector.broadcast %slice3A_1263 : vector<200x1xi32> to vector<200x50xi32>
    %sub3A_1265 = arith.subi %sub3A_1264, %add3A_966 : vector<200x50xi32>
    %shift_right_arithmetic3A_1266 = arith.constant 31 : i32
    %shift_right_arithmetic3A_1267 = vector.broadcast %shift_right_arithmetic3A_1266 : i32 to vector<200x50xi32>
    %shift_right_arithmetic3A_1268 = arith.shrsi %sub3A_1265, %shift_right_arithmetic3A_1267 : vector<200x50xi32>
    %add3A_1269 = arith.addi %add3A_1262, %shift_right_arithmetic3A_1268 : vector<200x50xi32>
    %slice3A_1270 = vector.extract_strided_slice %add3A_966 {offsets = [0, 43], sizes = [200, 1], strides = [1, 1]} : vector<200x50xi32> to vector<200x1xi32>
    %sub3A_1271 = vector.broadcast %slice3A_1270 : vector<200x1xi32> to vector<200x50xi32>
    %sub3A_1272 = arith.subi %sub3A_1271, %add3A_966 : vector<200x50xi32>
    %shift_right_arithmetic3A_1273 = arith.constant 31 : i32
    %shift_right_arithmetic3A_1274 = vector.broadcast %shift_right_arithmetic3A_1273 : i32 to vector<200x50xi32>
    %shift_right_arithmetic3A_1275 = arith.shrsi %sub3A_1272, %shift_right_arithmetic3A_1274 : vector<200x50xi32>
    %add3A_1276 = arith.addi %add3A_1269, %shift_right_arithmetic3A_1275 : vector<200x50xi32>
    %slice3A_1277 = vector.extract_strided_slice %add3A_966 {offsets = [0, 44], sizes = [200, 1], strides = [1, 1]} : vector<200x50xi32> to vector<200x1xi32>
    %sub3A_1278 = vector.broadcast %slice3A_1277 : vector<200x1xi32> to vector<200x50xi32>
    %sub3A_1279 = arith.subi %sub3A_1278, %add3A_966 : vector<200x50xi32>
    %shift_right_arithmetic3A_1280 = arith.constant 31 : i32
    %shift_right_arithmetic3A_1281 = vector.broadcast %shift_right_arithmetic3A_1280 : i32 to vector<200x50xi32>
    %shift_right_arithmetic3A_1282 = arith.shrsi %sub3A_1279, %shift_right_arithmetic3A_1281 : vector<200x50xi32>
    %add3A_1283 = arith.addi %add3A_1276, %shift_right_arithmetic3A_1282 : vector<200x50xi32>
    %slice3A_1284 = vector.extract_strided_slice %add3A_966 {offsets = [0, 45], sizes = [200, 1], strides = [1, 1]} : vector<200x50xi32> to vector<200x1xi32>
    %sub3A_1285 = vector.broadcast %slice3A_1284 : vector<200x1xi32> to vector<200x50xi32>
    %sub3A_1286 = arith.subi %sub3A_1285, %add3A_966 : vector<200x50xi32>
    %shift_right_arithmetic3A_1287 = arith.constant 31 : i32
    %shift_right_arithmetic3A_1288 = vector.broadcast %shift_right_arithmetic3A_1287 : i32 to vector<200x50xi32>
    %shift_right_arithmetic3A_1289 = arith.shrsi %sub3A_1286, %shift_right_arithmetic3A_1288 : vector<200x50xi32>
    %add3A_1290 = arith.addi %add3A_1283, %shift_right_arithmetic3A_1289 : vector<200x50xi32>
    %slice3A_1291 = vector.extract_strided_slice %add3A_966 {offsets = [0, 46], sizes = [200, 1], strides = [1, 1]} : vector<200x50xi32> to vector<200x1xi32>
    %sub3A_1292 = vector.broadcast %slice3A_1291 : vector<200x1xi32> to vector<200x50xi32>
    %sub3A_1293 = arith.subi %sub3A_1292, %add3A_966 : vector<200x50xi32>
    %shift_right_arithmetic3A_1294 = arith.constant 31 : i32
    %shift_right_arithmetic3A_1295 = vector.broadcast %shift_right_arithmetic3A_1294 : i32 to vector<200x50xi32>
    %shift_right_arithmetic3A_1296 = arith.shrsi %sub3A_1293, %shift_right_arithmetic3A_1295 : vector<200x50xi32>
    %add3A_1297 = arith.addi %add3A_1290, %shift_right_arithmetic3A_1296 : vector<200x50xi32>
    %slice3A_1298 = vector.extract_strided_slice %add3A_966 {offsets = [0, 47], sizes = [200, 1], strides = [1, 1]} : vector<200x50xi32> to vector<200x1xi32>
    %sub3A_1299 = vector.broadcast %slice3A_1298 : vector<200x1xi32> to vector<200x50xi32>
    %sub3A_1300 = arith.subi %sub3A_1299, %add3A_966 : vector<200x50xi32>
    %shift_right_arithmetic3A_1301 = arith.constant 31 : i32
    %shift_right_arithmetic3A_1302 = vector.broadcast %shift_right_arithmetic3A_1301 : i32 to vector<200x50xi32>
    %shift_right_arithmetic3A_1303 = arith.shrsi %sub3A_1300, %shift_right_arithmetic3A_1302 : vector<200x50xi32>
    %add3A_1304 = arith.addi %add3A_1297, %shift_right_arithmetic3A_1303 : vector<200x50xi32>
    %slice3A_1305 = vector.extract_strided_slice %add3A_966 {offsets = [0, 48], sizes = [200, 1], strides = [1, 1]} : vector<200x50xi32> to vector<200x1xi32>
    %sub3A_1306 = vector.broadcast %slice3A_1305 : vector<200x1xi32> to vector<200x50xi32>
    %sub3A_1307 = arith.subi %sub3A_1306, %add3A_966 : vector<200x50xi32>
    %shift_right_arithmetic3A_1308 = arith.constant 31 : i32
    %shift_right_arithmetic3A_1309 = vector.broadcast %shift_right_arithmetic3A_1308 : i32 to vector<200x50xi32>
    %shift_right_arithmetic3A_1310 = arith.shrsi %sub3A_1307, %shift_right_arithmetic3A_1309 : vector<200x50xi32>
    %add3A_1311 = arith.addi %add3A_1304, %shift_right_arithmetic3A_1310 : vector<200x50xi32>
    %slice3A_1312 = vector.extract_strided_slice %add3A_966 {offsets = [0, 49], sizes = [200, 1], strides = [1, 1]} : vector<200x50xi32> to vector<200x1xi32>
    %sub3A_1313 = vector.broadcast %slice3A_1312 : vector<200x1xi32> to vector<200x50xi32>
    %sub3A_1314 = arith.subi %sub3A_1313, %add3A_966 : vector<200x50xi32>
    %shift_right_arithmetic3A_1315 = arith.constant 31 : i32
    %shift_right_arithmetic3A_1316 = vector.broadcast %shift_right_arithmetic3A_1315 : i32 to vector<200x50xi32>
    %shift_right_arithmetic3A_1317 = arith.shrsi %sub3A_1314, %shift_right_arithmetic3A_1316 : vector<200x50xi32>
    %add3A_1318 = arith.addi %add3A_1311, %shift_right_arithmetic3A_1317 : vector<200x50xi32>
    %add3A_1319 = arith.constant 49 : i32
    %add3A_1320 = vector.broadcast %add3A_1319 : i32 to vector<200x50xi32>
    %add3A_1321 = arith.addi %add3A_1320, %add3A_1318 : vector<200x50xi32>
    %broadcast_in_dim3A_1322 = arith.constant 0 : i32
    %broadcast_in_dim3A_1323 = vector.broadcast %broadcast_in_dim3A_1322 : i32 to vector<200x50xi32>
    %slice3A_1324 = vector.extract_strided_slice %add3A_1321 {offsets = [0, 0], sizes = [200, 1], strides = [1, 1]} : vector<200x50xi32> to vector<200x1xi32>
    %eq3A_1325 = vector.broadcast %slice3A_1324 : vector<200x1xi32> to vector<200x50xi32>
    %eq3A_1326 = vector.broadcast %iota3A_961 : vector<1x50xi32> to vector<200x50xi32>
    %eq3A_1327 = arith.cmpi eq, %eq3A_1325, %eq3A_1326 : vector<200x50xi32>
    %slice3A_1328 = vector.extract_strided_slice %get3A_960 {offsets = [0, 0], sizes = [200, 1], strides = [1, 1]} : vector<200x50xi32> to vector<200x1xi32>
    %jit3A_1329 = arith.constant 0 : i32
    %broadcast_in_dim3A_1330 = vector.shape_cast %slice3A_1328 : vector<200x1xi32> to vector<200x1xi32>
    %broadcast_in_dim3A_1331 = vector.broadcast %broadcast_in_dim3A_1330 : vector<200x1xi32> to vector<200x50xi32>
    %broadcast_in_dim3A_1332 = vector.broadcast %jit3A_1329 : i32 to vector<200x50xi32>
    %select_n3A_1333 = arith.select %eq3A_1327, %broadcast_in_dim3A_1331, %broadcast_in_dim3A_1332 : vector<200x50xi1>, vector<200x50xi32>
    %add3A_1334 = arith.addi %broadcast_in_dim3A_1323, %select_n3A_1333 : vector<200x50xi32>
    %slice3A_1335 = vector.extract_strided_slice %add3A_1321 {offsets = [0, 1], sizes = [200, 1], strides = [1, 1]} : vector<200x50xi32> to vector<200x1xi32>
    %eq3A_1336 = vector.broadcast %slice3A_1335 : vector<200x1xi32> to vector<200x50xi32>
    %eq3A_1337 = vector.broadcast %iota3A_961 : vector<1x50xi32> to vector<200x50xi32>
    %eq3A_1338 = arith.cmpi eq, %eq3A_1336, %eq3A_1337 : vector<200x50xi32>
    %slice3A_1339 = vector.extract_strided_slice %get3A_960 {offsets = [0, 1], sizes = [200, 1], strides = [1, 1]} : vector<200x50xi32> to vector<200x1xi32>
    %jit3A_1340 = arith.constant 0 : i32
    %broadcast_in_dim3A_1341 = vector.shape_cast %slice3A_1339 : vector<200x1xi32> to vector<200x1xi32>
    %broadcast_in_dim3A_1342 = vector.broadcast %broadcast_in_dim3A_1341 : vector<200x1xi32> to vector<200x50xi32>
    %broadcast_in_dim3A_1343 = vector.broadcast %jit3A_1340 : i32 to vector<200x50xi32>
    %select_n3A_1344 = arith.select %eq3A_1338, %broadcast_in_dim3A_1342, %broadcast_in_dim3A_1343 : vector<200x50xi1>, vector<200x50xi32>
    %add3A_1345 = arith.addi %add3A_1334, %select_n3A_1344 : vector<200x50xi32>
    %slice3A_1346 = vector.extract_strided_slice %add3A_1321 {offsets = [0, 2], sizes = [200, 1], strides = [1, 1]} : vector<200x50xi32> to vector<200x1xi32>
    %eq3A_1347 = vector.broadcast %slice3A_1346 : vector<200x1xi32> to vector<200x50xi32>
    %eq3A_1348 = vector.broadcast %iota3A_961 : vector<1x50xi32> to vector<200x50xi32>
    %eq3A_1349 = arith.cmpi eq, %eq3A_1347, %eq3A_1348 : vector<200x50xi32>
    %slice3A_1350 = vector.extract_strided_slice %get3A_960 {offsets = [0, 2], sizes = [200, 1], strides = [1, 1]} : vector<200x50xi32> to vector<200x1xi32>
    %jit3A_1351 = arith.constant 0 : i32
    %broadcast_in_dim3A_1352 = vector.shape_cast %slice3A_1350 : vector<200x1xi32> to vector<200x1xi32>
    %broadcast_in_dim3A_1353 = vector.broadcast %broadcast_in_dim3A_1352 : vector<200x1xi32> to vector<200x50xi32>
    %broadcast_in_dim3A_1354 = vector.broadcast %jit3A_1351 : i32 to vector<200x50xi32>
    %select_n3A_1355 = arith.select %eq3A_1349, %broadcast_in_dim3A_1353, %broadcast_in_dim3A_1354 : vector<200x50xi1>, vector<200x50xi32>
    %add3A_1356 = arith.addi %add3A_1345, %select_n3A_1355 : vector<200x50xi32>
    %slice3A_1357 = vector.extract_strided_slice %add3A_1321 {offsets = [0, 3], sizes = [200, 1], strides = [1, 1]} : vector<200x50xi32> to vector<200x1xi32>
    %eq3A_1358 = vector.broadcast %slice3A_1357 : vector<200x1xi32> to vector<200x50xi32>
    %eq3A_1359 = vector.broadcast %iota3A_961 : vector<1x50xi32> to vector<200x50xi32>
    %eq3A_1360 = arith.cmpi eq, %eq3A_1358, %eq3A_1359 : vector<200x50xi32>
    %slice3A_1361 = vector.extract_strided_slice %get3A_960 {offsets = [0, 3], sizes = [200, 1], strides = [1, 1]} : vector<200x50xi32> to vector<200x1xi32>
    %jit3A_1362 = arith.constant 0 : i32
    %broadcast_in_dim3A_1363 = vector.shape_cast %slice3A_1361 : vector<200x1xi32> to vector<200x1xi32>
    %broadcast_in_dim3A_1364 = vector.broadcast %broadcast_in_dim3A_1363 : vector<200x1xi32> to vector<200x50xi32>
    %broadcast_in_dim3A_1365 = vector.broadcast %jit3A_1362 : i32 to vector<200x50xi32>
    %select_n3A_1366 = arith.select %eq3A_1360, %broadcast_in_dim3A_1364, %broadcast_in_dim3A_1365 : vector<200x50xi1>, vector<200x50xi32>
    %add3A_1367 = arith.addi %add3A_1356, %select_n3A_1366 : vector<200x50xi32>
    %slice3A_1368 = vector.extract_strided_slice %add3A_1321 {offsets = [0, 4], sizes = [200, 1], strides = [1, 1]} : vector<200x50xi32> to vector<200x1xi32>
    %eq3A_1369 = vector.broadcast %slice3A_1368 : vector<200x1xi32> to vector<200x50xi32>
    %eq3A_1370 = vector.broadcast %iota3A_961 : vector<1x50xi32> to vector<200x50xi32>
    %eq3A_1371 = arith.cmpi eq, %eq3A_1369, %eq3A_1370 : vector<200x50xi32>
    %slice3A_1372 = vector.extract_strided_slice %get3A_960 {offsets = [0, 4], sizes = [200, 1], strides = [1, 1]} : vector<200x50xi32> to vector<200x1xi32>
    %jit3A_1373 = arith.constant 0 : i32
    %broadcast_in_dim3A_1374 = vector.shape_cast %slice3A_1372 : vector<200x1xi32> to vector<200x1xi32>
    %broadcast_in_dim3A_1375 = vector.broadcast %broadcast_in_dim3A_1374 : vector<200x1xi32> to vector<200x50xi32>
    %broadcast_in_dim3A_1376 = vector.broadcast %jit3A_1373 : i32 to vector<200x50xi32>
    %select_n3A_1377 = arith.select %eq3A_1371, %broadcast_in_dim3A_1375, %broadcast_in_dim3A_1376 : vector<200x50xi1>, vector<200x50xi32>
    %add3A_1378 = arith.addi %add3A_1367, %select_n3A_1377 : vector<200x50xi32>
    %slice3A_1379 = vector.extract_strided_slice %add3A_1321 {offsets = [0, 5], sizes = [200, 1], strides = [1, 1]} : vector<200x50xi32> to vector<200x1xi32>
    %eq3A_1380 = vector.broadcast %slice3A_1379 : vector<200x1xi32> to vector<200x50xi32>
    %eq3A_1381 = vector.broadcast %iota3A_961 : vector<1x50xi32> to vector<200x50xi32>
    %eq3A_1382 = arith.cmpi eq, %eq3A_1380, %eq3A_1381 : vector<200x50xi32>
    %slice3A_1383 = vector.extract_strided_slice %get3A_960 {offsets = [0, 5], sizes = [200, 1], strides = [1, 1]} : vector<200x50xi32> to vector<200x1xi32>
    %jit3A_1384 = arith.constant 0 : i32
    %broadcast_in_dim3A_1385 = vector.shape_cast %slice3A_1383 : vector<200x1xi32> to vector<200x1xi32>
    %broadcast_in_dim3A_1386 = vector.broadcast %broadcast_in_dim3A_1385 : vector<200x1xi32> to vector<200x50xi32>
    %broadcast_in_dim3A_1387 = vector.broadcast %jit3A_1384 : i32 to vector<200x50xi32>
    %select_n3A_1388 = arith.select %eq3A_1382, %broadcast_in_dim3A_1386, %broadcast_in_dim3A_1387 : vector<200x50xi1>, vector<200x50xi32>
    %add3A_1389 = arith.addi %add3A_1378, %select_n3A_1388 : vector<200x50xi32>
    %slice3A_1390 = vector.extract_strided_slice %add3A_1321 {offsets = [0, 6], sizes = [200, 1], strides = [1, 1]} : vector<200x50xi32> to vector<200x1xi32>
    %eq3A_1391 = vector.broadcast %slice3A_1390 : vector<200x1xi32> to vector<200x50xi32>
    %eq3A_1392 = vector.broadcast %iota3A_961 : vector<1x50xi32> to vector<200x50xi32>
    %eq3A_1393 = arith.cmpi eq, %eq3A_1391, %eq3A_1392 : vector<200x50xi32>
    %slice3A_1394 = vector.extract_strided_slice %get3A_960 {offsets = [0, 6], sizes = [200, 1], strides = [1, 1]} : vector<200x50xi32> to vector<200x1xi32>
    %jit3A_1395 = arith.constant 0 : i32
    %broadcast_in_dim3A_1396 = vector.shape_cast %slice3A_1394 : vector<200x1xi32> to vector<200x1xi32>
    %broadcast_in_dim3A_1397 = vector.broadcast %broadcast_in_dim3A_1396 : vector<200x1xi32> to vector<200x50xi32>
    %broadcast_in_dim3A_1398 = vector.broadcast %jit3A_1395 : i32 to vector<200x50xi32>
    %select_n3A_1399 = arith.select %eq3A_1393, %broadcast_in_dim3A_1397, %broadcast_in_dim3A_1398 : vector<200x50xi1>, vector<200x50xi32>
    %add3A_1400 = arith.addi %add3A_1389, %select_n3A_1399 : vector<200x50xi32>
    %slice3A_1401 = vector.extract_strided_slice %add3A_1321 {offsets = [0, 7], sizes = [200, 1], strides = [1, 1]} : vector<200x50xi32> to vector<200x1xi32>
    %eq3A_1402 = vector.broadcast %slice3A_1401 : vector<200x1xi32> to vector<200x50xi32>
    %eq3A_1403 = vector.broadcast %iota3A_961 : vector<1x50xi32> to vector<200x50xi32>
    %eq3A_1404 = arith.cmpi eq, %eq3A_1402, %eq3A_1403 : vector<200x50xi32>
    %slice3A_1405 = vector.extract_strided_slice %get3A_960 {offsets = [0, 7], sizes = [200, 1], strides = [1, 1]} : vector<200x50xi32> to vector<200x1xi32>
    %jit3A_1406 = arith.constant 0 : i32
    %broadcast_in_dim3A_1407 = vector.shape_cast %slice3A_1405 : vector<200x1xi32> to vector<200x1xi32>
    %broadcast_in_dim3A_1408 = vector.broadcast %broadcast_in_dim3A_1407 : vector<200x1xi32> to vector<200x50xi32>
    %broadcast_in_dim3A_1409 = vector.broadcast %jit3A_1406 : i32 to vector<200x50xi32>
    %select_n3A_1410 = arith.select %eq3A_1404, %broadcast_in_dim3A_1408, %broadcast_in_dim3A_1409 : vector<200x50xi1>, vector<200x50xi32>
    %add3A_1411 = arith.addi %add3A_1400, %select_n3A_1410 : vector<200x50xi32>
    %slice3A_1412 = vector.extract_strided_slice %add3A_1321 {offsets = [0, 8], sizes = [200, 1], strides = [1, 1]} : vector<200x50xi32> to vector<200x1xi32>
    %eq3A_1413 = vector.broadcast %slice3A_1412 : vector<200x1xi32> to vector<200x50xi32>
    %eq3A_1414 = vector.broadcast %iota3A_961 : vector<1x50xi32> to vector<200x50xi32>
    %eq3A_1415 = arith.cmpi eq, %eq3A_1413, %eq3A_1414 : vector<200x50xi32>
    %slice3A_1416 = vector.extract_strided_slice %get3A_960 {offsets = [0, 8], sizes = [200, 1], strides = [1, 1]} : vector<200x50xi32> to vector<200x1xi32>
    %jit3A_1417 = arith.constant 0 : i32
    %broadcast_in_dim3A_1418 = vector.shape_cast %slice3A_1416 : vector<200x1xi32> to vector<200x1xi32>
    %broadcast_in_dim3A_1419 = vector.broadcast %broadcast_in_dim3A_1418 : vector<200x1xi32> to vector<200x50xi32>
    %broadcast_in_dim3A_1420 = vector.broadcast %jit3A_1417 : i32 to vector<200x50xi32>
    %select_n3A_1421 = arith.select %eq3A_1415, %broadcast_in_dim3A_1419, %broadcast_in_dim3A_1420 : vector<200x50xi1>, vector<200x50xi32>
    %add3A_1422 = arith.addi %add3A_1411, %select_n3A_1421 : vector<200x50xi32>
    %slice3A_1423 = vector.extract_strided_slice %add3A_1321 {offsets = [0, 9], sizes = [200, 1], strides = [1, 1]} : vector<200x50xi32> to vector<200x1xi32>
    %eq3A_1424 = vector.broadcast %slice3A_1423 : vector<200x1xi32> to vector<200x50xi32>
    %eq3A_1425 = vector.broadcast %iota3A_961 : vector<1x50xi32> to vector<200x50xi32>
    %eq3A_1426 = arith.cmpi eq, %eq3A_1424, %eq3A_1425 : vector<200x50xi32>
    %slice3A_1427 = vector.extract_strided_slice %get3A_960 {offsets = [0, 9], sizes = [200, 1], strides = [1, 1]} : vector<200x50xi32> to vector<200x1xi32>
    %jit3A_1428 = arith.constant 0 : i32
    %broadcast_in_dim3A_1429 = vector.shape_cast %slice3A_1427 : vector<200x1xi32> to vector<200x1xi32>
    %broadcast_in_dim3A_1430 = vector.broadcast %broadcast_in_dim3A_1429 : vector<200x1xi32> to vector<200x50xi32>
    %broadcast_in_dim3A_1431 = vector.broadcast %jit3A_1428 : i32 to vector<200x50xi32>
    %select_n3A_1432 = arith.select %eq3A_1426, %broadcast_in_dim3A_1430, %broadcast_in_dim3A_1431 : vector<200x50xi1>, vector<200x50xi32>
    %add3A_1433 = arith.addi %add3A_1422, %select_n3A_1432 : vector<200x50xi32>
    %slice3A_1434 = vector.extract_strided_slice %add3A_1321 {offsets = [0, 10], sizes = [200, 1], strides = [1, 1]} : vector<200x50xi32> to vector<200x1xi32>
    %eq3A_1435 = vector.broadcast %slice3A_1434 : vector<200x1xi32> to vector<200x50xi32>
    %eq3A_1436 = vector.broadcast %iota3A_961 : vector<1x50xi32> to vector<200x50xi32>
    %eq3A_1437 = arith.cmpi eq, %eq3A_1435, %eq3A_1436 : vector<200x50xi32>
    %slice3A_1438 = vector.extract_strided_slice %get3A_960 {offsets = [0, 10], sizes = [200, 1], strides = [1, 1]} : vector<200x50xi32> to vector<200x1xi32>
    %jit3A_1439 = arith.constant 0 : i32
    %broadcast_in_dim3A_1440 = vector.shape_cast %slice3A_1438 : vector<200x1xi32> to vector<200x1xi32>
    %broadcast_in_dim3A_1441 = vector.broadcast %broadcast_in_dim3A_1440 : vector<200x1xi32> to vector<200x50xi32>
    %broadcast_in_dim3A_1442 = vector.broadcast %jit3A_1439 : i32 to vector<200x50xi32>
    %select_n3A_1443 = arith.select %eq3A_1437, %broadcast_in_dim3A_1441, %broadcast_in_dim3A_1442 : vector<200x50xi1>, vector<200x50xi32>
    %add3A_1444 = arith.addi %add3A_1433, %select_n3A_1443 : vector<200x50xi32>
    %slice3A_1445 = vector.extract_strided_slice %add3A_1321 {offsets = [0, 11], sizes = [200, 1], strides = [1, 1]} : vector<200x50xi32> to vector<200x1xi32>
    %eq3A_1446 = vector.broadcast %slice3A_1445 : vector<200x1xi32> to vector<200x50xi32>
    %eq3A_1447 = vector.broadcast %iota3A_961 : vector<1x50xi32> to vector<200x50xi32>
    %eq3A_1448 = arith.cmpi eq, %eq3A_1446, %eq3A_1447 : vector<200x50xi32>
    %slice3A_1449 = vector.extract_strided_slice %get3A_960 {offsets = [0, 11], sizes = [200, 1], strides = [1, 1]} : vector<200x50xi32> to vector<200x1xi32>
    %jit3A_1450 = arith.constant 0 : i32
    %broadcast_in_dim3A_1451 = vector.shape_cast %slice3A_1449 : vector<200x1xi32> to vector<200x1xi32>
    %broadcast_in_dim3A_1452 = vector.broadcast %broadcast_in_dim3A_1451 : vector<200x1xi32> to vector<200x50xi32>
    %broadcast_in_dim3A_1453 = vector.broadcast %jit3A_1450 : i32 to vector<200x50xi32>
    %select_n3A_1454 = arith.select %eq3A_1448, %broadcast_in_dim3A_1452, %broadcast_in_dim3A_1453 : vector<200x50xi1>, vector<200x50xi32>
    %add3A_1455 = arith.addi %add3A_1444, %select_n3A_1454 : vector<200x50xi32>
    %slice3A_1456 = vector.extract_strided_slice %add3A_1321 {offsets = [0, 12], sizes = [200, 1], strides = [1, 1]} : vector<200x50xi32> to vector<200x1xi32>
    %eq3A_1457 = vector.broadcast %slice3A_1456 : vector<200x1xi32> to vector<200x50xi32>
    %eq3A_1458 = vector.broadcast %iota3A_961 : vector<1x50xi32> to vector<200x50xi32>
    %eq3A_1459 = arith.cmpi eq, %eq3A_1457, %eq3A_1458 : vector<200x50xi32>
    %slice3A_1460 = vector.extract_strided_slice %get3A_960 {offsets = [0, 12], sizes = [200, 1], strides = [1, 1]} : vector<200x50xi32> to vector<200x1xi32>
    %jit3A_1461 = arith.constant 0 : i32
    %broadcast_in_dim3A_1462 = vector.shape_cast %slice3A_1460 : vector<200x1xi32> to vector<200x1xi32>
    %broadcast_in_dim3A_1463 = vector.broadcast %broadcast_in_dim3A_1462 : vector<200x1xi32> to vector<200x50xi32>
    %broadcast_in_dim3A_1464 = vector.broadcast %jit3A_1461 : i32 to vector<200x50xi32>
    %select_n3A_1465 = arith.select %eq3A_1459, %broadcast_in_dim3A_1463, %broadcast_in_dim3A_1464 : vector<200x50xi1>, vector<200x50xi32>
    %add3A_1466 = arith.addi %add3A_1455, %select_n3A_1465 : vector<200x50xi32>
    %slice3A_1467 = vector.extract_strided_slice %add3A_1321 {offsets = [0, 13], sizes = [200, 1], strides = [1, 1]} : vector<200x50xi32> to vector<200x1xi32>
    %eq3A_1468 = vector.broadcast %slice3A_1467 : vector<200x1xi32> to vector<200x50xi32>
    %eq3A_1469 = vector.broadcast %iota3A_961 : vector<1x50xi32> to vector<200x50xi32>
    %eq3A_1470 = arith.cmpi eq, %eq3A_1468, %eq3A_1469 : vector<200x50xi32>
    %slice3A_1471 = vector.extract_strided_slice %get3A_960 {offsets = [0, 13], sizes = [200, 1], strides = [1, 1]} : vector<200x50xi32> to vector<200x1xi32>
    %jit3A_1472 = arith.constant 0 : i32
    %broadcast_in_dim3A_1473 = vector.shape_cast %slice3A_1471 : vector<200x1xi32> to vector<200x1xi32>
    %broadcast_in_dim3A_1474 = vector.broadcast %broadcast_in_dim3A_1473 : vector<200x1xi32> to vector<200x50xi32>
    %broadcast_in_dim3A_1475 = vector.broadcast %jit3A_1472 : i32 to vector<200x50xi32>
    %select_n3A_1476 = arith.select %eq3A_1470, %broadcast_in_dim3A_1474, %broadcast_in_dim3A_1475 : vector<200x50xi1>, vector<200x50xi32>
    %add3A_1477 = arith.addi %add3A_1466, %select_n3A_1476 : vector<200x50xi32>
    %slice3A_1478 = vector.extract_strided_slice %add3A_1321 {offsets = [0, 14], sizes = [200, 1], strides = [1, 1]} : vector<200x50xi32> to vector<200x1xi32>
    %eq3A_1479 = vector.broadcast %slice3A_1478 : vector<200x1xi32> to vector<200x50xi32>
    %eq3A_1480 = vector.broadcast %iota3A_961 : vector<1x50xi32> to vector<200x50xi32>
    %eq3A_1481 = arith.cmpi eq, %eq3A_1479, %eq3A_1480 : vector<200x50xi32>
    %slice3A_1482 = vector.extract_strided_slice %get3A_960 {offsets = [0, 14], sizes = [200, 1], strides = [1, 1]} : vector<200x50xi32> to vector<200x1xi32>
    %jit3A_1483 = arith.constant 0 : i32
    %broadcast_in_dim3A_1484 = vector.shape_cast %slice3A_1482 : vector<200x1xi32> to vector<200x1xi32>
    %broadcast_in_dim3A_1485 = vector.broadcast %broadcast_in_dim3A_1484 : vector<200x1xi32> to vector<200x50xi32>
    %broadcast_in_dim3A_1486 = vector.broadcast %jit3A_1483 : i32 to vector<200x50xi32>
    %select_n3A_1487 = arith.select %eq3A_1481, %broadcast_in_dim3A_1485, %broadcast_in_dim3A_1486 : vector<200x50xi1>, vector<200x50xi32>
    %add3A_1488 = arith.addi %add3A_1477, %select_n3A_1487 : vector<200x50xi32>
    %slice3A_1489 = vector.extract_strided_slice %add3A_1321 {offsets = [0, 15], sizes = [200, 1], strides = [1, 1]} : vector<200x50xi32> to vector<200x1xi32>
    %eq3A_1490 = vector.broadcast %slice3A_1489 : vector<200x1xi32> to vector<200x50xi32>
    %eq3A_1491 = vector.broadcast %iota3A_961 : vector<1x50xi32> to vector<200x50xi32>
    %eq3A_1492 = arith.cmpi eq, %eq3A_1490, %eq3A_1491 : vector<200x50xi32>
    %slice3A_1493 = vector.extract_strided_slice %get3A_960 {offsets = [0, 15], sizes = [200, 1], strides = [1, 1]} : vector<200x50xi32> to vector<200x1xi32>
    %jit3A_1494 = arith.constant 0 : i32
    %broadcast_in_dim3A_1495 = vector.shape_cast %slice3A_1493 : vector<200x1xi32> to vector<200x1xi32>
    %broadcast_in_dim3A_1496 = vector.broadcast %broadcast_in_dim3A_1495 : vector<200x1xi32> to vector<200x50xi32>
    %broadcast_in_dim3A_1497 = vector.broadcast %jit3A_1494 : i32 to vector<200x50xi32>
    %select_n3A_1498 = arith.select %eq3A_1492, %broadcast_in_dim3A_1496, %broadcast_in_dim3A_1497 : vector<200x50xi1>, vector<200x50xi32>
    %add3A_1499 = arith.addi %add3A_1488, %select_n3A_1498 : vector<200x50xi32>
    %slice3A_1500 = vector.extract_strided_slice %add3A_1321 {offsets = [0, 16], sizes = [200, 1], strides = [1, 1]} : vector<200x50xi32> to vector<200x1xi32>
    %eq3A_1501 = vector.broadcast %slice3A_1500 : vector<200x1xi32> to vector<200x50xi32>
    %eq3A_1502 = vector.broadcast %iota3A_961 : vector<1x50xi32> to vector<200x50xi32>
    %eq3A_1503 = arith.cmpi eq, %eq3A_1501, %eq3A_1502 : vector<200x50xi32>
    %slice3A_1504 = vector.extract_strided_slice %get3A_960 {offsets = [0, 16], sizes = [200, 1], strides = [1, 1]} : vector<200x50xi32> to vector<200x1xi32>
    %jit3A_1505 = arith.constant 0 : i32
    %broadcast_in_dim3A_1506 = vector.shape_cast %slice3A_1504 : vector<200x1xi32> to vector<200x1xi32>
    %broadcast_in_dim3A_1507 = vector.broadcast %broadcast_in_dim3A_1506 : vector<200x1xi32> to vector<200x50xi32>
    %broadcast_in_dim3A_1508 = vector.broadcast %jit3A_1505 : i32 to vector<200x50xi32>
    %select_n3A_1509 = arith.select %eq3A_1503, %broadcast_in_dim3A_1507, %broadcast_in_dim3A_1508 : vector<200x50xi1>, vector<200x50xi32>
    %add3A_1510 = arith.addi %add3A_1499, %select_n3A_1509 : vector<200x50xi32>
    %slice3A_1511 = vector.extract_strided_slice %add3A_1321 {offsets = [0, 17], sizes = [200, 1], strides = [1, 1]} : vector<200x50xi32> to vector<200x1xi32>
    %eq3A_1512 = vector.broadcast %slice3A_1511 : vector<200x1xi32> to vector<200x50xi32>
    %eq3A_1513 = vector.broadcast %iota3A_961 : vector<1x50xi32> to vector<200x50xi32>
    %eq3A_1514 = arith.cmpi eq, %eq3A_1512, %eq3A_1513 : vector<200x50xi32>
    %slice3A_1515 = vector.extract_strided_slice %get3A_960 {offsets = [0, 17], sizes = [200, 1], strides = [1, 1]} : vector<200x50xi32> to vector<200x1xi32>
    %jit3A_1516 = arith.constant 0 : i32
    %broadcast_in_dim3A_1517 = vector.shape_cast %slice3A_1515 : vector<200x1xi32> to vector<200x1xi32>
    %broadcast_in_dim3A_1518 = vector.broadcast %broadcast_in_dim3A_1517 : vector<200x1xi32> to vector<200x50xi32>
    %broadcast_in_dim3A_1519 = vector.broadcast %jit3A_1516 : i32 to vector<200x50xi32>
    %select_n3A_1520 = arith.select %eq3A_1514, %broadcast_in_dim3A_1518, %broadcast_in_dim3A_1519 : vector<200x50xi1>, vector<200x50xi32>
    %add3A_1521 = arith.addi %add3A_1510, %select_n3A_1520 : vector<200x50xi32>
    %slice3A_1522 = vector.extract_strided_slice %add3A_1321 {offsets = [0, 18], sizes = [200, 1], strides = [1, 1]} : vector<200x50xi32> to vector<200x1xi32>
    %eq3A_1523 = vector.broadcast %slice3A_1522 : vector<200x1xi32> to vector<200x50xi32>
    %eq3A_1524 = vector.broadcast %iota3A_961 : vector<1x50xi32> to vector<200x50xi32>
    %eq3A_1525 = arith.cmpi eq, %eq3A_1523, %eq3A_1524 : vector<200x50xi32>
    %slice3A_1526 = vector.extract_strided_slice %get3A_960 {offsets = [0, 18], sizes = [200, 1], strides = [1, 1]} : vector<200x50xi32> to vector<200x1xi32>
    %jit3A_1527 = arith.constant 0 : i32
    %broadcast_in_dim3A_1528 = vector.shape_cast %slice3A_1526 : vector<200x1xi32> to vector<200x1xi32>
    %broadcast_in_dim3A_1529 = vector.broadcast %broadcast_in_dim3A_1528 : vector<200x1xi32> to vector<200x50xi32>
    %broadcast_in_dim3A_1530 = vector.broadcast %jit3A_1527 : i32 to vector<200x50xi32>
    %select_n3A_1531 = arith.select %eq3A_1525, %broadcast_in_dim3A_1529, %broadcast_in_dim3A_1530 : vector<200x50xi1>, vector<200x50xi32>
    %add3A_1532 = arith.addi %add3A_1521, %select_n3A_1531 : vector<200x50xi32>
    %slice3A_1533 = vector.extract_strided_slice %add3A_1321 {offsets = [0, 19], sizes = [200, 1], strides = [1, 1]} : vector<200x50xi32> to vector<200x1xi32>
    %eq3A_1534 = vector.broadcast %slice3A_1533 : vector<200x1xi32> to vector<200x50xi32>
    %eq3A_1535 = vector.broadcast %iota3A_961 : vector<1x50xi32> to vector<200x50xi32>
    %eq3A_1536 = arith.cmpi eq, %eq3A_1534, %eq3A_1535 : vector<200x50xi32>
    %slice3A_1537 = vector.extract_strided_slice %get3A_960 {offsets = [0, 19], sizes = [200, 1], strides = [1, 1]} : vector<200x50xi32> to vector<200x1xi32>
    %jit3A_1538 = arith.constant 0 : i32
    %broadcast_in_dim3A_1539 = vector.shape_cast %slice3A_1537 : vector<200x1xi32> to vector<200x1xi32>
    %broadcast_in_dim3A_1540 = vector.broadcast %broadcast_in_dim3A_1539 : vector<200x1xi32> to vector<200x50xi32>
    %broadcast_in_dim3A_1541 = vector.broadcast %jit3A_1538 : i32 to vector<200x50xi32>
    %select_n3A_1542 = arith.select %eq3A_1536, %broadcast_in_dim3A_1540, %broadcast_in_dim3A_1541 : vector<200x50xi1>, vector<200x50xi32>
    %add3A_1543 = arith.addi %add3A_1532, %select_n3A_1542 : vector<200x50xi32>
    %slice3A_1544 = vector.extract_strided_slice %add3A_1321 {offsets = [0, 20], sizes = [200, 1], strides = [1, 1]} : vector<200x50xi32> to vector<200x1xi32>
    %eq3A_1545 = vector.broadcast %slice3A_1544 : vector<200x1xi32> to vector<200x50xi32>
    %eq3A_1546 = vector.broadcast %iota3A_961 : vector<1x50xi32> to vector<200x50xi32>
    %eq3A_1547 = arith.cmpi eq, %eq3A_1545, %eq3A_1546 : vector<200x50xi32>
    %slice3A_1548 = vector.extract_strided_slice %get3A_960 {offsets = [0, 20], sizes = [200, 1], strides = [1, 1]} : vector<200x50xi32> to vector<200x1xi32>
    %jit3A_1549 = arith.constant 0 : i32
    %broadcast_in_dim3A_1550 = vector.shape_cast %slice3A_1548 : vector<200x1xi32> to vector<200x1xi32>
    %broadcast_in_dim3A_1551 = vector.broadcast %broadcast_in_dim3A_1550 : vector<200x1xi32> to vector<200x50xi32>
    %broadcast_in_dim3A_1552 = vector.broadcast %jit3A_1549 : i32 to vector<200x50xi32>
    %select_n3A_1553 = arith.select %eq3A_1547, %broadcast_in_dim3A_1551, %broadcast_in_dim3A_1552 : vector<200x50xi1>, vector<200x50xi32>
    %add3A_1554 = arith.addi %add3A_1543, %select_n3A_1553 : vector<200x50xi32>
    %slice3A_1555 = vector.extract_strided_slice %add3A_1321 {offsets = [0, 21], sizes = [200, 1], strides = [1, 1]} : vector<200x50xi32> to vector<200x1xi32>
    %eq3A_1556 = vector.broadcast %slice3A_1555 : vector<200x1xi32> to vector<200x50xi32>
    %eq3A_1557 = vector.broadcast %iota3A_961 : vector<1x50xi32> to vector<200x50xi32>
    %eq3A_1558 = arith.cmpi eq, %eq3A_1556, %eq3A_1557 : vector<200x50xi32>
    %slice3A_1559 = vector.extract_strided_slice %get3A_960 {offsets = [0, 21], sizes = [200, 1], strides = [1, 1]} : vector<200x50xi32> to vector<200x1xi32>
    %jit3A_1560 = arith.constant 0 : i32
    %broadcast_in_dim3A_1561 = vector.shape_cast %slice3A_1559 : vector<200x1xi32> to vector<200x1xi32>
    %broadcast_in_dim3A_1562 = vector.broadcast %broadcast_in_dim3A_1561 : vector<200x1xi32> to vector<200x50xi32>
    %broadcast_in_dim3A_1563 = vector.broadcast %jit3A_1560 : i32 to vector<200x50xi32>
    %select_n3A_1564 = arith.select %eq3A_1558, %broadcast_in_dim3A_1562, %broadcast_in_dim3A_1563 : vector<200x50xi1>, vector<200x50xi32>
    %add3A_1565 = arith.addi %add3A_1554, %select_n3A_1564 : vector<200x50xi32>
    %slice3A_1566 = vector.extract_strided_slice %add3A_1321 {offsets = [0, 22], sizes = [200, 1], strides = [1, 1]} : vector<200x50xi32> to vector<200x1xi32>
    %eq3A_1567 = vector.broadcast %slice3A_1566 : vector<200x1xi32> to vector<200x50xi32>
    %eq3A_1568 = vector.broadcast %iota3A_961 : vector<1x50xi32> to vector<200x50xi32>
    %eq3A_1569 = arith.cmpi eq, %eq3A_1567, %eq3A_1568 : vector<200x50xi32>
    %slice3A_1570 = vector.extract_strided_slice %get3A_960 {offsets = [0, 22], sizes = [200, 1], strides = [1, 1]} : vector<200x50xi32> to vector<200x1xi32>
    %jit3A_1571 = arith.constant 0 : i32
    %broadcast_in_dim3A_1572 = vector.shape_cast %slice3A_1570 : vector<200x1xi32> to vector<200x1xi32>
    %broadcast_in_dim3A_1573 = vector.broadcast %broadcast_in_dim3A_1572 : vector<200x1xi32> to vector<200x50xi32>
    %broadcast_in_dim3A_1574 = vector.broadcast %jit3A_1571 : i32 to vector<200x50xi32>
    %select_n3A_1575 = arith.select %eq3A_1569, %broadcast_in_dim3A_1573, %broadcast_in_dim3A_1574 : vector<200x50xi1>, vector<200x50xi32>
    %add3A_1576 = arith.addi %add3A_1565, %select_n3A_1575 : vector<200x50xi32>
    %slice3A_1577 = vector.extract_strided_slice %add3A_1321 {offsets = [0, 23], sizes = [200, 1], strides = [1, 1]} : vector<200x50xi32> to vector<200x1xi32>
    %eq3A_1578 = vector.broadcast %slice3A_1577 : vector<200x1xi32> to vector<200x50xi32>
    %eq3A_1579 = vector.broadcast %iota3A_961 : vector<1x50xi32> to vector<200x50xi32>
    %eq3A_1580 = arith.cmpi eq, %eq3A_1578, %eq3A_1579 : vector<200x50xi32>
    %slice3A_1581 = vector.extract_strided_slice %get3A_960 {offsets = [0, 23], sizes = [200, 1], strides = [1, 1]} : vector<200x50xi32> to vector<200x1xi32>
    %jit3A_1582 = arith.constant 0 : i32
    %broadcast_in_dim3A_1583 = vector.shape_cast %slice3A_1581 : vector<200x1xi32> to vector<200x1xi32>
    %broadcast_in_dim3A_1584 = vector.broadcast %broadcast_in_dim3A_1583 : vector<200x1xi32> to vector<200x50xi32>
    %broadcast_in_dim3A_1585 = vector.broadcast %jit3A_1582 : i32 to vector<200x50xi32>
    %select_n3A_1586 = arith.select %eq3A_1580, %broadcast_in_dim3A_1584, %broadcast_in_dim3A_1585 : vector<200x50xi1>, vector<200x50xi32>
    %add3A_1587 = arith.addi %add3A_1576, %select_n3A_1586 : vector<200x50xi32>
    %slice3A_1588 = vector.extract_strided_slice %add3A_1321 {offsets = [0, 24], sizes = [200, 1], strides = [1, 1]} : vector<200x50xi32> to vector<200x1xi32>
    %eq3A_1589 = vector.broadcast %slice3A_1588 : vector<200x1xi32> to vector<200x50xi32>
    %eq3A_1590 = vector.broadcast %iota3A_961 : vector<1x50xi32> to vector<200x50xi32>
    %eq3A_1591 = arith.cmpi eq, %eq3A_1589, %eq3A_1590 : vector<200x50xi32>
    %slice3A_1592 = vector.extract_strided_slice %get3A_960 {offsets = [0, 24], sizes = [200, 1], strides = [1, 1]} : vector<200x50xi32> to vector<200x1xi32>
    %jit3A_1593 = arith.constant 0 : i32
    %broadcast_in_dim3A_1594 = vector.shape_cast %slice3A_1592 : vector<200x1xi32> to vector<200x1xi32>
    %broadcast_in_dim3A_1595 = vector.broadcast %broadcast_in_dim3A_1594 : vector<200x1xi32> to vector<200x50xi32>
    %broadcast_in_dim3A_1596 = vector.broadcast %jit3A_1593 : i32 to vector<200x50xi32>
    %select_n3A_1597 = arith.select %eq3A_1591, %broadcast_in_dim3A_1595, %broadcast_in_dim3A_1596 : vector<200x50xi1>, vector<200x50xi32>
    %add3A_1598 = arith.addi %add3A_1587, %select_n3A_1597 : vector<200x50xi32>
    %slice3A_1599 = vector.extract_strided_slice %add3A_1321 {offsets = [0, 25], sizes = [200, 1], strides = [1, 1]} : vector<200x50xi32> to vector<200x1xi32>
    %eq3A_1600 = vector.broadcast %slice3A_1599 : vector<200x1xi32> to vector<200x50xi32>
    %eq3A_1601 = vector.broadcast %iota3A_961 : vector<1x50xi32> to vector<200x50xi32>
    %eq3A_1602 = arith.cmpi eq, %eq3A_1600, %eq3A_1601 : vector<200x50xi32>
    %slice3A_1603 = vector.extract_strided_slice %get3A_960 {offsets = [0, 25], sizes = [200, 1], strides = [1, 1]} : vector<200x50xi32> to vector<200x1xi32>
    %jit3A_1604 = arith.constant 0 : i32
    %broadcast_in_dim3A_1605 = vector.shape_cast %slice3A_1603 : vector<200x1xi32> to vector<200x1xi32>
    %broadcast_in_dim3A_1606 = vector.broadcast %broadcast_in_dim3A_1605 : vector<200x1xi32> to vector<200x50xi32>
    %broadcast_in_dim3A_1607 = vector.broadcast %jit3A_1604 : i32 to vector<200x50xi32>
    %select_n3A_1608 = arith.select %eq3A_1602, %broadcast_in_dim3A_1606, %broadcast_in_dim3A_1607 : vector<200x50xi1>, vector<200x50xi32>
    %add3A_1609 = arith.addi %add3A_1598, %select_n3A_1608 : vector<200x50xi32>
    %slice3A_1610 = vector.extract_strided_slice %add3A_1321 {offsets = [0, 26], sizes = [200, 1], strides = [1, 1]} : vector<200x50xi32> to vector<200x1xi32>
    %eq3A_1611 = vector.broadcast %slice3A_1610 : vector<200x1xi32> to vector<200x50xi32>
    %eq3A_1612 = vector.broadcast %iota3A_961 : vector<1x50xi32> to vector<200x50xi32>
    %eq3A_1613 = arith.cmpi eq, %eq3A_1611, %eq3A_1612 : vector<200x50xi32>
    %slice3A_1614 = vector.extract_strided_slice %get3A_960 {offsets = [0, 26], sizes = [200, 1], strides = [1, 1]} : vector<200x50xi32> to vector<200x1xi32>
    %jit3A_1615 = arith.constant 0 : i32
    %broadcast_in_dim3A_1616 = vector.shape_cast %slice3A_1614 : vector<200x1xi32> to vector<200x1xi32>
    %broadcast_in_dim3A_1617 = vector.broadcast %broadcast_in_dim3A_1616 : vector<200x1xi32> to vector<200x50xi32>
    %broadcast_in_dim3A_1618 = vector.broadcast %jit3A_1615 : i32 to vector<200x50xi32>
    %select_n3A_1619 = arith.select %eq3A_1613, %broadcast_in_dim3A_1617, %broadcast_in_dim3A_1618 : vector<200x50xi1>, vector<200x50xi32>
    %add3A_1620 = arith.addi %add3A_1609, %select_n3A_1619 : vector<200x50xi32>
    %slice3A_1621 = vector.extract_strided_slice %add3A_1321 {offsets = [0, 27], sizes = [200, 1], strides = [1, 1]} : vector<200x50xi32> to vector<200x1xi32>
    %eq3A_1622 = vector.broadcast %slice3A_1621 : vector<200x1xi32> to vector<200x50xi32>
    %eq3A_1623 = vector.broadcast %iota3A_961 : vector<1x50xi32> to vector<200x50xi32>
    %eq3A_1624 = arith.cmpi eq, %eq3A_1622, %eq3A_1623 : vector<200x50xi32>
    %slice3A_1625 = vector.extract_strided_slice %get3A_960 {offsets = [0, 27], sizes = [200, 1], strides = [1, 1]} : vector<200x50xi32> to vector<200x1xi32>
    %jit3A_1626 = arith.constant 0 : i32
    %broadcast_in_dim3A_1627 = vector.shape_cast %slice3A_1625 : vector<200x1xi32> to vector<200x1xi32>
    %broadcast_in_dim3A_1628 = vector.broadcast %broadcast_in_dim3A_1627 : vector<200x1xi32> to vector<200x50xi32>
    %broadcast_in_dim3A_1629 = vector.broadcast %jit3A_1626 : i32 to vector<200x50xi32>
    %select_n3A_1630 = arith.select %eq3A_1624, %broadcast_in_dim3A_1628, %broadcast_in_dim3A_1629 : vector<200x50xi1>, vector<200x50xi32>
    %add3A_1631 = arith.addi %add3A_1620, %select_n3A_1630 : vector<200x50xi32>
    %slice3A_1632 = vector.extract_strided_slice %add3A_1321 {offsets = [0, 28], sizes = [200, 1], strides = [1, 1]} : vector<200x50xi32> to vector<200x1xi32>
    %eq3A_1633 = vector.broadcast %slice3A_1632 : vector<200x1xi32> to vector<200x50xi32>
    %eq3A_1634 = vector.broadcast %iota3A_961 : vector<1x50xi32> to vector<200x50xi32>
    %eq3A_1635 = arith.cmpi eq, %eq3A_1633, %eq3A_1634 : vector<200x50xi32>
    %slice3A_1636 = vector.extract_strided_slice %get3A_960 {offsets = [0, 28], sizes = [200, 1], strides = [1, 1]} : vector<200x50xi32> to vector<200x1xi32>
    %jit3A_1637 = arith.constant 0 : i32
    %broadcast_in_dim3A_1638 = vector.shape_cast %slice3A_1636 : vector<200x1xi32> to vector<200x1xi32>
    %broadcast_in_dim3A_1639 = vector.broadcast %broadcast_in_dim3A_1638 : vector<200x1xi32> to vector<200x50xi32>
    %broadcast_in_dim3A_1640 = vector.broadcast %jit3A_1637 : i32 to vector<200x50xi32>
    %select_n3A_1641 = arith.select %eq3A_1635, %broadcast_in_dim3A_1639, %broadcast_in_dim3A_1640 : vector<200x50xi1>, vector<200x50xi32>
    %add3A_1642 = arith.addi %add3A_1631, %select_n3A_1641 : vector<200x50xi32>
    %slice3A_1643 = vector.extract_strided_slice %add3A_1321 {offsets = [0, 29], sizes = [200, 1], strides = [1, 1]} : vector<200x50xi32> to vector<200x1xi32>
    %eq3A_1644 = vector.broadcast %slice3A_1643 : vector<200x1xi32> to vector<200x50xi32>
    %eq3A_1645 = vector.broadcast %iota3A_961 : vector<1x50xi32> to vector<200x50xi32>
    %eq3A_1646 = arith.cmpi eq, %eq3A_1644, %eq3A_1645 : vector<200x50xi32>
    %slice3A_1647 = vector.extract_strided_slice %get3A_960 {offsets = [0, 29], sizes = [200, 1], strides = [1, 1]} : vector<200x50xi32> to vector<200x1xi32>
    %jit3A_1648 = arith.constant 0 : i32
    %broadcast_in_dim3A_1649 = vector.shape_cast %slice3A_1647 : vector<200x1xi32> to vector<200x1xi32>
    %broadcast_in_dim3A_1650 = vector.broadcast %broadcast_in_dim3A_1649 : vector<200x1xi32> to vector<200x50xi32>
    %broadcast_in_dim3A_1651 = vector.broadcast %jit3A_1648 : i32 to vector<200x50xi32>
    %select_n3A_1652 = arith.select %eq3A_1646, %broadcast_in_dim3A_1650, %broadcast_in_dim3A_1651 : vector<200x50xi1>, vector<200x50xi32>
    %add3A_1653 = arith.addi %add3A_1642, %select_n3A_1652 : vector<200x50xi32>
    %slice3A_1654 = vector.extract_strided_slice %add3A_1321 {offsets = [0, 30], sizes = [200, 1], strides = [1, 1]} : vector<200x50xi32> to vector<200x1xi32>
    %eq3A_1655 = vector.broadcast %slice3A_1654 : vector<200x1xi32> to vector<200x50xi32>
    %eq3A_1656 = vector.broadcast %iota3A_961 : vector<1x50xi32> to vector<200x50xi32>
    %eq3A_1657 = arith.cmpi eq, %eq3A_1655, %eq3A_1656 : vector<200x50xi32>
    %slice3A_1658 = vector.extract_strided_slice %get3A_960 {offsets = [0, 30], sizes = [200, 1], strides = [1, 1]} : vector<200x50xi32> to vector<200x1xi32>
    %jit3A_1659 = arith.constant 0 : i32
    %broadcast_in_dim3A_1660 = vector.shape_cast %slice3A_1658 : vector<200x1xi32> to vector<200x1xi32>
    %broadcast_in_dim3A_1661 = vector.broadcast %broadcast_in_dim3A_1660 : vector<200x1xi32> to vector<200x50xi32>
    %broadcast_in_dim3A_1662 = vector.broadcast %jit3A_1659 : i32 to vector<200x50xi32>
    %select_n3A_1663 = arith.select %eq3A_1657, %broadcast_in_dim3A_1661, %broadcast_in_dim3A_1662 : vector<200x50xi1>, vector<200x50xi32>
    %add3A_1664 = arith.addi %add3A_1653, %select_n3A_1663 : vector<200x50xi32>
    %slice3A_1665 = vector.extract_strided_slice %add3A_1321 {offsets = [0, 31], sizes = [200, 1], strides = [1, 1]} : vector<200x50xi32> to vector<200x1xi32>
    %eq3A_1666 = vector.broadcast %slice3A_1665 : vector<200x1xi32> to vector<200x50xi32>
    %eq3A_1667 = vector.broadcast %iota3A_961 : vector<1x50xi32> to vector<200x50xi32>
    %eq3A_1668 = arith.cmpi eq, %eq3A_1666, %eq3A_1667 : vector<200x50xi32>
    %slice3A_1669 = vector.extract_strided_slice %get3A_960 {offsets = [0, 31], sizes = [200, 1], strides = [1, 1]} : vector<200x50xi32> to vector<200x1xi32>
    %jit3A_1670 = arith.constant 0 : i32
    %broadcast_in_dim3A_1671 = vector.shape_cast %slice3A_1669 : vector<200x1xi32> to vector<200x1xi32>
    %broadcast_in_dim3A_1672 = vector.broadcast %broadcast_in_dim3A_1671 : vector<200x1xi32> to vector<200x50xi32>
    %broadcast_in_dim3A_1673 = vector.broadcast %jit3A_1670 : i32 to vector<200x50xi32>
    %select_n3A_1674 = arith.select %eq3A_1668, %broadcast_in_dim3A_1672, %broadcast_in_dim3A_1673 : vector<200x50xi1>, vector<200x50xi32>
    %add3A_1675 = arith.addi %add3A_1664, %select_n3A_1674 : vector<200x50xi32>
    %slice3A_1676 = vector.extract_strided_slice %add3A_1321 {offsets = [0, 32], sizes = [200, 1], strides = [1, 1]} : vector<200x50xi32> to vector<200x1xi32>
    %eq3A_1677 = vector.broadcast %slice3A_1676 : vector<200x1xi32> to vector<200x50xi32>
    %eq3A_1678 = vector.broadcast %iota3A_961 : vector<1x50xi32> to vector<200x50xi32>
    %eq3A_1679 = arith.cmpi eq, %eq3A_1677, %eq3A_1678 : vector<200x50xi32>
    %slice3A_1680 = vector.extract_strided_slice %get3A_960 {offsets = [0, 32], sizes = [200, 1], strides = [1, 1]} : vector<200x50xi32> to vector<200x1xi32>
    %jit3A_1681 = arith.constant 0 : i32
    %broadcast_in_dim3A_1682 = vector.shape_cast %slice3A_1680 : vector<200x1xi32> to vector<200x1xi32>
    %broadcast_in_dim3A_1683 = vector.broadcast %broadcast_in_dim3A_1682 : vector<200x1xi32> to vector<200x50xi32>
    %broadcast_in_dim3A_1684 = vector.broadcast %jit3A_1681 : i32 to vector<200x50xi32>
    %select_n3A_1685 = arith.select %eq3A_1679, %broadcast_in_dim3A_1683, %broadcast_in_dim3A_1684 : vector<200x50xi1>, vector<200x50xi32>
    %add3A_1686 = arith.addi %add3A_1675, %select_n3A_1685 : vector<200x50xi32>
    %slice3A_1687 = vector.extract_strided_slice %add3A_1321 {offsets = [0, 33], sizes = [200, 1], strides = [1, 1]} : vector<200x50xi32> to vector<200x1xi32>
    %eq3A_1688 = vector.broadcast %slice3A_1687 : vector<200x1xi32> to vector<200x50xi32>
    %eq3A_1689 = vector.broadcast %iota3A_961 : vector<1x50xi32> to vector<200x50xi32>
    %eq3A_1690 = arith.cmpi eq, %eq3A_1688, %eq3A_1689 : vector<200x50xi32>
    %slice3A_1691 = vector.extract_strided_slice %get3A_960 {offsets = [0, 33], sizes = [200, 1], strides = [1, 1]} : vector<200x50xi32> to vector<200x1xi32>
    %jit3A_1692 = arith.constant 0 : i32
    %broadcast_in_dim3A_1693 = vector.shape_cast %slice3A_1691 : vector<200x1xi32> to vector<200x1xi32>
    %broadcast_in_dim3A_1694 = vector.broadcast %broadcast_in_dim3A_1693 : vector<200x1xi32> to vector<200x50xi32>
    %broadcast_in_dim3A_1695 = vector.broadcast %jit3A_1692 : i32 to vector<200x50xi32>
    %select_n3A_1696 = arith.select %eq3A_1690, %broadcast_in_dim3A_1694, %broadcast_in_dim3A_1695 : vector<200x50xi1>, vector<200x50xi32>
    %add3A_1697 = arith.addi %add3A_1686, %select_n3A_1696 : vector<200x50xi32>
    %slice3A_1698 = vector.extract_strided_slice %add3A_1321 {offsets = [0, 34], sizes = [200, 1], strides = [1, 1]} : vector<200x50xi32> to vector<200x1xi32>
    %eq3A_1699 = vector.broadcast %slice3A_1698 : vector<200x1xi32> to vector<200x50xi32>
    %eq3A_1700 = vector.broadcast %iota3A_961 : vector<1x50xi32> to vector<200x50xi32>
    %eq3A_1701 = arith.cmpi eq, %eq3A_1699, %eq3A_1700 : vector<200x50xi32>
    %slice3A_1702 = vector.extract_strided_slice %get3A_960 {offsets = [0, 34], sizes = [200, 1], strides = [1, 1]} : vector<200x50xi32> to vector<200x1xi32>
    %jit3A_1703 = arith.constant 0 : i32
    %broadcast_in_dim3A_1704 = vector.shape_cast %slice3A_1702 : vector<200x1xi32> to vector<200x1xi32>
    %broadcast_in_dim3A_1705 = vector.broadcast %broadcast_in_dim3A_1704 : vector<200x1xi32> to vector<200x50xi32>
    %broadcast_in_dim3A_1706 = vector.broadcast %jit3A_1703 : i32 to vector<200x50xi32>
    %select_n3A_1707 = arith.select %eq3A_1701, %broadcast_in_dim3A_1705, %broadcast_in_dim3A_1706 : vector<200x50xi1>, vector<200x50xi32>
    %add3A_1708 = arith.addi %add3A_1697, %select_n3A_1707 : vector<200x50xi32>
    %slice3A_1709 = vector.extract_strided_slice %add3A_1321 {offsets = [0, 35], sizes = [200, 1], strides = [1, 1]} : vector<200x50xi32> to vector<200x1xi32>
    %eq3A_1710 = vector.broadcast %slice3A_1709 : vector<200x1xi32> to vector<200x50xi32>
    %eq3A_1711 = vector.broadcast %iota3A_961 : vector<1x50xi32> to vector<200x50xi32>
    %eq3A_1712 = arith.cmpi eq, %eq3A_1710, %eq3A_1711 : vector<200x50xi32>
    %slice3A_1713 = vector.extract_strided_slice %get3A_960 {offsets = [0, 35], sizes = [200, 1], strides = [1, 1]} : vector<200x50xi32> to vector<200x1xi32>
    %jit3A_1714 = arith.constant 0 : i32
    %broadcast_in_dim3A_1715 = vector.shape_cast %slice3A_1713 : vector<200x1xi32> to vector<200x1xi32>
    %broadcast_in_dim3A_1716 = vector.broadcast %broadcast_in_dim3A_1715 : vector<200x1xi32> to vector<200x50xi32>
    %broadcast_in_dim3A_1717 = vector.broadcast %jit3A_1714 : i32 to vector<200x50xi32>
    %select_n3A_1718 = arith.select %eq3A_1712, %broadcast_in_dim3A_1716, %broadcast_in_dim3A_1717 : vector<200x50xi1>, vector<200x50xi32>
    %add3A_1719 = arith.addi %add3A_1708, %select_n3A_1718 : vector<200x50xi32>
    %slice3A_1720 = vector.extract_strided_slice %add3A_1321 {offsets = [0, 36], sizes = [200, 1], strides = [1, 1]} : vector<200x50xi32> to vector<200x1xi32>
    %eq3A_1721 = vector.broadcast %slice3A_1720 : vector<200x1xi32> to vector<200x50xi32>
    %eq3A_1722 = vector.broadcast %iota3A_961 : vector<1x50xi32> to vector<200x50xi32>
    %eq3A_1723 = arith.cmpi eq, %eq3A_1721, %eq3A_1722 : vector<200x50xi32>
    %slice3A_1724 = vector.extract_strided_slice %get3A_960 {offsets = [0, 36], sizes = [200, 1], strides = [1, 1]} : vector<200x50xi32> to vector<200x1xi32>
    %jit3A_1725 = arith.constant 0 : i32
    %broadcast_in_dim3A_1726 = vector.shape_cast %slice3A_1724 : vector<200x1xi32> to vector<200x1xi32>
    %broadcast_in_dim3A_1727 = vector.broadcast %broadcast_in_dim3A_1726 : vector<200x1xi32> to vector<200x50xi32>
    %broadcast_in_dim3A_1728 = vector.broadcast %jit3A_1725 : i32 to vector<200x50xi32>
    %select_n3A_1729 = arith.select %eq3A_1723, %broadcast_in_dim3A_1727, %broadcast_in_dim3A_1728 : vector<200x50xi1>, vector<200x50xi32>
    %add3A_1730 = arith.addi %add3A_1719, %select_n3A_1729 : vector<200x50xi32>
    %slice3A_1731 = vector.extract_strided_slice %add3A_1321 {offsets = [0, 37], sizes = [200, 1], strides = [1, 1]} : vector<200x50xi32> to vector<200x1xi32>
    %eq3A_1732 = vector.broadcast %slice3A_1731 : vector<200x1xi32> to vector<200x50xi32>
    %eq3A_1733 = vector.broadcast %iota3A_961 : vector<1x50xi32> to vector<200x50xi32>
    %eq3A_1734 = arith.cmpi eq, %eq3A_1732, %eq3A_1733 : vector<200x50xi32>
    %slice3A_1735 = vector.extract_strided_slice %get3A_960 {offsets = [0, 37], sizes = [200, 1], strides = [1, 1]} : vector<200x50xi32> to vector<200x1xi32>
    %jit3A_1736 = arith.constant 0 : i32
    %broadcast_in_dim3A_1737 = vector.shape_cast %slice3A_1735 : vector<200x1xi32> to vector<200x1xi32>
    %broadcast_in_dim3A_1738 = vector.broadcast %broadcast_in_dim3A_1737 : vector<200x1xi32> to vector<200x50xi32>
    %broadcast_in_dim3A_1739 = vector.broadcast %jit3A_1736 : i32 to vector<200x50xi32>
    %select_n3A_1740 = arith.select %eq3A_1734, %broadcast_in_dim3A_1738, %broadcast_in_dim3A_1739 : vector<200x50xi1>, vector<200x50xi32>
    %add3A_1741 = arith.addi %add3A_1730, %select_n3A_1740 : vector<200x50xi32>
    %slice3A_1742 = vector.extract_strided_slice %add3A_1321 {offsets = [0, 38], sizes = [200, 1], strides = [1, 1]} : vector<200x50xi32> to vector<200x1xi32>
    %eq3A_1743 = vector.broadcast %slice3A_1742 : vector<200x1xi32> to vector<200x50xi32>
    %eq3A_1744 = vector.broadcast %iota3A_961 : vector<1x50xi32> to vector<200x50xi32>
    %eq3A_1745 = arith.cmpi eq, %eq3A_1743, %eq3A_1744 : vector<200x50xi32>
    %slice3A_1746 = vector.extract_strided_slice %get3A_960 {offsets = [0, 38], sizes = [200, 1], strides = [1, 1]} : vector<200x50xi32> to vector<200x1xi32>
    %jit3A_1747 = arith.constant 0 : i32
    %broadcast_in_dim3A_1748 = vector.shape_cast %slice3A_1746 : vector<200x1xi32> to vector<200x1xi32>
    %broadcast_in_dim3A_1749 = vector.broadcast %broadcast_in_dim3A_1748 : vector<200x1xi32> to vector<200x50xi32>
    %broadcast_in_dim3A_1750 = vector.broadcast %jit3A_1747 : i32 to vector<200x50xi32>
    %select_n3A_1751 = arith.select %eq3A_1745, %broadcast_in_dim3A_1749, %broadcast_in_dim3A_1750 : vector<200x50xi1>, vector<200x50xi32>
    %add3A_1752 = arith.addi %add3A_1741, %select_n3A_1751 : vector<200x50xi32>
    %slice3A_1753 = vector.extract_strided_slice %add3A_1321 {offsets = [0, 39], sizes = [200, 1], strides = [1, 1]} : vector<200x50xi32> to vector<200x1xi32>
    %eq3A_1754 = vector.broadcast %slice3A_1753 : vector<200x1xi32> to vector<200x50xi32>
    %eq3A_1755 = vector.broadcast %iota3A_961 : vector<1x50xi32> to vector<200x50xi32>
    %eq3A_1756 = arith.cmpi eq, %eq3A_1754, %eq3A_1755 : vector<200x50xi32>
    %slice3A_1757 = vector.extract_strided_slice %get3A_960 {offsets = [0, 39], sizes = [200, 1], strides = [1, 1]} : vector<200x50xi32> to vector<200x1xi32>
    %jit3A_1758 = arith.constant 0 : i32
    %broadcast_in_dim3A_1759 = vector.shape_cast %slice3A_1757 : vector<200x1xi32> to vector<200x1xi32>
    %broadcast_in_dim3A_1760 = vector.broadcast %broadcast_in_dim3A_1759 : vector<200x1xi32> to vector<200x50xi32>
    %broadcast_in_dim3A_1761 = vector.broadcast %jit3A_1758 : i32 to vector<200x50xi32>
    %select_n3A_1762 = arith.select %eq3A_1756, %broadcast_in_dim3A_1760, %broadcast_in_dim3A_1761 : vector<200x50xi1>, vector<200x50xi32>
    %add3A_1763 = arith.addi %add3A_1752, %select_n3A_1762 : vector<200x50xi32>
    %slice3A_1764 = vector.extract_strided_slice %add3A_1321 {offsets = [0, 40], sizes = [200, 1], strides = [1, 1]} : vector<200x50xi32> to vector<200x1xi32>
    %eq3A_1765 = vector.broadcast %slice3A_1764 : vector<200x1xi32> to vector<200x50xi32>
    %eq3A_1766 = vector.broadcast %iota3A_961 : vector<1x50xi32> to vector<200x50xi32>
    %eq3A_1767 = arith.cmpi eq, %eq3A_1765, %eq3A_1766 : vector<200x50xi32>
    %slice3A_1768 = vector.extract_strided_slice %get3A_960 {offsets = [0, 40], sizes = [200, 1], strides = [1, 1]} : vector<200x50xi32> to vector<200x1xi32>
    %jit3A_1769 = arith.constant 0 : i32
    %broadcast_in_dim3A_1770 = vector.shape_cast %slice3A_1768 : vector<200x1xi32> to vector<200x1xi32>
    %broadcast_in_dim3A_1771 = vector.broadcast %broadcast_in_dim3A_1770 : vector<200x1xi32> to vector<200x50xi32>
    %broadcast_in_dim3A_1772 = vector.broadcast %jit3A_1769 : i32 to vector<200x50xi32>
    %select_n3A_1773 = arith.select %eq3A_1767, %broadcast_in_dim3A_1771, %broadcast_in_dim3A_1772 : vector<200x50xi1>, vector<200x50xi32>
    %add3A_1774 = arith.addi %add3A_1763, %select_n3A_1773 : vector<200x50xi32>
    %slice3A_1775 = vector.extract_strided_slice %add3A_1321 {offsets = [0, 41], sizes = [200, 1], strides = [1, 1]} : vector<200x50xi32> to vector<200x1xi32>
    %eq3A_1776 = vector.broadcast %slice3A_1775 : vector<200x1xi32> to vector<200x50xi32>
    %eq3A_1777 = vector.broadcast %iota3A_961 : vector<1x50xi32> to vector<200x50xi32>
    %eq3A_1778 = arith.cmpi eq, %eq3A_1776, %eq3A_1777 : vector<200x50xi32>
    %slice3A_1779 = vector.extract_strided_slice %get3A_960 {offsets = [0, 41], sizes = [200, 1], strides = [1, 1]} : vector<200x50xi32> to vector<200x1xi32>
    %jit3A_1780 = arith.constant 0 : i32
    %broadcast_in_dim3A_1781 = vector.shape_cast %slice3A_1779 : vector<200x1xi32> to vector<200x1xi32>
    %broadcast_in_dim3A_1782 = vector.broadcast %broadcast_in_dim3A_1781 : vector<200x1xi32> to vector<200x50xi32>
    %broadcast_in_dim3A_1783 = vector.broadcast %jit3A_1780 : i32 to vector<200x50xi32>
    %select_n3A_1784 = arith.select %eq3A_1778, %broadcast_in_dim3A_1782, %broadcast_in_dim3A_1783 : vector<200x50xi1>, vector<200x50xi32>
    %add3A_1785 = arith.addi %add3A_1774, %select_n3A_1784 : vector<200x50xi32>
    %slice3A_1786 = vector.extract_strided_slice %add3A_1321 {offsets = [0, 42], sizes = [200, 1], strides = [1, 1]} : vector<200x50xi32> to vector<200x1xi32>
    %eq3A_1787 = vector.broadcast %slice3A_1786 : vector<200x1xi32> to vector<200x50xi32>
    %eq3A_1788 = vector.broadcast %iota3A_961 : vector<1x50xi32> to vector<200x50xi32>
    %eq3A_1789 = arith.cmpi eq, %eq3A_1787, %eq3A_1788 : vector<200x50xi32>
    %slice3A_1790 = vector.extract_strided_slice %get3A_960 {offsets = [0, 42], sizes = [200, 1], strides = [1, 1]} : vector<200x50xi32> to vector<200x1xi32>
    %jit3A_1791 = arith.constant 0 : i32
    %broadcast_in_dim3A_1792 = vector.shape_cast %slice3A_1790 : vector<200x1xi32> to vector<200x1xi32>
    %broadcast_in_dim3A_1793 = vector.broadcast %broadcast_in_dim3A_1792 : vector<200x1xi32> to vector<200x50xi32>
    %broadcast_in_dim3A_1794 = vector.broadcast %jit3A_1791 : i32 to vector<200x50xi32>
    %select_n3A_1795 = arith.select %eq3A_1789, %broadcast_in_dim3A_1793, %broadcast_in_dim3A_1794 : vector<200x50xi1>, vector<200x50xi32>
    %add3A_1796 = arith.addi %add3A_1785, %select_n3A_1795 : vector<200x50xi32>
    %slice3A_1797 = vector.extract_strided_slice %add3A_1321 {offsets = [0, 43], sizes = [200, 1], strides = [1, 1]} : vector<200x50xi32> to vector<200x1xi32>
    %eq3A_1798 = vector.broadcast %slice3A_1797 : vector<200x1xi32> to vector<200x50xi32>
    %eq3A_1799 = vector.broadcast %iota3A_961 : vector<1x50xi32> to vector<200x50xi32>
    %eq3A_1800 = arith.cmpi eq, %eq3A_1798, %eq3A_1799 : vector<200x50xi32>
    %slice3A_1801 = vector.extract_strided_slice %get3A_960 {offsets = [0, 43], sizes = [200, 1], strides = [1, 1]} : vector<200x50xi32> to vector<200x1xi32>
    %jit3A_1802 = arith.constant 0 : i32
    %broadcast_in_dim3A_1803 = vector.shape_cast %slice3A_1801 : vector<200x1xi32> to vector<200x1xi32>
    %broadcast_in_dim3A_1804 = vector.broadcast %broadcast_in_dim3A_1803 : vector<200x1xi32> to vector<200x50xi32>
    %broadcast_in_dim3A_1805 = vector.broadcast %jit3A_1802 : i32 to vector<200x50xi32>
    %select_n3A_1806 = arith.select %eq3A_1800, %broadcast_in_dim3A_1804, %broadcast_in_dim3A_1805 : vector<200x50xi1>, vector<200x50xi32>
    %add3A_1807 = arith.addi %add3A_1796, %select_n3A_1806 : vector<200x50xi32>
    %slice3A_1808 = vector.extract_strided_slice %add3A_1321 {offsets = [0, 44], sizes = [200, 1], strides = [1, 1]} : vector<200x50xi32> to vector<200x1xi32>
    %eq3A_1809 = vector.broadcast %slice3A_1808 : vector<200x1xi32> to vector<200x50xi32>
    %eq3A_1810 = vector.broadcast %iota3A_961 : vector<1x50xi32> to vector<200x50xi32>
    %eq3A_1811 = arith.cmpi eq, %eq3A_1809, %eq3A_1810 : vector<200x50xi32>
    %slice3A_1812 = vector.extract_strided_slice %get3A_960 {offsets = [0, 44], sizes = [200, 1], strides = [1, 1]} : vector<200x50xi32> to vector<200x1xi32>
    %jit3A_1813 = arith.constant 0 : i32
    %broadcast_in_dim3A_1814 = vector.shape_cast %slice3A_1812 : vector<200x1xi32> to vector<200x1xi32>
    %broadcast_in_dim3A_1815 = vector.broadcast %broadcast_in_dim3A_1814 : vector<200x1xi32> to vector<200x50xi32>
    %broadcast_in_dim3A_1816 = vector.broadcast %jit3A_1813 : i32 to vector<200x50xi32>
    %select_n3A_1817 = arith.select %eq3A_1811, %broadcast_in_dim3A_1815, %broadcast_in_dim3A_1816 : vector<200x50xi1>, vector<200x50xi32>
    %add3A_1818 = arith.addi %add3A_1807, %select_n3A_1817 : vector<200x50xi32>
    %slice3A_1819 = vector.extract_strided_slice %add3A_1321 {offsets = [0, 45], sizes = [200, 1], strides = [1, 1]} : vector<200x50xi32> to vector<200x1xi32>
    %eq3A_1820 = vector.broadcast %slice3A_1819 : vector<200x1xi32> to vector<200x50xi32>
    %eq3A_1821 = vector.broadcast %iota3A_961 : vector<1x50xi32> to vector<200x50xi32>
    %eq3A_1822 = arith.cmpi eq, %eq3A_1820, %eq3A_1821 : vector<200x50xi32>
    %slice3A_1823 = vector.extract_strided_slice %get3A_960 {offsets = [0, 45], sizes = [200, 1], strides = [1, 1]} : vector<200x50xi32> to vector<200x1xi32>
    %jit3A_1824 = arith.constant 0 : i32
    %broadcast_in_dim3A_1825 = vector.shape_cast %slice3A_1823 : vector<200x1xi32> to vector<200x1xi32>
    %broadcast_in_dim3A_1826 = vector.broadcast %broadcast_in_dim3A_1825 : vector<200x1xi32> to vector<200x50xi32>
    %broadcast_in_dim3A_1827 = vector.broadcast %jit3A_1824 : i32 to vector<200x50xi32>
    %select_n3A_1828 = arith.select %eq3A_1822, %broadcast_in_dim3A_1826, %broadcast_in_dim3A_1827 : vector<200x50xi1>, vector<200x50xi32>
    %add3A_1829 = arith.addi %add3A_1818, %select_n3A_1828 : vector<200x50xi32>
    %slice3A_1830 = vector.extract_strided_slice %add3A_1321 {offsets = [0, 46], sizes = [200, 1], strides = [1, 1]} : vector<200x50xi32> to vector<200x1xi32>
    %eq3A_1831 = vector.broadcast %slice3A_1830 : vector<200x1xi32> to vector<200x50xi32>
    %eq3A_1832 = vector.broadcast %iota3A_961 : vector<1x50xi32> to vector<200x50xi32>
    %eq3A_1833 = arith.cmpi eq, %eq3A_1831, %eq3A_1832 : vector<200x50xi32>
    %slice3A_1834 = vector.extract_strided_slice %get3A_960 {offsets = [0, 46], sizes = [200, 1], strides = [1, 1]} : vector<200x50xi32> to vector<200x1xi32>
    %jit3A_1835 = arith.constant 0 : i32
    %broadcast_in_dim3A_1836 = vector.shape_cast %slice3A_1834 : vector<200x1xi32> to vector<200x1xi32>
    %broadcast_in_dim3A_1837 = vector.broadcast %broadcast_in_dim3A_1836 : vector<200x1xi32> to vector<200x50xi32>
    %broadcast_in_dim3A_1838 = vector.broadcast %jit3A_1835 : i32 to vector<200x50xi32>
    %select_n3A_1839 = arith.select %eq3A_1833, %broadcast_in_dim3A_1837, %broadcast_in_dim3A_1838 : vector<200x50xi1>, vector<200x50xi32>
    %add3A_1840 = arith.addi %add3A_1829, %select_n3A_1839 : vector<200x50xi32>
    %slice3A_1841 = vector.extract_strided_slice %add3A_1321 {offsets = [0, 47], sizes = [200, 1], strides = [1, 1]} : vector<200x50xi32> to vector<200x1xi32>
    %eq3A_1842 = vector.broadcast %slice3A_1841 : vector<200x1xi32> to vector<200x50xi32>
    %eq3A_1843 = vector.broadcast %iota3A_961 : vector<1x50xi32> to vector<200x50xi32>
    %eq3A_1844 = arith.cmpi eq, %eq3A_1842, %eq3A_1843 : vector<200x50xi32>
    %slice3A_1845 = vector.extract_strided_slice %get3A_960 {offsets = [0, 47], sizes = [200, 1], strides = [1, 1]} : vector<200x50xi32> to vector<200x1xi32>
    %jit3A_1846 = arith.constant 0 : i32
    %broadcast_in_dim3A_1847 = vector.shape_cast %slice3A_1845 : vector<200x1xi32> to vector<200x1xi32>
    %broadcast_in_dim3A_1848 = vector.broadcast %broadcast_in_dim3A_1847 : vector<200x1xi32> to vector<200x50xi32>
    %broadcast_in_dim3A_1849 = vector.broadcast %jit3A_1846 : i32 to vector<200x50xi32>
    %select_n3A_1850 = arith.select %eq3A_1844, %broadcast_in_dim3A_1848, %broadcast_in_dim3A_1849 : vector<200x50xi1>, vector<200x50xi32>
    %add3A_1851 = arith.addi %add3A_1840, %select_n3A_1850 : vector<200x50xi32>
    %slice3A_1852 = vector.extract_strided_slice %add3A_1321 {offsets = [0, 48], sizes = [200, 1], strides = [1, 1]} : vector<200x50xi32> to vector<200x1xi32>
    %eq3A_1853 = vector.broadcast %slice3A_1852 : vector<200x1xi32> to vector<200x50xi32>
    %eq3A_1854 = vector.broadcast %iota3A_961 : vector<1x50xi32> to vector<200x50xi32>
    %eq3A_1855 = arith.cmpi eq, %eq3A_1853, %eq3A_1854 : vector<200x50xi32>
    %slice3A_1856 = vector.extract_strided_slice %get3A_960 {offsets = [0, 48], sizes = [200, 1], strides = [1, 1]} : vector<200x50xi32> to vector<200x1xi32>
    %jit3A_1857 = arith.constant 0 : i32
    %broadcast_in_dim3A_1858 = vector.shape_cast %slice3A_1856 : vector<200x1xi32> to vector<200x1xi32>
    %broadcast_in_dim3A_1859 = vector.broadcast %broadcast_in_dim3A_1858 : vector<200x1xi32> to vector<200x50xi32>
    %broadcast_in_dim3A_1860 = vector.broadcast %jit3A_1857 : i32 to vector<200x50xi32>
    %select_n3A_1861 = arith.select %eq3A_1855, %broadcast_in_dim3A_1859, %broadcast_in_dim3A_1860 : vector<200x50xi1>, vector<200x50xi32>
    %add3A_1862 = arith.addi %add3A_1851, %select_n3A_1861 : vector<200x50xi32>
    %slice3A_1863 = vector.extract_strided_slice %add3A_1321 {offsets = [0, 49], sizes = [200, 1], strides = [1, 1]} : vector<200x50xi32> to vector<200x1xi32>
    %eq3A_1864 = vector.broadcast %slice3A_1863 : vector<200x1xi32> to vector<200x50xi32>
    %eq3A_1865 = vector.broadcast %iota3A_961 : vector<1x50xi32> to vector<200x50xi32>
    %eq3A_1866 = arith.cmpi eq, %eq3A_1864, %eq3A_1865 : vector<200x50xi32>
    %slice3A_1867 = vector.extract_strided_slice %get3A_960 {offsets = [0, 49], sizes = [200, 1], strides = [1, 1]} : vector<200x50xi32> to vector<200x1xi32>
    %jit3A_1868 = arith.constant 0 : i32
    %broadcast_in_dim3A_1869 = vector.shape_cast %slice3A_1867 : vector<200x1xi32> to vector<200x1xi32>
    %broadcast_in_dim3A_1870 = vector.broadcast %broadcast_in_dim3A_1869 : vector<200x1xi32> to vector<200x50xi32>
    %broadcast_in_dim3A_1871 = vector.broadcast %jit3A_1868 : i32 to vector<200x50xi32>
    %select_n3A_1872 = arith.select %eq3A_1866, %broadcast_in_dim3A_1870, %broadcast_in_dim3A_1871 : vector<200x50xi1>, vector<200x50xi32>
    %add3A_1873 = arith.addi %add3A_1862, %select_n3A_1872 : vector<200x50xi32>
    %reduce_max3A_1874 = arith.constant dense<-2147483648> : vector<200xi32>
    %reduce_max3A_1875 = vector.multi_reduction <maxsi>, %get3A_957, %reduce_max3A_1874 [1] : vector<200x50xi32> to vector<200xi32>
    %broadcast_in_dim3A_1876 = vector.shape_cast %reduce_max3A_1875 : vector<200xi32> to vector<200x1xi32>
    %eq3A_1877 = vector.broadcast %broadcast_in_dim3A_1876 : vector<200x1xi32> to vector<200x50xi32>
    %eq3A_1878 = arith.cmpi eq, %get3A_957, %eq3A_1877 : vector<200x50xi32>
    %jit3A_1879 = arith.constant 50 : i32
    %broadcast_in_dim3A_1880 = vector.shape_cast %iota3A_961 : vector<1x50xi32> to vector<1x50xi32>
    %broadcast_in_dim3A_1881 = vector.broadcast %broadcast_in_dim3A_1880 : vector<1x50xi32> to vector<200x50xi32>
    %broadcast_in_dim3A_1882 = vector.broadcast %jit3A_1879 : i32 to vector<200x50xi32>
    %select_n3A_1883 = arith.select %eq3A_1878, %broadcast_in_dim3A_1881, %broadcast_in_dim3A_1882 : vector<200x50xi1>, vector<200x50xi32>
    %reduce_min3A_1884 = arith.constant dense<2147483647> : vector<200xi32>
    %reduce_min3A_1885 = vector.multi_reduction <minsi>, %select_n3A_1883, %reduce_min3A_1884 [1] : vector<200x50xi32> to vector<200xi32>
    %broadcast_in_dim3A_1886 = vector.shape_cast %reduce_min3A_1885 : vector<200xi32> to vector<200x1xi32>
    %eq3A_1887 = vector.broadcast %iota3A_961 : vector<1x50xi32> to vector<200x50xi32>
    %eq3A_1888 = vector.broadcast %broadcast_in_dim3A_1886 : vector<200x1xi32> to vector<200x50xi32>
    %eq3A_1889 = arith.cmpi eq, %eq3A_1887, %eq3A_1888 : vector<200x50xi32>
    %jit3A_1890 = arith.constant 0 : i32
    %broadcast_in_dim3A_1891 = vector.broadcast %jit3A_1890 : i32 to vector<200x50xi32>
    %select_n3A_1892 = arith.select %eq3A_1889, %get3A_960, %broadcast_in_dim3A_1891 : vector<200x50xi1>, vector<200x50xi32>
    %reduce_sum3A_1893 = arith.constant dense<0> : vector<200xi32>
    %reduce_sum3A_1894 = vector.multi_reduction <add>, %select_n3A_1892, %reduce_sum3A_1893 [1] : vector<200x50xi32> to vector<200xi32>
    %broadcast_in_dim3A_1895 = vector.shape_cast %reduce_sum3A_1894 : vector<200xi32> to vector<200x1xi32>
    %broadcast_in_dim3A_1896 = arith.constant 0 : i32
    %broadcast_in_dim3A_1897 = vector.broadcast %broadcast_in_dim3A_1896 : i32 to vector<200x5xi32>
    %concatenate3A_1898 = tpu.concatenate %add3A_1873, %broadcast_in_dim3A_1895, %broadcast_in_dim3A_1897 in 1 : vector<200x50xi32>, vector<200x1xi32>, vector<200x5xi32> -> vector<200x56xi32>
    %add3A_1899 = arith.constant 10000 : i32
    %add3A_1900 = vector.broadcast %add3A_1899 : i32 to vector<200x56xi32>
    %add3A_1901 = arith.addi %concatenate3A_1898, %add3A_1900 : vector<200x56xi32>
    %swap3A_1902 = arith.constant 0 : index
    %swap3A_1903 = arith.constant 0 : index
    %swap3A_1904 = vector.load %arg12[%swap3A_1902, %swap3A_1903] : memref<200x56xi32, #tpu.memory_space<vmem>>, vector<200x56xi32>
    tpu.vector_store %arg12[%swap3A_1902, %swap3A_1903], %add3A_1901 {strides = array<i32>} : memref<200x56xi32, #tpu.memory_space<vmem>>, vector<200x56xi32>,
    return
  }
  func.func @transform_0(%arg0: i32) -> (i32, i32) {
    %c0_i32 = arith.constant 0 : i32
    %c0_i32_0 = arith.constant 0 : i32
    return %arg0, %c0_i32 : i32, i32
  }
  func.func @transform_1(%arg0: i32) -> (i32, i32) {
    %c0_i32 = arith.constant 0 : i32
    %c0_i32_0 = arith.constant 0 : i32
    return %arg0, %c0_i32 : i32, i32
  }
  func.func @transform_2(%arg0: i32) -> (i32, i32) {
    %c0_i32 = arith.constant 0 : i32
    %c0_i32_0 = arith.constant 0 : i32
    return %arg0, %c0_i32 : i32, i32
  }
  func.func @transform_3(%arg0: i32) -> (i32, i32) {
    %c0_i32 = arith.constant 0 : i32
    %c0_i32_0 = arith.constant 0 : i32
    return %arg0, %c0_i32 : i32, i32
  }
  func.func @transform_4(%arg0: i32) -> (i32, i32) {
    %c0_i32 = arith.constant 0 : i32
    %c0_i32_0 = arith.constant 0 : i32
    return %arg0, %c0_i32 : i32, i32
  }
  func.func @transform_5(%arg0: i32) -> (i32, i32) {
    %c0_i32 = arith.constant 0 : i32
    %c0_i32_0 = arith.constant 0 : i32
    return %arg0, %c0_i32 : i32, i32
  }
  func.func @transform_6(%arg0: i32) -> (i32, i32) {
    %c0_i32 = arith.constant 0 : i32
    %c0_i32_0 = arith.constant 0 : i32
    %c0_i32_1 = arith.constant 0 : i32
    return %c0_i32, %c0_i32_0 : i32, i32
  }
  func.func @transform_7(%arg0: i32) -> (i32, i32) {
    %c0_i32 = arith.constant 0 : i32
    %c0_i32_0 = arith.constant 0 : i32
    %c0_i32_1 = arith.constant 0 : i32
    return %c0_i32, %c0_i32_0 : i32, i32
  }
  func.func @transform_8(%arg0: i32) -> (i32, i32) {
    %c0_i32 = arith.constant 0 : i32
    %c0_i32_0 = arith.constant 0 : i32
    return %arg0, %c0_i32 : i32, i32
  }
  func.func @transform_9(%arg0: i32) -> (i32, i32) {
    %c0_i32 = arith.constant 0 : i32
    %c0_i32_0 = arith.constant 0 : i32
    return %arg0, %c0_i32 : i32, i32
  }
  func.func @transform_10(%arg0: i32) -> (i32, i32) {
    %c0_i32 = arith.constant 0 : i32
    %c0_i32_0 = arith.constant 0 : i32
    return %arg0, %c0_i32 : i32, i32
  }
  func.func @transform_11(%arg0: i32) -> (i32, i32) {
    %c0_i32 = arith.constant 0 : i32
    %c0_i32_0 = arith.constant 0 : i32
    return %arg0, %c0_i32 : i32, i32
  }
}

module attributes {stable_mosaic.version = 14 : i64} {
  func.func @_att_body(%arg0: i32, %arg1: memref<200x56x128xf32, #tpu.memory_space<vmem>>, %arg2: memref<200x128xf32, #tpu.memory_space<vmem>>, %arg3: memref<200x128xf32, #tpu.memory_space<vmem>>, %arg4: memref<56x128xf32, #tpu.memory_space<vmem>>, %arg5: memref<56x128xf32, #tpu.memory_space<vmem>>, %arg6: memref<128x256xf32, #tpu.memory_space<vmem>>, %arg7: memref<200x128xf32, #tpu.memory_space<vmem>>) attributes {dimension_semantics = [#tpu.dimension_semantics<arbitrary>], iteration_bounds = array<i64: 50>, scalar_prefetch = 0 : i64, scratch_operands = 0 : i64, tpu.core_type = #tpu.core_type<tc>, window_params = [{transform_indices = @transform_0, window_bounds = array<i64: 200, 56, 128>}, {transform_indices = @transform_1, window_bounds = array<i64: 200, 128>}, {transform_indices = @transform_2, window_bounds = array<i64: 200, 128>}, {pipeline_mode = #tpu.pipeline_mode<synchronous>, transform_indices = @transform_3, window_bounds = array<i64: 56, 128>}, {pipeline_mode = #tpu.pipeline_mode<synchronous>, transform_indices = @transform_4, window_bounds = array<i64: 56, 128>}, {pipeline_mode = #tpu.pipeline_mode<synchronous>, transform_indices = @transform_5, window_bounds = array<i64: 128, 256>}, {transform_indices = @transform_6, window_bounds = array<i64: 200, 128>}]} {
    %get3A = arith.constant 0 : index
    %get3A_0 = arith.constant 50 : index
    %get3A_1 = arith.constant 0 : index
    %get3A_2 = vector.load %arg1[%get3A, %get3A_0, %get3A_1] : memref<200x56x128xf32, #tpu.memory_space<vmem>>, vector<200x1x128xf32>
    %get3A_3 = vector.shape_cast %get3A_2 : vector<200x1x128xf32> to vector<200x128xf32>
    %get3A_4 = arith.constant 0 : index
    %get3A_5 = arith.constant 0 : index
    %get3A_6 = vector.load %arg2[%get3A_4, %get3A_5] : memref<200x128xf32, #tpu.memory_space<vmem>>, vector<200x128xf32>
    %iota3A = tpu.iota {dimensions = array<i32: 0>} : vector<8x1x16xi32>
    %iota3A_7 = tpu.iota {dimensions = array<i32: 2>} : vector<8x1x16xi32>
    %eq3A = arith.cmpi eq, %iota3A_7, %iota3A : vector<8x1x16xi32>
    %convert_element_type3A = arith.extui %eq3A : vector<8x1x16xi1> to vector<8x1x16xi32>
    %convert_element_type3A_8 = arith.sitofp %convert_element_type3A : vector<8x1x16xi32> to vector<8x1x16xf32>
    %add3A = arith.constant 8 : i32
    %add3A_9 = vector.broadcast %add3A : i32 to vector<8x1x16xi32>
    %add3A_10 = arith.addi %iota3A, %add3A_9 : vector<8x1x16xi32>
    %eq3A_11 = arith.cmpi eq, %iota3A_7, %add3A_10 : vector<8x1x16xi32>
    %convert_element_type3A_12 = arith.extui %eq3A_11 : vector<8x1x16xi1> to vector<8x1x16xi32>
    %convert_element_type3A_13 = arith.sitofp %convert_element_type3A_12 : vector<8x1x16xi32> to vector<8x1x16xf32>
    %get3A_14 = arith.constant 0 : index
    %get3A_15 = arith.constant 0 : index
    %get3A_16 = arith.constant 0 : index
    %get3A_17 = vector.load %arg1[%get3A_14, %get3A_15, %get3A_16] : memref<200x56x128xf32, #tpu.memory_space<vmem>>, vector<8x56x128xf32>
    %reshape3A = vector.shape_cast %get3A_17 : vector<8x56x128xf32> to vector<448x128xf32>
    %slice3A = vector.extract_strided_slice %get3A_6 {offsets = [0, 0], sizes = [8, 128], strides = [1, 1]} : vector<200x128xf32> to vector<8x128xf32>
    %slice3A_18 = vector.extract_strided_slice %get3A_3 {offsets = [0, 0], sizes = [8, 128], strides = [1, 1]} : vector<200x128xf32> to vector<8x128xf32>
    %concatenate3A = tpu.concatenate %slice3A, %slice3A_18 in 0 : vector<8x128xf32>, vector<8x128xf32> -> vector<16x128xf32>
    %dot_general3A = arith.constant dense<0.000000e+00> : vector<448x16xf32>
    %dot_general3A_19 = tpu.matmul %reshape3A, %concatenate3A, %dot_general3A {dimension_numbers = #tpu.dot_dimension_numbers<[1], [1], [0], [0], [0, 0, 1, 0], [], []>, transpose_lhs_hint = false} : vector<448x128xf32>, vector<16x128xf32>, vector<448x16xf32> -> vector<448x16xf32>
    %reshape3A_20 = vector.shape_cast %dot_general3A_19 : vector<448x16xf32> to vector<8x56x16xf32>
    %mul3A = vector.broadcast %convert_element_type3A_8 : vector<8x1x16xf32> to vector<8x56x16xf32>
    %mul3A_21 = arith.mulf %reshape3A_20, %mul3A : vector<8x56x16xf32>
    %reduce_sum3A = arith.constant dense<0.000000e+00> : vector<8x56xf32>
    %reduce_sum3A_22 = vector.multi_reduction <add>, %mul3A_21, %reduce_sum3A [2] : vector<8x56x16xf32> to vector<8x56xf32>
    %mul3A_23 = vector.broadcast %convert_element_type3A_13 : vector<8x1x16xf32> to vector<8x56x16xf32>
    %mul3A_24 = arith.mulf %reshape3A_20, %mul3A_23 : vector<8x56x16xf32>
    %reduce_sum3A_25 = arith.constant dense<0.000000e+00> : vector<8x56xf32>
    %reduce_sum3A_26 = vector.multi_reduction <add>, %mul3A_24, %reduce_sum3A_25 [2] : vector<8x56x16xf32> to vector<8x56xf32>
    %get3A_27 = arith.constant 8 : index
    %get3A_28 = arith.constant 0 : index
    %get3A_29 = arith.constant 0 : index
    %get3A_30 = vector.load %arg1[%get3A_27, %get3A_28, %get3A_29] : memref<200x56x128xf32, #tpu.memory_space<vmem>>, vector<8x56x128xf32>
    %reshape3A_31 = vector.shape_cast %get3A_30 : vector<8x56x128xf32> to vector<448x128xf32>
    %slice3A_32 = vector.extract_strided_slice %get3A_6 {offsets = [8, 0], sizes = [8, 128], strides = [1, 1]} : vector<200x128xf32> to vector<8x128xf32>
    %slice3A_33 = vector.extract_strided_slice %get3A_3 {offsets = [8, 0], sizes = [8, 128], strides = [1, 1]} : vector<200x128xf32> to vector<8x128xf32>
    %concatenate3A_34 = tpu.concatenate %slice3A_32, %slice3A_33 in 0 : vector<8x128xf32>, vector<8x128xf32> -> vector<16x128xf32>
    %dot_general3A_35 = arith.constant dense<0.000000e+00> : vector<448x16xf32>
    %dot_general3A_36 = tpu.matmul %reshape3A_31, %concatenate3A_34, %dot_general3A_35 {dimension_numbers = #tpu.dot_dimension_numbers<[1], [1], [0], [0], [0, 0, 1, 0], [], []>, transpose_lhs_hint = false} : vector<448x128xf32>, vector<16x128xf32>, vector<448x16xf32> -> vector<448x16xf32>
    %reshape3A_37 = vector.shape_cast %dot_general3A_36 : vector<448x16xf32> to vector<8x56x16xf32>
    %mul3A_38 = vector.broadcast %convert_element_type3A_8 : vector<8x1x16xf32> to vector<8x56x16xf32>
    %mul3A_39 = arith.mulf %reshape3A_37, %mul3A_38 : vector<8x56x16xf32>
    %reduce_sum3A_40 = arith.constant dense<0.000000e+00> : vector<8x56xf32>
    %reduce_sum3A_41 = vector.multi_reduction <add>, %mul3A_39, %reduce_sum3A_40 [2] : vector<8x56x16xf32> to vector<8x56xf32>
    %mul3A_42 = vector.broadcast %convert_element_type3A_13 : vector<8x1x16xf32> to vector<8x56x16xf32>
    %mul3A_43 = arith.mulf %reshape3A_37, %mul3A_42 : vector<8x56x16xf32>
    %reduce_sum3A_44 = arith.constant dense<0.000000e+00> : vector<8x56xf32>
    %reduce_sum3A_45 = vector.multi_reduction <add>, %mul3A_43, %reduce_sum3A_44 [2] : vector<8x56x16xf32> to vector<8x56xf32>
    %get3A_46 = arith.constant 16 : index
    %get3A_47 = arith.constant 0 : index
    %get3A_48 = arith.constant 0 : index
    %get3A_49 = vector.load %arg1[%get3A_46, %get3A_47, %get3A_48] : memref<200x56x128xf32, #tpu.memory_space<vmem>>, vector<8x56x128xf32>
    %reshape3A_50 = vector.shape_cast %get3A_49 : vector<8x56x128xf32> to vector<448x128xf32>
    %slice3A_51 = vector.extract_strided_slice %get3A_6 {offsets = [16, 0], sizes = [8, 128], strides = [1, 1]} : vector<200x128xf32> to vector<8x128xf32>
    %slice3A_52 = vector.extract_strided_slice %get3A_3 {offsets = [16, 0], sizes = [8, 128], strides = [1, 1]} : vector<200x128xf32> to vector<8x128xf32>
    %concatenate3A_53 = tpu.concatenate %slice3A_51, %slice3A_52 in 0 : vector<8x128xf32>, vector<8x128xf32> -> vector<16x128xf32>
    %dot_general3A_54 = arith.constant dense<0.000000e+00> : vector<448x16xf32>
    %dot_general3A_55 = tpu.matmul %reshape3A_50, %concatenate3A_53, %dot_general3A_54 {dimension_numbers = #tpu.dot_dimension_numbers<[1], [1], [0], [0], [0, 0, 1, 0], [], []>, transpose_lhs_hint = false} : vector<448x128xf32>, vector<16x128xf32>, vector<448x16xf32> -> vector<448x16xf32>
    %reshape3A_56 = vector.shape_cast %dot_general3A_55 : vector<448x16xf32> to vector<8x56x16xf32>
    %mul3A_57 = vector.broadcast %convert_element_type3A_8 : vector<8x1x16xf32> to vector<8x56x16xf32>
    %mul3A_58 = arith.mulf %reshape3A_56, %mul3A_57 : vector<8x56x16xf32>
    %reduce_sum3A_59 = arith.constant dense<0.000000e+00> : vector<8x56xf32>
    %reduce_sum3A_60 = vector.multi_reduction <add>, %mul3A_58, %reduce_sum3A_59 [2] : vector<8x56x16xf32> to vector<8x56xf32>
    %mul3A_61 = vector.broadcast %convert_element_type3A_13 : vector<8x1x16xf32> to vector<8x56x16xf32>
    %mul3A_62 = arith.mulf %reshape3A_56, %mul3A_61 : vector<8x56x16xf32>
    %reduce_sum3A_63 = arith.constant dense<0.000000e+00> : vector<8x56xf32>
    %reduce_sum3A_64 = vector.multi_reduction <add>, %mul3A_62, %reduce_sum3A_63 [2] : vector<8x56x16xf32> to vector<8x56xf32>
    %get3A_65 = arith.constant 24 : index
    %get3A_66 = arith.constant 0 : index
    %get3A_67 = arith.constant 0 : index
    %get3A_68 = vector.load %arg1[%get3A_65, %get3A_66, %get3A_67] : memref<200x56x128xf32, #tpu.memory_space<vmem>>, vector<8x56x128xf32>
    %reshape3A_69 = vector.shape_cast %get3A_68 : vector<8x56x128xf32> to vector<448x128xf32>
    %slice3A_70 = vector.extract_strided_slice %get3A_6 {offsets = [24, 0], sizes = [8, 128], strides = [1, 1]} : vector<200x128xf32> to vector<8x128xf32>
    %slice3A_71 = vector.extract_strided_slice %get3A_3 {offsets = [24, 0], sizes = [8, 128], strides = [1, 1]} : vector<200x128xf32> to vector<8x128xf32>
    %concatenate3A_72 = tpu.concatenate %slice3A_70, %slice3A_71 in 0 : vector<8x128xf32>, vector<8x128xf32> -> vector<16x128xf32>
    %dot_general3A_73 = arith.constant dense<0.000000e+00> : vector<448x16xf32>
    %dot_general3A_74 = tpu.matmul %reshape3A_69, %concatenate3A_72, %dot_general3A_73 {dimension_numbers = #tpu.dot_dimension_numbers<[1], [1], [0], [0], [0, 0, 1, 0], [], []>, transpose_lhs_hint = false} : vector<448x128xf32>, vector<16x128xf32>, vector<448x16xf32> -> vector<448x16xf32>
    %reshape3A_75 = vector.shape_cast %dot_general3A_74 : vector<448x16xf32> to vector<8x56x16xf32>
    %mul3A_76 = vector.broadcast %convert_element_type3A_8 : vector<8x1x16xf32> to vector<8x56x16xf32>
    %mul3A_77 = arith.mulf %reshape3A_75, %mul3A_76 : vector<8x56x16xf32>
    %reduce_sum3A_78 = arith.constant dense<0.000000e+00> : vector<8x56xf32>
    %reduce_sum3A_79 = vector.multi_reduction <add>, %mul3A_77, %reduce_sum3A_78 [2] : vector<8x56x16xf32> to vector<8x56xf32>
    %mul3A_80 = vector.broadcast %convert_element_type3A_13 : vector<8x1x16xf32> to vector<8x56x16xf32>
    %mul3A_81 = arith.mulf %reshape3A_75, %mul3A_80 : vector<8x56x16xf32>
    %reduce_sum3A_82 = arith.constant dense<0.000000e+00> : vector<8x56xf32>
    %reduce_sum3A_83 = vector.multi_reduction <add>, %mul3A_81, %reduce_sum3A_82 [2] : vector<8x56x16xf32> to vector<8x56xf32>
    %get3A_84 = arith.constant 32 : index
    %get3A_85 = arith.constant 0 : index
    %get3A_86 = arith.constant 0 : index
    %get3A_87 = vector.load %arg1[%get3A_84, %get3A_85, %get3A_86] : memref<200x56x128xf32, #tpu.memory_space<vmem>>, vector<8x56x128xf32>
    %reshape3A_88 = vector.shape_cast %get3A_87 : vector<8x56x128xf32> to vector<448x128xf32>
    %slice3A_89 = vector.extract_strided_slice %get3A_6 {offsets = [32, 0], sizes = [8, 128], strides = [1, 1]} : vector<200x128xf32> to vector<8x128xf32>
    %slice3A_90 = vector.extract_strided_slice %get3A_3 {offsets = [32, 0], sizes = [8, 128], strides = [1, 1]} : vector<200x128xf32> to vector<8x128xf32>
    %concatenate3A_91 = tpu.concatenate %slice3A_89, %slice3A_90 in 0 : vector<8x128xf32>, vector<8x128xf32> -> vector<16x128xf32>
    %dot_general3A_92 = arith.constant dense<0.000000e+00> : vector<448x16xf32>
    %dot_general3A_93 = tpu.matmul %reshape3A_88, %concatenate3A_91, %dot_general3A_92 {dimension_numbers = #tpu.dot_dimension_numbers<[1], [1], [0], [0], [0, 0, 1, 0], [], []>, transpose_lhs_hint = false} : vector<448x128xf32>, vector<16x128xf32>, vector<448x16xf32> -> vector<448x16xf32>
    %reshape3A_94 = vector.shape_cast %dot_general3A_93 : vector<448x16xf32> to vector<8x56x16xf32>
    %mul3A_95 = vector.broadcast %convert_element_type3A_8 : vector<8x1x16xf32> to vector<8x56x16xf32>
    %mul3A_96 = arith.mulf %reshape3A_94, %mul3A_95 : vector<8x56x16xf32>
    %reduce_sum3A_97 = arith.constant dense<0.000000e+00> : vector<8x56xf32>
    %reduce_sum3A_98 = vector.multi_reduction <add>, %mul3A_96, %reduce_sum3A_97 [2] : vector<8x56x16xf32> to vector<8x56xf32>
    %mul3A_99 = vector.broadcast %convert_element_type3A_13 : vector<8x1x16xf32> to vector<8x56x16xf32>
    %mul3A_100 = arith.mulf %reshape3A_94, %mul3A_99 : vector<8x56x16xf32>
    %reduce_sum3A_101 = arith.constant dense<0.000000e+00> : vector<8x56xf32>
    %reduce_sum3A_102 = vector.multi_reduction <add>, %mul3A_100, %reduce_sum3A_101 [2] : vector<8x56x16xf32> to vector<8x56xf32>
    %get3A_103 = arith.constant 40 : index
    %get3A_104 = arith.constant 0 : index
    %get3A_105 = arith.constant 0 : index
    %get3A_106 = vector.load %arg1[%get3A_103, %get3A_104, %get3A_105] : memref<200x56x128xf32, #tpu.memory_space<vmem>>, vector<8x56x128xf32>
    %reshape3A_107 = vector.shape_cast %get3A_106 : vector<8x56x128xf32> to vector<448x128xf32>
    %slice3A_108 = vector.extract_strided_slice %get3A_6 {offsets = [40, 0], sizes = [8, 128], strides = [1, 1]} : vector<200x128xf32> to vector<8x128xf32>
    %slice3A_109 = vector.extract_strided_slice %get3A_3 {offsets = [40, 0], sizes = [8, 128], strides = [1, 1]} : vector<200x128xf32> to vector<8x128xf32>
    %concatenate3A_110 = tpu.concatenate %slice3A_108, %slice3A_109 in 0 : vector<8x128xf32>, vector<8x128xf32> -> vector<16x128xf32>
    %dot_general3A_111 = arith.constant dense<0.000000e+00> : vector<448x16xf32>
    %dot_general3A_112 = tpu.matmul %reshape3A_107, %concatenate3A_110, %dot_general3A_111 {dimension_numbers = #tpu.dot_dimension_numbers<[1], [1], [0], [0], [0, 0, 1, 0], [], []>, transpose_lhs_hint = false} : vector<448x128xf32>, vector<16x128xf32>, vector<448x16xf32> -> vector<448x16xf32>
    %reshape3A_113 = vector.shape_cast %dot_general3A_112 : vector<448x16xf32> to vector<8x56x16xf32>
    %mul3A_114 = vector.broadcast %convert_element_type3A_8 : vector<8x1x16xf32> to vector<8x56x16xf32>
    %mul3A_115 = arith.mulf %reshape3A_113, %mul3A_114 : vector<8x56x16xf32>
    %reduce_sum3A_116 = arith.constant dense<0.000000e+00> : vector<8x56xf32>
    %reduce_sum3A_117 = vector.multi_reduction <add>, %mul3A_115, %reduce_sum3A_116 [2] : vector<8x56x16xf32> to vector<8x56xf32>
    %mul3A_118 = vector.broadcast %convert_element_type3A_13 : vector<8x1x16xf32> to vector<8x56x16xf32>
    %mul3A_119 = arith.mulf %reshape3A_113, %mul3A_118 : vector<8x56x16xf32>
    %reduce_sum3A_120 = arith.constant dense<0.000000e+00> : vector<8x56xf32>
    %reduce_sum3A_121 = vector.multi_reduction <add>, %mul3A_119, %reduce_sum3A_120 [2] : vector<8x56x16xf32> to vector<8x56xf32>
    %get3A_122 = arith.constant 48 : index
    %get3A_123 = arith.constant 0 : index
    %get3A_124 = arith.constant 0 : index
    %get3A_125 = vector.load %arg1[%get3A_122, %get3A_123, %get3A_124] : memref<200x56x128xf32, #tpu.memory_space<vmem>>, vector<8x56x128xf32>
    %reshape3A_126 = vector.shape_cast %get3A_125 : vector<8x56x128xf32> to vector<448x128xf32>
    %slice3A_127 = vector.extract_strided_slice %get3A_6 {offsets = [48, 0], sizes = [8, 128], strides = [1, 1]} : vector<200x128xf32> to vector<8x128xf32>
    %slice3A_128 = vector.extract_strided_slice %get3A_3 {offsets = [48, 0], sizes = [8, 128], strides = [1, 1]} : vector<200x128xf32> to vector<8x128xf32>
    %concatenate3A_129 = tpu.concatenate %slice3A_127, %slice3A_128 in 0 : vector<8x128xf32>, vector<8x128xf32> -> vector<16x128xf32>
    %dot_general3A_130 = arith.constant dense<0.000000e+00> : vector<448x16xf32>
    %dot_general3A_131 = tpu.matmul %reshape3A_126, %concatenate3A_129, %dot_general3A_130 {dimension_numbers = #tpu.dot_dimension_numbers<[1], [1], [0], [0], [0, 0, 1, 0], [], []>, transpose_lhs_hint = false} : vector<448x128xf32>, vector<16x128xf32>, vector<448x16xf32> -> vector<448x16xf32>
    %reshape3A_132 = vector.shape_cast %dot_general3A_131 : vector<448x16xf32> to vector<8x56x16xf32>
    %mul3A_133 = vector.broadcast %convert_element_type3A_8 : vector<8x1x16xf32> to vector<8x56x16xf32>
    %mul3A_134 = arith.mulf %reshape3A_132, %mul3A_133 : vector<8x56x16xf32>
    %reduce_sum3A_135 = arith.constant dense<0.000000e+00> : vector<8x56xf32>
    %reduce_sum3A_136 = vector.multi_reduction <add>, %mul3A_134, %reduce_sum3A_135 [2] : vector<8x56x16xf32> to vector<8x56xf32>
    %mul3A_137 = vector.broadcast %convert_element_type3A_13 : vector<8x1x16xf32> to vector<8x56x16xf32>
    %mul3A_138 = arith.mulf %reshape3A_132, %mul3A_137 : vector<8x56x16xf32>
    %reduce_sum3A_139 = arith.constant dense<0.000000e+00> : vector<8x56xf32>
    %reduce_sum3A_140 = vector.multi_reduction <add>, %mul3A_138, %reduce_sum3A_139 [2] : vector<8x56x16xf32> to vector<8x56xf32>
    %get3A_141 = arith.constant 56 : index
    %get3A_142 = arith.constant 0 : index
    %get3A_143 = arith.constant 0 : index
    %get3A_144 = vector.load %arg1[%get3A_141, %get3A_142, %get3A_143] : memref<200x56x128xf32, #tpu.memory_space<vmem>>, vector<8x56x128xf32>
    %reshape3A_145 = vector.shape_cast %get3A_144 : vector<8x56x128xf32> to vector<448x128xf32>
    %slice3A_146 = vector.extract_strided_slice %get3A_6 {offsets = [56, 0], sizes = [8, 128], strides = [1, 1]} : vector<200x128xf32> to vector<8x128xf32>
    %slice3A_147 = vector.extract_strided_slice %get3A_3 {offsets = [56, 0], sizes = [8, 128], strides = [1, 1]} : vector<200x128xf32> to vector<8x128xf32>
    %concatenate3A_148 = tpu.concatenate %slice3A_146, %slice3A_147 in 0 : vector<8x128xf32>, vector<8x128xf32> -> vector<16x128xf32>
    %dot_general3A_149 = arith.constant dense<0.000000e+00> : vector<448x16xf32>
    %dot_general3A_150 = tpu.matmul %reshape3A_145, %concatenate3A_148, %dot_general3A_149 {dimension_numbers = #tpu.dot_dimension_numbers<[1], [1], [0], [0], [0, 0, 1, 0], [], []>, transpose_lhs_hint = false} : vector<448x128xf32>, vector<16x128xf32>, vector<448x16xf32> -> vector<448x16xf32>
    %reshape3A_151 = vector.shape_cast %dot_general3A_150 : vector<448x16xf32> to vector<8x56x16xf32>
    %mul3A_152 = vector.broadcast %convert_element_type3A_8 : vector<8x1x16xf32> to vector<8x56x16xf32>
    %mul3A_153 = arith.mulf %reshape3A_151, %mul3A_152 : vector<8x56x16xf32>
    %reduce_sum3A_154 = arith.constant dense<0.000000e+00> : vector<8x56xf32>
    %reduce_sum3A_155 = vector.multi_reduction <add>, %mul3A_153, %reduce_sum3A_154 [2] : vector<8x56x16xf32> to vector<8x56xf32>
    %mul3A_156 = vector.broadcast %convert_element_type3A_13 : vector<8x1x16xf32> to vector<8x56x16xf32>
    %mul3A_157 = arith.mulf %reshape3A_151, %mul3A_156 : vector<8x56x16xf32>
    %reduce_sum3A_158 = arith.constant dense<0.000000e+00> : vector<8x56xf32>
    %reduce_sum3A_159 = vector.multi_reduction <add>, %mul3A_157, %reduce_sum3A_158 [2] : vector<8x56x16xf32> to vector<8x56xf32>
    %get3A_160 = arith.constant 64 : index
    %get3A_161 = arith.constant 0 : index
    %get3A_162 = arith.constant 0 : index
    %get3A_163 = vector.load %arg1[%get3A_160, %get3A_161, %get3A_162] : memref<200x56x128xf32, #tpu.memory_space<vmem>>, vector<8x56x128xf32>
    %reshape3A_164 = vector.shape_cast %get3A_163 : vector<8x56x128xf32> to vector<448x128xf32>
    %slice3A_165 = vector.extract_strided_slice %get3A_6 {offsets = [64, 0], sizes = [8, 128], strides = [1, 1]} : vector<200x128xf32> to vector<8x128xf32>
    %slice3A_166 = vector.extract_strided_slice %get3A_3 {offsets = [64, 0], sizes = [8, 128], strides = [1, 1]} : vector<200x128xf32> to vector<8x128xf32>
    %concatenate3A_167 = tpu.concatenate %slice3A_165, %slice3A_166 in 0 : vector<8x128xf32>, vector<8x128xf32> -> vector<16x128xf32>
    %dot_general3A_168 = arith.constant dense<0.000000e+00> : vector<448x16xf32>
    %dot_general3A_169 = tpu.matmul %reshape3A_164, %concatenate3A_167, %dot_general3A_168 {dimension_numbers = #tpu.dot_dimension_numbers<[1], [1], [0], [0], [0, 0, 1, 0], [], []>, transpose_lhs_hint = false} : vector<448x128xf32>, vector<16x128xf32>, vector<448x16xf32> -> vector<448x16xf32>
    %reshape3A_170 = vector.shape_cast %dot_general3A_169 : vector<448x16xf32> to vector<8x56x16xf32>
    %mul3A_171 = vector.broadcast %convert_element_type3A_8 : vector<8x1x16xf32> to vector<8x56x16xf32>
    %mul3A_172 = arith.mulf %reshape3A_170, %mul3A_171 : vector<8x56x16xf32>
    %reduce_sum3A_173 = arith.constant dense<0.000000e+00> : vector<8x56xf32>
    %reduce_sum3A_174 = vector.multi_reduction <add>, %mul3A_172, %reduce_sum3A_173 [2] : vector<8x56x16xf32> to vector<8x56xf32>
    %mul3A_175 = vector.broadcast %convert_element_type3A_13 : vector<8x1x16xf32> to vector<8x56x16xf32>
    %mul3A_176 = arith.mulf %reshape3A_170, %mul3A_175 : vector<8x56x16xf32>
    %reduce_sum3A_177 = arith.constant dense<0.000000e+00> : vector<8x56xf32>
    %reduce_sum3A_178 = vector.multi_reduction <add>, %mul3A_176, %reduce_sum3A_177 [2] : vector<8x56x16xf32> to vector<8x56xf32>
    %get3A_179 = arith.constant 72 : index
    %get3A_180 = arith.constant 0 : index
    %get3A_181 = arith.constant 0 : index
    %get3A_182 = vector.load %arg1[%get3A_179, %get3A_180, %get3A_181] : memref<200x56x128xf32, #tpu.memory_space<vmem>>, vector<8x56x128xf32>
    %reshape3A_183 = vector.shape_cast %get3A_182 : vector<8x56x128xf32> to vector<448x128xf32>
    %slice3A_184 = vector.extract_strided_slice %get3A_6 {offsets = [72, 0], sizes = [8, 128], strides = [1, 1]} : vector<200x128xf32> to vector<8x128xf32>
    %slice3A_185 = vector.extract_strided_slice %get3A_3 {offsets = [72, 0], sizes = [8, 128], strides = [1, 1]} : vector<200x128xf32> to vector<8x128xf32>
    %concatenate3A_186 = tpu.concatenate %slice3A_184, %slice3A_185 in 0 : vector<8x128xf32>, vector<8x128xf32> -> vector<16x128xf32>
    %dot_general3A_187 = arith.constant dense<0.000000e+00> : vector<448x16xf32>
    %dot_general3A_188 = tpu.matmul %reshape3A_183, %concatenate3A_186, %dot_general3A_187 {dimension_numbers = #tpu.dot_dimension_numbers<[1], [1], [0], [0], [0, 0, 1, 0], [], []>, transpose_lhs_hint = false} : vector<448x128xf32>, vector<16x128xf32>, vector<448x16xf32> -> vector<448x16xf32>
    %reshape3A_189 = vector.shape_cast %dot_general3A_188 : vector<448x16xf32> to vector<8x56x16xf32>
    %mul3A_190 = vector.broadcast %convert_element_type3A_8 : vector<8x1x16xf32> to vector<8x56x16xf32>
    %mul3A_191 = arith.mulf %reshape3A_189, %mul3A_190 : vector<8x56x16xf32>
    %reduce_sum3A_192 = arith.constant dense<0.000000e+00> : vector<8x56xf32>
    %reduce_sum3A_193 = vector.multi_reduction <add>, %mul3A_191, %reduce_sum3A_192 [2] : vector<8x56x16xf32> to vector<8x56xf32>
    %mul3A_194 = vector.broadcast %convert_element_type3A_13 : vector<8x1x16xf32> to vector<8x56x16xf32>
    %mul3A_195 = arith.mulf %reshape3A_189, %mul3A_194 : vector<8x56x16xf32>
    %reduce_sum3A_196 = arith.constant dense<0.000000e+00> : vector<8x56xf32>
    %reduce_sum3A_197 = vector.multi_reduction <add>, %mul3A_195, %reduce_sum3A_196 [2] : vector<8x56x16xf32> to vector<8x56xf32>
    %get3A_198 = arith.constant 80 : index
    %get3A_199 = arith.constant 0 : index
    %get3A_200 = arith.constant 0 : index
    %get3A_201 = vector.load %arg1[%get3A_198, %get3A_199, %get3A_200] : memref<200x56x128xf32, #tpu.memory_space<vmem>>, vector<8x56x128xf32>
    %reshape3A_202 = vector.shape_cast %get3A_201 : vector<8x56x128xf32> to vector<448x128xf32>
    %slice3A_203 = vector.extract_strided_slice %get3A_6 {offsets = [80, 0], sizes = [8, 128], strides = [1, 1]} : vector<200x128xf32> to vector<8x128xf32>
    %slice3A_204 = vector.extract_strided_slice %get3A_3 {offsets = [80, 0], sizes = [8, 128], strides = [1, 1]} : vector<200x128xf32> to vector<8x128xf32>
    %concatenate3A_205 = tpu.concatenate %slice3A_203, %slice3A_204 in 0 : vector<8x128xf32>, vector<8x128xf32> -> vector<16x128xf32>
    %dot_general3A_206 = arith.constant dense<0.000000e+00> : vector<448x16xf32>
    %dot_general3A_207 = tpu.matmul %reshape3A_202, %concatenate3A_205, %dot_general3A_206 {dimension_numbers = #tpu.dot_dimension_numbers<[1], [1], [0], [0], [0, 0, 1, 0], [], []>, transpose_lhs_hint = false} : vector<448x128xf32>, vector<16x128xf32>, vector<448x16xf32> -> vector<448x16xf32>
    %reshape3A_208 = vector.shape_cast %dot_general3A_207 : vector<448x16xf32> to vector<8x56x16xf32>
    %mul3A_209 = vector.broadcast %convert_element_type3A_8 : vector<8x1x16xf32> to vector<8x56x16xf32>
    %mul3A_210 = arith.mulf %reshape3A_208, %mul3A_209 : vector<8x56x16xf32>
    %reduce_sum3A_211 = arith.constant dense<0.000000e+00> : vector<8x56xf32>
    %reduce_sum3A_212 = vector.multi_reduction <add>, %mul3A_210, %reduce_sum3A_211 [2] : vector<8x56x16xf32> to vector<8x56xf32>
    %mul3A_213 = vector.broadcast %convert_element_type3A_13 : vector<8x1x16xf32> to vector<8x56x16xf32>
    %mul3A_214 = arith.mulf %reshape3A_208, %mul3A_213 : vector<8x56x16xf32>
    %reduce_sum3A_215 = arith.constant dense<0.000000e+00> : vector<8x56xf32>
    %reduce_sum3A_216 = vector.multi_reduction <add>, %mul3A_214, %reduce_sum3A_215 [2] : vector<8x56x16xf32> to vector<8x56xf32>
    %get3A_217 = arith.constant 88 : index
    %get3A_218 = arith.constant 0 : index
    %get3A_219 = arith.constant 0 : index
    %get3A_220 = vector.load %arg1[%get3A_217, %get3A_218, %get3A_219] : memref<200x56x128xf32, #tpu.memory_space<vmem>>, vector<8x56x128xf32>
    %reshape3A_221 = vector.shape_cast %get3A_220 : vector<8x56x128xf32> to vector<448x128xf32>
    %slice3A_222 = vector.extract_strided_slice %get3A_6 {offsets = [88, 0], sizes = [8, 128], strides = [1, 1]} : vector<200x128xf32> to vector<8x128xf32>
    %slice3A_223 = vector.extract_strided_slice %get3A_3 {offsets = [88, 0], sizes = [8, 128], strides = [1, 1]} : vector<200x128xf32> to vector<8x128xf32>
    %concatenate3A_224 = tpu.concatenate %slice3A_222, %slice3A_223 in 0 : vector<8x128xf32>, vector<8x128xf32> -> vector<16x128xf32>
    %dot_general3A_225 = arith.constant dense<0.000000e+00> : vector<448x16xf32>
    %dot_general3A_226 = tpu.matmul %reshape3A_221, %concatenate3A_224, %dot_general3A_225 {dimension_numbers = #tpu.dot_dimension_numbers<[1], [1], [0], [0], [0, 0, 1, 0], [], []>, transpose_lhs_hint = false} : vector<448x128xf32>, vector<16x128xf32>, vector<448x16xf32> -> vector<448x16xf32>
    %reshape3A_227 = vector.shape_cast %dot_general3A_226 : vector<448x16xf32> to vector<8x56x16xf32>
    %mul3A_228 = vector.broadcast %convert_element_type3A_8 : vector<8x1x16xf32> to vector<8x56x16xf32>
    %mul3A_229 = arith.mulf %reshape3A_227, %mul3A_228 : vector<8x56x16xf32>
    %reduce_sum3A_230 = arith.constant dense<0.000000e+00> : vector<8x56xf32>
    %reduce_sum3A_231 = vector.multi_reduction <add>, %mul3A_229, %reduce_sum3A_230 [2] : vector<8x56x16xf32> to vector<8x56xf32>
    %mul3A_232 = vector.broadcast %convert_element_type3A_13 : vector<8x1x16xf32> to vector<8x56x16xf32>
    %mul3A_233 = arith.mulf %reshape3A_227, %mul3A_232 : vector<8x56x16xf32>
    %reduce_sum3A_234 = arith.constant dense<0.000000e+00> : vector<8x56xf32>
    %reduce_sum3A_235 = vector.multi_reduction <add>, %mul3A_233, %reduce_sum3A_234 [2] : vector<8x56x16xf32> to vector<8x56xf32>
    %get3A_236 = arith.constant 96 : index
    %get3A_237 = arith.constant 0 : index
    %get3A_238 = arith.constant 0 : index
    %get3A_239 = vector.load %arg1[%get3A_236, %get3A_237, %get3A_238] : memref<200x56x128xf32, #tpu.memory_space<vmem>>, vector<8x56x128xf32>
    %reshape3A_240 = vector.shape_cast %get3A_239 : vector<8x56x128xf32> to vector<448x128xf32>
    %slice3A_241 = vector.extract_strided_slice %get3A_6 {offsets = [96, 0], sizes = [8, 128], strides = [1, 1]} : vector<200x128xf32> to vector<8x128xf32>
    %slice3A_242 = vector.extract_strided_slice %get3A_3 {offsets = [96, 0], sizes = [8, 128], strides = [1, 1]} : vector<200x128xf32> to vector<8x128xf32>
    %concatenate3A_243 = tpu.concatenate %slice3A_241, %slice3A_242 in 0 : vector<8x128xf32>, vector<8x128xf32> -> vector<16x128xf32>
    %dot_general3A_244 = arith.constant dense<0.000000e+00> : vector<448x16xf32>
    %dot_general3A_245 = tpu.matmul %reshape3A_240, %concatenate3A_243, %dot_general3A_244 {dimension_numbers = #tpu.dot_dimension_numbers<[1], [1], [0], [0], [0, 0, 1, 0], [], []>, transpose_lhs_hint = false} : vector<448x128xf32>, vector<16x128xf32>, vector<448x16xf32> -> vector<448x16xf32>
    %reshape3A_246 = vector.shape_cast %dot_general3A_245 : vector<448x16xf32> to vector<8x56x16xf32>
    %mul3A_247 = vector.broadcast %convert_element_type3A_8 : vector<8x1x16xf32> to vector<8x56x16xf32>
    %mul3A_248 = arith.mulf %reshape3A_246, %mul3A_247 : vector<8x56x16xf32>
    %reduce_sum3A_249 = arith.constant dense<0.000000e+00> : vector<8x56xf32>
    %reduce_sum3A_250 = vector.multi_reduction <add>, %mul3A_248, %reduce_sum3A_249 [2] : vector<8x56x16xf32> to vector<8x56xf32>
    %mul3A_251 = vector.broadcast %convert_element_type3A_13 : vector<8x1x16xf32> to vector<8x56x16xf32>
    %mul3A_252 = arith.mulf %reshape3A_246, %mul3A_251 : vector<8x56x16xf32>
    %reduce_sum3A_253 = arith.constant dense<0.000000e+00> : vector<8x56xf32>
    %reduce_sum3A_254 = vector.multi_reduction <add>, %mul3A_252, %reduce_sum3A_253 [2] : vector<8x56x16xf32> to vector<8x56xf32>
    %get3A_255 = arith.constant 104 : index
    %get3A_256 = arith.constant 0 : index
    %get3A_257 = arith.constant 0 : index
    %get3A_258 = vector.load %arg1[%get3A_255, %get3A_256, %get3A_257] : memref<200x56x128xf32, #tpu.memory_space<vmem>>, vector<8x56x128xf32>
    %reshape3A_259 = vector.shape_cast %get3A_258 : vector<8x56x128xf32> to vector<448x128xf32>
    %slice3A_260 = vector.extract_strided_slice %get3A_6 {offsets = [104, 0], sizes = [8, 128], strides = [1, 1]} : vector<200x128xf32> to vector<8x128xf32>
    %slice3A_261 = vector.extract_strided_slice %get3A_3 {offsets = [104, 0], sizes = [8, 128], strides = [1, 1]} : vector<200x128xf32> to vector<8x128xf32>
    %concatenate3A_262 = tpu.concatenate %slice3A_260, %slice3A_261 in 0 : vector<8x128xf32>, vector<8x128xf32> -> vector<16x128xf32>
    %dot_general3A_263 = arith.constant dense<0.000000e+00> : vector<448x16xf32>
    %dot_general3A_264 = tpu.matmul %reshape3A_259, %concatenate3A_262, %dot_general3A_263 {dimension_numbers = #tpu.dot_dimension_numbers<[1], [1], [0], [0], [0, 0, 1, 0], [], []>, transpose_lhs_hint = false} : vector<448x128xf32>, vector<16x128xf32>, vector<448x16xf32> -> vector<448x16xf32>
    %reshape3A_265 = vector.shape_cast %dot_general3A_264 : vector<448x16xf32> to vector<8x56x16xf32>
    %mul3A_266 = vector.broadcast %convert_element_type3A_8 : vector<8x1x16xf32> to vector<8x56x16xf32>
    %mul3A_267 = arith.mulf %reshape3A_265, %mul3A_266 : vector<8x56x16xf32>
    %reduce_sum3A_268 = arith.constant dense<0.000000e+00> : vector<8x56xf32>
    %reduce_sum3A_269 = vector.multi_reduction <add>, %mul3A_267, %reduce_sum3A_268 [2] : vector<8x56x16xf32> to vector<8x56xf32>
    %mul3A_270 = vector.broadcast %convert_element_type3A_13 : vector<8x1x16xf32> to vector<8x56x16xf32>
    %mul3A_271 = arith.mulf %reshape3A_265, %mul3A_270 : vector<8x56x16xf32>
    %reduce_sum3A_272 = arith.constant dense<0.000000e+00> : vector<8x56xf32>
    %reduce_sum3A_273 = vector.multi_reduction <add>, %mul3A_271, %reduce_sum3A_272 [2] : vector<8x56x16xf32> to vector<8x56xf32>
    %get3A_274 = arith.constant 112 : index
    %get3A_275 = arith.constant 0 : index
    %get3A_276 = arith.constant 0 : index
    %get3A_277 = vector.load %arg1[%get3A_274, %get3A_275, %get3A_276] : memref<200x56x128xf32, #tpu.memory_space<vmem>>, vector<8x56x128xf32>
    %reshape3A_278 = vector.shape_cast %get3A_277 : vector<8x56x128xf32> to vector<448x128xf32>
    %slice3A_279 = vector.extract_strided_slice %get3A_6 {offsets = [112, 0], sizes = [8, 128], strides = [1, 1]} : vector<200x128xf32> to vector<8x128xf32>
    %slice3A_280 = vector.extract_strided_slice %get3A_3 {offsets = [112, 0], sizes = [8, 128], strides = [1, 1]} : vector<200x128xf32> to vector<8x128xf32>
    %concatenate3A_281 = tpu.concatenate %slice3A_279, %slice3A_280 in 0 : vector<8x128xf32>, vector<8x128xf32> -> vector<16x128xf32>
    %dot_general3A_282 = arith.constant dense<0.000000e+00> : vector<448x16xf32>
    %dot_general3A_283 = tpu.matmul %reshape3A_278, %concatenate3A_281, %dot_general3A_282 {dimension_numbers = #tpu.dot_dimension_numbers<[1], [1], [0], [0], [0, 0, 1, 0], [], []>, transpose_lhs_hint = false} : vector<448x128xf32>, vector<16x128xf32>, vector<448x16xf32> -> vector<448x16xf32>
    %reshape3A_284 = vector.shape_cast %dot_general3A_283 : vector<448x16xf32> to vector<8x56x16xf32>
    %mul3A_285 = vector.broadcast %convert_element_type3A_8 : vector<8x1x16xf32> to vector<8x56x16xf32>
    %mul3A_286 = arith.mulf %reshape3A_284, %mul3A_285 : vector<8x56x16xf32>
    %reduce_sum3A_287 = arith.constant dense<0.000000e+00> : vector<8x56xf32>
    %reduce_sum3A_288 = vector.multi_reduction <add>, %mul3A_286, %reduce_sum3A_287 [2] : vector<8x56x16xf32> to vector<8x56xf32>
    %mul3A_289 = vector.broadcast %convert_element_type3A_13 : vector<8x1x16xf32> to vector<8x56x16xf32>
    %mul3A_290 = arith.mulf %reshape3A_284, %mul3A_289 : vector<8x56x16xf32>
    %reduce_sum3A_291 = arith.constant dense<0.000000e+00> : vector<8x56xf32>
    %reduce_sum3A_292 = vector.multi_reduction <add>, %mul3A_290, %reduce_sum3A_291 [2] : vector<8x56x16xf32> to vector<8x56xf32>
    %get3A_293 = arith.constant 120 : index
    %get3A_294 = arith.constant 0 : index
    %get3A_295 = arith.constant 0 : index
    %get3A_296 = vector.load %arg1[%get3A_293, %get3A_294, %get3A_295] : memref<200x56x128xf32, #tpu.memory_space<vmem>>, vector<8x56x128xf32>
    %reshape3A_297 = vector.shape_cast %get3A_296 : vector<8x56x128xf32> to vector<448x128xf32>
    %slice3A_298 = vector.extract_strided_slice %get3A_6 {offsets = [120, 0], sizes = [8, 128], strides = [1, 1]} : vector<200x128xf32> to vector<8x128xf32>
    %slice3A_299 = vector.extract_strided_slice %get3A_3 {offsets = [120, 0], sizes = [8, 128], strides = [1, 1]} : vector<200x128xf32> to vector<8x128xf32>
    %concatenate3A_300 = tpu.concatenate %slice3A_298, %slice3A_299 in 0 : vector<8x128xf32>, vector<8x128xf32> -> vector<16x128xf32>
    %dot_general3A_301 = arith.constant dense<0.000000e+00> : vector<448x16xf32>
    %dot_general3A_302 = tpu.matmul %reshape3A_297, %concatenate3A_300, %dot_general3A_301 {dimension_numbers = #tpu.dot_dimension_numbers<[1], [1], [0], [0], [0, 0, 1, 0], [], []>, transpose_lhs_hint = false} : vector<448x128xf32>, vector<16x128xf32>, vector<448x16xf32> -> vector<448x16xf32>
    %reshape3A_303 = vector.shape_cast %dot_general3A_302 : vector<448x16xf32> to vector<8x56x16xf32>
    %mul3A_304 = vector.broadcast %convert_element_type3A_8 : vector<8x1x16xf32> to vector<8x56x16xf32>
    %mul3A_305 = arith.mulf %reshape3A_303, %mul3A_304 : vector<8x56x16xf32>
    %reduce_sum3A_306 = arith.constant dense<0.000000e+00> : vector<8x56xf32>
    %reduce_sum3A_307 = vector.multi_reduction <add>, %mul3A_305, %reduce_sum3A_306 [2] : vector<8x56x16xf32> to vector<8x56xf32>
    %mul3A_308 = vector.broadcast %convert_element_type3A_13 : vector<8x1x16xf32> to vector<8x56x16xf32>
    %mul3A_309 = arith.mulf %reshape3A_303, %mul3A_308 : vector<8x56x16xf32>
    %reduce_sum3A_310 = arith.constant dense<0.000000e+00> : vector<8x56xf32>
    %reduce_sum3A_311 = vector.multi_reduction <add>, %mul3A_309, %reduce_sum3A_310 [2] : vector<8x56x16xf32> to vector<8x56xf32>
    %get3A_312 = arith.constant 128 : index
    %get3A_313 = arith.constant 0 : index
    %get3A_314 = arith.constant 0 : index
    %get3A_315 = vector.load %arg1[%get3A_312, %get3A_313, %get3A_314] : memref<200x56x128xf32, #tpu.memory_space<vmem>>, vector<8x56x128xf32>
    %reshape3A_316 = vector.shape_cast %get3A_315 : vector<8x56x128xf32> to vector<448x128xf32>
    %slice3A_317 = vector.extract_strided_slice %get3A_6 {offsets = [128, 0], sizes = [8, 128], strides = [1, 1]} : vector<200x128xf32> to vector<8x128xf32>
    %slice3A_318 = vector.extract_strided_slice %get3A_3 {offsets = [128, 0], sizes = [8, 128], strides = [1, 1]} : vector<200x128xf32> to vector<8x128xf32>
    %concatenate3A_319 = tpu.concatenate %slice3A_317, %slice3A_318 in 0 : vector<8x128xf32>, vector<8x128xf32> -> vector<16x128xf32>
    %dot_general3A_320 = arith.constant dense<0.000000e+00> : vector<448x16xf32>
    %dot_general3A_321 = tpu.matmul %reshape3A_316, %concatenate3A_319, %dot_general3A_320 {dimension_numbers = #tpu.dot_dimension_numbers<[1], [1], [0], [0], [0, 0, 1, 0], [], []>, transpose_lhs_hint = false} : vector<448x128xf32>, vector<16x128xf32>, vector<448x16xf32> -> vector<448x16xf32>
    %reshape3A_322 = vector.shape_cast %dot_general3A_321 : vector<448x16xf32> to vector<8x56x16xf32>
    %mul3A_323 = vector.broadcast %convert_element_type3A_8 : vector<8x1x16xf32> to vector<8x56x16xf32>
    %mul3A_324 = arith.mulf %reshape3A_322, %mul3A_323 : vector<8x56x16xf32>
    %reduce_sum3A_325 = arith.constant dense<0.000000e+00> : vector<8x56xf32>
    %reduce_sum3A_326 = vector.multi_reduction <add>, %mul3A_324, %reduce_sum3A_325 [2] : vector<8x56x16xf32> to vector<8x56xf32>
    %mul3A_327 = vector.broadcast %convert_element_type3A_13 : vector<8x1x16xf32> to vector<8x56x16xf32>
    %mul3A_328 = arith.mulf %reshape3A_322, %mul3A_327 : vector<8x56x16xf32>
    %reduce_sum3A_329 = arith.constant dense<0.000000e+00> : vector<8x56xf32>
    %reduce_sum3A_330 = vector.multi_reduction <add>, %mul3A_328, %reduce_sum3A_329 [2] : vector<8x56x16xf32> to vector<8x56xf32>
    %get3A_331 = arith.constant 136 : index
    %get3A_332 = arith.constant 0 : index
    %get3A_333 = arith.constant 0 : index
    %get3A_334 = vector.load %arg1[%get3A_331, %get3A_332, %get3A_333] : memref<200x56x128xf32, #tpu.memory_space<vmem>>, vector<8x56x128xf32>
    %reshape3A_335 = vector.shape_cast %get3A_334 : vector<8x56x128xf32> to vector<448x128xf32>
    %slice3A_336 = vector.extract_strided_slice %get3A_6 {offsets = [136, 0], sizes = [8, 128], strides = [1, 1]} : vector<200x128xf32> to vector<8x128xf32>
    %slice3A_337 = vector.extract_strided_slice %get3A_3 {offsets = [136, 0], sizes = [8, 128], strides = [1, 1]} : vector<200x128xf32> to vector<8x128xf32>
    %concatenate3A_338 = tpu.concatenate %slice3A_336, %slice3A_337 in 0 : vector<8x128xf32>, vector<8x128xf32> -> vector<16x128xf32>
    %dot_general3A_339 = arith.constant dense<0.000000e+00> : vector<448x16xf32>
    %dot_general3A_340 = tpu.matmul %reshape3A_335, %concatenate3A_338, %dot_general3A_339 {dimension_numbers = #tpu.dot_dimension_numbers<[1], [1], [0], [0], [0, 0, 1, 0], [], []>, transpose_lhs_hint = false} : vector<448x128xf32>, vector<16x128xf32>, vector<448x16xf32> -> vector<448x16xf32>
    %reshape3A_341 = vector.shape_cast %dot_general3A_340 : vector<448x16xf32> to vector<8x56x16xf32>
    %mul3A_342 = vector.broadcast %convert_element_type3A_8 : vector<8x1x16xf32> to vector<8x56x16xf32>
    %mul3A_343 = arith.mulf %reshape3A_341, %mul3A_342 : vector<8x56x16xf32>
    %reduce_sum3A_344 = arith.constant dense<0.000000e+00> : vector<8x56xf32>
    %reduce_sum3A_345 = vector.multi_reduction <add>, %mul3A_343, %reduce_sum3A_344 [2] : vector<8x56x16xf32> to vector<8x56xf32>
    %mul3A_346 = vector.broadcast %convert_element_type3A_13 : vector<8x1x16xf32> to vector<8x56x16xf32>
    %mul3A_347 = arith.mulf %reshape3A_341, %mul3A_346 : vector<8x56x16xf32>
    %reduce_sum3A_348 = arith.constant dense<0.000000e+00> : vector<8x56xf32>
    %reduce_sum3A_349 = vector.multi_reduction <add>, %mul3A_347, %reduce_sum3A_348 [2] : vector<8x56x16xf32> to vector<8x56xf32>
    %get3A_350 = arith.constant 144 : index
    %get3A_351 = arith.constant 0 : index
    %get3A_352 = arith.constant 0 : index
    %get3A_353 = vector.load %arg1[%get3A_350, %get3A_351, %get3A_352] : memref<200x56x128xf32, #tpu.memory_space<vmem>>, vector<8x56x128xf32>
    %reshape3A_354 = vector.shape_cast %get3A_353 : vector<8x56x128xf32> to vector<448x128xf32>
    %slice3A_355 = vector.extract_strided_slice %get3A_6 {offsets = [144, 0], sizes = [8, 128], strides = [1, 1]} : vector<200x128xf32> to vector<8x128xf32>
    %slice3A_356 = vector.extract_strided_slice %get3A_3 {offsets = [144, 0], sizes = [8, 128], strides = [1, 1]} : vector<200x128xf32> to vector<8x128xf32>
    %concatenate3A_357 = tpu.concatenate %slice3A_355, %slice3A_356 in 0 : vector<8x128xf32>, vector<8x128xf32> -> vector<16x128xf32>
    %dot_general3A_358 = arith.constant dense<0.000000e+00> : vector<448x16xf32>
    %dot_general3A_359 = tpu.matmul %reshape3A_354, %concatenate3A_357, %dot_general3A_358 {dimension_numbers = #tpu.dot_dimension_numbers<[1], [1], [0], [0], [0, 0, 1, 0], [], []>, transpose_lhs_hint = false} : vector<448x128xf32>, vector<16x128xf32>, vector<448x16xf32> -> vector<448x16xf32>
    %reshape3A_360 = vector.shape_cast %dot_general3A_359 : vector<448x16xf32> to vector<8x56x16xf32>
    %mul3A_361 = vector.broadcast %convert_element_type3A_8 : vector<8x1x16xf32> to vector<8x56x16xf32>
    %mul3A_362 = arith.mulf %reshape3A_360, %mul3A_361 : vector<8x56x16xf32>
    %reduce_sum3A_363 = arith.constant dense<0.000000e+00> : vector<8x56xf32>
    %reduce_sum3A_364 = vector.multi_reduction <add>, %mul3A_362, %reduce_sum3A_363 [2] : vector<8x56x16xf32> to vector<8x56xf32>
    %mul3A_365 = vector.broadcast %convert_element_type3A_13 : vector<8x1x16xf32> to vector<8x56x16xf32>
    %mul3A_366 = arith.mulf %reshape3A_360, %mul3A_365 : vector<8x56x16xf32>
    %reduce_sum3A_367 = arith.constant dense<0.000000e+00> : vector<8x56xf32>
    %reduce_sum3A_368 = vector.multi_reduction <add>, %mul3A_366, %reduce_sum3A_367 [2] : vector<8x56x16xf32> to vector<8x56xf32>
    %get3A_369 = arith.constant 152 : index
    %get3A_370 = arith.constant 0 : index
    %get3A_371 = arith.constant 0 : index
    %get3A_372 = vector.load %arg1[%get3A_369, %get3A_370, %get3A_371] : memref<200x56x128xf32, #tpu.memory_space<vmem>>, vector<8x56x128xf32>
    %reshape3A_373 = vector.shape_cast %get3A_372 : vector<8x56x128xf32> to vector<448x128xf32>
    %slice3A_374 = vector.extract_strided_slice %get3A_6 {offsets = [152, 0], sizes = [8, 128], strides = [1, 1]} : vector<200x128xf32> to vector<8x128xf32>
    %slice3A_375 = vector.extract_strided_slice %get3A_3 {offsets = [152, 0], sizes = [8, 128], strides = [1, 1]} : vector<200x128xf32> to vector<8x128xf32>
    %concatenate3A_376 = tpu.concatenate %slice3A_374, %slice3A_375 in 0 : vector<8x128xf32>, vector<8x128xf32> -> vector<16x128xf32>
    %dot_general3A_377 = arith.constant dense<0.000000e+00> : vector<448x16xf32>
    %dot_general3A_378 = tpu.matmul %reshape3A_373, %concatenate3A_376, %dot_general3A_377 {dimension_numbers = #tpu.dot_dimension_numbers<[1], [1], [0], [0], [0, 0, 1, 0], [], []>, transpose_lhs_hint = false} : vector<448x128xf32>, vector<16x128xf32>, vector<448x16xf32> -> vector<448x16xf32>
    %reshape3A_379 = vector.shape_cast %dot_general3A_378 : vector<448x16xf32> to vector<8x56x16xf32>
    %mul3A_380 = vector.broadcast %convert_element_type3A_8 : vector<8x1x16xf32> to vector<8x56x16xf32>
    %mul3A_381 = arith.mulf %reshape3A_379, %mul3A_380 : vector<8x56x16xf32>
    %reduce_sum3A_382 = arith.constant dense<0.000000e+00> : vector<8x56xf32>
    %reduce_sum3A_383 = vector.multi_reduction <add>, %mul3A_381, %reduce_sum3A_382 [2] : vector<8x56x16xf32> to vector<8x56xf32>
    %mul3A_384 = vector.broadcast %convert_element_type3A_13 : vector<8x1x16xf32> to vector<8x56x16xf32>
    %mul3A_385 = arith.mulf %reshape3A_379, %mul3A_384 : vector<8x56x16xf32>
    %reduce_sum3A_386 = arith.constant dense<0.000000e+00> : vector<8x56xf32>
    %reduce_sum3A_387 = vector.multi_reduction <add>, %mul3A_385, %reduce_sum3A_386 [2] : vector<8x56x16xf32> to vector<8x56xf32>
    %get3A_388 = arith.constant 160 : index
    %get3A_389 = arith.constant 0 : index
    %get3A_390 = arith.constant 0 : index
    %get3A_391 = vector.load %arg1[%get3A_388, %get3A_389, %get3A_390] : memref<200x56x128xf32, #tpu.memory_space<vmem>>, vector<8x56x128xf32>
    %reshape3A_392 = vector.shape_cast %get3A_391 : vector<8x56x128xf32> to vector<448x128xf32>
    %slice3A_393 = vector.extract_strided_slice %get3A_6 {offsets = [160, 0], sizes = [8, 128], strides = [1, 1]} : vector<200x128xf32> to vector<8x128xf32>
    %slice3A_394 = vector.extract_strided_slice %get3A_3 {offsets = [160, 0], sizes = [8, 128], strides = [1, 1]} : vector<200x128xf32> to vector<8x128xf32>
    %concatenate3A_395 = tpu.concatenate %slice3A_393, %slice3A_394 in 0 : vector<8x128xf32>, vector<8x128xf32> -> vector<16x128xf32>
    %dot_general3A_396 = arith.constant dense<0.000000e+00> : vector<448x16xf32>
    %dot_general3A_397 = tpu.matmul %reshape3A_392, %concatenate3A_395, %dot_general3A_396 {dimension_numbers = #tpu.dot_dimension_numbers<[1], [1], [0], [0], [0, 0, 1, 0], [], []>, transpose_lhs_hint = false} : vector<448x128xf32>, vector<16x128xf32>, vector<448x16xf32> -> vector<448x16xf32>
    %reshape3A_398 = vector.shape_cast %dot_general3A_397 : vector<448x16xf32> to vector<8x56x16xf32>
    %mul3A_399 = vector.broadcast %convert_element_type3A_8 : vector<8x1x16xf32> to vector<8x56x16xf32>
    %mul3A_400 = arith.mulf %reshape3A_398, %mul3A_399 : vector<8x56x16xf32>
    %reduce_sum3A_401 = arith.constant dense<0.000000e+00> : vector<8x56xf32>
    %reduce_sum3A_402 = vector.multi_reduction <add>, %mul3A_400, %reduce_sum3A_401 [2] : vector<8x56x16xf32> to vector<8x56xf32>
    %mul3A_403 = vector.broadcast %convert_element_type3A_13 : vector<8x1x16xf32> to vector<8x56x16xf32>
    %mul3A_404 = arith.mulf %reshape3A_398, %mul3A_403 : vector<8x56x16xf32>
    %reduce_sum3A_405 = arith.constant dense<0.000000e+00> : vector<8x56xf32>
    %reduce_sum3A_406 = vector.multi_reduction <add>, %mul3A_404, %reduce_sum3A_405 [2] : vector<8x56x16xf32> to vector<8x56xf32>
    %get3A_407 = arith.constant 168 : index
    %get3A_408 = arith.constant 0 : index
    %get3A_409 = arith.constant 0 : index
    %get3A_410 = vector.load %arg1[%get3A_407, %get3A_408, %get3A_409] : memref<200x56x128xf32, #tpu.memory_space<vmem>>, vector<8x56x128xf32>
    %reshape3A_411 = vector.shape_cast %get3A_410 : vector<8x56x128xf32> to vector<448x128xf32>
    %slice3A_412 = vector.extract_strided_slice %get3A_6 {offsets = [168, 0], sizes = [8, 128], strides = [1, 1]} : vector<200x128xf32> to vector<8x128xf32>
    %slice3A_413 = vector.extract_strided_slice %get3A_3 {offsets = [168, 0], sizes = [8, 128], strides = [1, 1]} : vector<200x128xf32> to vector<8x128xf32>
    %concatenate3A_414 = tpu.concatenate %slice3A_412, %slice3A_413 in 0 : vector<8x128xf32>, vector<8x128xf32> -> vector<16x128xf32>
    %dot_general3A_415 = arith.constant dense<0.000000e+00> : vector<448x16xf32>
    %dot_general3A_416 = tpu.matmul %reshape3A_411, %concatenate3A_414, %dot_general3A_415 {dimension_numbers = #tpu.dot_dimension_numbers<[1], [1], [0], [0], [0, 0, 1, 0], [], []>, transpose_lhs_hint = false} : vector<448x128xf32>, vector<16x128xf32>, vector<448x16xf32> -> vector<448x16xf32>
    %reshape3A_417 = vector.shape_cast %dot_general3A_416 : vector<448x16xf32> to vector<8x56x16xf32>
    %mul3A_418 = vector.broadcast %convert_element_type3A_8 : vector<8x1x16xf32> to vector<8x56x16xf32>
    %mul3A_419 = arith.mulf %reshape3A_417, %mul3A_418 : vector<8x56x16xf32>
    %reduce_sum3A_420 = arith.constant dense<0.000000e+00> : vector<8x56xf32>
    %reduce_sum3A_421 = vector.multi_reduction <add>, %mul3A_419, %reduce_sum3A_420 [2] : vector<8x56x16xf32> to vector<8x56xf32>
    %mul3A_422 = vector.broadcast %convert_element_type3A_13 : vector<8x1x16xf32> to vector<8x56x16xf32>
    %mul3A_423 = arith.mulf %reshape3A_417, %mul3A_422 : vector<8x56x16xf32>
    %reduce_sum3A_424 = arith.constant dense<0.000000e+00> : vector<8x56xf32>
    %reduce_sum3A_425 = vector.multi_reduction <add>, %mul3A_423, %reduce_sum3A_424 [2] : vector<8x56x16xf32> to vector<8x56xf32>
    %get3A_426 = arith.constant 176 : index
    %get3A_427 = arith.constant 0 : index
    %get3A_428 = arith.constant 0 : index
    %get3A_429 = vector.load %arg1[%get3A_426, %get3A_427, %get3A_428] : memref<200x56x128xf32, #tpu.memory_space<vmem>>, vector<8x56x128xf32>
    %reshape3A_430 = vector.shape_cast %get3A_429 : vector<8x56x128xf32> to vector<448x128xf32>
    %slice3A_431 = vector.extract_strided_slice %get3A_6 {offsets = [176, 0], sizes = [8, 128], strides = [1, 1]} : vector<200x128xf32> to vector<8x128xf32>
    %slice3A_432 = vector.extract_strided_slice %get3A_3 {offsets = [176, 0], sizes = [8, 128], strides = [1, 1]} : vector<200x128xf32> to vector<8x128xf32>
    %concatenate3A_433 = tpu.concatenate %slice3A_431, %slice3A_432 in 0 : vector<8x128xf32>, vector<8x128xf32> -> vector<16x128xf32>
    %dot_general3A_434 = arith.constant dense<0.000000e+00> : vector<448x16xf32>
    %dot_general3A_435 = tpu.matmul %reshape3A_430, %concatenate3A_433, %dot_general3A_434 {dimension_numbers = #tpu.dot_dimension_numbers<[1], [1], [0], [0], [0, 0, 1, 0], [], []>, transpose_lhs_hint = false} : vector<448x128xf32>, vector<16x128xf32>, vector<448x16xf32> -> vector<448x16xf32>
    %reshape3A_436 = vector.shape_cast %dot_general3A_435 : vector<448x16xf32> to vector<8x56x16xf32>
    %mul3A_437 = vector.broadcast %convert_element_type3A_8 : vector<8x1x16xf32> to vector<8x56x16xf32>
    %mul3A_438 = arith.mulf %reshape3A_436, %mul3A_437 : vector<8x56x16xf32>
    %reduce_sum3A_439 = arith.constant dense<0.000000e+00> : vector<8x56xf32>
    %reduce_sum3A_440 = vector.multi_reduction <add>, %mul3A_438, %reduce_sum3A_439 [2] : vector<8x56x16xf32> to vector<8x56xf32>
    %mul3A_441 = vector.broadcast %convert_element_type3A_13 : vector<8x1x16xf32> to vector<8x56x16xf32>
    %mul3A_442 = arith.mulf %reshape3A_436, %mul3A_441 : vector<8x56x16xf32>
    %reduce_sum3A_443 = arith.constant dense<0.000000e+00> : vector<8x56xf32>
    %reduce_sum3A_444 = vector.multi_reduction <add>, %mul3A_442, %reduce_sum3A_443 [2] : vector<8x56x16xf32> to vector<8x56xf32>
    %get3A_445 = arith.constant 184 : index
    %get3A_446 = arith.constant 0 : index
    %get3A_447 = arith.constant 0 : index
    %get3A_448 = vector.load %arg1[%get3A_445, %get3A_446, %get3A_447] : memref<200x56x128xf32, #tpu.memory_space<vmem>>, vector<8x56x128xf32>
    %reshape3A_449 = vector.shape_cast %get3A_448 : vector<8x56x128xf32> to vector<448x128xf32>
    %slice3A_450 = vector.extract_strided_slice %get3A_6 {offsets = [184, 0], sizes = [8, 128], strides = [1, 1]} : vector<200x128xf32> to vector<8x128xf32>
    %slice3A_451 = vector.extract_strided_slice %get3A_3 {offsets = [184, 0], sizes = [8, 128], strides = [1, 1]} : vector<200x128xf32> to vector<8x128xf32>
    %concatenate3A_452 = tpu.concatenate %slice3A_450, %slice3A_451 in 0 : vector<8x128xf32>, vector<8x128xf32> -> vector<16x128xf32>
    %dot_general3A_453 = arith.constant dense<0.000000e+00> : vector<448x16xf32>
    %dot_general3A_454 = tpu.matmul %reshape3A_449, %concatenate3A_452, %dot_general3A_453 {dimension_numbers = #tpu.dot_dimension_numbers<[1], [1], [0], [0], [0, 0, 1, 0], [], []>, transpose_lhs_hint = false} : vector<448x128xf32>, vector<16x128xf32>, vector<448x16xf32> -> vector<448x16xf32>
    %reshape3A_455 = vector.shape_cast %dot_general3A_454 : vector<448x16xf32> to vector<8x56x16xf32>
    %mul3A_456 = vector.broadcast %convert_element_type3A_8 : vector<8x1x16xf32> to vector<8x56x16xf32>
    %mul3A_457 = arith.mulf %reshape3A_455, %mul3A_456 : vector<8x56x16xf32>
    %reduce_sum3A_458 = arith.constant dense<0.000000e+00> : vector<8x56xf32>
    %reduce_sum3A_459 = vector.multi_reduction <add>, %mul3A_457, %reduce_sum3A_458 [2] : vector<8x56x16xf32> to vector<8x56xf32>
    %mul3A_460 = vector.broadcast %convert_element_type3A_13 : vector<8x1x16xf32> to vector<8x56x16xf32>
    %mul3A_461 = arith.mulf %reshape3A_455, %mul3A_460 : vector<8x56x16xf32>
    %reduce_sum3A_462 = arith.constant dense<0.000000e+00> : vector<8x56xf32>
    %reduce_sum3A_463 = vector.multi_reduction <add>, %mul3A_461, %reduce_sum3A_462 [2] : vector<8x56x16xf32> to vector<8x56xf32>
    %get3A_464 = arith.constant 192 : index
    %get3A_465 = arith.constant 0 : index
    %get3A_466 = arith.constant 0 : index
    %get3A_467 = vector.load %arg1[%get3A_464, %get3A_465, %get3A_466] : memref<200x56x128xf32, #tpu.memory_space<vmem>>, vector<8x56x128xf32>
    %reshape3A_468 = vector.shape_cast %get3A_467 : vector<8x56x128xf32> to vector<448x128xf32>
    %slice3A_469 = vector.extract_strided_slice %get3A_6 {offsets = [192, 0], sizes = [8, 128], strides = [1, 1]} : vector<200x128xf32> to vector<8x128xf32>
    %slice3A_470 = vector.extract_strided_slice %get3A_3 {offsets = [192, 0], sizes = [8, 128], strides = [1, 1]} : vector<200x128xf32> to vector<8x128xf32>
    %concatenate3A_471 = tpu.concatenate %slice3A_469, %slice3A_470 in 0 : vector<8x128xf32>, vector<8x128xf32> -> vector<16x128xf32>
    %dot_general3A_472 = arith.constant dense<0.000000e+00> : vector<448x16xf32>
    %dot_general3A_473 = tpu.matmul %reshape3A_468, %concatenate3A_471, %dot_general3A_472 {dimension_numbers = #tpu.dot_dimension_numbers<[1], [1], [0], [0], [0, 0, 1, 0], [], []>, transpose_lhs_hint = false} : vector<448x128xf32>, vector<16x128xf32>, vector<448x16xf32> -> vector<448x16xf32>
    %reshape3A_474 = vector.shape_cast %dot_general3A_473 : vector<448x16xf32> to vector<8x56x16xf32>
    %mul3A_475 = vector.broadcast %convert_element_type3A_8 : vector<8x1x16xf32> to vector<8x56x16xf32>
    %mul3A_476 = arith.mulf %reshape3A_474, %mul3A_475 : vector<8x56x16xf32>
    %reduce_sum3A_477 = arith.constant dense<0.000000e+00> : vector<8x56xf32>
    %reduce_sum3A_478 = vector.multi_reduction <add>, %mul3A_476, %reduce_sum3A_477 [2] : vector<8x56x16xf32> to vector<8x56xf32>
    %mul3A_479 = vector.broadcast %convert_element_type3A_13 : vector<8x1x16xf32> to vector<8x56x16xf32>
    %mul3A_480 = arith.mulf %reshape3A_474, %mul3A_479 : vector<8x56x16xf32>
    %reduce_sum3A_481 = arith.constant dense<0.000000e+00> : vector<8x56xf32>
    %reduce_sum3A_482 = vector.multi_reduction <add>, %mul3A_480, %reduce_sum3A_481 [2] : vector<8x56x16xf32> to vector<8x56xf32>
    %concatenate3A_483 = tpu.concatenate %reduce_sum3A_22, %reduce_sum3A_41, %reduce_sum3A_60, %reduce_sum3A_79, %reduce_sum3A_98, %reduce_sum3A_117, %reduce_sum3A_136, %reduce_sum3A_155, %reduce_sum3A_174, %reduce_sum3A_193, %reduce_sum3A_212, %reduce_sum3A_231, %reduce_sum3A_250, %reduce_sum3A_269, %reduce_sum3A_288, %reduce_sum3A_307, %reduce_sum3A_326, %reduce_sum3A_345, %reduce_sum3A_364, %reduce_sum3A_383, %reduce_sum3A_402, %reduce_sum3A_421, %reduce_sum3A_440, %reduce_sum3A_459, %reduce_sum3A_478 in 0 : vector<8x56xf32>, vector<8x56xf32>, vector<8x56xf32>, vector<8x56xf32>, vector<8x56xf32>, vector<8x56xf32>, vector<8x56xf32>, vector<8x56xf32>, vector<8x56xf32>, vector<8x56xf32>, vector<8x56xf32>, vector<8x56xf32>, vector<8x56xf32>, vector<8x56xf32>, vector<8x56xf32>, vector<8x56xf32>, vector<8x56xf32>, vector<8x56xf32>, vector<8x56xf32>, vector<8x56xf32>, vector<8x56xf32>, vector<8x56xf32>, vector<8x56xf32>, vector<8x56xf32>, vector<8x56xf32> -> vector<200x56xf32>
    %concatenate3A_484 = tpu.concatenate %reduce_sum3A_26, %reduce_sum3A_45, %reduce_sum3A_64, %reduce_sum3A_83, %reduce_sum3A_102, %reduce_sum3A_121, %reduce_sum3A_140, %reduce_sum3A_159, %reduce_sum3A_178, %reduce_sum3A_197, %reduce_sum3A_216, %reduce_sum3A_235, %reduce_sum3A_254, %reduce_sum3A_273, %reduce_sum3A_292, %reduce_sum3A_311, %reduce_sum3A_330, %reduce_sum3A_349, %reduce_sum3A_368, %reduce_sum3A_387, %reduce_sum3A_406, %reduce_sum3A_425, %reduce_sum3A_444, %reduce_sum3A_463, %reduce_sum3A_482 in 0 : vector<8x56xf32>, vector<8x56xf32>, vector<8x56xf32>, vector<8x56xf32>, vector<8x56xf32>, vector<8x56xf32>, vector<8x56xf32>, vector<8x56xf32>, vector<8x56xf32>, vector<8x56xf32>, vector<8x56xf32>, vector<8x56xf32>, vector<8x56xf32>, vector<8x56xf32>, vector<8x56xf32>, vector<8x56xf32>, vector<8x56xf32>, vector<8x56xf32>, vector<8x56xf32>, vector<8x56xf32>, vector<8x56xf32>, vector<8x56xf32>, vector<8x56xf32>, vector<8x56xf32>, vector<8x56xf32> -> vector<200x56xf32>
    %get3A_485 = arith.constant 0 : index
    %get3A_486 = arith.constant 0 : index
    %get3A_487 = vector.load %arg4[%get3A_485, %get3A_486] : memref<56x128xf32, #tpu.memory_space<vmem>>, vector<56x128xf32>
    %dot_general3A_488 = arith.constant dense<0.000000e+00> : vector<200x56xf32>
    %dot_general3A_489 = tpu.matmul %get3A_6, %get3A_487, %dot_general3A_488 {dimension_numbers = #tpu.dot_dimension_numbers<[1], [1], [0], [0], [0, 0, 1, 0], [], []>, transpose_lhs_hint = false} : vector<200x128xf32>, vector<56x128xf32>, vector<200x56xf32> -> vector<200x56xf32>
    %iota3A_490 = tpu.iota {dimensions = array<i32: 1>} : vector<1x56xi32>
    %ge3A = arith.constant 50 : i32
    %ge3A_491 = vector.broadcast %ge3A : i32 to vector<1x56xi32>
    %ge3A_492 = arith.cmpi sge, %iota3A_490, %ge3A_491 : vector<1x56xi32>
    %jit3A = arith.constant -1.000000e+30 : f32
    %jit3A_493 = arith.constant 0.000000e+00 : f32
    %broadcast_in_dim3A = vector.broadcast %jit3A : f32 to vector<1x56xf32>
    %broadcast_in_dim3A_494 = vector.broadcast %jit3A_493 : f32 to vector<1x56xf32>
    %select_n3A = arith.select %ge3A_492, %broadcast_in_dim3A, %broadcast_in_dim3A_494 : vector<1x56xi1>, vector<1x56xf32>
    %add3A_495 = arith.addf %concatenate3A_483, %dot_general3A_489 : vector<200x56xf32>
    %mul3A_496 = arith.constant 0.0883883461 : f32
    %mul3A_497 = vector.broadcast %mul3A_496 : f32 to vector<200x56xf32>
    %mul3A_498 = arith.mulf %add3A_495, %mul3A_497 : vector<200x56xf32>
    %add3A_499 = vector.broadcast %select_n3A : vector<1x56xf32> to vector<200x56xf32>
    %add3A_500 = arith.addf %mul3A_498, %add3A_499 : vector<200x56xf32>
    %mul3A_501 = arith.constant 0.0883883461 : f32
    %mul3A_502 = vector.broadcast %mul3A_501 : f32 to vector<200x56xf32>
    %mul3A_503 = arith.mulf %concatenate3A_484, %mul3A_502 : vector<200x56xf32>
    %add3A_504 = vector.broadcast %select_n3A : vector<1x56xf32> to vector<200x56xf32>
    %add3A_505 = arith.addf %mul3A_503, %add3A_504 : vector<200x56xf32>
    %reduce_max3A = arith.constant dense<0xFF800000> : vector<200xf32>
    %reduce_max3A_506 = vector.multi_reduction <maximumf>, %add3A_500, %reduce_max3A [1] : vector<200x56xf32> to vector<200xf32>
    %broadcast_in_dim3A_507 = vector.shape_cast %reduce_max3A_506 : vector<200xf32> to vector<200x1xf32>
    %sub3A = vector.broadcast %broadcast_in_dim3A_507 : vector<200x1xf32> to vector<200x56xf32>
    %sub3A_508 = arith.subf %add3A_500, %sub3A : vector<200x56xf32>
    %exp3A = math.exp %sub3A_508 : vector<200x56xf32>
    %reduce_sum3A_509 = arith.constant dense<0.000000e+00> : vector<200xf32>
    %reduce_sum3A_510 = vector.multi_reduction <add>, %exp3A, %reduce_sum3A_509 [1] : vector<200x56xf32> to vector<200xf32>
    %broadcast_in_dim3A_511 = vector.shape_cast %reduce_sum3A_510 : vector<200xf32> to vector<200x1xf32>
    %div3A = vector.broadcast %broadcast_in_dim3A_511 : vector<200x1xf32> to vector<200x56xf32>
    %div3A_512 = arith.divf %exp3A, %div3A : vector<200x56xf32>
    %reduce_max3A_513 = arith.constant dense<0xFF800000> : vector<200xf32>
    %reduce_max3A_514 = vector.multi_reduction <maximumf>, %add3A_505, %reduce_max3A_513 [1] : vector<200x56xf32> to vector<200xf32>
    %broadcast_in_dim3A_515 = vector.shape_cast %reduce_max3A_514 : vector<200xf32> to vector<200x1xf32>
    %sub3A_516 = vector.broadcast %broadcast_in_dim3A_515 : vector<200x1xf32> to vector<200x56xf32>
    %sub3A_517 = arith.subf %add3A_505, %sub3A_516 : vector<200x56xf32>
    %exp3A_518 = math.exp %sub3A_517 : vector<200x56xf32>
    %reduce_sum3A_519 = arith.constant dense<0.000000e+00> : vector<200xf32>
    %reduce_sum3A_520 = vector.multi_reduction <add>, %exp3A_518, %reduce_sum3A_519 [1] : vector<200x56xf32> to vector<200xf32>
    %broadcast_in_dim3A_521 = vector.shape_cast %reduce_sum3A_520 : vector<200xf32> to vector<200x1xf32>
    %div3A_522 = vector.broadcast %broadcast_in_dim3A_521 : vector<200x1xf32> to vector<200x56xf32>
    %div3A_523 = arith.divf %exp3A_518, %div3A_522 : vector<200x56xf32>
    %broadcast_in_dim3A_524 = arith.constant 0.000000e+00 : f32
    %broadcast_in_dim3A_525 = vector.broadcast %broadcast_in_dim3A_524 : f32 to vector<200x128xf32>
    %broadcast_in_dim3A_526 = arith.constant 0.000000e+00 : f32
    %broadcast_in_dim3A_527 = vector.broadcast %broadcast_in_dim3A_526 : f32 to vector<200x128xf32>
    %get3A_528 = arith.constant 0 : index
    %get3A_529 = arith.constant 0 : index
    %get3A_530 = arith.constant 0 : index
    %get3A_531 = vector.load %arg1[%get3A_528, %get3A_529, %get3A_530] : memref<200x56x128xf32, #tpu.memory_space<vmem>>, vector<200x1x128xf32>
    %get3A_532 = vector.shape_cast %get3A_531 : vector<200x1x128xf32> to vector<200x128xf32>
    %slice3A_533 = vector.extract_strided_slice %div3A_512 {offsets = [0, 0], sizes = [200, 1], strides = [1, 1]} : vector<200x56xf32> to vector<200x1xf32>
    %mul3A_534 = vector.broadcast %slice3A_533 : vector<200x1xf32> to vector<200x128xf32>
    %mul3A_535 = arith.mulf %mul3A_534, %get3A_532 : vector<200x128xf32>
    %add3A_536 = arith.addf %broadcast_in_dim3A_525, %mul3A_535 : vector<200x128xf32>
    %slice3A_537 = vector.extract_strided_slice %div3A_523 {offsets = [0, 0], sizes = [200, 1], strides = [1, 1]} : vector<200x56xf32> to vector<200x1xf32>
    %mul3A_538 = vector.broadcast %slice3A_537 : vector<200x1xf32> to vector<200x128xf32>
    %mul3A_539 = arith.mulf %mul3A_538, %get3A_532 : vector<200x128xf32>
    %add3A_540 = arith.addf %broadcast_in_dim3A_527, %mul3A_539 : vector<200x128xf32>
    %get3A_541 = arith.constant 0 : index
    %get3A_542 = arith.constant 1 : index
    %get3A_543 = arith.constant 0 : index
    %get3A_544 = vector.load %arg1[%get3A_541, %get3A_542, %get3A_543] : memref<200x56x128xf32, #tpu.memory_space<vmem>>, vector<200x1x128xf32>
    %get3A_545 = vector.shape_cast %get3A_544 : vector<200x1x128xf32> to vector<200x128xf32>
    %slice3A_546 = vector.extract_strided_slice %div3A_512 {offsets = [0, 1], sizes = [200, 1], strides = [1, 1]} : vector<200x56xf32> to vector<200x1xf32>
    %mul3A_547 = vector.broadcast %slice3A_546 : vector<200x1xf32> to vector<200x128xf32>
    %mul3A_548 = arith.mulf %mul3A_547, %get3A_545 : vector<200x128xf32>
    %add3A_549 = arith.addf %add3A_536, %mul3A_548 : vector<200x128xf32>
    %slice3A_550 = vector.extract_strided_slice %div3A_523 {offsets = [0, 1], sizes = [200, 1], strides = [1, 1]} : vector<200x56xf32> to vector<200x1xf32>
    %mul3A_551 = vector.broadcast %slice3A_550 : vector<200x1xf32> to vector<200x128xf32>
    %mul3A_552 = arith.mulf %mul3A_551, %get3A_545 : vector<200x128xf32>
    %add3A_553 = arith.addf %add3A_540, %mul3A_552 : vector<200x128xf32>
    %get3A_554 = arith.constant 0 : index
    %get3A_555 = arith.constant 2 : index
    %get3A_556 = arith.constant 0 : index
    %get3A_557 = vector.load %arg1[%get3A_554, %get3A_555, %get3A_556] : memref<200x56x128xf32, #tpu.memory_space<vmem>>, vector<200x1x128xf32>
    %get3A_558 = vector.shape_cast %get3A_557 : vector<200x1x128xf32> to vector<200x128xf32>
    %slice3A_559 = vector.extract_strided_slice %div3A_512 {offsets = [0, 2], sizes = [200, 1], strides = [1, 1]} : vector<200x56xf32> to vector<200x1xf32>
    %mul3A_560 = vector.broadcast %slice3A_559 : vector<200x1xf32> to vector<200x128xf32>
    %mul3A_561 = arith.mulf %mul3A_560, %get3A_558 : vector<200x128xf32>
    %add3A_562 = arith.addf %add3A_549, %mul3A_561 : vector<200x128xf32>
    %slice3A_563 = vector.extract_strided_slice %div3A_523 {offsets = [0, 2], sizes = [200, 1], strides = [1, 1]} : vector<200x56xf32> to vector<200x1xf32>
    %mul3A_564 = vector.broadcast %slice3A_563 : vector<200x1xf32> to vector<200x128xf32>
    %mul3A_565 = arith.mulf %mul3A_564, %get3A_558 : vector<200x128xf32>
    %add3A_566 = arith.addf %add3A_553, %mul3A_565 : vector<200x128xf32>
    %get3A_567 = arith.constant 0 : index
    %get3A_568 = arith.constant 3 : index
    %get3A_569 = arith.constant 0 : index
    %get3A_570 = vector.load %arg1[%get3A_567, %get3A_568, %get3A_569] : memref<200x56x128xf32, #tpu.memory_space<vmem>>, vector<200x1x128xf32>
    %get3A_571 = vector.shape_cast %get3A_570 : vector<200x1x128xf32> to vector<200x128xf32>
    %slice3A_572 = vector.extract_strided_slice %div3A_512 {offsets = [0, 3], sizes = [200, 1], strides = [1, 1]} : vector<200x56xf32> to vector<200x1xf32>
    %mul3A_573 = vector.broadcast %slice3A_572 : vector<200x1xf32> to vector<200x128xf32>
    %mul3A_574 = arith.mulf %mul3A_573, %get3A_571 : vector<200x128xf32>
    %add3A_575 = arith.addf %add3A_562, %mul3A_574 : vector<200x128xf32>
    %slice3A_576 = vector.extract_strided_slice %div3A_523 {offsets = [0, 3], sizes = [200, 1], strides = [1, 1]} : vector<200x56xf32> to vector<200x1xf32>
    %mul3A_577 = vector.broadcast %slice3A_576 : vector<200x1xf32> to vector<200x128xf32>
    %mul3A_578 = arith.mulf %mul3A_577, %get3A_571 : vector<200x128xf32>
    %add3A_579 = arith.addf %add3A_566, %mul3A_578 : vector<200x128xf32>
    %get3A_580 = arith.constant 0 : index
    %get3A_581 = arith.constant 4 : index
    %get3A_582 = arith.constant 0 : index
    %get3A_583 = vector.load %arg1[%get3A_580, %get3A_581, %get3A_582] : memref<200x56x128xf32, #tpu.memory_space<vmem>>, vector<200x1x128xf32>
    %get3A_584 = vector.shape_cast %get3A_583 : vector<200x1x128xf32> to vector<200x128xf32>
    %slice3A_585 = vector.extract_strided_slice %div3A_512 {offsets = [0, 4], sizes = [200, 1], strides = [1, 1]} : vector<200x56xf32> to vector<200x1xf32>
    %mul3A_586 = vector.broadcast %slice3A_585 : vector<200x1xf32> to vector<200x128xf32>
    %mul3A_587 = arith.mulf %mul3A_586, %get3A_584 : vector<200x128xf32>
    %add3A_588 = arith.addf %add3A_575, %mul3A_587 : vector<200x128xf32>
    %slice3A_589 = vector.extract_strided_slice %div3A_523 {offsets = [0, 4], sizes = [200, 1], strides = [1, 1]} : vector<200x56xf32> to vector<200x1xf32>
    %mul3A_590 = vector.broadcast %slice3A_589 : vector<200x1xf32> to vector<200x128xf32>
    %mul3A_591 = arith.mulf %mul3A_590, %get3A_584 : vector<200x128xf32>
    %add3A_592 = arith.addf %add3A_579, %mul3A_591 : vector<200x128xf32>
    %get3A_593 = arith.constant 0 : index
    %get3A_594 = arith.constant 5 : index
    %get3A_595 = arith.constant 0 : index
    %get3A_596 = vector.load %arg1[%get3A_593, %get3A_594, %get3A_595] : memref<200x56x128xf32, #tpu.memory_space<vmem>>, vector<200x1x128xf32>
    %get3A_597 = vector.shape_cast %get3A_596 : vector<200x1x128xf32> to vector<200x128xf32>
    %slice3A_598 = vector.extract_strided_slice %div3A_512 {offsets = [0, 5], sizes = [200, 1], strides = [1, 1]} : vector<200x56xf32> to vector<200x1xf32>
    %mul3A_599 = vector.broadcast %slice3A_598 : vector<200x1xf32> to vector<200x128xf32>
    %mul3A_600 = arith.mulf %mul3A_599, %get3A_597 : vector<200x128xf32>
    %add3A_601 = arith.addf %add3A_588, %mul3A_600 : vector<200x128xf32>
    %slice3A_602 = vector.extract_strided_slice %div3A_523 {offsets = [0, 5], sizes = [200, 1], strides = [1, 1]} : vector<200x56xf32> to vector<200x1xf32>
    %mul3A_603 = vector.broadcast %slice3A_602 : vector<200x1xf32> to vector<200x128xf32>
    %mul3A_604 = arith.mulf %mul3A_603, %get3A_597 : vector<200x128xf32>
    %add3A_605 = arith.addf %add3A_592, %mul3A_604 : vector<200x128xf32>
    %get3A_606 = arith.constant 0 : index
    %get3A_607 = arith.constant 6 : index
    %get3A_608 = arith.constant 0 : index
    %get3A_609 = vector.load %arg1[%get3A_606, %get3A_607, %get3A_608] : memref<200x56x128xf32, #tpu.memory_space<vmem>>, vector<200x1x128xf32>
    %get3A_610 = vector.shape_cast %get3A_609 : vector<200x1x128xf32> to vector<200x128xf32>
    %slice3A_611 = vector.extract_strided_slice %div3A_512 {offsets = [0, 6], sizes = [200, 1], strides = [1, 1]} : vector<200x56xf32> to vector<200x1xf32>
    %mul3A_612 = vector.broadcast %slice3A_611 : vector<200x1xf32> to vector<200x128xf32>
    %mul3A_613 = arith.mulf %mul3A_612, %get3A_610 : vector<200x128xf32>
    %add3A_614 = arith.addf %add3A_601, %mul3A_613 : vector<200x128xf32>
    %slice3A_615 = vector.extract_strided_slice %div3A_523 {offsets = [0, 6], sizes = [200, 1], strides = [1, 1]} : vector<200x56xf32> to vector<200x1xf32>
    %mul3A_616 = vector.broadcast %slice3A_615 : vector<200x1xf32> to vector<200x128xf32>
    %mul3A_617 = arith.mulf %mul3A_616, %get3A_610 : vector<200x128xf32>
    %add3A_618 = arith.addf %add3A_605, %mul3A_617 : vector<200x128xf32>
    %get3A_619 = arith.constant 0 : index
    %get3A_620 = arith.constant 7 : index
    %get3A_621 = arith.constant 0 : index
    %get3A_622 = vector.load %arg1[%get3A_619, %get3A_620, %get3A_621] : memref<200x56x128xf32, #tpu.memory_space<vmem>>, vector<200x1x128xf32>
    %get3A_623 = vector.shape_cast %get3A_622 : vector<200x1x128xf32> to vector<200x128xf32>
    %slice3A_624 = vector.extract_strided_slice %div3A_512 {offsets = [0, 7], sizes = [200, 1], strides = [1, 1]} : vector<200x56xf32> to vector<200x1xf32>
    %mul3A_625 = vector.broadcast %slice3A_624 : vector<200x1xf32> to vector<200x128xf32>
    %mul3A_626 = arith.mulf %mul3A_625, %get3A_623 : vector<200x128xf32>
    %add3A_627 = arith.addf %add3A_614, %mul3A_626 : vector<200x128xf32>
    %slice3A_628 = vector.extract_strided_slice %div3A_523 {offsets = [0, 7], sizes = [200, 1], strides = [1, 1]} : vector<200x56xf32> to vector<200x1xf32>
    %mul3A_629 = vector.broadcast %slice3A_628 : vector<200x1xf32> to vector<200x128xf32>
    %mul3A_630 = arith.mulf %mul3A_629, %get3A_623 : vector<200x128xf32>
    %add3A_631 = arith.addf %add3A_618, %mul3A_630 : vector<200x128xf32>
    %get3A_632 = arith.constant 0 : index
    %get3A_633 = arith.constant 8 : index
    %get3A_634 = arith.constant 0 : index
    %get3A_635 = vector.load %arg1[%get3A_632, %get3A_633, %get3A_634] : memref<200x56x128xf32, #tpu.memory_space<vmem>>, vector<200x1x128xf32>
    %get3A_636 = vector.shape_cast %get3A_635 : vector<200x1x128xf32> to vector<200x128xf32>
    %slice3A_637 = vector.extract_strided_slice %div3A_512 {offsets = [0, 8], sizes = [200, 1], strides = [1, 1]} : vector<200x56xf32> to vector<200x1xf32>
    %mul3A_638 = vector.broadcast %slice3A_637 : vector<200x1xf32> to vector<200x128xf32>
    %mul3A_639 = arith.mulf %mul3A_638, %get3A_636 : vector<200x128xf32>
    %add3A_640 = arith.addf %add3A_627, %mul3A_639 : vector<200x128xf32>
    %slice3A_641 = vector.extract_strided_slice %div3A_523 {offsets = [0, 8], sizes = [200, 1], strides = [1, 1]} : vector<200x56xf32> to vector<200x1xf32>
    %mul3A_642 = vector.broadcast %slice3A_641 : vector<200x1xf32> to vector<200x128xf32>
    %mul3A_643 = arith.mulf %mul3A_642, %get3A_636 : vector<200x128xf32>
    %add3A_644 = arith.addf %add3A_631, %mul3A_643 : vector<200x128xf32>
    %get3A_645 = arith.constant 0 : index
    %get3A_646 = arith.constant 9 : index
    %get3A_647 = arith.constant 0 : index
    %get3A_648 = vector.load %arg1[%get3A_645, %get3A_646, %get3A_647] : memref<200x56x128xf32, #tpu.memory_space<vmem>>, vector<200x1x128xf32>
    %get3A_649 = vector.shape_cast %get3A_648 : vector<200x1x128xf32> to vector<200x128xf32>
    %slice3A_650 = vector.extract_strided_slice %div3A_512 {offsets = [0, 9], sizes = [200, 1], strides = [1, 1]} : vector<200x56xf32> to vector<200x1xf32>
    %mul3A_651 = vector.broadcast %slice3A_650 : vector<200x1xf32> to vector<200x128xf32>
    %mul3A_652 = arith.mulf %mul3A_651, %get3A_649 : vector<200x128xf32>
    %add3A_653 = arith.addf %add3A_640, %mul3A_652 : vector<200x128xf32>
    %slice3A_654 = vector.extract_strided_slice %div3A_523 {offsets = [0, 9], sizes = [200, 1], strides = [1, 1]} : vector<200x56xf32> to vector<200x1xf32>
    %mul3A_655 = vector.broadcast %slice3A_654 : vector<200x1xf32> to vector<200x128xf32>
    %mul3A_656 = arith.mulf %mul3A_655, %get3A_649 : vector<200x128xf32>
    %add3A_657 = arith.addf %add3A_644, %mul3A_656 : vector<200x128xf32>
    %get3A_658 = arith.constant 0 : index
    %get3A_659 = arith.constant 10 : index
    %get3A_660 = arith.constant 0 : index
    %get3A_661 = vector.load %arg1[%get3A_658, %get3A_659, %get3A_660] : memref<200x56x128xf32, #tpu.memory_space<vmem>>, vector<200x1x128xf32>
    %get3A_662 = vector.shape_cast %get3A_661 : vector<200x1x128xf32> to vector<200x128xf32>
    %slice3A_663 = vector.extract_strided_slice %div3A_512 {offsets = [0, 10], sizes = [200, 1], strides = [1, 1]} : vector<200x56xf32> to vector<200x1xf32>
    %mul3A_664 = vector.broadcast %slice3A_663 : vector<200x1xf32> to vector<200x128xf32>
    %mul3A_665 = arith.mulf %mul3A_664, %get3A_662 : vector<200x128xf32>
    %add3A_666 = arith.addf %add3A_653, %mul3A_665 : vector<200x128xf32>
    %slice3A_667 = vector.extract_strided_slice %div3A_523 {offsets = [0, 10], sizes = [200, 1], strides = [1, 1]} : vector<200x56xf32> to vector<200x1xf32>
    %mul3A_668 = vector.broadcast %slice3A_667 : vector<200x1xf32> to vector<200x128xf32>
    %mul3A_669 = arith.mulf %mul3A_668, %get3A_662 : vector<200x128xf32>
    %add3A_670 = arith.addf %add3A_657, %mul3A_669 : vector<200x128xf32>
    %get3A_671 = arith.constant 0 : index
    %get3A_672 = arith.constant 11 : index
    %get3A_673 = arith.constant 0 : index
    %get3A_674 = vector.load %arg1[%get3A_671, %get3A_672, %get3A_673] : memref<200x56x128xf32, #tpu.memory_space<vmem>>, vector<200x1x128xf32>
    %get3A_675 = vector.shape_cast %get3A_674 : vector<200x1x128xf32> to vector<200x128xf32>
    %slice3A_676 = vector.extract_strided_slice %div3A_512 {offsets = [0, 11], sizes = [200, 1], strides = [1, 1]} : vector<200x56xf32> to vector<200x1xf32>
    %mul3A_677 = vector.broadcast %slice3A_676 : vector<200x1xf32> to vector<200x128xf32>
    %mul3A_678 = arith.mulf %mul3A_677, %get3A_675 : vector<200x128xf32>
    %add3A_679 = arith.addf %add3A_666, %mul3A_678 : vector<200x128xf32>
    %slice3A_680 = vector.extract_strided_slice %div3A_523 {offsets = [0, 11], sizes = [200, 1], strides = [1, 1]} : vector<200x56xf32> to vector<200x1xf32>
    %mul3A_681 = vector.broadcast %slice3A_680 : vector<200x1xf32> to vector<200x128xf32>
    %mul3A_682 = arith.mulf %mul3A_681, %get3A_675 : vector<200x128xf32>
    %add3A_683 = arith.addf %add3A_670, %mul3A_682 : vector<200x128xf32>
    %get3A_684 = arith.constant 0 : index
    %get3A_685 = arith.constant 12 : index
    %get3A_686 = arith.constant 0 : index
    %get3A_687 = vector.load %arg1[%get3A_684, %get3A_685, %get3A_686] : memref<200x56x128xf32, #tpu.memory_space<vmem>>, vector<200x1x128xf32>
    %get3A_688 = vector.shape_cast %get3A_687 : vector<200x1x128xf32> to vector<200x128xf32>
    %slice3A_689 = vector.extract_strided_slice %div3A_512 {offsets = [0, 12], sizes = [200, 1], strides = [1, 1]} : vector<200x56xf32> to vector<200x1xf32>
    %mul3A_690 = vector.broadcast %slice3A_689 : vector<200x1xf32> to vector<200x128xf32>
    %mul3A_691 = arith.mulf %mul3A_690, %get3A_688 : vector<200x128xf32>
    %add3A_692 = arith.addf %add3A_679, %mul3A_691 : vector<200x128xf32>
    %slice3A_693 = vector.extract_strided_slice %div3A_523 {offsets = [0, 12], sizes = [200, 1], strides = [1, 1]} : vector<200x56xf32> to vector<200x1xf32>
    %mul3A_694 = vector.broadcast %slice3A_693 : vector<200x1xf32> to vector<200x128xf32>
    %mul3A_695 = arith.mulf %mul3A_694, %get3A_688 : vector<200x128xf32>
    %add3A_696 = arith.addf %add3A_683, %mul3A_695 : vector<200x128xf32>
    %get3A_697 = arith.constant 0 : index
    %get3A_698 = arith.constant 13 : index
    %get3A_699 = arith.constant 0 : index
    %get3A_700 = vector.load %arg1[%get3A_697, %get3A_698, %get3A_699] : memref<200x56x128xf32, #tpu.memory_space<vmem>>, vector<200x1x128xf32>
    %get3A_701 = vector.shape_cast %get3A_700 : vector<200x1x128xf32> to vector<200x128xf32>
    %slice3A_702 = vector.extract_strided_slice %div3A_512 {offsets = [0, 13], sizes = [200, 1], strides = [1, 1]} : vector<200x56xf32> to vector<200x1xf32>
    %mul3A_703 = vector.broadcast %slice3A_702 : vector<200x1xf32> to vector<200x128xf32>
    %mul3A_704 = arith.mulf %mul3A_703, %get3A_701 : vector<200x128xf32>
    %add3A_705 = arith.addf %add3A_692, %mul3A_704 : vector<200x128xf32>
    %slice3A_706 = vector.extract_strided_slice %div3A_523 {offsets = [0, 13], sizes = [200, 1], strides = [1, 1]} : vector<200x56xf32> to vector<200x1xf32>
    %mul3A_707 = vector.broadcast %slice3A_706 : vector<200x1xf32> to vector<200x128xf32>
    %mul3A_708 = arith.mulf %mul3A_707, %get3A_701 : vector<200x128xf32>
    %add3A_709 = arith.addf %add3A_696, %mul3A_708 : vector<200x128xf32>
    %get3A_710 = arith.constant 0 : index
    %get3A_711 = arith.constant 14 : index
    %get3A_712 = arith.constant 0 : index
    %get3A_713 = vector.load %arg1[%get3A_710, %get3A_711, %get3A_712] : memref<200x56x128xf32, #tpu.memory_space<vmem>>, vector<200x1x128xf32>
    %get3A_714 = vector.shape_cast %get3A_713 : vector<200x1x128xf32> to vector<200x128xf32>
    %slice3A_715 = vector.extract_strided_slice %div3A_512 {offsets = [0, 14], sizes = [200, 1], strides = [1, 1]} : vector<200x56xf32> to vector<200x1xf32>
    %mul3A_716 = vector.broadcast %slice3A_715 : vector<200x1xf32> to vector<200x128xf32>
    %mul3A_717 = arith.mulf %mul3A_716, %get3A_714 : vector<200x128xf32>
    %add3A_718 = arith.addf %add3A_705, %mul3A_717 : vector<200x128xf32>
    %slice3A_719 = vector.extract_strided_slice %div3A_523 {offsets = [0, 14], sizes = [200, 1], strides = [1, 1]} : vector<200x56xf32> to vector<200x1xf32>
    %mul3A_720 = vector.broadcast %slice3A_719 : vector<200x1xf32> to vector<200x128xf32>
    %mul3A_721 = arith.mulf %mul3A_720, %get3A_714 : vector<200x128xf32>
    %add3A_722 = arith.addf %add3A_709, %mul3A_721 : vector<200x128xf32>
    %get3A_723 = arith.constant 0 : index
    %get3A_724 = arith.constant 15 : index
    %get3A_725 = arith.constant 0 : index
    %get3A_726 = vector.load %arg1[%get3A_723, %get3A_724, %get3A_725] : memref<200x56x128xf32, #tpu.memory_space<vmem>>, vector<200x1x128xf32>
    %get3A_727 = vector.shape_cast %get3A_726 : vector<200x1x128xf32> to vector<200x128xf32>
    %slice3A_728 = vector.extract_strided_slice %div3A_512 {offsets = [0, 15], sizes = [200, 1], strides = [1, 1]} : vector<200x56xf32> to vector<200x1xf32>
    %mul3A_729 = vector.broadcast %slice3A_728 : vector<200x1xf32> to vector<200x128xf32>
    %mul3A_730 = arith.mulf %mul3A_729, %get3A_727 : vector<200x128xf32>
    %add3A_731 = arith.addf %add3A_718, %mul3A_730 : vector<200x128xf32>
    %slice3A_732 = vector.extract_strided_slice %div3A_523 {offsets = [0, 15], sizes = [200, 1], strides = [1, 1]} : vector<200x56xf32> to vector<200x1xf32>
    %mul3A_733 = vector.broadcast %slice3A_732 : vector<200x1xf32> to vector<200x128xf32>
    %mul3A_734 = arith.mulf %mul3A_733, %get3A_727 : vector<200x128xf32>
    %add3A_735 = arith.addf %add3A_722, %mul3A_734 : vector<200x128xf32>
    %get3A_736 = arith.constant 0 : index
    %get3A_737 = arith.constant 16 : index
    %get3A_738 = arith.constant 0 : index
    %get3A_739 = vector.load %arg1[%get3A_736, %get3A_737, %get3A_738] : memref<200x56x128xf32, #tpu.memory_space<vmem>>, vector<200x1x128xf32>
    %get3A_740 = vector.shape_cast %get3A_739 : vector<200x1x128xf32> to vector<200x128xf32>
    %slice3A_741 = vector.extract_strided_slice %div3A_512 {offsets = [0, 16], sizes = [200, 1], strides = [1, 1]} : vector<200x56xf32> to vector<200x1xf32>
    %mul3A_742 = vector.broadcast %slice3A_741 : vector<200x1xf32> to vector<200x128xf32>
    %mul3A_743 = arith.mulf %mul3A_742, %get3A_740 : vector<200x128xf32>
    %add3A_744 = arith.addf %add3A_731, %mul3A_743 : vector<200x128xf32>
    %slice3A_745 = vector.extract_strided_slice %div3A_523 {offsets = [0, 16], sizes = [200, 1], strides = [1, 1]} : vector<200x56xf32> to vector<200x1xf32>
    %mul3A_746 = vector.broadcast %slice3A_745 : vector<200x1xf32> to vector<200x128xf32>
    %mul3A_747 = arith.mulf %mul3A_746, %get3A_740 : vector<200x128xf32>
    %add3A_748 = arith.addf %add3A_735, %mul3A_747 : vector<200x128xf32>
    %get3A_749 = arith.constant 0 : index
    %get3A_750 = arith.constant 17 : index
    %get3A_751 = arith.constant 0 : index
    %get3A_752 = vector.load %arg1[%get3A_749, %get3A_750, %get3A_751] : memref<200x56x128xf32, #tpu.memory_space<vmem>>, vector<200x1x128xf32>
    %get3A_753 = vector.shape_cast %get3A_752 : vector<200x1x128xf32> to vector<200x128xf32>
    %slice3A_754 = vector.extract_strided_slice %div3A_512 {offsets = [0, 17], sizes = [200, 1], strides = [1, 1]} : vector<200x56xf32> to vector<200x1xf32>
    %mul3A_755 = vector.broadcast %slice3A_754 : vector<200x1xf32> to vector<200x128xf32>
    %mul3A_756 = arith.mulf %mul3A_755, %get3A_753 : vector<200x128xf32>
    %add3A_757 = arith.addf %add3A_744, %mul3A_756 : vector<200x128xf32>
    %slice3A_758 = vector.extract_strided_slice %div3A_523 {offsets = [0, 17], sizes = [200, 1], strides = [1, 1]} : vector<200x56xf32> to vector<200x1xf32>
    %mul3A_759 = vector.broadcast %slice3A_758 : vector<200x1xf32> to vector<200x128xf32>
    %mul3A_760 = arith.mulf %mul3A_759, %get3A_753 : vector<200x128xf32>
    %add3A_761 = arith.addf %add3A_748, %mul3A_760 : vector<200x128xf32>
    %get3A_762 = arith.constant 0 : index
    %get3A_763 = arith.constant 18 : index
    %get3A_764 = arith.constant 0 : index
    %get3A_765 = vector.load %arg1[%get3A_762, %get3A_763, %get3A_764] : memref<200x56x128xf32, #tpu.memory_space<vmem>>, vector<200x1x128xf32>
    %get3A_766 = vector.shape_cast %get3A_765 : vector<200x1x128xf32> to vector<200x128xf32>
    %slice3A_767 = vector.extract_strided_slice %div3A_512 {offsets = [0, 18], sizes = [200, 1], strides = [1, 1]} : vector<200x56xf32> to vector<200x1xf32>
    %mul3A_768 = vector.broadcast %slice3A_767 : vector<200x1xf32> to vector<200x128xf32>
    %mul3A_769 = arith.mulf %mul3A_768, %get3A_766 : vector<200x128xf32>
    %add3A_770 = arith.addf %add3A_757, %mul3A_769 : vector<200x128xf32>
    %slice3A_771 = vector.extract_strided_slice %div3A_523 {offsets = [0, 18], sizes = [200, 1], strides = [1, 1]} : vector<200x56xf32> to vector<200x1xf32>
    %mul3A_772 = vector.broadcast %slice3A_771 : vector<200x1xf32> to vector<200x128xf32>
    %mul3A_773 = arith.mulf %mul3A_772, %get3A_766 : vector<200x128xf32>
    %add3A_774 = arith.addf %add3A_761, %mul3A_773 : vector<200x128xf32>
    %get3A_775 = arith.constant 0 : index
    %get3A_776 = arith.constant 19 : index
    %get3A_777 = arith.constant 0 : index
    %get3A_778 = vector.load %arg1[%get3A_775, %get3A_776, %get3A_777] : memref<200x56x128xf32, #tpu.memory_space<vmem>>, vector<200x1x128xf32>
    %get3A_779 = vector.shape_cast %get3A_778 : vector<200x1x128xf32> to vector<200x128xf32>
    %slice3A_780 = vector.extract_strided_slice %div3A_512 {offsets = [0, 19], sizes = [200, 1], strides = [1, 1]} : vector<200x56xf32> to vector<200x1xf32>
    %mul3A_781 = vector.broadcast %slice3A_780 : vector<200x1xf32> to vector<200x128xf32>
    %mul3A_782 = arith.mulf %mul3A_781, %get3A_779 : vector<200x128xf32>
    %add3A_783 = arith.addf %add3A_770, %mul3A_782 : vector<200x128xf32>
    %slice3A_784 = vector.extract_strided_slice %div3A_523 {offsets = [0, 19], sizes = [200, 1], strides = [1, 1]} : vector<200x56xf32> to vector<200x1xf32>
    %mul3A_785 = vector.broadcast %slice3A_784 : vector<200x1xf32> to vector<200x128xf32>
    %mul3A_786 = arith.mulf %mul3A_785, %get3A_779 : vector<200x128xf32>
    %add3A_787 = arith.addf %add3A_774, %mul3A_786 : vector<200x128xf32>
    %get3A_788 = arith.constant 0 : index
    %get3A_789 = arith.constant 20 : index
    %get3A_790 = arith.constant 0 : index
    %get3A_791 = vector.load %arg1[%get3A_788, %get3A_789, %get3A_790] : memref<200x56x128xf32, #tpu.memory_space<vmem>>, vector<200x1x128xf32>
    %get3A_792 = vector.shape_cast %get3A_791 : vector<200x1x128xf32> to vector<200x128xf32>
    %slice3A_793 = vector.extract_strided_slice %div3A_512 {offsets = [0, 20], sizes = [200, 1], strides = [1, 1]} : vector<200x56xf32> to vector<200x1xf32>
    %mul3A_794 = vector.broadcast %slice3A_793 : vector<200x1xf32> to vector<200x128xf32>
    %mul3A_795 = arith.mulf %mul3A_794, %get3A_792 : vector<200x128xf32>
    %add3A_796 = arith.addf %add3A_783, %mul3A_795 : vector<200x128xf32>
    %slice3A_797 = vector.extract_strided_slice %div3A_523 {offsets = [0, 20], sizes = [200, 1], strides = [1, 1]} : vector<200x56xf32> to vector<200x1xf32>
    %mul3A_798 = vector.broadcast %slice3A_797 : vector<200x1xf32> to vector<200x128xf32>
    %mul3A_799 = arith.mulf %mul3A_798, %get3A_792 : vector<200x128xf32>
    %add3A_800 = arith.addf %add3A_787, %mul3A_799 : vector<200x128xf32>
    %get3A_801 = arith.constant 0 : index
    %get3A_802 = arith.constant 21 : index
    %get3A_803 = arith.constant 0 : index
    %get3A_804 = vector.load %arg1[%get3A_801, %get3A_802, %get3A_803] : memref<200x56x128xf32, #tpu.memory_space<vmem>>, vector<200x1x128xf32>
    %get3A_805 = vector.shape_cast %get3A_804 : vector<200x1x128xf32> to vector<200x128xf32>
    %slice3A_806 = vector.extract_strided_slice %div3A_512 {offsets = [0, 21], sizes = [200, 1], strides = [1, 1]} : vector<200x56xf32> to vector<200x1xf32>
    %mul3A_807 = vector.broadcast %slice3A_806 : vector<200x1xf32> to vector<200x128xf32>
    %mul3A_808 = arith.mulf %mul3A_807, %get3A_805 : vector<200x128xf32>
    %add3A_809 = arith.addf %add3A_796, %mul3A_808 : vector<200x128xf32>
    %slice3A_810 = vector.extract_strided_slice %div3A_523 {offsets = [0, 21], sizes = [200, 1], strides = [1, 1]} : vector<200x56xf32> to vector<200x1xf32>
    %mul3A_811 = vector.broadcast %slice3A_810 : vector<200x1xf32> to vector<200x128xf32>
    %mul3A_812 = arith.mulf %mul3A_811, %get3A_805 : vector<200x128xf32>
    %add3A_813 = arith.addf %add3A_800, %mul3A_812 : vector<200x128xf32>
    %get3A_814 = arith.constant 0 : index
    %get3A_815 = arith.constant 22 : index
    %get3A_816 = arith.constant 0 : index
    %get3A_817 = vector.load %arg1[%get3A_814, %get3A_815, %get3A_816] : memref<200x56x128xf32, #tpu.memory_space<vmem>>, vector<200x1x128xf32>
    %get3A_818 = vector.shape_cast %get3A_817 : vector<200x1x128xf32> to vector<200x128xf32>
    %slice3A_819 = vector.extract_strided_slice %div3A_512 {offsets = [0, 22], sizes = [200, 1], strides = [1, 1]} : vector<200x56xf32> to vector<200x1xf32>
    %mul3A_820 = vector.broadcast %slice3A_819 : vector<200x1xf32> to vector<200x128xf32>
    %mul3A_821 = arith.mulf %mul3A_820, %get3A_818 : vector<200x128xf32>
    %add3A_822 = arith.addf %add3A_809, %mul3A_821 : vector<200x128xf32>
    %slice3A_823 = vector.extract_strided_slice %div3A_523 {offsets = [0, 22], sizes = [200, 1], strides = [1, 1]} : vector<200x56xf32> to vector<200x1xf32>
    %mul3A_824 = vector.broadcast %slice3A_823 : vector<200x1xf32> to vector<200x128xf32>
    %mul3A_825 = arith.mulf %mul3A_824, %get3A_818 : vector<200x128xf32>
    %add3A_826 = arith.addf %add3A_813, %mul3A_825 : vector<200x128xf32>
    %get3A_827 = arith.constant 0 : index
    %get3A_828 = arith.constant 23 : index
    %get3A_829 = arith.constant 0 : index
    %get3A_830 = vector.load %arg1[%get3A_827, %get3A_828, %get3A_829] : memref<200x56x128xf32, #tpu.memory_space<vmem>>, vector<200x1x128xf32>
    %get3A_831 = vector.shape_cast %get3A_830 : vector<200x1x128xf32> to vector<200x128xf32>
    %slice3A_832 = vector.extract_strided_slice %div3A_512 {offsets = [0, 23], sizes = [200, 1], strides = [1, 1]} : vector<200x56xf32> to vector<200x1xf32>
    %mul3A_833 = vector.broadcast %slice3A_832 : vector<200x1xf32> to vector<200x128xf32>
    %mul3A_834 = arith.mulf %mul3A_833, %get3A_831 : vector<200x128xf32>
    %add3A_835 = arith.addf %add3A_822, %mul3A_834 : vector<200x128xf32>
    %slice3A_836 = vector.extract_strided_slice %div3A_523 {offsets = [0, 23], sizes = [200, 1], strides = [1, 1]} : vector<200x56xf32> to vector<200x1xf32>
    %mul3A_837 = vector.broadcast %slice3A_836 : vector<200x1xf32> to vector<200x128xf32>
    %mul3A_838 = arith.mulf %mul3A_837, %get3A_831 : vector<200x128xf32>
    %add3A_839 = arith.addf %add3A_826, %mul3A_838 : vector<200x128xf32>
    %get3A_840 = arith.constant 0 : index
    %get3A_841 = arith.constant 24 : index
    %get3A_842 = arith.constant 0 : index
    %get3A_843 = vector.load %arg1[%get3A_840, %get3A_841, %get3A_842] : memref<200x56x128xf32, #tpu.memory_space<vmem>>, vector<200x1x128xf32>
    %get3A_844 = vector.shape_cast %get3A_843 : vector<200x1x128xf32> to vector<200x128xf32>
    %slice3A_845 = vector.extract_strided_slice %div3A_512 {offsets = [0, 24], sizes = [200, 1], strides = [1, 1]} : vector<200x56xf32> to vector<200x1xf32>
    %mul3A_846 = vector.broadcast %slice3A_845 : vector<200x1xf32> to vector<200x128xf32>
    %mul3A_847 = arith.mulf %mul3A_846, %get3A_844 : vector<200x128xf32>
    %add3A_848 = arith.addf %add3A_835, %mul3A_847 : vector<200x128xf32>
    %slice3A_849 = vector.extract_strided_slice %div3A_523 {offsets = [0, 24], sizes = [200, 1], strides = [1, 1]} : vector<200x56xf32> to vector<200x1xf32>
    %mul3A_850 = vector.broadcast %slice3A_849 : vector<200x1xf32> to vector<200x128xf32>
    %mul3A_851 = arith.mulf %mul3A_850, %get3A_844 : vector<200x128xf32>
    %add3A_852 = arith.addf %add3A_839, %mul3A_851 : vector<200x128xf32>
    %get3A_853 = arith.constant 0 : index
    %get3A_854 = arith.constant 25 : index
    %get3A_855 = arith.constant 0 : index
    %get3A_856 = vector.load %arg1[%get3A_853, %get3A_854, %get3A_855] : memref<200x56x128xf32, #tpu.memory_space<vmem>>, vector<200x1x128xf32>
    %get3A_857 = vector.shape_cast %get3A_856 : vector<200x1x128xf32> to vector<200x128xf32>
    %slice3A_858 = vector.extract_strided_slice %div3A_512 {offsets = [0, 25], sizes = [200, 1], strides = [1, 1]} : vector<200x56xf32> to vector<200x1xf32>
    %mul3A_859 = vector.broadcast %slice3A_858 : vector<200x1xf32> to vector<200x128xf32>
    %mul3A_860 = arith.mulf %mul3A_859, %get3A_857 : vector<200x128xf32>
    %add3A_861 = arith.addf %add3A_848, %mul3A_860 : vector<200x128xf32>
    %slice3A_862 = vector.extract_strided_slice %div3A_523 {offsets = [0, 25], sizes = [200, 1], strides = [1, 1]} : vector<200x56xf32> to vector<200x1xf32>
    %mul3A_863 = vector.broadcast %slice3A_862 : vector<200x1xf32> to vector<200x128xf32>
    %mul3A_864 = arith.mulf %mul3A_863, %get3A_857 : vector<200x128xf32>
    %add3A_865 = arith.addf %add3A_852, %mul3A_864 : vector<200x128xf32>
    %get3A_866 = arith.constant 0 : index
    %get3A_867 = arith.constant 26 : index
    %get3A_868 = arith.constant 0 : index
    %get3A_869 = vector.load %arg1[%get3A_866, %get3A_867, %get3A_868] : memref<200x56x128xf32, #tpu.memory_space<vmem>>, vector<200x1x128xf32>
    %get3A_870 = vector.shape_cast %get3A_869 : vector<200x1x128xf32> to vector<200x128xf32>
    %slice3A_871 = vector.extract_strided_slice %div3A_512 {offsets = [0, 26], sizes = [200, 1], strides = [1, 1]} : vector<200x56xf32> to vector<200x1xf32>
    %mul3A_872 = vector.broadcast %slice3A_871 : vector<200x1xf32> to vector<200x128xf32>
    %mul3A_873 = arith.mulf %mul3A_872, %get3A_870 : vector<200x128xf32>
    %add3A_874 = arith.addf %add3A_861, %mul3A_873 : vector<200x128xf32>
    %slice3A_875 = vector.extract_strided_slice %div3A_523 {offsets = [0, 26], sizes = [200, 1], strides = [1, 1]} : vector<200x56xf32> to vector<200x1xf32>
    %mul3A_876 = vector.broadcast %slice3A_875 : vector<200x1xf32> to vector<200x128xf32>
    %mul3A_877 = arith.mulf %mul3A_876, %get3A_870 : vector<200x128xf32>
    %add3A_878 = arith.addf %add3A_865, %mul3A_877 : vector<200x128xf32>
    %get3A_879 = arith.constant 0 : index
    %get3A_880 = arith.constant 27 : index
    %get3A_881 = arith.constant 0 : index
    %get3A_882 = vector.load %arg1[%get3A_879, %get3A_880, %get3A_881] : memref<200x56x128xf32, #tpu.memory_space<vmem>>, vector<200x1x128xf32>
    %get3A_883 = vector.shape_cast %get3A_882 : vector<200x1x128xf32> to vector<200x128xf32>
    %slice3A_884 = vector.extract_strided_slice %div3A_512 {offsets = [0, 27], sizes = [200, 1], strides = [1, 1]} : vector<200x56xf32> to vector<200x1xf32>
    %mul3A_885 = vector.broadcast %slice3A_884 : vector<200x1xf32> to vector<200x128xf32>
    %mul3A_886 = arith.mulf %mul3A_885, %get3A_883 : vector<200x128xf32>
    %add3A_887 = arith.addf %add3A_874, %mul3A_886 : vector<200x128xf32>
    %slice3A_888 = vector.extract_strided_slice %div3A_523 {offsets = [0, 27], sizes = [200, 1], strides = [1, 1]} : vector<200x56xf32> to vector<200x1xf32>
    %mul3A_889 = vector.broadcast %slice3A_888 : vector<200x1xf32> to vector<200x128xf32>
    %mul3A_890 = arith.mulf %mul3A_889, %get3A_883 : vector<200x128xf32>
    %add3A_891 = arith.addf %add3A_878, %mul3A_890 : vector<200x128xf32>
    %get3A_892 = arith.constant 0 : index
    %get3A_893 = arith.constant 28 : index
    %get3A_894 = arith.constant 0 : index
    %get3A_895 = vector.load %arg1[%get3A_892, %get3A_893, %get3A_894] : memref<200x56x128xf32, #tpu.memory_space<vmem>>, vector<200x1x128xf32>
    %get3A_896 = vector.shape_cast %get3A_895 : vector<200x1x128xf32> to vector<200x128xf32>
    %slice3A_897 = vector.extract_strided_slice %div3A_512 {offsets = [0, 28], sizes = [200, 1], strides = [1, 1]} : vector<200x56xf32> to vector<200x1xf32>
    %mul3A_898 = vector.broadcast %slice3A_897 : vector<200x1xf32> to vector<200x128xf32>
    %mul3A_899 = arith.mulf %mul3A_898, %get3A_896 : vector<200x128xf32>
    %add3A_900 = arith.addf %add3A_887, %mul3A_899 : vector<200x128xf32>
    %slice3A_901 = vector.extract_strided_slice %div3A_523 {offsets = [0, 28], sizes = [200, 1], strides = [1, 1]} : vector<200x56xf32> to vector<200x1xf32>
    %mul3A_902 = vector.broadcast %slice3A_901 : vector<200x1xf32> to vector<200x128xf32>
    %mul3A_903 = arith.mulf %mul3A_902, %get3A_896 : vector<200x128xf32>
    %add3A_904 = arith.addf %add3A_891, %mul3A_903 : vector<200x128xf32>
    %get3A_905 = arith.constant 0 : index
    %get3A_906 = arith.constant 29 : index
    %get3A_907 = arith.constant 0 : index
    %get3A_908 = vector.load %arg1[%get3A_905, %get3A_906, %get3A_907] : memref<200x56x128xf32, #tpu.memory_space<vmem>>, vector<200x1x128xf32>
    %get3A_909 = vector.shape_cast %get3A_908 : vector<200x1x128xf32> to vector<200x128xf32>
    %slice3A_910 = vector.extract_strided_slice %div3A_512 {offsets = [0, 29], sizes = [200, 1], strides = [1, 1]} : vector<200x56xf32> to vector<200x1xf32>
    %mul3A_911 = vector.broadcast %slice3A_910 : vector<200x1xf32> to vector<200x128xf32>
    %mul3A_912 = arith.mulf %mul3A_911, %get3A_909 : vector<200x128xf32>
    %add3A_913 = arith.addf %add3A_900, %mul3A_912 : vector<200x128xf32>
    %slice3A_914 = vector.extract_strided_slice %div3A_523 {offsets = [0, 29], sizes = [200, 1], strides = [1, 1]} : vector<200x56xf32> to vector<200x1xf32>
    %mul3A_915 = vector.broadcast %slice3A_914 : vector<200x1xf32> to vector<200x128xf32>
    %mul3A_916 = arith.mulf %mul3A_915, %get3A_909 : vector<200x128xf32>
    %add3A_917 = arith.addf %add3A_904, %mul3A_916 : vector<200x128xf32>
    %get3A_918 = arith.constant 0 : index
    %get3A_919 = arith.constant 30 : index
    %get3A_920 = arith.constant 0 : index
    %get3A_921 = vector.load %arg1[%get3A_918, %get3A_919, %get3A_920] : memref<200x56x128xf32, #tpu.memory_space<vmem>>, vector<200x1x128xf32>
    %get3A_922 = vector.shape_cast %get3A_921 : vector<200x1x128xf32> to vector<200x128xf32>
    %slice3A_923 = vector.extract_strided_slice %div3A_512 {offsets = [0, 30], sizes = [200, 1], strides = [1, 1]} : vector<200x56xf32> to vector<200x1xf32>
    %mul3A_924 = vector.broadcast %slice3A_923 : vector<200x1xf32> to vector<200x128xf32>
    %mul3A_925 = arith.mulf %mul3A_924, %get3A_922 : vector<200x128xf32>
    %add3A_926 = arith.addf %add3A_913, %mul3A_925 : vector<200x128xf32>
    %slice3A_927 = vector.extract_strided_slice %div3A_523 {offsets = [0, 30], sizes = [200, 1], strides = [1, 1]} : vector<200x56xf32> to vector<200x1xf32>
    %mul3A_928 = vector.broadcast %slice3A_927 : vector<200x1xf32> to vector<200x128xf32>
    %mul3A_929 = arith.mulf %mul3A_928, %get3A_922 : vector<200x128xf32>
    %add3A_930 = arith.addf %add3A_917, %mul3A_929 : vector<200x128xf32>
    %get3A_931 = arith.constant 0 : index
    %get3A_932 = arith.constant 31 : index
    %get3A_933 = arith.constant 0 : index
    %get3A_934 = vector.load %arg1[%get3A_931, %get3A_932, %get3A_933] : memref<200x56x128xf32, #tpu.memory_space<vmem>>, vector<200x1x128xf32>
    %get3A_935 = vector.shape_cast %get3A_934 : vector<200x1x128xf32> to vector<200x128xf32>
    %slice3A_936 = vector.extract_strided_slice %div3A_512 {offsets = [0, 31], sizes = [200, 1], strides = [1, 1]} : vector<200x56xf32> to vector<200x1xf32>
    %mul3A_937 = vector.broadcast %slice3A_936 : vector<200x1xf32> to vector<200x128xf32>
    %mul3A_938 = arith.mulf %mul3A_937, %get3A_935 : vector<200x128xf32>
    %add3A_939 = arith.addf %add3A_926, %mul3A_938 : vector<200x128xf32>
    %slice3A_940 = vector.extract_strided_slice %div3A_523 {offsets = [0, 31], sizes = [200, 1], strides = [1, 1]} : vector<200x56xf32> to vector<200x1xf32>
    %mul3A_941 = vector.broadcast %slice3A_940 : vector<200x1xf32> to vector<200x128xf32>
    %mul3A_942 = arith.mulf %mul3A_941, %get3A_935 : vector<200x128xf32>
    %add3A_943 = arith.addf %add3A_930, %mul3A_942 : vector<200x128xf32>
    %get3A_944 = arith.constant 0 : index
    %get3A_945 = arith.constant 32 : index
    %get3A_946 = arith.constant 0 : index
    %get3A_947 = vector.load %arg1[%get3A_944, %get3A_945, %get3A_946] : memref<200x56x128xf32, #tpu.memory_space<vmem>>, vector<200x1x128xf32>
    %get3A_948 = vector.shape_cast %get3A_947 : vector<200x1x128xf32> to vector<200x128xf32>
    %slice3A_949 = vector.extract_strided_slice %div3A_512 {offsets = [0, 32], sizes = [200, 1], strides = [1, 1]} : vector<200x56xf32> to vector<200x1xf32>
    %mul3A_950 = vector.broadcast %slice3A_949 : vector<200x1xf32> to vector<200x128xf32>
    %mul3A_951 = arith.mulf %mul3A_950, %get3A_948 : vector<200x128xf32>
    %add3A_952 = arith.addf %add3A_939, %mul3A_951 : vector<200x128xf32>
    %slice3A_953 = vector.extract_strided_slice %div3A_523 {offsets = [0, 32], sizes = [200, 1], strides = [1, 1]} : vector<200x56xf32> to vector<200x1xf32>
    %mul3A_954 = vector.broadcast %slice3A_953 : vector<200x1xf32> to vector<200x128xf32>
    %mul3A_955 = arith.mulf %mul3A_954, %get3A_948 : vector<200x128xf32>
    %add3A_956 = arith.addf %add3A_943, %mul3A_955 : vector<200x128xf32>
    %get3A_957 = arith.constant 0 : index
    %get3A_958 = arith.constant 33 : index
    %get3A_959 = arith.constant 0 : index
    %get3A_960 = vector.load %arg1[%get3A_957, %get3A_958, %get3A_959] : memref<200x56x128xf32, #tpu.memory_space<vmem>>, vector<200x1x128xf32>
    %get3A_961 = vector.shape_cast %get3A_960 : vector<200x1x128xf32> to vector<200x128xf32>
    %slice3A_962 = vector.extract_strided_slice %div3A_512 {offsets = [0, 33], sizes = [200, 1], strides = [1, 1]} : vector<200x56xf32> to vector<200x1xf32>
    %mul3A_963 = vector.broadcast %slice3A_962 : vector<200x1xf32> to vector<200x128xf32>
    %mul3A_964 = arith.mulf %mul3A_963, %get3A_961 : vector<200x128xf32>
    %add3A_965 = arith.addf %add3A_952, %mul3A_964 : vector<200x128xf32>
    %slice3A_966 = vector.extract_strided_slice %div3A_523 {offsets = [0, 33], sizes = [200, 1], strides = [1, 1]} : vector<200x56xf32> to vector<200x1xf32>
    %mul3A_967 = vector.broadcast %slice3A_966 : vector<200x1xf32> to vector<200x128xf32>
    %mul3A_968 = arith.mulf %mul3A_967, %get3A_961 : vector<200x128xf32>
    %add3A_969 = arith.addf %add3A_956, %mul3A_968 : vector<200x128xf32>
    %get3A_970 = arith.constant 0 : index
    %get3A_971 = arith.constant 34 : index
    %get3A_972 = arith.constant 0 : index
    %get3A_973 = vector.load %arg1[%get3A_970, %get3A_971, %get3A_972] : memref<200x56x128xf32, #tpu.memory_space<vmem>>, vector<200x1x128xf32>
    %get3A_974 = vector.shape_cast %get3A_973 : vector<200x1x128xf32> to vector<200x128xf32>
    %slice3A_975 = vector.extract_strided_slice %div3A_512 {offsets = [0, 34], sizes = [200, 1], strides = [1, 1]} : vector<200x56xf32> to vector<200x1xf32>
    %mul3A_976 = vector.broadcast %slice3A_975 : vector<200x1xf32> to vector<200x128xf32>
    %mul3A_977 = arith.mulf %mul3A_976, %get3A_974 : vector<200x128xf32>
    %add3A_978 = arith.addf %add3A_965, %mul3A_977 : vector<200x128xf32>
    %slice3A_979 = vector.extract_strided_slice %div3A_523 {offsets = [0, 34], sizes = [200, 1], strides = [1, 1]} : vector<200x56xf32> to vector<200x1xf32>
    %mul3A_980 = vector.broadcast %slice3A_979 : vector<200x1xf32> to vector<200x128xf32>
    %mul3A_981 = arith.mulf %mul3A_980, %get3A_974 : vector<200x128xf32>
    %add3A_982 = arith.addf %add3A_969, %mul3A_981 : vector<200x128xf32>
    %get3A_983 = arith.constant 0 : index
    %get3A_984 = arith.constant 35 : index
    %get3A_985 = arith.constant 0 : index
    %get3A_986 = vector.load %arg1[%get3A_983, %get3A_984, %get3A_985] : memref<200x56x128xf32, #tpu.memory_space<vmem>>, vector<200x1x128xf32>
    %get3A_987 = vector.shape_cast %get3A_986 : vector<200x1x128xf32> to vector<200x128xf32>
    %slice3A_988 = vector.extract_strided_slice %div3A_512 {offsets = [0, 35], sizes = [200, 1], strides = [1, 1]} : vector<200x56xf32> to vector<200x1xf32>
    %mul3A_989 = vector.broadcast %slice3A_988 : vector<200x1xf32> to vector<200x128xf32>
    %mul3A_990 = arith.mulf %mul3A_989, %get3A_987 : vector<200x128xf32>
    %add3A_991 = arith.addf %add3A_978, %mul3A_990 : vector<200x128xf32>
    %slice3A_992 = vector.extract_strided_slice %div3A_523 {offsets = [0, 35], sizes = [200, 1], strides = [1, 1]} : vector<200x56xf32> to vector<200x1xf32>
    %mul3A_993 = vector.broadcast %slice3A_992 : vector<200x1xf32> to vector<200x128xf32>
    %mul3A_994 = arith.mulf %mul3A_993, %get3A_987 : vector<200x128xf32>
    %add3A_995 = arith.addf %add3A_982, %mul3A_994 : vector<200x128xf32>
    %get3A_996 = arith.constant 0 : index
    %get3A_997 = arith.constant 36 : index
    %get3A_998 = arith.constant 0 : index
    %get3A_999 = vector.load %arg1[%get3A_996, %get3A_997, %get3A_998] : memref<200x56x128xf32, #tpu.memory_space<vmem>>, vector<200x1x128xf32>
    %get3A_1000 = vector.shape_cast %get3A_999 : vector<200x1x128xf32> to vector<200x128xf32>
    %slice3A_1001 = vector.extract_strided_slice %div3A_512 {offsets = [0, 36], sizes = [200, 1], strides = [1, 1]} : vector<200x56xf32> to vector<200x1xf32>
    %mul3A_1002 = vector.broadcast %slice3A_1001 : vector<200x1xf32> to vector<200x128xf32>
    %mul3A_1003 = arith.mulf %mul3A_1002, %get3A_1000 : vector<200x128xf32>
    %add3A_1004 = arith.addf %add3A_991, %mul3A_1003 : vector<200x128xf32>
    %slice3A_1005 = vector.extract_strided_slice %div3A_523 {offsets = [0, 36], sizes = [200, 1], strides = [1, 1]} : vector<200x56xf32> to vector<200x1xf32>
    %mul3A_1006 = vector.broadcast %slice3A_1005 : vector<200x1xf32> to vector<200x128xf32>
    %mul3A_1007 = arith.mulf %mul3A_1006, %get3A_1000 : vector<200x128xf32>
    %add3A_1008 = arith.addf %add3A_995, %mul3A_1007 : vector<200x128xf32>
    %get3A_1009 = arith.constant 0 : index
    %get3A_1010 = arith.constant 37 : index
    %get3A_1011 = arith.constant 0 : index
    %get3A_1012 = vector.load %arg1[%get3A_1009, %get3A_1010, %get3A_1011] : memref<200x56x128xf32, #tpu.memory_space<vmem>>, vector<200x1x128xf32>
    %get3A_1013 = vector.shape_cast %get3A_1012 : vector<200x1x128xf32> to vector<200x128xf32>
    %slice3A_1014 = vector.extract_strided_slice %div3A_512 {offsets = [0, 37], sizes = [200, 1], strides = [1, 1]} : vector<200x56xf32> to vector<200x1xf32>
    %mul3A_1015 = vector.broadcast %slice3A_1014 : vector<200x1xf32> to vector<200x128xf32>
    %mul3A_1016 = arith.mulf %mul3A_1015, %get3A_1013 : vector<200x128xf32>
    %add3A_1017 = arith.addf %add3A_1004, %mul3A_1016 : vector<200x128xf32>
    %slice3A_1018 = vector.extract_strided_slice %div3A_523 {offsets = [0, 37], sizes = [200, 1], strides = [1, 1]} : vector<200x56xf32> to vector<200x1xf32>
    %mul3A_1019 = vector.broadcast %slice3A_1018 : vector<200x1xf32> to vector<200x128xf32>
    %mul3A_1020 = arith.mulf %mul3A_1019, %get3A_1013 : vector<200x128xf32>
    %add3A_1021 = arith.addf %add3A_1008, %mul3A_1020 : vector<200x128xf32>
    %get3A_1022 = arith.constant 0 : index
    %get3A_1023 = arith.constant 38 : index
    %get3A_1024 = arith.constant 0 : index
    %get3A_1025 = vector.load %arg1[%get3A_1022, %get3A_1023, %get3A_1024] : memref<200x56x128xf32, #tpu.memory_space<vmem>>, vector<200x1x128xf32>
    %get3A_1026 = vector.shape_cast %get3A_1025 : vector<200x1x128xf32> to vector<200x128xf32>
    %slice3A_1027 = vector.extract_strided_slice %div3A_512 {offsets = [0, 38], sizes = [200, 1], strides = [1, 1]} : vector<200x56xf32> to vector<200x1xf32>
    %mul3A_1028 = vector.broadcast %slice3A_1027 : vector<200x1xf32> to vector<200x128xf32>
    %mul3A_1029 = arith.mulf %mul3A_1028, %get3A_1026 : vector<200x128xf32>
    %add3A_1030 = arith.addf %add3A_1017, %mul3A_1029 : vector<200x128xf32>
    %slice3A_1031 = vector.extract_strided_slice %div3A_523 {offsets = [0, 38], sizes = [200, 1], strides = [1, 1]} : vector<200x56xf32> to vector<200x1xf32>
    %mul3A_1032 = vector.broadcast %slice3A_1031 : vector<200x1xf32> to vector<200x128xf32>
    %mul3A_1033 = arith.mulf %mul3A_1032, %get3A_1026 : vector<200x128xf32>
    %add3A_1034 = arith.addf %add3A_1021, %mul3A_1033 : vector<200x128xf32>
    %get3A_1035 = arith.constant 0 : index
    %get3A_1036 = arith.constant 39 : index
    %get3A_1037 = arith.constant 0 : index
    %get3A_1038 = vector.load %arg1[%get3A_1035, %get3A_1036, %get3A_1037] : memref<200x56x128xf32, #tpu.memory_space<vmem>>, vector<200x1x128xf32>
    %get3A_1039 = vector.shape_cast %get3A_1038 : vector<200x1x128xf32> to vector<200x128xf32>
    %slice3A_1040 = vector.extract_strided_slice %div3A_512 {offsets = [0, 39], sizes = [200, 1], strides = [1, 1]} : vector<200x56xf32> to vector<200x1xf32>
    %mul3A_1041 = vector.broadcast %slice3A_1040 : vector<200x1xf32> to vector<200x128xf32>
    %mul3A_1042 = arith.mulf %mul3A_1041, %get3A_1039 : vector<200x128xf32>
    %add3A_1043 = arith.addf %add3A_1030, %mul3A_1042 : vector<200x128xf32>
    %slice3A_1044 = vector.extract_strided_slice %div3A_523 {offsets = [0, 39], sizes = [200, 1], strides = [1, 1]} : vector<200x56xf32> to vector<200x1xf32>
    %mul3A_1045 = vector.broadcast %slice3A_1044 : vector<200x1xf32> to vector<200x128xf32>
    %mul3A_1046 = arith.mulf %mul3A_1045, %get3A_1039 : vector<200x128xf32>
    %add3A_1047 = arith.addf %add3A_1034, %mul3A_1046 : vector<200x128xf32>
    %get3A_1048 = arith.constant 0 : index
    %get3A_1049 = arith.constant 40 : index
    %get3A_1050 = arith.constant 0 : index
    %get3A_1051 = vector.load %arg1[%get3A_1048, %get3A_1049, %get3A_1050] : memref<200x56x128xf32, #tpu.memory_space<vmem>>, vector<200x1x128xf32>
    %get3A_1052 = vector.shape_cast %get3A_1051 : vector<200x1x128xf32> to vector<200x128xf32>
    %slice3A_1053 = vector.extract_strided_slice %div3A_512 {offsets = [0, 40], sizes = [200, 1], strides = [1, 1]} : vector<200x56xf32> to vector<200x1xf32>
    %mul3A_1054 = vector.broadcast %slice3A_1053 : vector<200x1xf32> to vector<200x128xf32>
    %mul3A_1055 = arith.mulf %mul3A_1054, %get3A_1052 : vector<200x128xf32>
    %add3A_1056 = arith.addf %add3A_1043, %mul3A_1055 : vector<200x128xf32>
    %slice3A_1057 = vector.extract_strided_slice %div3A_523 {offsets = [0, 40], sizes = [200, 1], strides = [1, 1]} : vector<200x56xf32> to vector<200x1xf32>
    %mul3A_1058 = vector.broadcast %slice3A_1057 : vector<200x1xf32> to vector<200x128xf32>
    %mul3A_1059 = arith.mulf %mul3A_1058, %get3A_1052 : vector<200x128xf32>
    %add3A_1060 = arith.addf %add3A_1047, %mul3A_1059 : vector<200x128xf32>
    %get3A_1061 = arith.constant 0 : index
    %get3A_1062 = arith.constant 41 : index
    %get3A_1063 = arith.constant 0 : index
    %get3A_1064 = vector.load %arg1[%get3A_1061, %get3A_1062, %get3A_1063] : memref<200x56x128xf32, #tpu.memory_space<vmem>>, vector<200x1x128xf32>
    %get3A_1065 = vector.shape_cast %get3A_1064 : vector<200x1x128xf32> to vector<200x128xf32>
    %slice3A_1066 = vector.extract_strided_slice %div3A_512 {offsets = [0, 41], sizes = [200, 1], strides = [1, 1]} : vector<200x56xf32> to vector<200x1xf32>
    %mul3A_1067 = vector.broadcast %slice3A_1066 : vector<200x1xf32> to vector<200x128xf32>
    %mul3A_1068 = arith.mulf %mul3A_1067, %get3A_1065 : vector<200x128xf32>
    %add3A_1069 = arith.addf %add3A_1056, %mul3A_1068 : vector<200x128xf32>
    %slice3A_1070 = vector.extract_strided_slice %div3A_523 {offsets = [0, 41], sizes = [200, 1], strides = [1, 1]} : vector<200x56xf32> to vector<200x1xf32>
    %mul3A_1071 = vector.broadcast %slice3A_1070 : vector<200x1xf32> to vector<200x128xf32>
    %mul3A_1072 = arith.mulf %mul3A_1071, %get3A_1065 : vector<200x128xf32>
    %add3A_1073 = arith.addf %add3A_1060, %mul3A_1072 : vector<200x128xf32>
    %get3A_1074 = arith.constant 0 : index
    %get3A_1075 = arith.constant 42 : index
    %get3A_1076 = arith.constant 0 : index
    %get3A_1077 = vector.load %arg1[%get3A_1074, %get3A_1075, %get3A_1076] : memref<200x56x128xf32, #tpu.memory_space<vmem>>, vector<200x1x128xf32>
    %get3A_1078 = vector.shape_cast %get3A_1077 : vector<200x1x128xf32> to vector<200x128xf32>
    %slice3A_1079 = vector.extract_strided_slice %div3A_512 {offsets = [0, 42], sizes = [200, 1], strides = [1, 1]} : vector<200x56xf32> to vector<200x1xf32>
    %mul3A_1080 = vector.broadcast %slice3A_1079 : vector<200x1xf32> to vector<200x128xf32>
    %mul3A_1081 = arith.mulf %mul3A_1080, %get3A_1078 : vector<200x128xf32>
    %add3A_1082 = arith.addf %add3A_1069, %mul3A_1081 : vector<200x128xf32>
    %slice3A_1083 = vector.extract_strided_slice %div3A_523 {offsets = [0, 42], sizes = [200, 1], strides = [1, 1]} : vector<200x56xf32> to vector<200x1xf32>
    %mul3A_1084 = vector.broadcast %slice3A_1083 : vector<200x1xf32> to vector<200x128xf32>
    %mul3A_1085 = arith.mulf %mul3A_1084, %get3A_1078 : vector<200x128xf32>
    %add3A_1086 = arith.addf %add3A_1073, %mul3A_1085 : vector<200x128xf32>
    %get3A_1087 = arith.constant 0 : index
    %get3A_1088 = arith.constant 43 : index
    %get3A_1089 = arith.constant 0 : index
    %get3A_1090 = vector.load %arg1[%get3A_1087, %get3A_1088, %get3A_1089] : memref<200x56x128xf32, #tpu.memory_space<vmem>>, vector<200x1x128xf32>
    %get3A_1091 = vector.shape_cast %get3A_1090 : vector<200x1x128xf32> to vector<200x128xf32>
    %slice3A_1092 = vector.extract_strided_slice %div3A_512 {offsets = [0, 43], sizes = [200, 1], strides = [1, 1]} : vector<200x56xf32> to vector<200x1xf32>
    %mul3A_1093 = vector.broadcast %slice3A_1092 : vector<200x1xf32> to vector<200x128xf32>
    %mul3A_1094 = arith.mulf %mul3A_1093, %get3A_1091 : vector<200x128xf32>
    %add3A_1095 = arith.addf %add3A_1082, %mul3A_1094 : vector<200x128xf32>
    %slice3A_1096 = vector.extract_strided_slice %div3A_523 {offsets = [0, 43], sizes = [200, 1], strides = [1, 1]} : vector<200x56xf32> to vector<200x1xf32>
    %mul3A_1097 = vector.broadcast %slice3A_1096 : vector<200x1xf32> to vector<200x128xf32>
    %mul3A_1098 = arith.mulf %mul3A_1097, %get3A_1091 : vector<200x128xf32>
    %add3A_1099 = arith.addf %add3A_1086, %mul3A_1098 : vector<200x128xf32>
    %get3A_1100 = arith.constant 0 : index
    %get3A_1101 = arith.constant 44 : index
    %get3A_1102 = arith.constant 0 : index
    %get3A_1103 = vector.load %arg1[%get3A_1100, %get3A_1101, %get3A_1102] : memref<200x56x128xf32, #tpu.memory_space<vmem>>, vector<200x1x128xf32>
    %get3A_1104 = vector.shape_cast %get3A_1103 : vector<200x1x128xf32> to vector<200x128xf32>
    %slice3A_1105 = vector.extract_strided_slice %div3A_512 {offsets = [0, 44], sizes = [200, 1], strides = [1, 1]} : vector<200x56xf32> to vector<200x1xf32>
    %mul3A_1106 = vector.broadcast %slice3A_1105 : vector<200x1xf32> to vector<200x128xf32>
    %mul3A_1107 = arith.mulf %mul3A_1106, %get3A_1104 : vector<200x128xf32>
    %add3A_1108 = arith.addf %add3A_1095, %mul3A_1107 : vector<200x128xf32>
    %slice3A_1109 = vector.extract_strided_slice %div3A_523 {offsets = [0, 44], sizes = [200, 1], strides = [1, 1]} : vector<200x56xf32> to vector<200x1xf32>
    %mul3A_1110 = vector.broadcast %slice3A_1109 : vector<200x1xf32> to vector<200x128xf32>
    %mul3A_1111 = arith.mulf %mul3A_1110, %get3A_1104 : vector<200x128xf32>
    %add3A_1112 = arith.addf %add3A_1099, %mul3A_1111 : vector<200x128xf32>
    %get3A_1113 = arith.constant 0 : index
    %get3A_1114 = arith.constant 45 : index
    %get3A_1115 = arith.constant 0 : index
    %get3A_1116 = vector.load %arg1[%get3A_1113, %get3A_1114, %get3A_1115] : memref<200x56x128xf32, #tpu.memory_space<vmem>>, vector<200x1x128xf32>
    %get3A_1117 = vector.shape_cast %get3A_1116 : vector<200x1x128xf32> to vector<200x128xf32>
    %slice3A_1118 = vector.extract_strided_slice %div3A_512 {offsets = [0, 45], sizes = [200, 1], strides = [1, 1]} : vector<200x56xf32> to vector<200x1xf32>
    %mul3A_1119 = vector.broadcast %slice3A_1118 : vector<200x1xf32> to vector<200x128xf32>
    %mul3A_1120 = arith.mulf %mul3A_1119, %get3A_1117 : vector<200x128xf32>
    %add3A_1121 = arith.addf %add3A_1108, %mul3A_1120 : vector<200x128xf32>
    %slice3A_1122 = vector.extract_strided_slice %div3A_523 {offsets = [0, 45], sizes = [200, 1], strides = [1, 1]} : vector<200x56xf32> to vector<200x1xf32>
    %mul3A_1123 = vector.broadcast %slice3A_1122 : vector<200x1xf32> to vector<200x128xf32>
    %mul3A_1124 = arith.mulf %mul3A_1123, %get3A_1117 : vector<200x128xf32>
    %add3A_1125 = arith.addf %add3A_1112, %mul3A_1124 : vector<200x128xf32>
    %get3A_1126 = arith.constant 0 : index
    %get3A_1127 = arith.constant 46 : index
    %get3A_1128 = arith.constant 0 : index
    %get3A_1129 = vector.load %arg1[%get3A_1126, %get3A_1127, %get3A_1128] : memref<200x56x128xf32, #tpu.memory_space<vmem>>, vector<200x1x128xf32>
    %get3A_1130 = vector.shape_cast %get3A_1129 : vector<200x1x128xf32> to vector<200x128xf32>
    %slice3A_1131 = vector.extract_strided_slice %div3A_512 {offsets = [0, 46], sizes = [200, 1], strides = [1, 1]} : vector<200x56xf32> to vector<200x1xf32>
    %mul3A_1132 = vector.broadcast %slice3A_1131 : vector<200x1xf32> to vector<200x128xf32>
    %mul3A_1133 = arith.mulf %mul3A_1132, %get3A_1130 : vector<200x128xf32>
    %add3A_1134 = arith.addf %add3A_1121, %mul3A_1133 : vector<200x128xf32>
    %slice3A_1135 = vector.extract_strided_slice %div3A_523 {offsets = [0, 46], sizes = [200, 1], strides = [1, 1]} : vector<200x56xf32> to vector<200x1xf32>
    %mul3A_1136 = vector.broadcast %slice3A_1135 : vector<200x1xf32> to vector<200x128xf32>
    %mul3A_1137 = arith.mulf %mul3A_1136, %get3A_1130 : vector<200x128xf32>
    %add3A_1138 = arith.addf %add3A_1125, %mul3A_1137 : vector<200x128xf32>
    %get3A_1139 = arith.constant 0 : index
    %get3A_1140 = arith.constant 47 : index
    %get3A_1141 = arith.constant 0 : index
    %get3A_1142 = vector.load %arg1[%get3A_1139, %get3A_1140, %get3A_1141] : memref<200x56x128xf32, #tpu.memory_space<vmem>>, vector<200x1x128xf32>
    %get3A_1143 = vector.shape_cast %get3A_1142 : vector<200x1x128xf32> to vector<200x128xf32>
    %slice3A_1144 = vector.extract_strided_slice %div3A_512 {offsets = [0, 47], sizes = [200, 1], strides = [1, 1]} : vector<200x56xf32> to vector<200x1xf32>
    %mul3A_1145 = vector.broadcast %slice3A_1144 : vector<200x1xf32> to vector<200x128xf32>
    %mul3A_1146 = arith.mulf %mul3A_1145, %get3A_1143 : vector<200x128xf32>
    %add3A_1147 = arith.addf %add3A_1134, %mul3A_1146 : vector<200x128xf32>
    %slice3A_1148 = vector.extract_strided_slice %div3A_523 {offsets = [0, 47], sizes = [200, 1], strides = [1, 1]} : vector<200x56xf32> to vector<200x1xf32>
    %mul3A_1149 = vector.broadcast %slice3A_1148 : vector<200x1xf32> to vector<200x128xf32>
    %mul3A_1150 = arith.mulf %mul3A_1149, %get3A_1143 : vector<200x128xf32>
    %add3A_1151 = arith.addf %add3A_1138, %mul3A_1150 : vector<200x128xf32>
    %get3A_1152 = arith.constant 0 : index
    %get3A_1153 = arith.constant 48 : index
    %get3A_1154 = arith.constant 0 : index
    %get3A_1155 = vector.load %arg1[%get3A_1152, %get3A_1153, %get3A_1154] : memref<200x56x128xf32, #tpu.memory_space<vmem>>, vector<200x1x128xf32>
    %get3A_1156 = vector.shape_cast %get3A_1155 : vector<200x1x128xf32> to vector<200x128xf32>
    %slice3A_1157 = vector.extract_strided_slice %div3A_512 {offsets = [0, 48], sizes = [200, 1], strides = [1, 1]} : vector<200x56xf32> to vector<200x1xf32>
    %mul3A_1158 = vector.broadcast %slice3A_1157 : vector<200x1xf32> to vector<200x128xf32>
    %mul3A_1159 = arith.mulf %mul3A_1158, %get3A_1156 : vector<200x128xf32>
    %add3A_1160 = arith.addf %add3A_1147, %mul3A_1159 : vector<200x128xf32>
    %slice3A_1161 = vector.extract_strided_slice %div3A_523 {offsets = [0, 48], sizes = [200, 1], strides = [1, 1]} : vector<200x56xf32> to vector<200x1xf32>
    %mul3A_1162 = vector.broadcast %slice3A_1161 : vector<200x1xf32> to vector<200x128xf32>
    %mul3A_1163 = arith.mulf %mul3A_1162, %get3A_1156 : vector<200x128xf32>
    %add3A_1164 = arith.addf %add3A_1151, %mul3A_1163 : vector<200x128xf32>
    %get3A_1165 = arith.constant 0 : index
    %get3A_1166 = arith.constant 49 : index
    %get3A_1167 = arith.constant 0 : index
    %get3A_1168 = vector.load %arg1[%get3A_1165, %get3A_1166, %get3A_1167] : memref<200x56x128xf32, #tpu.memory_space<vmem>>, vector<200x1x128xf32>
    %get3A_1169 = vector.shape_cast %get3A_1168 : vector<200x1x128xf32> to vector<200x128xf32>
    %slice3A_1170 = vector.extract_strided_slice %div3A_512 {offsets = [0, 49], sizes = [200, 1], strides = [1, 1]} : vector<200x56xf32> to vector<200x1xf32>
    %mul3A_1171 = vector.broadcast %slice3A_1170 : vector<200x1xf32> to vector<200x128xf32>
    %mul3A_1172 = arith.mulf %mul3A_1171, %get3A_1169 : vector<200x128xf32>
    %add3A_1173 = arith.addf %add3A_1160, %mul3A_1172 : vector<200x128xf32>
    %slice3A_1174 = vector.extract_strided_slice %div3A_523 {offsets = [0, 49], sizes = [200, 1], strides = [1, 1]} : vector<200x56xf32> to vector<200x1xf32>
    %mul3A_1175 = vector.broadcast %slice3A_1174 : vector<200x1xf32> to vector<200x128xf32>
    %mul3A_1176 = arith.mulf %mul3A_1175, %get3A_1169 : vector<200x128xf32>
    %add3A_1177 = arith.addf %add3A_1164, %mul3A_1176 : vector<200x128xf32>
    %get3A_1178 = arith.constant 0 : index
    %get3A_1179 = arith.constant 0 : index
    %get3A_1180 = vector.load %arg5[%get3A_1178, %get3A_1179] : memref<56x128xf32, #tpu.memory_space<vmem>>, vector<56x128xf32>
    %dot_general3A_1181 = arith.constant dense<0.000000e+00> : vector<200x128xf32>
    %dot_general3A_1182 = tpu.matmul %div3A_512, %get3A_1180, %dot_general3A_1181 {dimension_numbers = #tpu.dot_dimension_numbers<[1], [0], [0], [1], [0, 0, 1, 1], [], []>, transpose_lhs_hint = false} : vector<200x56xf32>, vector<56x128xf32>, vector<200x128xf32> -> vector<200x128xf32>
    %add3A_1183 = arith.addf %add3A_1173, %dot_general3A_1182 : vector<200x128xf32>
    %concatenate3A_1184 = tpu.concatenate %add3A_1183, %add3A_1177 in 1 : vector<200x128xf32>, vector<200x128xf32> -> vector<200x256xf32>
    %get3A_1185 = arith.constant 0 : index
    %get3A_1186 = arith.constant 0 : index
    %get3A_1187 = vector.load %arg6[%get3A_1185, %get3A_1186] : memref<128x256xf32, #tpu.memory_space<vmem>>, vector<128x256xf32>
    %dot_general3A_1188 = arith.constant dense<0.000000e+00> : vector<200x128xf32>
    %dot_general3A_1189 = tpu.matmul %concatenate3A_1184, %get3A_1187, %dot_general3A_1188 {dimension_numbers = #tpu.dot_dimension_numbers<[1], [1], [0], [0], [0, 0, 1, 0], [], []>, transpose_lhs_hint = false} : vector<200x256xf32>, vector<128x256xf32>, vector<200x128xf32> -> vector<200x128xf32>
    %get3A_1190 = arith.constant 0 : index
    %get3A_1191 = arith.constant 0 : index
    %get3A_1192 = vector.load %arg3[%get3A_1190, %get3A_1191] : memref<200x128xf32, #tpu.memory_space<vmem>>, vector<200x128xf32>
    %add3A_1193 = arith.addf %dot_general3A_1189, %get3A_1192 : vector<200x128xf32>
    %gt3A = arith.constant 0.000000e+00 : f32
    %gt3A_1194 = vector.broadcast %gt3A : f32 to vector<200x128xf32>
    %gt3A_1195 = arith.cmpf ogt, %add3A_1193, %gt3A_1194 : vector<200x128xf32>
    %exp3A_1196 = math.exp %add3A_1193 : vector<200x128xf32>
    %sub3A_1197 = arith.constant 1.000000e+00 : f32
    %sub3A_1198 = vector.broadcast %sub3A_1197 : f32 to vector<200x128xf32>
    %sub3A_1199 = arith.subf %exp3A_1196, %sub3A_1198 : vector<200x128xf32>
    %select_n3A_1200 = arith.select %gt3A_1195, %add3A_1193, %sub3A_1199 : vector<200x128xi1>, vector<200x128xf32>
    %swap3A = arith.constant 0 : index
    %swap3A_1201 = arith.constant 0 : index
    %swap3A_1202 = vector.load %arg7[%swap3A, %swap3A_1201] : memref<200x128xf32, #tpu.memory_space<vmem>>, vector<200x128xf32>
    tpu.vector_store %arg7[%swap3A, %swap3A_1201], %select_n3A_1200 {strides = array<i32>} : memref<200x128xf32, #tpu.memory_space<vmem>>, vector<200x128xf32>,
    return
  }
  func.func @transform_0(%arg0: i32) -> (i32, i32, i32) {
    %c0_i32 = arith.constant 0 : i32
    %c0_i32_0 = arith.constant 0 : i32
    %c0_i32_1 = arith.constant 0 : i32
    return %arg0, %c0_i32, %c0_i32_0 : i32, i32, i32
  }
  func.func @transform_1(%arg0: i32) -> (i32, i32) {
    %c0_i32 = arith.constant 0 : i32
    %c0_i32_0 = arith.constant 0 : i32
    return %arg0, %c0_i32 : i32, i32
  }
  func.func @transform_2(%arg0: i32) -> (i32, i32) {
    %c0_i32 = arith.constant 0 : i32
    %c0_i32_0 = arith.constant 0 : i32
    return %arg0, %c0_i32 : i32, i32
  }
  func.func @transform_3(%arg0: i32) -> (i32, i32) {
    %c0_i32 = arith.constant 0 : i32
    %c0_i32_0 = arith.constant 0 : i32
    %c0_i32_1 = arith.constant 0 : i32
    return %c0_i32, %c0_i32_0 : i32, i32
  }
  func.func @transform_4(%arg0: i32) -> (i32, i32) {
    %c0_i32 = arith.constant 0 : i32
    %c0_i32_0 = arith.constant 0 : i32
    %c0_i32_1 = arith.constant 0 : i32
    return %c0_i32, %c0_i32_0 : i32, i32
  }
  func.func @transform_5(%arg0: i32) -> (i32, i32) {
    %c0_i32 = arith.constant 0 : i32
    %c0_i32_0 = arith.constant 0 : i32
    %c0_i32_1 = arith.constant 0 : i32
    return %c0_i32, %c0_i32_0 : i32, i32
  }
  func.func @transform_6(%arg0: i32) -> (i32, i32) {
    %c0_i32 = arith.constant 0 : i32
    %c0_i32_0 = arith.constant 0 : i32
    return %arg0, %c0_i32 : i32, i32
  }
}

</mosaic_0001>

<sc_bundles>
// kernel: kernel.10.cloned.1.call-start
scs
__scs_entry_jumppad:
0x0: {  	(pc) =	sbr.rel $0x88, $3  }
0x1: {  	(tag) =	ssettag $0x0;
	lr =	simm.s32 $0x1  }
0x2: {  	[smem:$0x3F93] =	sst lr;
	_ =	strace $0xD0000000  }
0x3: {  	_ = 	snop  }
0x4: {  	_ = 	snop  }
0x5: {  	_ = 	snop  }
0x6: {  	_ = 	snop  }
0x7: {  	_ = 	snop  }
__scs_overlays_trampoline_lowered:
0x8: {  	[smem:$0x3FA2] =	sst s0  }
0x9: {  	[smem:$0x3FA3] =	sst s1  }
0xa: {  	[smem:$0x3FA4] =	sst s2  }
0xb: {  	[smem:$0x3FA5] =	sst s3  }
0xc: {  	[smem:$0x3FA6] =	sst s4  }
0xd: {  	[smem:$0x3FA7] =	sst s5  }
0xe: {  	[smem:$0x3FA8] =	sst s6  }
0xf: {  	[smem:$0x3FA9] =	sst s7  }
0x10: {  	[smem:$0x3FAA] =	sst s8  }
0x11: {  	[smem:$0x3FAB] =	sst s9;
	s0 =	simm.s32 @!p0 $0x0  }
0x12: {  	s1 =	sld [smem:$0x3F91];
	s0 =	simm.s32 @p0 $0x1  }
0x13: {  	[smem:$0x3FAC] =	sst s0;
	s0 =	simm.s32 @!p1 $0x0  }
0x14: {  	s2 =	sld [smem:$0x3F90];
	s0 =	simm.s32 @p1 $0x1  }
0x15: {  	[smem:$0x3FAD] =	sst s0;
	s0 =	simm.s32 @!p2 $0x0  }
0x16: {  	s3 =	sld [smem:$0x3FDB];
	s0 =	simm.s32 @p2 $0x1  }
0x17: {  	s4 =	simm.s32 $0x1BF5;
	[smem:$0x3FAF] =	sst s0  }
0x18: {  	s0 =	sld [smem:$0x3F92];
	_ =	swait.ge [sflag:s4], $0x0  }
0x19: {  	s7 =	sld [smem:$0x3F93]  }
0x1a: {  	s8 =	sadd.s32 $0xFFFFE003, lr  }
0x1b: {  	s9 =	sadd.s32 $0xFFFFFEF7, lr;
	s5 =	simm.s32 $0xFFFFFFFF;
	p2 =	slt.u32 s8, $0xFFFFF086  }
0x1c: {  	p1 =	slt.u32 s9, $0xF7A;
	s5 =	simm.s32 @!p2 $0x0  }
0x1d: {  	s5 =	simm.s32 @p1 $0x1;
	p0 =	seq.s32 s7, s2  }
0x1e: {  	s7 =	smul.u32 @!p0 $0xF7A, s2;
	p2 =	seq.s32 @!p0 s5, $0x0  }
0x1f: {  	s9 =	smul.u32 $0xF7A, s1;
	s8 =	simm.s32 @!p0 $0x1BF5;
	p2 =	por !p2, p0  }
0x20: {  	[sflag:s8] =	ssyncset.s32 @!p0 $0xFFFFF086;
	s6 =	sadd.s32 @!p0 s3, s7;
	s7 =	simm.s32 @!p0 $0x108  }
0x21: {  	s3 =	sadd.s32 s3, s9;
	s6 =	sadd.s32 @!p0 $0x88, s6;
	s7 =	simm.s32 @p2 $0x1082  }
0x22: {  	[simem:s7], [sflag:s8] =	dma.local @!p0 [hbm:s6], $0xF7A  }
0x23: {  	s9 =	sor.u32 $0xD0000000, s2;
	s6 =	simm.s32 $0x108;
	_ =	swait.ge @!p0 [sflag:s8], $0x0  }
0x24: {  	s3 =	sadd.s32 $0x88, s3;
	s6 =	simm.s32 @!p1 $0x1082;
	[sflag:s4] =	ssyncset.s32 $0xFFFFF086  }
0x25: {  	[simem:s6], [sflag:s4] =	dma.local [hbm:s3], $0xF7A  }
0x26: {  	[smem:$0x3F93] =	sst s1;
	(tag) =	ssettag s2;
	_ =	strace s9  }
0x27: {  	s1 =	sld [smem:$0x3FA3]  }
0x28: {  	s2 =	sld [smem:$0x3FA4]  }
0x29: {  	s4 =	sld [smem:$0x3FA6]  }
0x2a: {  	p0 =	seq.s32 s5, $0x0;
	s5 =	sld [smem:$0x3FA7]  }
0x2b: {  	s6 =	sld [smem:$0x3FA8]  }
0x2c: {  	s7 =	sld [smem:$0x3FA9]  }
0x2d: {  	s3 =	simm.s32 $0x108;
	s8 =	sld [smem:$0x3FAA]  }
0x2e: {  	s3 =	simm.s32 @!p0 $0x1082;
	s9 =	sld [smem:$0x3FAB]  }
0x2f: {  	lr =	sadd.s32 s0, s3;
	s0 =	sld [smem:$0x3FA2]  }
0x30: {  	s3 =	sld [smem:$0x3FA5]  }
0x31: {  	[smem:$0x3FAE] =	sst s10  }
0x32: {  	s10 =	sld [smem:$0x3FAC];
	_ =	sdelay $0x3  }
0x33: {  	p0 =	seq.s32 s10, $0x1;
	s10 =	sld [smem:$0x3FAE];
	_ =	sdelay $0x3  }
0x34: {  	[smem:$0x3FAE] =	sst s10  }
0x35: {  	s10 =	sld [smem:$0x3FAD];
	_ =	sdelay $0x3  }
0x36: {  	p1 =	seq.s32 s10, $0x1;
	s10 =	sld [smem:$0x3FAE];
	_ =	sdelay $0x3  }
0x37: {  	[smem:$0x3FAE] =	sst s10  }
0x38: {  	s10 =	sld [smem:$0x3FAF]  }
0x39: {  	_ = 	snop;
	(pc) =	sbr.ind lr, $3  }
0x3a: {  	_ = 	snop  }
0x3b: {  	_ = 	snop  }
0x3c: {  	p2 =	seq.s32 s10, $0x1;
	s10 =	sld [smem:$0x3FAE]  }
0x3d: {  	_ =	shalt  }
0x3e: {  	_ =	shalt  }
0x3f: {  	_ =	shalt  }
0x40: {  	_ =	shalt  }
0x41: {  	_ =	shalt  }
0x42: {  	_ =	shalt  }
0x43: {  	_ =	shalt  }
0x44: {  	_ =	shalt  }
0x45: {  	_ =	shalt  }
0x46: {  	_ =	shalt  }
0x47: {  	_ =	shalt  }
0x48: {  	_ =	shalt  }
0x49: {  	_ =	shalt  }
0x4a: {  	_ =	shalt  }
0x4b: {  	_ =	shalt  }
0x4c: {  	_ =	shalt  }
0x4d: {  	_ =	shalt  }
0x4e: {  	_ =	shalt  }
0x4f: {  	_ =	shalt  }
0x50: {  	_ =	shalt  }
0x51: {  	_ =	shalt  }
0x52: {  	_ =	shalt  }
0x53: {  	_ =	shalt  }
0x54: {  	_ =	shalt  }
0x55: {  	_ =	shalt  }
0x56: {  	_ =	shalt  }
0x57: {  	_ =	shalt  }
0x58: {  	_ =	shalt  }
0x59: {  	_ =	shalt  }
0x5a: {  	_ =	shalt  }
0x5b: {  	_ =	shalt  }
0x5c: {  	_ =	shalt  }
0x5d: {  	_ =	shalt  }
0x5e: {  	_ =	shalt  }
0x5f: {  	_ =	shalt  }
0x60: {  	_ =	shalt  }
0x61: {  	_ =	shalt  }
0x62: {  	_ =	shalt  }
0x63: {  	_ =	shalt  }
0x64: {  	_ =	shalt  }
0x65: {  	_ =	shalt  }
0x66: {  	_ =	shalt  }
0x67: {  	_ =	shalt  }
0x68: {  	_ =	shalt  }
0x69: {  	_ =	shalt  }
0x6a: {  	_ =	shalt  }
0x6b: {  	_ =	shalt  }
0x6c: {  	_ =	shalt  }
0x6d: {  	_ =	shalt  }
0x6e: {  	_ =	shalt  }
0x6f: {  	_ =	shalt  }
0x70: {  	_ =	shalt  }
0x71: {  	_ =	shalt  }
0x72: {  	_ =	shalt  }
0x73: {  	_ =	shalt  }
0x74: {  	_ =	shalt  }
0x75: {  	_ =	shalt  }
0x76: {  	_ =	shalt  }
0x77: {  	_ =	shalt  }
0x78: {  	_ =	shalt  }
0x79: {  	_ =	shalt  }
0x7a: {  	_ =	shalt  }
0x7b: {  	_ =	shalt  }
0x7c: {  	_ =	shalt  }
0x7d: {  	_ =	shalt  }
0x7e: {  	_ =	shalt  }
0x7f: {  	_ =	shalt  }
0x80: {  	_ =	shalt  }
0x81: {  	_ =	shalt  }
0x82: {  	_ =	shalt  }
0x83: {  	_ =	shalt  }
0x84: {  	_ =	shalt  }
0x85: {  	_ =	shalt  }
0x86: {  	_ =	shalt  }
0x87: {  	_ =	shalt  }
.Lfunc_end0:
.L_simem_size_0:
called_computation.1_lowered:
.L_overlay_start_0:
0x88: {  	s2 =	sld [smem:$0x3FD9]  }
0x89: {  	s3 =	sld [smem:$0x3FFE];
	_ =	sdelay $0x1  }
0x8a: {  	s1 =	srdreg.scid  }
0x8b: {  	s0 =	sand.u32 $0x1, s1  }
0x8c: {  	s17 =	sshll.u32 s0, $0xA;
	s2 =	sadd.s32 s3, s2  }
0x8d: {  	s2 =	sadd.s32 s2, s17  }
0x8e: {  	[smem:$0x3FBA] =	sst s2  }
0x8f: {  	_ = 	snop  }
0x90: {  	(tm) =	ssettm $0x1  }
0x91: {  	s18 =	sld [smem:$0x3FFB];
	_ =	sdelay $0x3  }
0x92: {  	_ =	strace s18  }
0x93: {  	s2 =	sld [smem:$0x3FFC];
	_ =	sdelay $0x3  }
0x94: {  	_ =	strace s2  }
0x95: {  	s2 =	sld [smem:$0x3FFD];
	_ =	sdelay $0x3  }
0x96: {  	_ =	strace s2  }
0x97: {  	_ =	strace $0x8FFFFFFF  }
0x98: {  	s19 =	sld [smem:$0x3FDB];
	_ =	sdelay $0x1  }
0x99: {  	s20 =	simm.s32 $_scs_section_size  }
0x9a: {  	s4 =	simm.s32 $_size__tile_overlayer_lowered;
	s5 =	simm.s32 $_tile_overlayer_lowered  }
0x9b: {  	s6 =	simm.s32 $0x1BFF;
	s21 =	sshll.u32 s5, $0x1;
	s3 =	sadd.s32 s20, s19  }
0x9c: {  	s22 =	simm.s32 $0x0;
	s4 =	sshll.u32 s4, $0x1;
	s5 =	sadd.s32 s21, s3  }
0x9d: {  	[timem:s22], [sflag:s6] =	dma.local [hbm:s5], s4  }
0x9e: {  	_ =	swait.ge [sflag:s6], s4  }
0x9f: {  	s4 =	ssub.s32 $0x0, s4;
	[sflag:s6] =	ssyncset.done $0x0  }
0xa0: {  	[sflag:s6] =	ssyncadd.s32 s4;
	_ =	sdelay $0x1  }
0xa1: {  	s23 =	simm.s32 $0x1B8B  }
0xa2: {  	_ =	swait.ge [sflag:s23], $0x1  }
0xa3: {  	[sflag:s23] =	ssyncset.done $0x0  }
0xa4: {  	[sflag:s23] =	ssyncadd.s32 $0xFFFFFFFF  }
0xa5: {  	s4 =	sld [smem:$0x0]  }
0xa6: {  	s5 =	sand.u32 $0xFFFFFFFE, s1  }
0xa7: {  	p0 =	sne.s32 s1, s5  }
0xa8: {  	s5 =	sshll.u32 @p0 s5, $0xE  }
0xa9: {  	s5 =	sadd.s32 @p0 $0x11B8D, s5;
	s6 =	sshll.u32 @p0 s4, $0x11  }
0xaa: {  	s5 =	sor.u32 @p0 s6, s5  }
0xab: {  	[sflag:s5] =	ssyncadd.remote.s32 @p0 $0x1;
	_ =	sdelay $0x1  }
0xac: {  	s5 =	simm.s32 @p0 $0x1B8D  }
0xad: {  	_ =	swait.eq @p0 [sflag:s5], $0x1  }
0xae: {  	[sflag:s5] =	ssyncadd.s32 @p0 $0xFFFFFFFF  }
0xaf: {  	s6 =	sshll.u32 @!p0 s1, $0xE  }
0xb0: {  	s6 =	sor.u32 @!p0 $0x4000, s6;
	s5 =	simm.s32 @!p0 $0x1B8D  }
0xb1: {  	s4 =	sshll.u32 @!p0 s4, $0x11;
	s6 =	sadd.s32 @!p0 $0x11B8D, s6;
	_ =	swait.eq @!p0 [sflag:s5], $0x1  }
0xb2: {  	s4 =	sor.u32 @!p0 s4, s6;
	[sflag:s5] =	ssyncadd.s32 @!p0 $0xFFFFFFFF  }
0xb3: {  	s25 =	simm.s32 $0x1B8E;
	s24 =	sld [smem:$0x3FFE];
	[sflag:s4] =	ssyncadd.remote.s32 @!p0 $0x1  }
0xb4: {  	s26 =	simm.s32 $execute0_lowered;
	[smem:$0x3FD2] =	sst s25  }
0xb5: {  	s5 =	sshll.u32 s26, $0x1;
	_ =	strace $0x80000049;
	[dreg:$0x1] =	wrdreg $0xFFFFFFFF  }
0xb6: {  	s28 =	simm.s32 $_size_execute0_lowered;
	s3 =	sadd.s32 s3, s5;
	[dreg:$0x0] =	wrdreg $0x0  }
0xb7: {  	s5 =	sshll.u32 s28, $0x1;
	[dreg:$0x2] =	wrdreg s3  }
0xb8: {  	[dreg:$0x3] =	wrdreg s5  }
0xb9: {  	[dreg:$0x4] =	wrdreg $0xC0  }
0xba: {  	_ =	task [dreg:s22], $0x5FFFF  }
0xbb: {  	[dreg:$0x1] =	wrdreg $0xFFFFFFFF  }
0xbc: {  	[dreg:$0x0] =	wrdreg $0x60  }
0xbd: {  	[dreg:$0x2] =	wrdreg s24  }
0xbe: {  	[dreg:$0x3] =	wrdreg $0xA  }
0xbf: {  	_ =	task.clear_ibuf [dreg:s22], $0x4FFFF;
	_ =	strace $0x90000049  }
0xc0: {  	s29 =	simm.s32 $0xA;
	_ =	strace $0x8000004B  }
0xc1: {  	_ =	swait.ge [sflag:s29], $0x1  }
0xc2: {  	[sflag:s29] =	ssyncadd.s32 $0xFFFFFFFF  }
0xc3: {  	_ =	strace $0x9000004B  }
0xc4: {  	_ =	sfence  }
0xc5: {  	s30 =	sld [smem:$0x0];
	_ =	sdelay $0x2  }
0xc6: {  	s31 =	sshll.u32 s1, $0xD;
	s1 =	sshrl.u32 s1, $0x2  }
0xc7: {  	s4 =	sand.u32 $0x4000, s31;
	s1 =	sadd.s32 s1, s30  }
0xc8: {  	s0 =	sor.u32 s4, s0;
	s1 =	sshll.u32 s1, $0x11  }
0xc9: {  	s0 =	sor.u32 s1, s0  }
0xca: {  	s0 =	sadd.s32 $0x8F2B, s0  }
0xcb: {  	[sflag:s0] =	ssyncadd.remote.s32 $0x1  }
0xcc: {  	_ =	sfence.sel $0xFFFF  }
0xcd: {  	[dreg:$0x0] =	wrdreg $0xFFFFFFFF;
	(pc) =	sbr.abs _section_cstart, $3  }
0xce: {  	[dreg:$0x1] =	wrdreg $0xFFFFFFFF  }
0xcf: {  	_ =	task.clear_ibuf [dreg:s22], $0x2FFFF;
	_ =	strace $0x9FFFFFFF  }
0xd0: {  	(tm) =	ssettm $0x7FFFFFFF  }
0xd1: {  	_ =	shalt  }
tec
execute0_lowered:
.L_overlay_start_1:
0x0: {  	(tag) =	ssettag $0x1  }
0x1: {  	s0 =	srdreg.scid  }
0x2: {  	s10 =	stileid.u32;
	s1 =	rddreg [dreg:$0x0]  }
0x3: {  	s2 =	simm.s32 $0x0;
	s12 =	simm.s32 $0x7;
	s13 =	simm.s32 $0x70  }
0x4: {  	s14 =	simm.s32 $0x4700;
	s15 =	simm.s32 $0x7F00;
	s17 =	simm.s32 $0xB700  }
0x5: {  	s19 =	simm.s32 $0xEF00;
	s21 =	simm.s32 $0x12700;
	s23 =	simm.s32 $0x15F00  }
0x6: {  	s24 =	simm.s32 $0x1;
	s25 =	simm.s32 $0x4;
	s29 =	simm.s32 $0x2  }
0x7: {  	s30 =	simm.s32 $0x5;
	s16 =	simm.s32 $0x6;
	s0 =	sand.u32 $0x1, s0  }
0x8: {  	s3 =	sshll.u32 s10, $0x1;
	[smem:$0x7FF] =	sst s2;
	s10 =	smul.u32 $0x8DC00, s10  }
0x9: {  	s5 =	sor.u32 s0, s3;
	s7 =	ssub.s32 $0x2, s0;
	s0 =	smul.u32 $0x46E00, s0  }
0xa: {  	s18 =	simm.s32 $0x0;
	_ =	strace $0x8000004A;
	s6 =	smul.u32 $0x46E0, s5  }
0xb: {  	s3 =	sadd.s32 $0x3C000, s1;
	s8 =	sshrl.u32 s7, $0x1;
	s28 =	smul.u32 $0x46E00, s5  }
0xc: {  	s7 =	ssub.s32 s7, s8;
	s4 =	sshrl.u32 s6, $0x3;
	s9 =	sshll.u32 s6, $0x4  }
0xd: {  	s5 =	smax.u32 s7, $0x1;
	s4 =	sadd.s32 s4, s1;
	s1 =	sadd.s32 $0x977E00, s1  }
0xe: {  	s4 =	sadd.s32 $0x966200, s4;
	s6 =	sadd.s32 s1, s28;
	s31 =	sadd.s32 s1, s9  }
0xf: {  	s1 =	sadd.s32 s10, s1;
	s7 =	sadd.s32 $0xE00, s31;
	s8 =	sadd.s32 $0x1C00, s6  }
0x10: {  	s9 =	sadd.s32 $0x45200, s6;
	s10 =	sadd.s32 $0x44400, s6;
	s0 =	sadd.s32 s0, s1  }
0x11: {  	s1 =	simm.s32 $0x3F0;
	s26 =	sadd.s32 $0x4600, s0;
	s0 =	simm.s32 $0x3  }
.LBB2_1:
0x12: {  	[tilespmem:s2], [sflag:$0x7] =	stream.linear.gather [hbm4b:s4+s2], $0x46E0, $0x38;
	[tilespmem:$0x19700] =	vst v63  }
0x13: {  	_ =	swait.ge [sflag:s12], $0x46E0  }
0x14: {  	[sflag:s12] =	ssyncset.done $0x0  }
0x15: {  	[sflag:s12] =	ssyncadd.s32 $0xFFFFB920  }
0x16: {  	[tilespmem:s14], [sflag:$0x1] =	stream.indirect.gather [hbm4b:s3+s13], $0x80, s2, s13, $0xb8;
	[tilespmem:$0x19700] =	vst v63  }
0x17: {  	_ = 	snop  }
0x18: {  	[tilespmem:s15], [sflag:$0x1] =	stream.indirect.gather [hbm4b:s3+s13], $0x80, s13, s13, $0xb8;
	[tilespmem:$0x19700] =	vst v63  }
0x19: {  	s11 =	simm.s32 $0xE0  }
0x1a: {  	[tilespmem:s17], [sflag:$0x2] =	stream.indirect.gather [hbm4b:s3+s13], $0x80, s11, s13, $0xb8;
	[tilespmem:$0x19700] =	vst v63  }
0x1b: {  	s28 =	simm.s32 $0x150  }
0x1c: {  	[tilespmem:s19], [sflag:$0x2] =	stream.indirect.gather [hbm4b:s3+s13], $0x80, s28, s13, $0xb8;
	[tilespmem:$0x19700] =	vst v63  }
0x1d: {  	s31 =	simm.s32 $0x1C0  }
0x1e: {  	[tilespmem:s21], [sflag:$0x3] =	stream.indirect.gather [hbm4b:s3+s13], $0x80, s31, s13, $0xb8;
	[tilespmem:$0x19700] =	vst v63  }
0x1f: {  	s20 =	simm.s32 $0x230  }
0x20: {  	[tilespmem:s23], [sflag:$0x3] =	stream.indirect.gather [hbm4b:s3+s13], $0x80, s20, s13, $0xb8;
	[tilespmem:$0x19700] =	vst v63  }
0x21: {  	_ =	swait.ge [sflag:s24], $0x7000  }
0x22: {  	[sflag:s24] =	ssyncset.done $0x0  }
0x23: {  	[sflag:s24] =	ssyncadd.s32 $0xFFFF9000  }
0x24: {  	[hbm4b:s6+s2] =	stream.linear.scatter [tilespmem:s14], [sflag:$0x4], $0x7000, $0x38;
	[tilespmem:$0x19700] =	vst v63  }
0x25: {  	_ =	swait.ge [sflag:s25], $0x7000  }
0x26: {  	[sflag:s25] =	ssyncset.done $0x0  }
0x27: {  	s22 =	simm.s32 $0x2A0;
	[sflag:s25] =	ssyncadd.s32 $0xFFFF9000  }
0x28: {  	[tilespmem:s14], [sflag:$0x1] =	stream.indirect.gather [hbm4b:s3+s13], $0x80, s22, s13, $0xb8;
	[tilespmem:$0x19700] =	vst v63  }
0x29: {  	s28 =	simm.s32 $0x310  }
0x2a: {  	[tilespmem:s15], [sflag:$0x1] =	stream.indirect.gather [hbm4b:s3+s13], $0x80, s28, s13, $0xb8;
	[tilespmem:$0x19700] =	vst v63  }
0x2b: {  	_ =	swait.ge [sflag:s29], $0x7000  }
0x2c: {  	[sflag:s29] =	ssyncset.done $0x0  }
0x2d: {  	[sflag:s29] =	ssyncadd.s32 $0xFFFF9000  }
0x2e: {  	[hbm4b:s7+s2] =	stream.linear.scatter [tilespmem:s17], [sflag:$0x5], $0x7000, $0x38;
	[tilespmem:$0x19700] =	vst v63  }
0x2f: {  	_ =	swait.ge [sflag:s30], $0x7000  }
0x30: {  	[sflag:s30] =	ssyncset.done $0x0  }
0x31: {  	s31 =	simm.s32 $0x380;
	[sflag:s30] =	ssyncadd.s32 $0xFFFF9000  }
0x32: {  	[tilespmem:s17], [sflag:$0x2] =	stream.indirect.gather [hbm4b:s3+s13], $0x80, s31, s13, $0xb8;
	[tilespmem:$0x19700] =	vst v63  }
0x33: {  	_ = 	snop  }
0x34: {  	[tilespmem:s19], [sflag:$0x2] =	stream.indirect.gather [hbm4b:s3+s13], $0x80, s1, s13, $0xb8;
	[tilespmem:$0x19700] =	vst v63  }
0x35: {  	_ =	swait.ge [sflag:s0], $0x7000  }
0x36: {  	[sflag:s0] =	ssyncset.done $0x0  }
0x37: {  	[sflag:s0] =	ssyncadd.s32 $0xFFFF9000  }
0x38: {  	[hbm4b:s8+s2] =	stream.linear.scatter [tilespmem:s21], [sflag:$0x6], $0x7000, $0x38;
	[tilespmem:$0x19700] =	vst v63  }
0x39: {  	_ =	swait.ge [sflag:s16], $0x7000  }
0x3a: {  	[sflag:s16] =	ssyncset.done $0x0  }
0x3b: {  	s20 =	simm.s32 $0x460;
	[sflag:s16] =	ssyncadd.s32 $0xFFFF9000  }
0x3c: {  	[tilespmem:s21], [sflag:$0x3] =	stream.indirect.gather [hbm4b:s3+s13], $0x80, s20, s13, $0xb8;
	[tilespmem:$0x19700] =	vst v63  }
0x3d: {  	s22 =	simm.s32 $0x4D0  }
0x3e: {  	[tilespmem:s23], [sflag:$0x3] =	stream.indirect.gather [hbm4b:s3+s13], $0x80, s22, s13, $0xb8;
	[tilespmem:$0x19700] =	vst v63  }
0x3f: {  	_ =	swait.ge [sflag:s24], $0x7000  }
0x40: {  	[sflag:s24] =	ssyncset.done $0x0  }
0x41: {  	s28 =	sadd.s32 $0xFFFFE400, s26;
	[sflag:s24] =	ssyncadd.s32 $0xFFFF9000  }
0x42: {  	[hbm4b:s28+s2] =	stream.linear.scatter [tilespmem:s14], [sflag:$0x4], $0x7000, $0x38;
	[tilespmem:$0x19700] =	vst v63  }
0x43: {  	_ =	swait.ge [sflag:s25], $0x7000  }
0x44: {  	[sflag:s25] =	ssyncset.done $0x0  }
0x45: {  	s31 =	simm.s32 $0x540;
	[sflag:s25] =	ssyncadd.s32 $0xFFFF9000  }
0x46: {  	[tilespmem:s14], [sflag:$0x1] =	stream.indirect.gather [hbm4b:s3+s13], $0x80, s31, s13, $0xb8;
	[tilespmem:$0x19700] =	vst v63  }
0x47: {  	s20 =	simm.s32 $0x5B0  }
0x48: {  	[tilespmem:s15], [sflag:$0x1] =	stream.indirect.gather [hbm4b:s3+s13], $0x80, s20, s13, $0xb8;
	[tilespmem:$0x19700] =	vst v63  }
0x49: {  	_ =	swait.ge [sflag:s29], $0x7000  }
0x4a: {  	[sflag:s29] =	ssyncset.done $0x0  }
0x4b: {  	s22 =	sadd.s32 $0xFFFFF200, s26;
	[sflag:s29] =	ssyncadd.s32 $0xFFFF9000  }
0x4c: {  	[hbm4b:s22+s2] =	stream.linear.scatter [tilespmem:s17], [sflag:$0x5], $0x7000, $0x38;
	[tilespmem:$0x19700] =	vst v63  }
0x4d: {  	_ =	swait.ge [sflag:s30], $0x7000  }
0x4e: {  	[sflag:s30] =	ssyncset.done $0x0  }
0x4f: {  	s28 =	simm.s32 $0x620;
	[sflag:s30] =	ssyncadd.s32 $0xFFFF9000  }
0x50: {  	[tilespmem:s17], [sflag:$0x2] =	stream.indirect.gather [hbm4b:s3+s13], $0x80, s28, s13, $0xb8;
	[tilespmem:$0x19700] =	vst v63  }
0x51: {  	s31 =	simm.s32 $0x690  }
0x52: {  	[tilespmem:s19], [sflag:$0x2] =	stream.indirect.gather [hbm4b:s3+s13], $0x80, s31, s13, $0xb8;
	[tilespmem:$0x19700] =	vst v63  }
0x53: {  	_ =	swait.ge [sflag:s0], $0x7000  }
0x54: {  	s11 =	smov.u32 s26;
	[sflag:s0] =	ssyncset.done $0x0  }
0x55: {  	s20 =	sadd.s32 $0x2A00, s26;
	s22 =	simm.s32 $0xA80;
	[sflag:s0] =	ssyncadd.s32 $0xFFFF9000  }
.LBB2_2:
0x56: {  	[hbm4b:s11+s2] =	stream.linear.scatter [tilespmem:s21], [sflag:$0x6], $0x7000, $0x38;
	[tilespmem:$0x19700] =	vst v63  }
0x57: {  	s11 =	smov.u32 s22;
	s22 =	sadd.s32 $0xA80, s22;
	_ =	swait.ge [sflag:s16], $0x7000  }
0x58: {  	s28 =	sshra.s32 s11, $0x2;
	p0 =	sne.s32 s22, $0x10680;
	[sflag:s16] =	ssyncset.done $0x0  }
0x59: {  	s11 =	smov.u32 s20;
	s31 =	sadd.s32 $0x460, s28;
	[sflag:s16] =	ssyncadd.s32 $0xFFFF9000  }
0x5a: {  	[tilespmem:s21], [sflag:$0x3] =	stream.indirect.gather [hbm4b:s3+s13], $0x80, s31, s13, $0xb8;
	[tilespmem:$0x19700] =	vst v63  }
0x5b: {  	s31 =	sadd.s32 $0x4D0, s28  }
0x5c: {  	[tilespmem:s23], [sflag:$0x3] =	stream.indirect.gather [hbm4b:s3+s13], $0x80, s31, s13, $0xb8;
	[tilespmem:$0x19700] =	vst v63  }
0x5d: {  	_ =	swait.ge [sflag:s24], $0x7000  }
0x5e: {  	[sflag:s24] =	ssyncset.done $0x0  }
0x5f: {  	s31 =	sadd.s32 $0xFFFFE400, s20;
	[sflag:s24] =	ssyncadd.s32 $0xFFFF9000  }
0x60: {  	[hbm4b:s31+s2] =	stream.linear.scatter [tilespmem:s14], [sflag:$0x4], $0x7000, $0x38;
	[tilespmem:$0x19700] =	vst v63  }
0x61: {  	_ =	swait.ge [sflag:s25], $0x7000  }
0x62: {  	[sflag:s25] =	ssyncset.done $0x0  }
0x63: {  	s31 =	sadd.s32 $0x540, s28;
	[sflag:s25] =	ssyncadd.s32 $0xFFFF9000  }
0x64: {  	[tilespmem:s14], [sflag:$0x1] =	stream.indirect.gather [hbm4b:s3+s13], $0x80, s31, s13, $0xb8;
	[tilespmem:$0x19700] =	vst v63  }
0x65: {  	s31 =	sadd.s32 $0x5B0, s28  }
0x66: {  	[tilespmem:s15], [sflag:$0x1] =	stream.indirect.gather [hbm4b:s3+s13], $0x80, s31, s13, $0xb8;
	[tilespmem:$0x19700] =	vst v63  }
0x67: {  	_ =	swait.ge [sflag:s29], $0x7000  }
0x68: {  	[sflag:s29] =	ssyncset.done $0x0  }
0x69: {  	s31 =	sadd.s32 $0xFFFFF200, s20;
	[sflag:s29] =	ssyncadd.s32 $0xFFFF9000  }
0x6a: {  	[hbm4b:s31+s2] =	stream.linear.scatter [tilespmem:s17], [sflag:$0x5], $0x7000, $0x38;
	[tilespmem:$0x19700] =	vst v63  }
0x6b: {  	_ =	swait.ge [sflag:s30], $0x7000  }
0x6c: {  	[sflag:s30] =	ssyncset.done $0x0  }
0x6d: {  	s31 =	sadd.s32 $0x620, s28;
	[sflag:s30] =	ssyncadd.s32 $0xFFFF9000  }
0x6e: {  	[tilespmem:s17], [sflag:$0x2] =	stream.indirect.gather [hbm4b:s3+s13], $0x80, s31, s13, $0xb8;
	[tilespmem:$0x19700] =	vst v63  }
.Ltmp0:
0x6f: {  	s28 =	sadd.s32 $0x690, s28;
	(pc) =	sbr.rel @p0 .LBB2_2-.Ltmp0, $4  }
0x70: {  	[tilespmem:s19], [sflag:$0x2] =	stream.indirect.gather [hbm4b:s3+s13], $0x80, s28, s13, $0xb8;
	[tilespmem:$0x19700] =	vst v63  }
0x71: {  	_ =	swait.ge [sflag:s0], $0x7000  }
0x72: {  	[sflag:s0] =	ssyncset.done $0x0  }
0x73: {  	s20 =	sadd.s32 $0x2A00, s20;
	[sflag:s0] =	ssyncadd.s32 $0xFFFF9000  }
0x74: {  	[hbm4b:s11+s2] =	stream.linear.scatter [tilespmem:s21], [sflag:$0x6], $0x7000, $0x38;
	[tilespmem:$0x19700] =	vst v63  }
0x75: {  	_ =	swait.ge [sflag:s16], $0x7000  }
0x76: {  	s31 =	sshra.s32 s22, $0x2;
	[sflag:s16] =	ssyncset.done $0x0  }
0x77: {  	s22 =	sadd.s32 $0x460, s31;
	[sflag:s16] =	ssyncadd.s32 $0xFFFF9000  }
0x78: {  	[tilespmem:s21], [sflag:$0x3] =	stream.indirect.gather [hbm4b:s3+s13], $0x80, s22, s13, $0xb8;
	[tilespmem:$0x19700] =	vst v63  }
0x79: {  	s11 =	sadd.s32 $0x4D0, s31  }
0x7a: {  	[tilespmem:s23], [sflag:$0x3] =	stream.indirect.gather [hbm4b:s3+s13], $0x80, s11, s13, $0xb8;
	[tilespmem:$0x19700] =	vst v63  }
0x7b: {  	_ =	swait.ge [sflag:s24], $0x7000  }
0x7c: {  	[sflag:s24] =	ssyncset.done $0x0  }
0x7d: {  	[sflag:s24] =	ssyncadd.s32 $0xFFFF9000  }
0x7e: {  	[hbm4b:s10+s2] =	stream.linear.scatter [tilespmem:s14], [sflag:$0x4], $0x7000, $0x38;
	[tilespmem:$0x19700] =	vst v63  }
0x7f: {  	_ =	swait.ge [sflag:s29], $0x7000  }
0x80: {  	[sflag:s29] =	ssyncset.done $0x0  }
0x81: {  	[sflag:s29] =	ssyncadd.s32 $0xFFFF9000  }
0x82: {  	[hbm4b:s9+s2] =	stream.linear.scatter [tilespmem:s17], [sflag:$0x5], $0x7000, $0x38;
	[tilespmem:$0x19700] =	vst v63  }
0x83: {  	_ =	swait.ge [sflag:s0], $0x7000  }
0x84: {  	[sflag:s0] =	ssyncset.done $0x0  }
0x85: {  	[sflag:s0] =	ssyncadd.s32 $0xFFFF9000  }
0x86: {  	[hbm4b:s20+s2] =	stream.linear.scatter [tilespmem:s21], [sflag:$0x6], $0x7000, $0x38;
	[tilespmem:$0x19700] =	vst v63  }
0x87: {  	_ =	swait.ge [sflag:s25], $0x7000  }
0x88: {  	[sflag:s25] =	ssyncset.done $0x0  }
0x89: {  	s18 =	sadd.s32 $0x1, s18;
	[sflag:s25] =	ssyncadd.s32 $0xFFFF9000  }
0x8a: {  	p0 =	sne.s32 s18, s5;
	_ =	swait.ge [sflag:s30], $0x7000  }
.Ltmp1:
0x8b: {  	[sflag:s30] =	ssyncset.done $0x0;
	(pc) =	sbr.rel @p0 .LBB2_1-.Ltmp1, $4  }
0x8c: {  	[sflag:s30] =	ssyncadd.s32 $0xFFFF9000  }
0x8d: {  	_ =	swait.ge [sflag:s16], $0x7000  }
0x8e: {  	[sflag:s16] =	ssyncset.done $0x0  }
0x8f: {  	[sflag:s16] =	ssyncadd.s32 $0xFFFF9000  }
0x90: {  	_ =	sfence.sel $0x180000  }
0x91: {  	[bflag:$0x0] =	sbarrier.arrive $0xFFFF  }
0x92: {  	_ =	strace $0x9000004A  }
0x93: {  	s0 =	stileid.u32;
	[bflag:$0x2] =	sbarrier.arrive $0xFFFF  }
0x94: {  	p0 =	sne.s32 s0, $0x0;
	s0 =	rddreg [dreg:$0x1]  }
0x95: {  	s0 =	sadd.s32 @!p0 $0x100000, s0  }
0x96: {  	[sflag:s0] =	ssyncadd.tile.s32 @!p0 $0x1;
	_ =	shalt  }
.Lfunc_end2:
_tile_overlayer_lowered:
.L_overlay_start_2:
0x97: {  	(tag) =	ssettag $0x2  }
0x98: {  	s0 =	rddreg [dreg:$0x0];
	s2 =	stileid.u32  }
0x99: {  	s1 =	rddreg [dreg:$0x1];
	p0 =	sne.s32 s2, $0x0  }
0x9a: {  	s3 =	rddreg [dreg:$0x2];
	[bflag:$0x3] =	sbarrier.arrive $0xFFFF;
	s2 =	simm.s32 @!p0 $0x1C08  }
0x9b: {  	[timem:s3], [sflag:s2] =	dma.local @!p0 [hbm:s0], s1  }
0x9c: {  	s0 =	simm.s32 @!p0 $0x8  }
0x9d: {  	_ =	swait.ge @!p0 [sflag:s0], s1  }
0x9e: {  	s1 =	ssub.s32 @!p0 $0x0, s1;
	[sflag:s0] =	ssyncset.done @!p0 $0x0  }
0x9f: {  	[sflag:s0] =	ssyncadd.s32 @!p0 s1  }
0xa0: {  	[bflag:$0x3] =	sbarrier.arrive $0xFFFF  }
0xa1: {  	_ =	shalt  }

// kernel: kernel.7.cloned.1.call-start
scs
__scs_entry_jumppad:
0x0: {  	(pc) =	sbr.rel $0x88, $3  }
0x1: {  	(tag) =	ssettag $0x0;
	lr =	simm.s32 $0x1  }
0x2: {  	[smem:$0x3F93] =	sst lr;
	_ =	strace $0xD0000000  }
0x3: {  	_ = 	snop  }
0x4: {  	_ = 	snop  }
0x5: {  	_ = 	snop  }
0x6: {  	_ = 	snop  }
0x7: {  	_ = 	snop  }
__scs_overlays_trampoline_lowered:
0x8: {  	[smem:$0x3FA2] =	sst s0  }
0x9: {  	[smem:$0x3FA3] =	sst s1  }
0xa: {  	[smem:$0x3FA4] =	sst s2  }
0xb: {  	[smem:$0x3FA5] =	sst s3  }
0xc: {  	[smem:$0x3FA6] =	sst s4  }
0xd: {  	[smem:$0x3FA7] =	sst s5  }
0xe: {  	[smem:$0x3FA8] =	sst s6  }
0xf: {  	[smem:$0x3FA9] =	sst s7  }
0x10: {  	[smem:$0x3FAA] =	sst s8  }
0x11: {  	[smem:$0x3FAB] =	sst s9;
	s0 =	simm.s32 @!p0 $0x0  }
0x12: {  	s1 =	sld [smem:$0x3F91];
	s0 =	simm.s32 @p0 $0x1  }
0x13: {  	[smem:$0x3FAC] =	sst s0;
	s0 =	simm.s32 @!p1 $0x0  }
0x14: {  	s2 =	sld [smem:$0x3F90];
	s0 =	simm.s32 @p1 $0x1  }
0x15: {  	[smem:$0x3FAD] =	sst s0;
	s0 =	simm.s32 @!p2 $0x0  }
0x16: {  	s3 =	sld [smem:$0x3FDB];
	s0 =	simm.s32 @p2 $0x1  }
0x17: {  	s4 =	simm.s32 $0x1BF5;
	[smem:$0x3FAF] =	sst s0  }
0x18: {  	s0 =	sld [smem:$0x3F92];
	_ =	swait.ge [sflag:s4], $0x0  }
0x19: {  	s7 =	sld [smem:$0x3F93]  }
0x1a: {  	s8 =	sadd.s32 $0xFFFFE003, lr  }
0x1b: {  	s9 =	sadd.s32 $0xFFFFFEF7, lr;
	s5 =	simm.s32 $0xFFFFFFFF;
	p2 =	slt.u32 s8, $0xFFFFF086  }
0x1c: {  	p1 =	slt.u32 s9, $0xF7A;
	s5 =	simm.s32 @!p2 $0x0  }
0x1d: {  	s5 =	simm.s32 @p1 $0x1;
	p0 =	seq.s32 s7, s2  }
0x1e: {  	s7 =	smul.u32 @!p0 $0xF7A, s2;
	p2 =	seq.s32 @!p0 s5, $0x0  }
0x1f: {  	s9 =	smul.u32 $0xF7A, s1;
	s8 =	simm.s32 @!p0 $0x1BF5;
	p2 =	por !p2, p0  }
0x20: {  	[sflag:s8] =	ssyncset.s32 @!p0 $0xFFFFF086;
	s6 =	sadd.s32 @!p0 s3, s7;
	s7 =	simm.s32 @!p0 $0x108  }
0x21: {  	s3 =	sadd.s32 s3, s9;
	s6 =	sadd.s32 @!p0 $0x88, s6;
	s7 =	simm.s32 @p2 $0x1082  }
0x22: {  	[simem:s7], [sflag:s8] =	dma.local @!p0 [hbm:s6], $0xF7A  }
0x23: {  	s9 =	sor.u32 $0xD0000000, s2;
	s6 =	simm.s32 $0x108;
	_ =	swait.ge @!p0 [sflag:s8], $0x0  }
0x24: {  	s3 =	sadd.s32 $0x88, s3;
	s6 =	simm.s32 @!p1 $0x1082;
	[sflag:s4] =	ssyncset.s32 $0xFFFFF086  }
0x25: {  	[simem:s6], [sflag:s4] =	dma.local [hbm:s3], $0xF7A  }
0x26: {  	[smem:$0x3F93] =	sst s1;
	(tag) =	ssettag s2;
	_ =	strace s9  }
0x27: {  	s1 =	sld [smem:$0x3FA3]  }
0x28: {  	s2 =	sld [smem:$0x3FA4]  }
0x29: {  	s4 =	sld [smem:$0x3FA6]  }
0x2a: {  	p0 =	seq.s32 s5, $0x0;
	s5 =	sld [smem:$0x3FA7]  }
0x2b: {  	s6 =	sld [smem:$0x3FA8]  }
0x2c: {  	s7 =	sld [smem:$0x3FA9]  }
0x2d: {  	s3 =	simm.s32 $0x108;
	s8 =	sld [smem:$0x3FAA]  }
0x2e: {  	s3 =	simm.s32 @!p0 $0x1082;
	s9 =	sld [smem:$0x3FAB]  }
0x2f: {  	lr =	sadd.s32 s0, s3;
	s0 =	sld [smem:$0x3FA2]  }
0x30: {  	s3 =	sld [smem:$0x3FA5]  }
0x31: {  	[smem:$0x3FAE] =	sst s10  }
0x32: {  	s10 =	sld [smem:$0x3FAC];
	_ =	sdelay $0x3  }
0x33: {  	p0 =	seq.s32 s10, $0x1;
	s10 =	sld [smem:$0x3FAE];
	_ =	sdelay $0x3  }
0x34: {  	[smem:$0x3FAE] =	sst s10  }
0x35: {  	s10 =	sld [smem:$0x3FAD];
	_ =	sdelay $0x3  }
0x36: {  	p1 =	seq.s32 s10, $0x1;
	s10 =	sld [smem:$0x3FAE];
	_ =	sdelay $0x3  }
0x37: {  	[smem:$0x3FAE] =	sst s10  }
0x38: {  	s10 =	sld [smem:$0x3FAF]  }
0x39: {  	_ = 	snop;
	(pc) =	sbr.ind lr, $3  }
0x3a: {  	_ = 	snop  }
0x3b: {  	_ = 	snop  }
0x3c: {  	p2 =	seq.s32 s10, $0x1;
	s10 =	sld [smem:$0x3FAE]  }
0x3d: {  	_ =	shalt  }
0x3e: {  	_ =	shalt  }
0x3f: {  	_ =	shalt  }
0x40: {  	_ =	shalt  }
0x41: {  	_ =	shalt  }
0x42: {  	_ =	shalt  }
0x43: {  	_ =	shalt  }
0x44: {  	_ =	shalt  }
0x45: {  	_ =	shalt  }
0x46: {  	_ =	shalt  }
0x47: {  	_ =	shalt  }
0x48: {  	_ =	shalt  }
0x49: {  	_ =	shalt  }
0x4a: {  	_ =	shalt  }
0x4b: {  	_ =	shalt  }
0x4c: {  	_ =	shalt  }
0x4d: {  	_ =	shalt  }
0x4e: {  	_ =	shalt  }
0x4f: {  	_ =	shalt  }
0x50: {  	_ =	shalt  }
0x51: {  	_ =	shalt  }
0x52: {  	_ =	shalt  }
0x53: {  	_ =	shalt  }
0x54: {  	_ =	shalt  }
0x55: {  	_ =	shalt  }
0x56: {  	_ =	shalt  }
0x57: {  	_ =	shalt  }
0x58: {  	_ =	shalt  }
0x59: {  	_ =	shalt  }
0x5a: {  	_ =	shalt  }
0x5b: {  	_ =	shalt  }
0x5c: {  	_ =	shalt  }
0x5d: {  	_ =	shalt  }
0x5e: {  	_ =	shalt  }
0x5f: {  	_ =	shalt  }
0x60: {  	_ =	shalt  }
0x61: {  	_ =	shalt  }
0x62: {  	_ =	shalt  }
0x63: {  	_ =	shalt  }
0x64: {  	_ =	shalt  }
0x65: {  	_ =	shalt  }
0x66: {  	_ =	shalt  }
0x67: {  	_ =	shalt  }
0x68: {  	_ =	shalt  }
0x69: {  	_ =	shalt  }
0x6a: {  	_ =	shalt  }
0x6b: {  	_ =	shalt  }
0x6c: {  	_ =	shalt  }
0x6d: {  	_ =	shalt  }
0x6e: {  	_ =	shalt  }
0x6f: {  	_ =	shalt  }
0x70: {  	_ =	shalt  }
0x71: {  	_ =	shalt  }
0x72: {  	_ =	shalt  }
0x73: {  	_ =	shalt  }
0x74: {  	_ =	shalt  }
0x75: {  	_ =	shalt  }
0x76: {  	_ =	shalt  }
0x77: {  	_ =	shalt  }
0x78: {  	_ =	shalt  }
0x79: {  	_ =	shalt  }
0x7a: {  	_ =	shalt  }
0x7b: {  	_ =	shalt  }
0x7c: {  	_ =	shalt  }
0x7d: {  	_ =	shalt  }
0x7e: {  	_ =	shalt  }
0x7f: {  	_ =	shalt  }
0x80: {  	_ =	shalt  }
0x81: {  	_ =	shalt  }
0x82: {  	_ =	shalt  }
0x83: {  	_ =	shalt  }
0x84: {  	_ =	shalt  }
0x85: {  	_ =	shalt  }
0x86: {  	_ =	shalt  }
0x87: {  	_ =	shalt  }
.Lfunc_end0:
.L_simem_size_0:
called_computation_lowered:
.L_overlay_start_0:
0x88: {  	s2 =	sld [smem:$0x3FD9]  }
0x89: {  	s3 =	sld [smem:$0x3FFE];
	_ =	sdelay $0x1  }
0x8a: {  	s1 =	srdreg.scid  }
0x8b: {  	s0 =	sand.u32 $0x1, s1  }
0x8c: {  	s16 =	sshll.u32 s0, $0xA;
	s2 =	sadd.s32 s3, s2  }
0x8d: {  	s2 =	sadd.s32 s2, s16  }
0x8e: {  	[smem:$0x3FBA] =	sst s2  }
0x8f: {  	_ = 	snop  }
0x90: {  	(tm) =	ssettm $0x1  }
0x91: {  	s17 =	sld [smem:$0x3FFB];
	_ =	sdelay $0x3  }
0x92: {  	_ =	strace s17  }
0x93: {  	s2 =	sld [smem:$0x3FFC];
	_ =	sdelay $0x3  }
0x94: {  	_ =	strace s2  }
0x95: {  	s2 =	sld [smem:$0x3FFD];
	_ =	sdelay $0x3  }
0x96: {  	_ =	strace s2  }
0x97: {  	_ =	strace $0x8FFFFFFF  }
0x98: {  	s18 =	sld [smem:$0x3FDB];
	_ =	sdelay $0x1  }
0x99: {  	s19 =	simm.s32 $_scs_section_size  }
0x9a: {  	s4 =	simm.s32 $_size__tile_overlayer_lowered;
	s5 =	simm.s32 $_tile_overlayer_lowered  }
0x9b: {  	s22 =	simm.s32 $0x1BFF;
	s21 =	sshll.u32 s5, $0x1;
	s2 =	sadd.s32 s19, s18  }
0x9c: {  	s6 =	simm.s32 $0x0;
	s20 =	sshll.u32 s4, $0x1;
	s4 =	sadd.s32 s21, s2  }
0x9d: {  	[timem:s6], [sflag:s22] =	dma.local [hbm:s4], s20  }
0x9e: {  	_ =	swait.ge [sflag:s22], s20  }
0x9f: {  	s3 =	ssub.s32 $0x0, s20;
	[sflag:s22] =	ssyncset.done $0x0  }
0xa0: {  	[sflag:s22] =	ssyncadd.s32 s3;
	_ =	sdelay $0x1  }
0xa1: {  	s23 =	simm.s32 $0x1B8B  }
0xa2: {  	_ =	swait.ge [sflag:s23], $0x1  }
0xa3: {  	[sflag:s23] =	ssyncset.done $0x0  }
0xa4: {  	s25 =	simm.s32 $0x1B8E;
	s24 =	sld [smem:$0x3FFE];
	[sflag:s23] =	ssyncadd.s32 $0xFFFFFFFF  }
0xa5: {  	s26 =	simm.s32 $execute0_lowered;
	[smem:$0x3FD2] =	sst s25  }
0xa6: {  	s4 =	sshll.u32 s26, $0x1;
	_ =	strace $0x80000046;
	[dreg:$0x1] =	wrdreg $0xFFFFFFFF  }
0xa7: {  	s28 =	simm.s32 $_size_execute0_lowered;
	s2 =	sadd.s32 s2, s4;
	[dreg:$0x0] =	wrdreg $0x0  }
0xa8: {  	s4 =	sshll.u32 s28, $0x1;
	[dreg:$0x2] =	wrdreg s2  }
0xa9: {  	[dreg:$0x3] =	wrdreg s4  }
0xaa: {  	[dreg:$0x4] =	wrdreg $0xC0  }
0xab: {  	_ =	task [dreg:s6], $0x5FFFF  }
0xac: {  	[dreg:$0x1] =	wrdreg $0xFFFFFFFF  }
0xad: {  	[dreg:$0x0] =	wrdreg $0x60  }
0xae: {  	[dreg:$0x2] =	wrdreg s24  }
0xaf: {  	[dreg:$0x3] =	wrdreg $0x9  }
0xb0: {  	_ =	task.clear_ibuf [dreg:s6], $0x4FFFF;
	_ =	strace $0x90000046  }
0xb1: {  	s29 =	simm.s32 $0x9;
	_ =	strace $0x80000048  }
0xb2: {  	_ =	swait.ge [sflag:s29], $0x1  }
0xb3: {  	[sflag:s29] =	ssyncadd.s32 $0xFFFFFFFF  }
0xb4: {  	_ =	strace $0x90000048  }
0xb5: {  	_ =	sfence  }
0xb6: {  	s30 =	sld [smem:$0x0];
	_ =	sdelay $0x2  }
0xb7: {  	s31 =	sshll.u32 s1, $0xD;
	s1 =	sshrl.u32 s1, $0x2  }
0xb8: {  	s3 =	sand.u32 $0x4000, s31;
	s1 =	sadd.s32 s1, s30  }
0xb9: {  	s0 =	sor.u32 s3, s0;
	s1 =	sshll.u32 s1, $0x11  }
0xba: {  	s0 =	sor.u32 s1, s0  }
0xbb: {  	s0 =	sadd.s32 $0x8F2B, s0  }
0xbc: {  	[sflag:s0] =	ssyncadd.remote.s32 $0x1  }
0xbd: {  	_ =	sfence.sel $0xFFFF  }
0xbe: {  	[dreg:$0x0] =	wrdreg $0xFFFFFFFF;
	(pc) =	sbr.abs _section_cstart, $3  }
0xbf: {  	[dreg:$0x1] =	wrdreg $0xFFFFFFFF  }
0xc0: {  	_ =	task.clear_ibuf [dreg:s6], $0x2FFFF;
	_ =	strace $0x9FFFFFFF  }
0xc1: {  	(tm) =	ssettm $0x7FFFFFFF  }
tec
execute0_lowered:
.L_overlay_start_1:
0x0: {  	(tag) =	ssettag $0x1  }
0x1: {  	s0 =	srdreg.scid  }
0x2: {  	s10 =	stileid.u32;
	s1 =	rddreg [dreg:$0x0]  }
0x3: {  	s2 =	simm.s32 $0x0;
	s12 =	simm.s32 $0x7;
	s13 =	simm.s32 $0x70  }
0x4: {  	s14 =	simm.s32 $0x4700;
	s15 =	simm.s32 $0x7F00;
	s17 =	simm.s32 $0xB700  }
0x5: {  	s19 =	simm.s32 $0xEF00;
	s21 =	simm.s32 $0x12700;
	s23 =	simm.s32 $0x15F00  }
0x6: {  	s24 =	simm.s32 $0x1;
	s25 =	simm.s32 $0x4;
	s29 =	simm.s32 $0x2  }
0x7: {  	s30 =	simm.s32 $0x5;
	s16 =	simm.s32 $0x6;
	s0 =	sand.u32 $0x1, s0  }
0x8: {  	s3 =	sshll.u32 s10, $0x1;
	[smem:$0x7FF] =	sst s2;
	s10 =	smul.u32 $0x8DC00, s10  }
0x9: {  	s5 =	sor.u32 s0, s3;
	s7 =	ssub.s32 $0x2, s0;
	s0 =	smul.u32 $0x46E00, s0  }
0xa: {  	s18 =	simm.s32 $0x0;
	_ =	strace $0x80000047;
	s6 =	smul.u32 $0x46E0, s5  }
0xb: {  	s3 =	sadd.s32 $0x3C000, s1;
	s8 =	sshrl.u32 s7, $0x1;
	s28 =	smul.u32 $0x46E00, s5  }
0xc: {  	s7 =	ssub.s32 s7, s8;
	s4 =	sshrl.u32 s6, $0x3;
	s9 =	sshll.u32 s6, $0x4  }
0xd: {  	s5 =	smax.u32 s7, $0x1;
	s4 =	sadd.s32 s4, s1;
	s1 =	sadd.s32 $0x8A200, s1  }
0xe: {  	s4 =	sadd.s32 $0x2A400, s4;
	s6 =	sadd.s32 s1, s28;
	s31 =	sadd.s32 s1, s9  }
0xf: {  	s1 =	sadd.s32 s10, s1;
	s7 =	sadd.s32 $0xE00, s31;
	s8 =	sadd.s32 $0x1C00, s6  }
0x10: {  	s9 =	sadd.s32 $0x45200, s6;
	s10 =	sadd.s32 $0x44400, s6;
	s0 =	sadd.s32 s0, s1  }
0x11: {  	s1 =	simm.s32 $0x3F0;
	s26 =	sadd.s32 $0x4600, s0;
	s0 =	simm.s32 $0x3  }
.LBB2_1:
0x12: {  	[tilespmem:s2], [sflag:$0x7] =	stream.linear.gather [hbm4b:s4+s2], $0x46E0, $0x38;
	[tilespmem:$0x19700] =	vst v63  }
0x13: {  	_ =	swait.ge [sflag:s12], $0x46E0  }
0x14: {  	[sflag:s12] =	ssyncset.done $0x0  }
0x15: {  	[sflag:s12] =	ssyncadd.s32 $0xFFFFB920  }
0x16: {  	[tilespmem:s14], [sflag:$0x1] =	stream.indirect.gather [hbm4b:s3+s13], $0x80, s2, s13, $0xb8;
	[tilespmem:$0x19700] =	vst v63  }
0x17: {  	_ = 	snop  }
0x18: {  	[tilespmem:s15], [sflag:$0x1] =	stream.indirect.gather [hbm4b:s3+s13], $0x80, s13, s13, $0xb8;
	[tilespmem:$0x19700] =	vst v63  }
0x19: {  	s11 =	simm.s32 $0xE0  }
0x1a: {  	[tilespmem:s17], [sflag:$0x2] =	stream.indirect.gather [hbm4b:s3+s13], $0x80, s11, s13, $0xb8;
	[tilespmem:$0x19700] =	vst v63  }
0x1b: {  	s28 =	simm.s32 $0x150  }
0x1c: {  	[tilespmem:s19], [sflag:$0x2] =	stream.indirect.gather [hbm4b:s3+s13], $0x80, s28, s13, $0xb8;
	[tilespmem:$0x19700] =	vst v63  }
0x1d: {  	s31 =	simm.s32 $0x1C0  }
0x1e: {  	[tilespmem:s21], [sflag:$0x3] =	stream.indirect.gather [hbm4b:s3+s13], $0x80, s31, s13, $0xb8;
	[tilespmem:$0x19700] =	vst v63  }
0x1f: {  	s20 =	simm.s32 $0x230  }
0x20: {  	[tilespmem:s23], [sflag:$0x3] =	stream.indirect.gather [hbm4b:s3+s13], $0x80, s20, s13, $0xb8;
	[tilespmem:$0x19700] =	vst v63  }
0x21: {  	_ =	swait.ge [sflag:s24], $0x7000  }
0x22: {  	[sflag:s24] =	ssyncset.done $0x0  }
0x23: {  	[sflag:s24] =	ssyncadd.s32 $0xFFFF9000  }
0x24: {  	[hbm4b:s6+s2] =	stream.linear.scatter [tilespmem:s14], [sflag:$0x4], $0x7000, $0x38;
	[tilespmem:$0x19700] =	vst v63  }
0x25: {  	_ =	swait.ge [sflag:s25], $0x7000  }
0x26: {  	[sflag:s25] =	ssyncset.done $0x0  }
0x27: {  	s22 =	simm.s32 $0x2A0;
	[sflag:s25] =	ssyncadd.s32 $0xFFFF9000  }
0x28: {  	[tilespmem:s14], [sflag:$0x1] =	stream.indirect.gather [hbm4b:s3+s13], $0x80, s22, s13, $0xb8;
	[tilespmem:$0x19700] =	vst v63  }
0x29: {  	s28 =	simm.s32 $0x310  }
0x2a: {  	[tilespmem:s15], [sflag:$0x1] =	stream.indirect.gather [hbm4b:s3+s13], $0x80, s28, s13, $0xb8;
	[tilespmem:$0x19700] =	vst v63  }
0x2b: {  	_ =	swait.ge [sflag:s29], $0x7000  }
0x2c: {  	[sflag:s29] =	ssyncset.done $0x0  }
0x2d: {  	[sflag:s29] =	ssyncadd.s32 $0xFFFF9000  }
0x2e: {  	[hbm4b:s7+s2] =	stream.linear.scatter [tilespmem:s17], [sflag:$0x5], $0x7000, $0x38;
	[tilespmem:$0x19700] =	vst v63  }
0x2f: {  	_ =	swait.ge [sflag:s30], $0x7000  }
0x30: {  	[sflag:s30] =	ssyncset.done $0x0  }
0x31: {  	s31 =	simm.s32 $0x380;
	[sflag:s30] =	ssyncadd.s32 $0xFFFF9000  }
0x32: {  	[tilespmem:s17], [sflag:$0x2] =	stream.indirect.gather [hbm4b:s3+s13], $0x80, s31, s13, $0xb8;
	[tilespmem:$0x19700] =	vst v63  }
0x33: {  	_ = 	snop  }
0x34: {  	[tilespmem:s19], [sflag:$0x2] =	stream.indirect.gather [hbm4b:s3+s13], $0x80, s1, s13, $0xb8;
	[tilespmem:$0x19700] =	vst v63  }
0x35: {  	_ =	swait.ge [sflag:s0], $0x7000  }
0x36: {  	[sflag:s0] =	ssyncset.done $0x0  }
0x37: {  	[sflag:s0] =	ssyncadd.s32 $0xFFFF9000  }
0x38: {  	[hbm4b:s8+s2] =	stream.linear.scatter [tilespmem:s21], [sflag:$0x6], $0x7000, $0x38;
	[tilespmem:$0x19700] =	vst v63  }
0x39: {  	_ =	swait.ge [sflag:s16], $0x7000  }
0x3a: {  	[sflag:s16] =	ssyncset.done $0x0  }
0x3b: {  	s20 =	simm.s32 $0x460;
	[sflag:s16] =	ssyncadd.s32 $0xFFFF9000  }
0x3c: {  	[tilespmem:s21], [sflag:$0x3] =	stream.indirect.gather [hbm4b:s3+s13], $0x80, s20, s13, $0xb8;
	[tilespmem:$0x19700] =	vst v63  }
0x3d: {  	s22 =	simm.s32 $0x4D0  }
0x3e: {  	[tilespmem:s23], [sflag:$0x3] =	stream.indirect.gather [hbm4b:s3+s13], $0x80, s22, s13, $0xb8;
	[tilespmem:$0x19700] =	vst v63  }
0x3f: {  	_ =	swait.ge [sflag:s24], $0x7000  }
0x40: {  	[sflag:s24] =	ssyncset.done $0x0  }
0x41: {  	s28 =	sadd.s32 $0xFFFFE400, s26;
	[sflag:s24] =	ssyncadd.s32 $0xFFFF9000  }
0x42: {  	[hbm4b:s28+s2] =	stream.linear.scatter [tilespmem:s14], [sflag:$0x4], $0x7000, $0x38;
	[tilespmem:$0x19700] =	vst v63  }
0x43: {  	_ =	swait.ge [sflag:s25], $0x7000  }
0x44: {  	[sflag:s25] =	ssyncset.done $0x0  }
0x45: {  	s31 =	simm.s32 $0x540;
	[sflag:s25] =	ssyncadd.s32 $0xFFFF9000  }
0x46: {  	[tilespmem:s14], [sflag:$0x1] =	stream.indirect.gather [hbm4b:s3+s13], $0x80, s31, s13, $0xb8;
	[tilespmem:$0x19700] =	vst v63  }
0x47: {  	s20 =	simm.s32 $0x5B0  }
0x48: {  	[tilespmem:s15], [sflag:$0x1] =	stream.indirect.gather [hbm4b:s3+s13], $0x80, s20, s13, $0xb8;
	[tilespmem:$0x19700] =	vst v63  }
0x49: {  	_ =	swait.ge [sflag:s29], $0x7000  }
0x4a: {  	[sflag:s29] =	ssyncset.done $0x0  }
0x4b: {  	s22 =	sadd.s32 $0xFFFFF200, s26;
	[sflag:s29] =	ssyncadd.s32 $0xFFFF9000  }
0x4c: {  	[hbm4b:s22+s2] =	stream.linear.scatter [tilespmem:s17], [sflag:$0x5], $0x7000, $0x38;
	[tilespmem:$0x19700] =	vst v63  }
0x4d: {  	_ =	swait.ge [sflag:s30], $0x7000  }
0x4e: {  	[sflag:s30] =	ssyncset.done $0x0  }
0x4f: {  	s28 =	simm.s32 $0x620;
	[sflag:s30] =	ssyncadd.s32 $0xFFFF9000  }
0x50: {  	[tilespmem:s17], [sflag:$0x2] =	stream.indirect.gather [hbm4b:s3+s13], $0x80, s28, s13, $0xb8;
	[tilespmem:$0x19700] =	vst v63  }
0x51: {  	s31 =	simm.s32 $0x690  }
0x52: {  	[tilespmem:s19], [sflag:$0x2] =	stream.indirect.gather [hbm4b:s3+s13], $0x80, s31, s13, $0xb8;
	[tilespmem:$0x19700] =	vst v63  }
0x53: {  	_ =	swait.ge [sflag:s0], $0x7000  }
0x54: {  	s11 =	smov.u32 s26;
	[sflag:s0] =	ssyncset.done $0x0  }
0x55: {  	s20 =	sadd.s32 $0x2A00, s26;
	s22 =	simm.s32 $0xA80;
	[sflag:s0] =	ssyncadd.s32 $0xFFFF9000  }
.LBB2_2:
0x56: {  	[hbm4b:s11+s2] =	stream.linear.scatter [tilespmem:s21], [sflag:$0x6], $0x7000, $0x38;
	[tilespmem:$0x19700] =	vst v63  }
0x57: {  	s11 =	smov.u32 s22;
	s22 =	sadd.s32 $0xA80, s22;
	_ =	swait.ge [sflag:s16], $0x7000  }
0x58: {  	s28 =	sshra.s32 s11, $0x2;
	p0 =	sne.s32 s22, $0x10680;
	[sflag:s16] =	ssyncset.done $0x0  }
0x59: {  	s11 =	smov.u32 s20;
	s31 =	sadd.s32 $0x460, s28;
	[sflag:s16] =	ssyncadd.s32 $0xFFFF9000  }
0x5a: {  	[tilespmem:s21], [sflag:$0x3] =	stream.indirect.gather [hbm4b:s3+s13], $0x80, s31, s13, $0xb8;
	[tilespmem:$0x19700] =	vst v63  }
0x5b: {  	s31 =	sadd.s32 $0x4D0, s28  }
0x5c: {  	[tilespmem:s23], [sflag:$0x3] =	stream.indirect.gather [hbm4b:s3+s13], $0x80, s31, s13, $0xb8;
	[tilespmem:$0x19700] =	vst v63  }
0x5d: {  	_ =	swait.ge [sflag:s24], $0x7000  }
0x5e: {  	[sflag:s24] =	ssyncset.done $0x0  }
0x5f: {  	s31 =	sadd.s32 $0xFFFFE400, s20;
	[sflag:s24] =	ssyncadd.s32 $0xFFFF9000  }
0x60: {  	[hbm4b:s31+s2] =	stream.linear.scatter [tilespmem:s14], [sflag:$0x4], $0x7000, $0x38;
	[tilespmem:$0x19700] =	vst v63  }
0x61: {  	_ =	swait.ge [sflag:s25], $0x7000  }
0x62: {  	[sflag:s25] =	ssyncset.done $0x0  }
0x63: {  	s31 =	sadd.s32 $0x540, s28;
	[sflag:s25] =	ssyncadd.s32 $0xFFFF9000  }
0x64: {  	[tilespmem:s14], [sflag:$0x1] =	stream.indirect.gather [hbm4b:s3+s13], $0x80, s31, s13, $0xb8;
	[tilespmem:$0x19700] =	vst v63  }
0x65: {  	s31 =	sadd.s32 $0x5B0, s28  }
0x66: {  	[tilespmem:s15], [sflag:$0x1] =	stream.indirect.gather [hbm4b:s3+s13], $0x80, s31, s13, $0xb8;
	[tilespmem:$0x19700] =	vst v63  }
0x67: {  	_ =	swait.ge [sflag:s29], $0x7000  }
0x68: {  	[sflag:s29] =	ssyncset.done $0x0  }
0x69: {  	s31 =	sadd.s32 $0xFFFFF200, s20;
	[sflag:s29] =	ssyncadd.s32 $0xFFFF9000  }
0x6a: {  	[hbm4b:s31+s2] =	stream.linear.scatter [tilespmem:s17], [sflag:$0x5], $0x7000, $0x38;
	[tilespmem:$0x19700] =	vst v63  }
0x6b: {  	_ =	swait.ge [sflag:s30], $0x7000  }
0x6c: {  	[sflag:s30] =	ssyncset.done $0x0  }
0x6d: {  	s31 =	sadd.s32 $0x620, s28;
	[sflag:s30] =	ssyncadd.s32 $0xFFFF9000  }
0x6e: {  	[tilespmem:s17], [sflag:$0x2] =	stream.indirect.gather [hbm4b:s3+s13], $0x80, s31, s13, $0xb8;
	[tilespmem:$0x19700] =	vst v63  }
.Ltmp0:
0x6f: {  	s28 =	sadd.s32 $0x690, s28;
	(pc) =	sbr.rel @p0 .LBB2_2-.Ltmp0, $4  }
0x70: {  	[tilespmem:s19], [sflag:$0x2] =	stream.indirect.gather [hbm4b:s3+s13], $0x80, s28, s13, $0xb8;
	[tilespmem:$0x19700] =	vst v63  }
0x71: {  	_ =	swait.ge [sflag:s0], $0x7000  }
0x72: {  	[sflag:s0] =	ssyncset.done $0x0  }
0x73: {  	s20 =	sadd.s32 $0x2A00, s20;
	[sflag:s0] =	ssyncadd.s32 $0xFFFF9000  }
0x74: {  	[hbm4b:s11+s2] =	stream.linear.scatter [tilespmem:s21], [sflag:$0x6], $0x7000, $0x38;
	[tilespmem:$0x19700] =	vst v63  }
0x75: {  	_ =	swait.ge [sflag:s16], $0x7000  }
0x76: {  	s31 =	sshra.s32 s22, $0x2;
	[sflag:s16] =	ssyncset.done $0x0  }
0x77: {  	s22 =	sadd.s32 $0x460, s31;
	[sflag:s16] =	ssyncadd.s32 $0xFFFF9000  }
0x78: {  	[tilespmem:s21], [sflag:$0x3] =	stream.indirect.gather [hbm4b:s3+s13], $0x80, s22, s13, $0xb8;
	[tilespmem:$0x19700] =	vst v63  }
0x79: {  	s11 =	sadd.s32 $0x4D0, s31  }
0x7a: {  	[tilespmem:s23], [sflag:$0x3] =	stream.indirect.gather [hbm4b:s3+s13], $0x80, s11, s13, $0xb8;
	[tilespmem:$0x19700] =	vst v63  }
0x7b: {  	_ =	swait.ge [sflag:s24], $0x7000  }
0x7c: {  	[sflag:s24] =	ssyncset.done $0x0  }
0x7d: {  	[sflag:s24] =	ssyncadd.s32 $0xFFFF9000  }
0x7e: {  	[hbm4b:s10+s2] =	stream.linear.scatter [tilespmem:s14], [sflag:$0x4], $0x7000, $0x38;
	[tilespmem:$0x19700] =	vst v63  }
0x7f: {  	_ =	swait.ge [sflag:s29], $0x7000  }
0x80: {  	[sflag:s29] =	ssyncset.done $0x0  }
0x81: {  	[sflag:s29] =	ssyncadd.s32 $0xFFFF9000  }
0x82: {  	[hbm4b:s9+s2] =	stream.linear.scatter [tilespmem:s17], [sflag:$0x5], $0x7000, $0x38;
	[tilespmem:$0x19700] =	vst v63  }
0x83: {  	_ =	swait.ge [sflag:s0], $0x7000  }
0x84: {  	[sflag:s0] =	ssyncset.done $0x0  }
0x85: {  	[sflag:s0] =	ssyncadd.s32 $0xFFFF9000  }
0x86: {  	[hbm4b:s20+s2] =	stream.linear.scatter [tilespmem:s21], [sflag:$0x6], $0x7000, $0x38;
	[tilespmem:$0x19700] =	vst v63  }
0x87: {  	_ =	swait.ge [sflag:s25], $0x7000  }
0x88: {  	[sflag:s25] =	ssyncset.done $0x0  }
0x89: {  	s18 =	sadd.s32 $0x1, s18;
	[sflag:s25] =	ssyncadd.s32 $0xFFFF9000  }
0x8a: {  	p0 =	sne.s32 s18, s5;
	_ =	swait.ge [sflag:s30], $0x7000  }
.Ltmp1:
0x8b: {  	[sflag:s30] =	ssyncset.done $0x0;
	(pc) =	sbr.rel @p0 .LBB2_1-.Ltmp1, $4  }
0x8c: {  	[sflag:s30] =	ssyncadd.s32 $0xFFFF9000  }
0x8d: {  	_ =	swait.ge [sflag:s16], $0x7000  }
0x8e: {  	[sflag:s16] =	ssyncset.done $0x0  }
0x8f: {  	[sflag:s16] =	ssyncadd.s32 $0xFFFF9000  }
0x90: {  	_ =	sfence.sel $0x180000  }
0x91: {  	[bflag:$0x0] =	sbarrier.arrive $0xFFFF  }
0x92: {  	_ =	strace $0x90000047  }
0x93: {  	s0 =	stileid.u32;
	[bflag:$0x2] =	sbarrier.arrive $0xFFFF  }
0x94: {  	p0 =	sne.s32 s0, $0x0;
	s0 =	rddreg [dreg:$0x1]  }
0x95: {  	s0 =	sadd.s32 @!p0 $0x100000, s0  }
0x96: {  	[sflag:s0] =	ssyncadd.tile.s32 @!p0 $0x1;
	_ =	shalt  }
.Lfunc_end2:
_tile_overlayer_lowered:
.L_overlay_start_2:
0x97: {  	(tag) =	ssettag $0x2  }
0x98: {  	s0 =	rddreg [dreg:$0x0];
	s2 =	stileid.u32  }
0x99: {  	s1 =	rddreg [dreg:$0x1];
	p0 =	sne.s32 s2, $0x0  }
0x9a: {  	s3 =	rddreg [dreg:$0x2];
	[bflag:$0x3] =	sbarrier.arrive $0xFFFF;
	s2 =	simm.s32 @!p0 $0x1C08  }
0x9b: {  	[timem:s3], [sflag:s2] =	dma.local @!p0 [hbm:s0], s1  }
0x9c: {  	s0 =	simm.s32 @!p0 $0x8  }
0x9d: {  	_ =	swait.ge @!p0 [sflag:s0], s1  }
0x9e: {  	s1 =	ssub.s32 @!p0 $0x0, s1;
	[sflag:s0] =	ssyncset.done @!p0 $0x0  }
0x9f: {  	[sflag:s0] =	ssyncadd.s32 @!p0 s1  }
0xa0: {  	[bflag:$0x3] =	sbarrier.arrive $0xFFFF  }
0xa1: {  	_ =	shalt  }

</sc_bundles>
